<compile_context>
chip_gen: v7x
topology: tpu7x:2x2x1
jax: 0.10.2.dev20260603
libtpu: 0.0.44.dev20260713+nightly
codegen_flags: <defaults>
</compile_context>

<pallas_src>
import functools

import jax
import jax.numpy as jnp
from jax import lax
from jax.experimental import pallas as pl
from jax.experimental.pallas import tpu as pltpu
from jax.experimental.pallas import tpu_sc as plsc

ND, NG, DIN, HID, OUTD = 10000, 50000, 128, 64, 32
NDP, NGP = 10240, 50176
EDG = 160000
NCORE, NSUB = 2, 16
IW = 128
EPAD = 163840
IROWS = EPAD // IW
RPT = IROWS // NSUB
CHR = 5
NCH = RPT // CHR


def _enc_body(x_ref, w_ref, b_ref, m1lo, m1hi, m2lo, m2hi, skp):
    y = jnp.dot(x_ref[...], w_ref[...], preferred_element_type=jnp.float32)
    y = y + b_ref[...]
    m1lo[...] = y[:, 0:32]
    m1hi[...] = y[:, 32:64]
    m2lo[...] = y[:, 64:96]
    m2hi[...] = y[:, 96:128]
    skp[...] = y[:, 128:256]


def _encode_tables(x, wcat, bcat, n, blk):
    nb = n // blk
    return pl.pallas_call(
        _enc_body,
        grid=(nb,),
        in_specs=[
            pl.BlockSpec((blk, DIN), lambda i: (i, 0)),
            pl.BlockSpec((DIN, 256), lambda i: (0, 0)),
            pl.BlockSpec((1, 256), lambda i: (0, 0)),
        ],
        out_specs=[pl.BlockSpec((blk, 32), lambda i: (i, 0))] * 4
                  + [pl.BlockSpec((blk, 128), lambda i: (i, 0))],
        out_shape=[jax.ShapeDtypeStruct((n, 32), jnp.float32)] * 4
                  + [jax.ShapeDtypeStruct((n, 128), jnp.float32)],
    )(x, wcat, bcat)


@functools.partial(
    pl.kernel,
    out_type=[jax.ShapeDtypeStruct((NDP, 128), jnp.float32),
              jax.ShapeDtypeStruct((NGP, 128), jnp.float32)],
    mesh=plsc.VectorSubcoreMesh(
        core_axis_name="c", subcore_axis_name="s",
        num_cores=NCORE, num_subcores=NSUB),
    scratch_types=[
        pltpu.VMEM((CHR, IW), jnp.int32),
        pltpu.VMEM((CHR, IW), jnp.int32),
        pltpu.VMEM((CHR * IW, 32), jnp.float32),
        pltpu.VMEM_SHARED((NGP, 32), jnp.float32),
        pltpu.SemaphoreType.DMA,
        pltpu.SemaphoreType.DMA,
    ],
    compiler_params=pltpu.CompilerParams(use_tc_tiling_on_sc=False),
)
def _sc_segsum(zeros_hbm,
               t_dd_lo, t_dd_hi, t_gd_lo, t_gd_hi,
               t_dg_lo, t_dg_hi, t_gg_lo, t_gg_hi,
               s_dd, d_dd, s_gd, d_gd, s_dg, d_dg, s_gg, d_gg,
               ap_drug, ap_gene,
               sidx, didx, rows, acc, semg, sems):
    c = lax.axis_index("c")
    t = lax.axis_index("s")

    ets = [
        ((t_dd_lo, t_dd_hi), s_dd, d_dd, ap_drug, 0, NDP),
        ((t_gd_lo, t_gd_hi), s_gd, d_gd, ap_drug, 64, NDP),
        ((t_dg_lo, t_dg_hi), s_dg, d_dg, ap_gene, 0, NGP),
        ((t_gg_lo, t_gg_hi), s_gg, d_gg, ap_gene, 64, NGP),
    ]
    for tabs, s_hbm, d_hbm, ap, cbase, ndst in ets:
        nrt = ndst // NSUB
        lo = t * nrt
        pltpu.sync_copy(zeros_hbm.at[pl.ds(lo, nrt)], acc.at[pl.ds(lo, nrt)])
        plsc.subcore_barrier()
        for half in range(NCORE):
            @pl.when(c == half)
            def _(tab=tabs[half]):
                def chunk(ci, carry):
                    row0 = t * RPT + ci * CHR
                    pltpu.sync_copy(s_hbm.at[pl.ds(row0, CHR)], sidx)
                    pltpu.sync_copy(d_hbm.at[pl.ds(row0, CHR)], didx)
                    cps = [pltpu.async_copy(tab.at[sidx.at[r]],
                                            rows.at[pl.ds(r * IW, IW)], semg)
                           for r in range(CHR)]
                    for cp in cps:
                        cp.wait()
                    cps = [pltpu.async_copy(rows.at[pl.ds(r * IW, IW)],
                                            acc.at[didx.at[r]], sems, add=True)
                           for r in range(CHR)]
                    for cp in cps:
                        cp.wait()
                    return carry
                lax.fori_loop(0, NCH, chunk, 0)
        plsc.subcore_barrier()
        for half in range(NCORE):
            @pl.when(c == half)
            def _(ap=ap, col=cbase + 32 * half):
                pltpu.sync_copy(acc.at[pl.ds(lo, nrt)],
                                ap.at[pl.ds(lo, nrt), pl.ds(col, 32)])
        plsc.subcore_barrier()


def _dec_body(ap_r, sp_r, mw1_r, mb1_r, mw2_r, mb2_r,
              lw1_r, lb1_r, lw2_r, lb2_r, mu_ref, ls_ref):
    w = ap_r[...] + sp_r[...]
    ri = lax.broadcasted_iota(jnp.int32, (2 * HID, 2 * HID), 0) // HID
    ci = lax.broadcasted_iota(jnp.int32, (2 * HID, 2 * HID), 1) // HID
    bd = (ri == ci).astype(jnp.float32)
    n2 = jnp.dot(w * w, bd, preferred_element_type=jnp.float32)
    hh = w * lax.rsqrt(jnp.maximum(n2, 1e-24))
    hm = jnp.tanh(jnp.dot(hh, mw1_r[...], preferred_element_type=jnp.float32)
                  + mb1_r[...])
    mu_ref[...] = jnp.dot(hm, mw2_r[...],
                          preferred_element_type=jnp.float32) + mb2_r[...]
    hl = jnp.tanh(jnp.dot(hh, lw1_r[...], preferred_element_type=jnp.float32)
                  + lb1_r[...])
    ls_ref[...] = jnp.minimum(
        jnp.dot(hl, lw2_r[...], preferred_element_type=jnp.float32)
        + lb2_r[...], 10.0)


def _decode(ap, sp, mw1, mb1, mw2, mb2, lw1, lb1, lw2, lb2, n, blk):
    nb = n // blk
    big = lambda width: pl.BlockSpec((blk, width), lambda i: (i, 0))
    full = lambda shape: pl.BlockSpec(shape, lambda i: (0, 0))
    mw12 = jnp.concatenate([mw1, mw1], axis=0)
    lw12 = jnp.concatenate([lw1, lw1], axis=0)
    return pl.pallas_call(
        _dec_body,
        grid=(nb,),
        in_specs=[big(128), big(128),
                  full((2 * HID, 16)), full((1, 16)),
                  full((16, OUTD)), full((1, OUTD)),
                  full((2 * HID, 16)), full((1, 16)),
                  full((16, OUTD)), full((1, OUTD))],
        out_specs=[big(OUTD), big(OUTD)],
        out_shape=[jax.ShapeDtypeStruct((n, OUTD), jnp.float32)] * 2,
    )(ap, sp,
      mw12, mb1.reshape(1, 16), mw2, mb2.reshape(1, OUTD),
      lw12, lb1.reshape(1, 16), lw2, lb2.reshape(1, OUTD))


def kernel(x_drug, x_gene, ei_dd, ei_dg, ei_gd, ei_gg,
           Wm_dd, bm_dd, Ws_dd, bs_dd, Wm_dg, bm_dg, Ws_dg, bs_dg,
           Wm_gd, bm_gd, Ws_gd, bs_gd, Wm_gg, bm_gg, Ws_gg, bs_gg,
           mu_W1_drug, mu_b1_drug, mu_W2_drug, mu_b2_drug,
           ls_W1_drug, ls_b1_drug, ls_W2_drug, ls_b2_drug,
           mu_W1_gene, mu_b1_gene, mu_W2_gene, mu_b2_gene,
           ls_W1_gene, ls_b1_gene, ls_W2_gene, ls_b2_gene):
    wcat_d = jnp.concatenate([Wm_dd, Wm_dg, Ws_dd, Ws_gd], axis=1)
    bcat_d = jnp.concatenate([bm_dd, bm_dg, bs_dd, bs_gd]).reshape(1, 256)
    wcat_g = jnp.concatenate([Wm_gd, Wm_gg, Ws_dg, Ws_gg], axis=1)
    bcat_g = jnp.concatenate([bm_gd, bm_gg, bs_dg, bs_gg]).reshape(1, 256)
    td = _encode_tables(x_drug, wcat_d, bcat_d, ND, 1000)
    tg = _encode_tables(x_gene, wcat_g, bcat_g, NG, 1000)

    zeros = jnp.zeros((NGP, 32), jnp.float32)
    ar = jnp.arange(EPAD - EDG, dtype=jnp.int32)

    def pidx(ei, nsrc, ndst_real):
        s = jnp.concatenate([ei[0], ar % nsrc]).reshape(IROWS, IW)
        dd = jnp.concatenate([ei[1], ndst_real + ar % 64]).reshape(IROWS, IW)
        return s, dd

    s_dd, d_dd = pidx(ei_dd, ND, ND)
    s_gd, d_gd = pidx(ei_gd, NG, ND)
    s_dg, d_dg = pidx(ei_dg, ND, NG)
    s_gg, d_gg = pidx(ei_gg, NG, NG)
    ap_drug, ap_gene = _sc_segsum(
        zeros,
        td[0], td[1], tg[0], tg[1], td[2], td[3], tg[2], tg[3],
        s_dd, d_dd, s_gd, d_gd, s_dg, d_dg, s_gg, d_gg)

    mu_d, ls_d = _decode(ap_drug, td[4],
                         mu_W1_drug, mu_b1_drug, mu_W2_drug, mu_b2_drug,
                         ls_W1_drug, ls_b1_drug, ls_W2_drug, ls_b2_drug,
                         ND, 5000)
    mu_g, ls_g = _decode(ap_gene, tg[4],
                         mu_W1_gene, mu_b1_gene, mu_W2_gene, mu_b2_gene,
                         ls_W1_gene, ls_b1_gene, ls_W2_gene, ls_b2_gene,
                         NG, 5000)
    return (mu_d, mu_g, mu_d, mu_g, ls_d, ls_g)

# --- scband reference (transcript-rebuilt; emitter-appended) ---
"""Pipeline reference for scband-hetero-vgae-13065290514625 (READ-ONLY COPY).

The authoritative reference and input builder live on the scoring server;
editing this copy changes nothing except your own understanding.
"""

import jax, jax.numpy as jnp
import numpy as np

N_DRUG = 10000
N_GENE = 50000
D_IN = 128
H = 64
OUT = 32
HALF = OUT // 2
E = 160000


def _xavier(key, shape):
    lim = float(np.sqrt(6.0 / (shape[0] + shape[-1])))
    return jax.random.uniform(key, shape, minval=-lim, maxval=lim, dtype=jnp.float32)


def setup_inputs(seed=0) -> dict:
    key = jax.random.key(seed)
    ki = iter(jax.random.split(key, 64))
    inp = {}
    inp["x_drug"] = jax.random.normal(next(ki), (N_DRUG, D_IN), dtype=jnp.float32)
    inp["x_gene"] = jax.random.normal(next(ki), (N_GENE, D_IN), dtype=jnp.float32)
    inp["ei_dd"] = jax.random.randint(next(ki), (2, E), 0, N_DRUG, dtype=jnp.int32)
    dg_src = jax.random.randint(next(ki), (E,), 0, N_DRUG, dtype=jnp.int32)
    dg_dst = jax.random.randint(next(ki), (E,), 0, N_GENE, dtype=jnp.int32)
    inp["ei_dg"] = jnp.stack([dg_src, dg_dst])
    gd_src = jax.random.randint(next(ki), (E,), 0, N_GENE, dtype=jnp.int32)
    gd_dst = jax.random.randint(next(ki), (E,), 0, N_DRUG, dtype=jnp.int32)
    inp["ei_gd"] = jnp.stack([gd_src, gd_dst])
    inp["ei_gg"] = jax.random.randint(next(ki), (2, E), 0, N_GENE, dtype=jnp.int32)
    for et in ["dd", "dg", "gd", "gg"]:
        inp["Wm_" + et] = _xavier(next(ki), (D_IN, H))
        inp["bm_" + et] = jnp.zeros((H,), dtype=jnp.float32)
        inp["Ws_" + et] = _xavier(next(ki), (D_IN, H))
        inp["bs_" + et] = jnp.zeros((H,), dtype=jnp.float32)
    for nt in ["drug", "gene"]:
        for kind in ["mu", "ls"]:
            inp[kind + "_W1_" + nt] = _xavier(next(ki), (H, HALF))
            inp[kind + "_b1_" + nt] = jnp.zeros((HALF,), dtype=jnp.float32)
            inp[kind + "_W2_" + nt] = _xavier(next(ki), (HALF, OUT))
            inp[kind + "_b2_" + nt] = jnp.zeros((OUT,), dtype=jnp.float32)
    return inp


def _l2norm(x):
    n = jnp.linalg.norm(x, axis=-1, keepdims=True)
    return x / jnp.maximum(n, 1e-12)


def _general_conv(x_src, x_dst, ei, Wm, bm, Ws, bs, n_dst):
    # PyG GeneralConv(aggr='sum', skip_linear=True, l2_normalize=True)
    msg = x_src @ Wm + bm
    agg = jax.ops.segment_sum(msg[ei[0]], ei[1], num_segments=n_dst)
    out = agg + (x_dst @ Ws + bs)
    return _l2norm(out)


def _mlp(x, W1, b1, W2, b2):
    return jnp.tanh(x @ W1 + b1) @ W2 + b2


def reference(x_drug, x_gene, ei_dd, ei_dg, ei_gd, ei_gg,
              Wm_dd, bm_dd, Ws_dd, bs_dd,
              Wm_dg, bm_dg, Ws_dg, bs_dg,
              Wm_gd, bm_gd, Ws_gd, bs_gd,
              Wm_gg, bm_gg, Ws_gg, bs_gg,
              mu_W1_drug, mu_b1_drug, mu_W2_drug, mu_b2_drug,
              ls_W1_drug, ls_b1_drug, ls_W2_drug, ls_b2_drug,
              mu_W1_gene, mu_b1_gene, mu_W2_gene, mu_b2_gene,
              ls_W1_gene, ls_b1_gene, ls_W2_gene, ls_b2_gene):
    # HeteroConv layer (aggr='sum' across edge types per dst node type)
    h_drug = _general_conv(x_drug, x_drug, ei_dd, Wm_dd, bm_dd, Ws_dd, bs_dd, N_DRUG) \
           + _general_conv(x_gene, x_drug, ei_gd, Wm_gd, bm_gd, Ws_gd, bs_gd, N_DRUG)
    h_gene = _general_conv(x_drug, x_gene, ei_dg, Wm_dg, bm_dg, Ws_dg, bs_dg, N_GENE) \
           + _general_conv(x_gene, x_gene, ei_gg, Wm_gg, bm_gg, Ws_gg, bs_gg, N_GENE)
    # single encoder layer -> no ReLU; eval mode -> dropout is identity
    mu_d = _mlp(h_drug, mu_W1_drug, mu_b1_drug, mu_W2_drug, mu_b2_drug)
    mu_g = _mlp(h_gene, mu_W1_gene, mu_b1_gene, mu_W2_gene, mu_b2_gene)
    ls_d = jnp.minimum(_mlp(h_drug, ls_W1_drug, ls_b1_drug, ls_W2_drug, ls_b2_drug), 10.0)
    ls_g = jnp.minimum(_mlp(h_gene, ls_W1_gene, ls_b1_gene, ls_W2_gene, ls_b2_gene), 10.0)
    # eval-mode reparameterize returns mu
    z_d, z_g = mu_d, mu_g
    return (z_d, z_g, mu_d, mu_g, ls_d, ls_g)

if __name__ == "__main__":
    import jax
    _d = setup_inputs()
    print(jax.jit(kernel)(*tuple(_d.values())))

</pallas_src>

<mosaic_0001>
#map = affine_map<(d0, d1) -> (0, 0)>
module attributes {stable_mosaic.version = 14 : i64} {
  func.func @_sc_segsum(%arg0: i32, %arg1: i32, %arg2: memref<50176x32xf32, #tpu.memory_space<hbm>>, %arg3: memref<10000x32xf32, #tpu.memory_space<hbm>>, %arg4: memref<10000x32xf32, #tpu.memory_space<hbm>>, %arg5: memref<50000x32xf32, #tpu.memory_space<hbm>>, %arg6: memref<50000x32xf32, #tpu.memory_space<hbm>>, %arg7: memref<10000x32xf32, #tpu.memory_space<hbm>>, %arg8: memref<10000x32xf32, #tpu.memory_space<hbm>>, %arg9: memref<50000x32xf32, #tpu.memory_space<hbm>>, %arg10: memref<50000x32xf32, #tpu.memory_space<hbm>>, %arg11: memref<1280x128xi32, #tpu.memory_space<hbm>>, %arg12: memref<1280x128xi32, #tpu.memory_space<hbm>>, %arg13: memref<1280x128xi32, #tpu.memory_space<hbm>>, %arg14: memref<1280x128xi32, #tpu.memory_space<hbm>>, %arg15: memref<1280x128xi32, #tpu.memory_space<hbm>>, %arg16: memref<1280x128xi32, #tpu.memory_space<hbm>>, %arg17: memref<1280x128xi32, #tpu.memory_space<hbm>>, %arg18: memref<1280x128xi32, #tpu.memory_space<hbm>>, %arg19: memref<10240x128xf32, #tpu.memory_space<hbm>>, %arg20: memref<50176x128xf32, #tpu.memory_space<hbm>>, %arg21: memref<5x128xi32, #tpu.memory_space<vmem>>, %arg22: memref<5x128xi32, #tpu.memory_space<vmem>>, %arg23: memref<640x32xf32, #tpu.memory_space<vmem>>, %arg24: memref<50176x32xf32, #tpu.memory_space<vmem_shared>>, %arg25: memref<!tpu.dma_semaphore, #tpu.memory_space<semaphore_mem>>, %arg26: memref<!tpu.dma_semaphore, #tpu.memory_space<semaphore_mem>>) attributes {dimension_semantics = [#tpu.dimension_semantics<core_parallel>, #tpu.dimension_semantics<subcore_parallel>], iteration_bounds = array<i64: 2, 16>, scalar_prefetch = 0 : i64, scratch_operands = 6 : i64, tpu.core_type = #tpu.core_type<sc_vector_subcore>, window_params = [{transform_indices = #map}, {transform_indices = #map}, {transform_indices = #map}, {transform_indices = #map}, {transform_indices = #map}, {transform_indices = #map}, {transform_indices = #map}, {transform_indices = #map}, {transform_indices = #map}, {transform_indices = #map}, {transform_indices = #map}, {transform_indices = #map}, {transform_indices = #map}, {transform_indices = #map}, {transform_indices = #map}, {transform_indices = #map}, {transform_indices = #map}, {transform_indices = #map}, {transform_indices = #map}]} {
    %mul3A = arith.constant 640 : i32
    %mul3A_0 = arith.muli %arg1, %mul3A : i32
    "tpu.region"() ({
      %run_scoped3A = tpu.sem_alloc : memref<!tpu.dma_semaphore, #tpu.memory_space<semaphore_mem>>
      %dma_start3A = arith.constant 0 : i32
      %dma_start3A_95 = tpu.memref_slice %arg24[%mul3A_0, %dma_start3A] : memref<50176x32xf32, #tpu.memory_space<vmem_shared>> -> memref<640x32xf32, #tpu.memory_space<vmem_shared>>
      %dma_start3A_96 = arith.constant 0 : i32
      %dma_start3A_97 = tpu.memref_slice %arg2[%mul3A_0, %dma_start3A_96] : memref<50176x32xf32, #tpu.memory_space<hbm>> -> memref<640x32xf32, #tpu.memory_space<hbm>>
      tpu.enqueue_dma source(%dma_start3A_97 : memref<640x32xf32, #tpu.memory_space<hbm>>) target(%dma_start3A_95 : memref<640x32xf32, #tpu.memory_space<vmem_shared>>) target_semaphore(%run_scoped3A : memref<!tpu.dma_semaphore, #tpu.memory_space<semaphore_mem>>)
      %dma_wait3A = arith.constant 0 : i32
      %dma_wait3A_98 = tpu.memref_slice %arg24[%mul3A_0, %dma_wait3A] : memref<50176x32xf32, #tpu.memory_space<vmem_shared>> -> memref<640x32xf32, #tpu.memory_space<vmem_shared>>
      %dma_wait3A_99 = arith.constant 0 : i32
      %dma_wait3A_100 = tpu.memref_slice %arg2[%mul3A_0, %dma_wait3A_99] : memref<50176x32xf32, #tpu.memory_space<hbm>> -> memref<640x32xf32, #tpu.memory_space<hbm>>
      tpu.wait_dma2 semaphore(%run_scoped3A : memref<!tpu.dma_semaphore, #tpu.memory_space<semaphore_mem>>) src(%dma_wait3A_100 : memref<640x32xf32, #tpu.memory_space<hbm>>) dst(%dma_wait3A_98 : memref<640x32xf32, #tpu.memory_space<vmem_shared>>)
      tpu.yield
    }) : () -> ()
    %barrier3A = arith.constant 0 : index
    tpu.barrier barrier_id(%barrier3A)
    %eq3A = arith.constant 0 : i32
    %eq3A_1 = arith.cmpi eq, %arg0, %eq3A : i32
    %convert_element_type3A = arith.extui %eq3A_1 : i1 to i32
    %cond3A = arith.constant 0 : i32
    %cond3A_2 = arith.cmpi ne, %convert_element_type3A, %cond3A : i32
    scf.if %cond3A_2 {
      %scan3A = arith.constant 0 : i32
      %scan3A_95 = arith.constant 0 : i32
      %scan3A_96 = arith.constant 16 : i32
      %scan3A_97 = arith.addi %scan3A_95, %scan3A_96 : i32
      %scan3A_98 = arith.constant 1 : i32
      scf.for %scan3A_100 = %scan3A_95 to %scan3A_97 step %scan3A_98  : i32 {
        %mul3A_101 = arith.constant 80 : i32
        %mul3A_102 = arith.muli %arg1, %mul3A_101 : i32
        %mul3A_103 = arith.constant 5 : i32
        %mul3A_104 = arith.muli %scan3A_100, %mul3A_103 : i32
        %add3A = arith.addi %mul3A_102, %mul3A_104 : i32
        "tpu.region"() ({
          %run_scoped3A = tpu.sem_alloc : memref<!tpu.dma_semaphore, #tpu.memory_space<semaphore_mem>>
          %dma_start3A_303 = arith.constant 0 : i32
          %dma_start3A_304 = tpu.memref_slice %arg11[%add3A, %dma_start3A_303] : memref<1280x128xi32, #tpu.memory_space<hbm>> -> memref<5x128xi32, #tpu.memory_space<hbm>>
          %dma_start3A_305 = arith.constant 0 : i32
          %dma_start3A_306 = tpu.memref_slice %arg11[%add3A, %dma_start3A_305] : memref<1280x128xi32, #tpu.memory_space<hbm>> -> memref<5x128xi32, #tpu.memory_space<hbm>>
          tpu.enqueue_dma source(%dma_start3A_306 : memref<5x128xi32, #tpu.memory_space<hbm>>) target(%arg21 : memref<5x128xi32, #tpu.memory_space<vmem>>) target_semaphore(%run_scoped3A : memref<!tpu.dma_semaphore, #tpu.memory_space<semaphore_mem>>)
          %dma_wait3A_307 = arith.constant 0 : i32
          %dma_wait3A_308 = tpu.memref_slice %arg11[%add3A, %dma_wait3A_307] : memref<1280x128xi32, #tpu.memory_space<hbm>> -> memref<5x128xi32, #tpu.memory_space<hbm>>
          %dma_wait3A_309 = arith.constant 0 : i32
          %dma_wait3A_310 = tpu.memref_slice %arg11[%add3A, %dma_wait3A_309] : memref<1280x128xi32, #tpu.memory_space<hbm>> -> memref<5x128xi32, #tpu.memory_space<hbm>>
          tpu.wait_dma2 semaphore(%run_scoped3A : memref<!tpu.dma_semaphore, #tpu.memory_space<semaphore_mem>>) src(%dma_wait3A_310 : memref<5x128xi32, #tpu.memory_space<hbm>>) dst(%arg21 : memref<5x128xi32, #tpu.memory_space<vmem>>)
          tpu.yield
        }) : () -> ()
        "tpu.region"() ({
          %run_scoped3A = tpu.sem_alloc : memref<!tpu.dma_semaphore, #tpu.memory_space<semaphore_mem>>
          %dma_start3A_303 = arith.constant 0 : i32
          %dma_start3A_304 = tpu.memref_slice %arg12[%add3A, %dma_start3A_303] : memref<1280x128xi32, #tpu.memory_space<hbm>> -> memref<5x128xi32, #tpu.memory_space<hbm>>
          %dma_start3A_305 = arith.constant 0 : i32
          %dma_start3A_306 = tpu.memref_slice %arg12[%add3A, %dma_start3A_305] : memref<1280x128xi32, #tpu.memory_space<hbm>> -> memref<5x128xi32, #tpu.memory_space<hbm>>
          tpu.enqueue_dma source(%dma_start3A_306 : memref<5x128xi32, #tpu.memory_space<hbm>>) target(%arg22 : memref<5x128xi32, #tpu.memory_space<vmem>>) target_semaphore(%run_scoped3A : memref<!tpu.dma_semaphore, #tpu.memory_space<semaphore_mem>>)
          %dma_wait3A_307 = arith.constant 0 : i32
          %dma_wait3A_308 = tpu.memref_slice %arg12[%add3A, %dma_wait3A_307] : memref<1280x128xi32, #tpu.memory_space<hbm>> -> memref<5x128xi32, #tpu.memory_space<hbm>>
          %dma_wait3A_309 = arith.constant 0 : i32
          %dma_wait3A_310 = tpu.memref_slice %arg12[%add3A, %dma_wait3A_309] : memref<1280x128xi32, #tpu.memory_space<hbm>> -> memref<5x128xi32, #tpu.memory_space<hbm>>
          tpu.wait_dma2 semaphore(%run_scoped3A : memref<!tpu.dma_semaphore, #tpu.memory_space<semaphore_mem>>) src(%dma_wait3A_310 : memref<5x128xi32, #tpu.memory_space<hbm>>) dst(%arg22 : memref<5x128xi32, #tpu.memory_space<vmem>>)
          tpu.yield
        }) : () -> ()
        %dma_start3A = arith.constant 0 : i32
        %dma_start3A_105 = arith.constant 0 : i32
        %dma_start3A_106 = arith.constant 0 : i32
        %dma_start3A_107 = tpu.memref_slice %arg23[%dma_start3A_105, %dma_start3A_106] : memref<640x32xf32, #tpu.memory_space<vmem>> -> memref<128x32xf32, #tpu.memory_space<vmem>>
        %dma_start3A_108 = arith.constant 0 : i32
        %dma_start3A_109 = tpu.memref_slice %arg21[%dma_start3A, %dma_start3A_108] : memref<5x128xi32, #tpu.memory_space<vmem>> -> memref<1x128xi32, #tpu.memory_space<vmem>>
        %dma_start3A_110 = tpu.memref_squeeze %dma_start3A_109 : memref<1x128xi32, #tpu.memory_space<vmem>> -> memref<128xi32, #tpu.memory_space<vmem>>
        %dma_start3A_111 = arith.constant 0 : i32
        %dma_start3A_112 = arith.constant 0 : i32
        %dma_start3A_113 = tpu.memref_slice %arg3[%dma_start3A_111, %dma_start3A_112] : memref<10000x32xf32, #tpu.memory_space<hbm>> -> memref<10000x32xf32, #tpu.memory_space<hbm>>
        tpu.enqueue_indirect_dma source(%dma_start3A_113 : memref<10000x32xf32, #tpu.memory_space<hbm>>) target(%dma_start3A_107 : memref<128x32xf32, #tpu.memory_space<vmem>>) offsets(%dma_start3A_110 : memref<128xi32, #tpu.memory_space<vmem>>) semaphore(%arg25 : memref<!tpu.dma_semaphore, #tpu.memory_space<semaphore_mem>>)
        %dma_start3A_114 = arith.constant 1 : i32
        %dma_start3A_115 = arith.constant 128 : i32
        %dma_start3A_116 = arith.constant 0 : i32
        %dma_start3A_117 = tpu.memref_slice %arg23[%dma_start3A_115, %dma_start3A_116] : memref<640x32xf32, #tpu.memory_space<vmem>> -> memref<128x32xf32, #tpu.memory_space<vmem>>
        %dma_start3A_118 = arith.constant 0 : i32
        %dma_start3A_119 = tpu.memref_slice %arg21[%dma_start3A_114, %dma_start3A_118] : memref<5x128xi32, #tpu.memory_space<vmem>> -> memref<1x128xi32, #tpu.memory_space<vmem>>
        %dma_start3A_120 = tpu.memref_squeeze %dma_start3A_119 : memref<1x128xi32, #tpu.memory_space<vmem>> -> memref<128xi32, #tpu.memory_space<vmem>>
        %dma_start3A_121 = arith.constant 0 : i32
        %dma_start3A_122 = arith.constant 0 : i32
        %dma_start3A_123 = tpu.memref_slice %arg3[%dma_start3A_121, %dma_start3A_122] : memref<10000x32xf32, #tpu.memory_space<hbm>> -> memref<10000x32xf32, #tpu.memory_space<hbm>>
        tpu.enqueue_indirect_dma source(%dma_start3A_123 : memref<10000x32xf32, #tpu.memory_space<hbm>>) target(%dma_start3A_117 : memref<128x32xf32, #tpu.memory_space<vmem>>) offsets(%dma_start3A_120 : memref<128xi32, #tpu.memory_space<vmem>>) semaphore(%arg25 : memref<!tpu.dma_semaphore, #tpu.memory_space<semaphore_mem>>)
        %dma_start3A_124 = arith.constant 2 : i32
        %dma_start3A_125 = arith.constant 256 : i32
        %dma_start3A_126 = arith.constant 0 : i32
        %dma_start3A_127 = tpu.memref_slice %arg23[%dma_start3A_125, %dma_start3A_126] : memref<640x32xf32, #tpu.memory_space<vmem>> -> memref<128x32xf32, #tpu.memory_space<vmem>>
        %dma_start3A_128 = arith.constant 0 : i32
        %dma_start3A_129 = tpu.memref_slice %arg21[%dma_start3A_124, %dma_start3A_128] : memref<5x128xi32, #tpu.memory_space<vmem>> -> memref<1x128xi32, #tpu.memory_space<vmem>>
        %dma_start3A_130 = tpu.memref_squeeze %dma_start3A_129 : memref<1x128xi32, #tpu.memory_space<vmem>> -> memref<128xi32, #tpu.memory_space<vmem>>
        %dma_start3A_131 = arith.constant 0 : i32
        %dma_start3A_132 = arith.constant 0 : i32
        %dma_start3A_133 = tpu.memref_slice %arg3[%dma_start3A_131, %dma_start3A_132] : memref<10000x32xf32, #tpu.memory_space<hbm>> -> memref<10000x32xf32, #tpu.memory_space<hbm>>
        tpu.enqueue_indirect_dma source(%dma_start3A_133 : memref<10000x32xf32, #tpu.memory_space<hbm>>) target(%dma_start3A_127 : memref<128x32xf32, #tpu.memory_space<vmem>>) offsets(%dma_start3A_130 : memref<128xi32, #tpu.memory_space<vmem>>) semaphore(%arg25 : memref<!tpu.dma_semaphore, #tpu.memory_space<semaphore_mem>>)
        %dma_start3A_134 = arith.constant 3 : i32
        %dma_start3A_135 = arith.constant 384 : i32
        %dma_start3A_136 = arith.constant 0 : i32
        %dma_start3A_137 = tpu.memref_slice %arg23[%dma_start3A_135, %dma_start3A_136] : memref<640x32xf32, #tpu.memory_space<vmem>> -> memref<128x32xf32, #tpu.memory_space<vmem>>
        %dma_start3A_138 = arith.constant 0 : i32
        %dma_start3A_139 = tpu.memref_slice %arg21[%dma_start3A_134, %dma_start3A_138] : memref<5x128xi32, #tpu.memory_space<vmem>> -> memref<1x128xi32, #tpu.memory_space<vmem>>
        %dma_start3A_140 = tpu.memref_squeeze %dma_start3A_139 : memref<1x128xi32, #tpu.memory_space<vmem>> -> memref<128xi32, #tpu.memory_space<vmem>>
        %dma_start3A_141 = arith.constant 0 : i32
        %dma_start3A_142 = arith.constant 0 : i32
        %dma_start3A_143 = tpu.memref_slice %arg3[%dma_start3A_141, %dma_start3A_142] : memref<10000x32xf32, #tpu.memory_space<hbm>> -> memref<10000x32xf32, #tpu.memory_space<hbm>>
        tpu.enqueue_indirect_dma source(%dma_start3A_143 : memref<10000x32xf32, #tpu.memory_space<hbm>>) target(%dma_start3A_137 : memref<128x32xf32, #tpu.memory_space<vmem>>) offsets(%dma_start3A_140 : memref<128xi32, #tpu.memory_space<vmem>>) semaphore(%arg25 : memref<!tpu.dma_semaphore, #tpu.memory_space<semaphore_mem>>)
        %dma_start3A_144 = arith.constant 4 : i32
        %dma_start3A_145 = arith.constant 512 : i32
        %dma_start3A_146 = arith.constant 0 : i32
        %dma_start3A_147 = tpu.memref_slice %arg23[%dma_start3A_145, %dma_start3A_146] : memref<640x32xf32, #tpu.memory_space<vmem>> -> memref<128x32xf32, #tpu.memory_space<vmem>>
        %dma_start3A_148 = arith.constant 0 : i32
        %dma_start3A_149 = tpu.memref_slice %arg21[%dma_start3A_144, %dma_start3A_148] : memref<5x128xi32, #tpu.memory_space<vmem>> -> memref<1x128xi32, #tpu.memory_space<vmem>>
        %dma_start3A_150 = tpu.memref_squeeze %dma_start3A_149 : memref<1x128xi32, #tpu.memory_space<vmem>> -> memref<128xi32, #tpu.memory_space<vmem>>
        %dma_start3A_151 = arith.constant 0 : i32
        %dma_start3A_152 = arith.constant 0 : i32
        %dma_start3A_153 = tpu.memref_slice %arg3[%dma_start3A_151, %dma_start3A_152] : memref<10000x32xf32, #tpu.memory_space<hbm>> -> memref<10000x32xf32, #tpu.memory_space<hbm>>
        tpu.enqueue_indirect_dma source(%dma_start3A_153 : memref<10000x32xf32, #tpu.memory_space<hbm>>) target(%dma_start3A_147 : memref<128x32xf32, #tpu.memory_space<vmem>>) offsets(%dma_start3A_150 : memref<128xi32, #tpu.memory_space<vmem>>) semaphore(%arg25 : memref<!tpu.dma_semaphore, #tpu.memory_space<semaphore_mem>>)
        %dma_wait3A = arith.constant 0 : i32
        %dma_wait3A_154 = arith.constant 0 : i32
        %dma_wait3A_155 = arith.constant 0 : i32
        %dma_wait3A_156 = tpu.memref_slice %arg23[%dma_wait3A_154, %dma_wait3A_155] : memref<640x32xf32, #tpu.memory_space<vmem>> -> memref<128x32xf32, #tpu.memory_space<vmem>>
        %dma_wait3A_157 = arith.constant 0 : i32
        %dma_wait3A_158 = tpu.memref_slice %arg21[%dma_wait3A, %dma_wait3A_157] : memref<5x128xi32, #tpu.memory_space<vmem>> -> memref<1x128xi32, #tpu.memory_space<vmem>>
        %dma_wait3A_159 = tpu.memref_squeeze %dma_wait3A_158 : memref<1x128xi32, #tpu.memory_space<vmem>> -> memref<128xi32, #tpu.memory_space<vmem>>
        %dma_wait3A_160 = arith.constant 0 : i32
        %dma_wait3A_161 = arith.constant 0 : i32
        %dma_wait3A_162 = tpu.memref_slice %arg3[%dma_wait3A_160, %dma_wait3A_161] : memref<10000x32xf32, #tpu.memory_space<hbm>> -> memref<10000x32xf32, #tpu.memory_space<hbm>>
        tpu.wait_indirect_dma semaphore(%arg25 : memref<!tpu.dma_semaphore, #tpu.memory_space<semaphore_mem>>) src(%dma_wait3A_162 : memref<10000x32xf32, #tpu.memory_space<hbm>>) dst(%dma_wait3A_156 : memref<128x32xf32, #tpu.memory_space<vmem>>)
        %dma_wait3A_163 = arith.constant 1 : i32
        %dma_wait3A_164 = arith.constant 128 : i32
        %dma_wait3A_165 = arith.constant 0 : i32
        %dma_wait3A_166 = tpu.memref_slice %arg23[%dma_wait3A_164, %dma_wait3A_165] : memref<640x32xf32, #tpu.memory_space<vmem>> -> memref<128x32xf32, #tpu.memory_space<vmem>>
        %dma_wait3A_167 = arith.constant 0 : i32
        %dma_wait3A_168 = tpu.memref_slice %arg21[%dma_wait3A_163, %dma_wait3A_167] : memref<5x128xi32, #tpu.memory_space<vmem>> -> memref<1x128xi32, #tpu.memory_space<vmem>>
        %dma_wait3A_169 = tpu.memref_squeeze %dma_wait3A_168 : memref<1x128xi32, #tpu.memory_space<vmem>> -> memref<128xi32, #tpu.memory_space<vmem>>
        %dma_wait3A_170 = arith.constant 0 : i32
        %dma_wait3A_171 = arith.constant 0 : i32
        %dma_wait3A_172 = tpu.memref_slice %arg3[%dma_wait3A_170, %dma_wait3A_171] : memref<10000x32xf32, #tpu.memory_space<hbm>> -> memref<10000x32xf32, #tpu.memory_space<hbm>>
        tpu.wait_indirect_dma semaphore(%arg25 : memref<!tpu.dma_semaphore, #tpu.memory_space<semaphore_mem>>) src(%dma_wait3A_172 : memref<10000x32xf32, #tpu.memory_space<hbm>>) dst(%dma_wait3A_166 : memref<128x32xf32, #tpu.memory_space<vmem>>)
        %dma_wait3A_173 = arith.constant 2 : i32
        %dma_wait3A_174 = arith.constant 256 : i32
        %dma_wait3A_175 = arith.constant 0 : i32
        %dma_wait3A_176 = tpu.memref_slice %arg23[%dma_wait3A_174, %dma_wait3A_175] : memref<640x32xf32, #tpu.memory_space<vmem>> -> memref<128x32xf32, #tpu.memory_space<vmem>>
        %dma_wait3A_177 = arith.constant 0 : i32
        %dma_wait3A_178 = tpu.memref_slice %arg21[%dma_wait3A_173, %dma_wait3A_177] : memref<5x128xi32, #tpu.memory_space<vmem>> -> memref<1x128xi32, #tpu.memory_space<vmem>>
        %dma_wait3A_179 = tpu.memref_squeeze %dma_wait3A_178 : memref<1x128xi32, #tpu.memory_space<vmem>> -> memref<128xi32, #tpu.memory_space<vmem>>
        %dma_wait3A_180 = arith.constant 0 : i32
        %dma_wait3A_181 = arith.constant 0 : i32
        %dma_wait3A_182 = tpu.memref_slice %arg3[%dma_wait3A_180, %dma_wait3A_181] : memref<10000x32xf32, #tpu.memory_space<hbm>> -> memref<10000x32xf32, #tpu.memory_space<hbm>>
        tpu.wait_indirect_dma semaphore(%arg25 : memref<!tpu.dma_semaphore, #tpu.memory_space<semaphore_mem>>) src(%dma_wait3A_182 : memref<10000x32xf32, #tpu.memory_space<hbm>>) dst(%dma_wait3A_176 : memref<128x32xf32, #tpu.memory_space<vmem>>)
        %dma_wait3A_183 = arith.constant 3 : i32
        %dma_wait3A_184 = arith.constant 384 : i32
        %dma_wait3A_185 = arith.constant 0 : i32
        %dma_wait3A_186 = tpu.memref_slice %arg23[%dma_wait3A_184, %dma_wait3A_185] : memref<640x32xf32, #tpu.memory_space<vmem>> -> memref<128x32xf32, #tpu.memory_space<vmem>>
        %dma_wait3A_187 = arith.constant 0 : i32
        %dma_wait3A_188 = tpu.memref_slice %arg21[%dma_wait3A_183, %dma_wait3A_187] : memref<5x128xi32, #tpu.memory_space<vmem>> -> memref<1x128xi32, #tpu.memory_space<vmem>>
        %dma_wait3A_189 = tpu.memref_squeeze %dma_wait3A_188 : memref<1x128xi32, #tpu.memory_space<vmem>> -> memref<128xi32, #tpu.memory_space<vmem>>
        %dma_wait3A_190 = arith.constant 0 : i32
        %dma_wait3A_191 = arith.constant 0 : i32
        %dma_wait3A_192 = tpu.memref_slice %arg3[%dma_wait3A_190, %dma_wait3A_191] : memref<10000x32xf32, #tpu.memory_space<hbm>> -> memref<10000x32xf32, #tpu.memory_space<hbm>>
        tpu.wait_indirect_dma semaphore(%arg25 : memref<!tpu.dma_semaphore, #tpu.memory_space<semaphore_mem>>) src(%dma_wait3A_192 : memref<10000x32xf32, #tpu.memory_space<hbm>>) dst(%dma_wait3A_186 : memref<128x32xf32, #tpu.memory_space<vmem>>)
        %dma_wait3A_193 = arith.constant 4 : i32
        %dma_wait3A_194 = arith.constant 512 : i32
        %dma_wait3A_195 = arith.constant 0 : i32
        %dma_wait3A_196 = tpu.memref_slice %arg23[%dma_wait3A_194, %dma_wait3A_195] : memref<640x32xf32, #tpu.memory_space<vmem>> -> memref<128x32xf32, #tpu.memory_space<vmem>>
        %dma_wait3A_197 = arith.constant 0 : i32
        %dma_wait3A_198 = tpu.memref_slice %arg21[%dma_wait3A_193, %dma_wait3A_197] : memref<5x128xi32, #tpu.memory_space<vmem>> -> memref<1x128xi32, #tpu.memory_space<vmem>>
        %dma_wait3A_199 = tpu.memref_squeeze %dma_wait3A_198 : memref<1x128xi32, #tpu.memory_space<vmem>> -> memref<128xi32, #tpu.memory_space<vmem>>
        %dma_wait3A_200 = arith.constant 0 : i32
        %dma_wait3A_201 = arith.constant 0 : i32
        %dma_wait3A_202 = tpu.memref_slice %arg3[%dma_wait3A_200, %dma_wait3A_201] : memref<10000x32xf32, #tpu.memory_space<hbm>> -> memref<10000x32xf32, #tpu.memory_space<hbm>>
        tpu.wait_indirect_dma semaphore(%arg25 : memref<!tpu.dma_semaphore, #tpu.memory_space<semaphore_mem>>) src(%dma_wait3A_202 : memref<10000x32xf32, #tpu.memory_space<hbm>>) dst(%dma_wait3A_196 : memref<128x32xf32, #tpu.memory_space<vmem>>)
        %dma_start3A_203 = arith.constant 0 : i32
        %dma_start3A_204 = arith.constant 0 : i32
        %dma_start3A_205 = arith.constant 0 : i32
        %dma_start3A_206 = tpu.memref_slice %arg23[%dma_start3A_204, %dma_start3A_205] : memref<640x32xf32, #tpu.memory_space<vmem>> -> memref<128x32xf32, #tpu.memory_space<vmem>>
        %dma_start3A_207 = arith.constant 0 : i32
        %dma_start3A_208 = tpu.memref_slice %arg22[%dma_start3A_203, %dma_start3A_207] : memref<5x128xi32, #tpu.memory_space<vmem>> -> memref<1x128xi32, #tpu.memory_space<vmem>>
        %dma_start3A_209 = tpu.memref_squeeze %dma_start3A_208 : memref<1x128xi32, #tpu.memory_space<vmem>> -> memref<128xi32, #tpu.memory_space<vmem>>
        %dma_start3A_210 = arith.constant 0 : i32
        %dma_start3A_211 = arith.constant 0 : i32
        %dma_start3A_212 = tpu.memref_slice %arg24[%dma_start3A_210, %dma_start3A_211] : memref<50176x32xf32, #tpu.memory_space<vmem_shared>> -> memref<50176x32xf32, #tpu.memory_space<vmem_shared>>
        tpu.enqueue_indirect_dma source(%dma_start3A_206 : memref<128x32xf32, #tpu.memory_space<vmem>>) target(%dma_start3A_212 : memref<50176x32xf32, #tpu.memory_space<vmem_shared>>) offsets(%dma_start3A_209 : memref<128xi32, #tpu.memory_space<vmem>>) semaphore(%arg26 : memref<!tpu.dma_semaphore, #tpu.memory_space<semaphore_mem>>) {add = true}
        %dma_start3A_213 = arith.constant 1 : i32
        %dma_start3A_214 = arith.constant 128 : i32
        %dma_start3A_215 = arith.constant 0 : i32
        %dma_start3A_216 = tpu.memref_slice %arg23[%dma_start3A_214, %dma_start3A_215] : memref<640x32xf32, #tpu.memory_space<vmem>> -> memref<128x32xf32, #tpu.memory_space<vmem>>
        %dma_start3A_217 = arith.constant 0 : i32
        %dma_start3A_218 = tpu.memref_slice %arg22[%dma_start3A_213, %dma_start3A_217] : memref<5x128xi32, #tpu.memory_space<vmem>> -> memref<1x128xi32, #tpu.memory_space<vmem>>
        %dma_start3A_219 = tpu.memref_squeeze %dma_start3A_218 : memref<1x128xi32, #tpu.memory_space<vmem>> -> memref<128xi32, #tpu.memory_space<vmem>>
        %dma_start3A_220 = arith.constant 0 : i32
        %dma_start3A_221 = arith.constant 0 : i32
        %dma_start3A_222 = tpu.memref_slice %arg24[%dma_start3A_220, %dma_start3A_221] : memref<50176x32xf32, #tpu.memory_space<vmem_shared>> -> memref<50176x32xf32, #tpu.memory_space<vmem_shared>>
        tpu.enqueue_indirect_dma source(%dma_start3A_216 : memref<128x32xf32, #tpu.memory_space<vmem>>) target(%dma_start3A_222 : memref<50176x32xf32, #tpu.memory_space<vmem_shared>>) offsets(%dma_start3A_219 : memref<128xi32, #tpu.memory_space<vmem>>) semaphore(%arg26 : memref<!tpu.dma_semaphore, #tpu.memory_space<semaphore_mem>>) {add = true}
        %dma_start3A_223 = arith.constant 2 : i32
        %dma_start3A_224 = arith.constant 256 : i32
        %dma_start3A_225 = arith.constant 0 : i32
        %dma_start3A_226 = tpu.memref_slice %arg23[%dma_start3A_224, %dma_start3A_225] : memref<640x32xf32, #tpu.memory_space<vmem>> -> memref<128x32xf32, #tpu.memory_space<vmem>>
        %dma_start3A_227 = arith.constant 0 : i32
        %dma_start3A_228 = tpu.memref_slice %arg22[%dma_start3A_223, %dma_start3A_227] : memref<5x128xi32, #tpu.memory_space<vmem>> -> memref<1x128xi32, #tpu.memory_space<vmem>>
        %dma_start3A_229 = tpu.memref_squeeze %dma_start3A_228 : memref<1x128xi32, #tpu.memory_space<vmem>> -> memref<128xi32, #tpu.memory_space<vmem>>
        %dma_start3A_230 = arith.constant 0 : i32
        %dma_start3A_231 = arith.constant 0 : i32
        %dma_start3A_232 = tpu.memref_slice %arg24[%dma_start3A_230, %dma_start3A_231] : memref<50176x32xf32, #tpu.memory_space<vmem_shared>> -> memref<50176x32xf32, #tpu.memory_space<vmem_shared>>
        tpu.enqueue_indirect_dma source(%dma_start3A_226 : memref<128x32xf32, #tpu.memory_space<vmem>>) target(%dma_start3A_232 : memref<50176x32xf32, #tpu.memory_space<vmem_shared>>) offsets(%dma_start3A_229 : memref<128xi32, #tpu.memory_space<vmem>>) semaphore(%arg26 : memref<!tpu.dma_semaphore, #tpu.memory_space<semaphore_mem>>) {add = true}
        %dma_start3A_233 = arith.constant 3 : i32
        %dma_start3A_234 = arith.constant 384 : i32
        %dma_start3A_235 = arith.constant 0 : i32
        %dma_start3A_236 = tpu.memref_slice %arg23[%dma_start3A_234, %dma_start3A_235] : memref<640x32xf32, #tpu.memory_space<vmem>> -> memref<128x32xf32, #tpu.memory_space<vmem>>
        %dma_start3A_237 = arith.constant 0 : i32
        %dma_start3A_238 = tpu.memref_slice %arg22[%dma_start3A_233, %dma_start3A_237] : memref<5x128xi32, #tpu.memory_space<vmem>> -> memref<1x128xi32, #tpu.memory_space<vmem>>
        %dma_start3A_239 = tpu.memref_squeeze %dma_start3A_238 : memref<1x128xi32, #tpu.memory_space<vmem>> -> memref<128xi32, #tpu.memory_space<vmem>>
        %dma_start3A_240 = arith.constant 0 : i32
        %dma_start3A_241 = arith.constant 0 : i32
        %dma_start3A_242 = tpu.memref_slice %arg24[%dma_start3A_240, %dma_start3A_241] : memref<50176x32xf32, #tpu.memory_space<vmem_shared>> -> memref<50176x32xf32, #tpu.memory_space<vmem_shared>>
        tpu.enqueue_indirect_dma source(%dma_start3A_236 : memref<128x32xf32, #tpu.memory_space<vmem>>) target(%dma_start3A_242 : memref<50176x32xf32, #tpu.memory_space<vmem_shared>>) offsets(%dma_start3A_239 : memref<128xi32, #tpu.memory_space<vmem>>) semaphore(%arg26 : memref<!tpu.dma_semaphore, #tpu.memory_space<semaphore_mem>>) {add = true}
        %dma_start3A_243 = arith.constant 4 : i32
        %dma_start3A_244 = arith.constant 512 : i32
        %dma_start3A_245 = arith.constant 0 : i32
        %dma_start3A_246 = tpu.memref_slice %arg23[%dma_start3A_244, %dma_start3A_245] : memref<640x32xf32, #tpu.memory_space<vmem>> -> memref<128x32xf32, #tpu.memory_space<vmem>>
        %dma_start3A_247 = arith.constant 0 : i32
        %dma_start3A_248 = tpu.memref_slice %arg22[%dma_start3A_243, %dma_start3A_247] : memref<5x128xi32, #tpu.memory_space<vmem>> -> memref<1x128xi32, #tpu.memory_space<vmem>>
        %dma_start3A_249 = tpu.memref_squeeze %dma_start3A_248 : memref<1x128xi32, #tpu.memory_space<vmem>> -> memref<128xi32, #tpu.memory_space<vmem>>
        %dma_start3A_250 = arith.constant 0 : i32
        %dma_start3A_251 = arith.constant 0 : i32
        %dma_start3A_252 = tpu.memref_slice %arg24[%dma_start3A_250, %dma_start3A_251] : memref<50176x32xf32, #tpu.memory_space<vmem_shared>> -> memref<50176x32xf32, #tpu.memory_space<vmem_shared>>
        tpu.enqueue_indirect_dma source(%dma_start3A_246 : memref<128x32xf32, #tpu.memory_space<vmem>>) target(%dma_start3A_252 : memref<50176x32xf32, #tpu.memory_space<vmem_shared>>) offsets(%dma_start3A_249 : memref<128xi32, #tpu.memory_space<vmem>>) semaphore(%arg26 : memref<!tpu.dma_semaphore, #tpu.memory_space<semaphore_mem>>) {add = true}
        %dma_wait3A_253 = arith.constant 0 : i32
        %dma_wait3A_254 = arith.constant 0 : i32
        %dma_wait3A_255 = arith.constant 0 : i32
        %dma_wait3A_256 = tpu.memref_slice %arg23[%dma_wait3A_254, %dma_wait3A_255] : memref<640x32xf32, #tpu.memory_space<vmem>> -> memref<128x32xf32, #tpu.memory_space<vmem>>
        %dma_wait3A_257 = arith.constant 0 : i32
        %dma_wait3A_258 = tpu.memref_slice %arg22[%dma_wait3A_253, %dma_wait3A_257] : memref<5x128xi32, #tpu.memory_space<vmem>> -> memref<1x128xi32, #tpu.memory_space<vmem>>
        %dma_wait3A_259 = tpu.memref_squeeze %dma_wait3A_258 : memref<1x128xi32, #tpu.memory_space<vmem>> -> memref<128xi32, #tpu.memory_space<vmem>>
        %dma_wait3A_260 = arith.constant 0 : i32
        %dma_wait3A_261 = arith.constant 0 : i32
        %dma_wait3A_262 = tpu.memref_slice %arg24[%dma_wait3A_260, %dma_wait3A_261] : memref<50176x32xf32, #tpu.memory_space<vmem_shared>> -> memref<50176x32xf32, #tpu.memory_space<vmem_shared>>
        tpu.wait_indirect_dma semaphore(%arg26 : memref<!tpu.dma_semaphore, #tpu.memory_space<semaphore_mem>>) src(%dma_wait3A_256 : memref<128x32xf32, #tpu.memory_space<vmem>>) dst(%dma_wait3A_262 : memref<50176x32xf32, #tpu.memory_space<vmem_shared>>)
        %dma_wait3A_263 = arith.constant 1 : i32
        %dma_wait3A_264 = arith.constant 128 : i32
        %dma_wait3A_265 = arith.constant 0 : i32
        %dma_wait3A_266 = tpu.memref_slice %arg23[%dma_wait3A_264, %dma_wait3A_265] : memref<640x32xf32, #tpu.memory_space<vmem>> -> memref<128x32xf32, #tpu.memory_space<vmem>>
        %dma_wait3A_267 = arith.constant 0 : i32
        %dma_wait3A_268 = tpu.memref_slice %arg22[%dma_wait3A_263, %dma_wait3A_267] : memref<5x128xi32, #tpu.memory_space<vmem>> -> memref<1x128xi32, #tpu.memory_space<vmem>>
        %dma_wait3A_269 = tpu.memref_squeeze %dma_wait3A_268 : memref<1x128xi32, #tpu.memory_space<vmem>> -> memref<128xi32, #tpu.memory_space<vmem>>
        %dma_wait3A_270 = arith.constant 0 : i32
        %dma_wait3A_271 = arith.constant 0 : i32
        %dma_wait3A_272 = tpu.memref_slice %arg24[%dma_wait3A_270, %dma_wait3A_271] : memref<50176x32xf32, #tpu.memory_space<vmem_shared>> -> memref<50176x32xf32, #tpu.memory_space<vmem_shared>>
        tpu.wait_indirect_dma semaphore(%arg26 : memref<!tpu.dma_semaphore, #tpu.memory_space<semaphore_mem>>) src(%dma_wait3A_266 : memref<128x32xf32, #tpu.memory_space<vmem>>) dst(%dma_wait3A_272 : memref<50176x32xf32, #tpu.memory_space<vmem_shared>>)
        %dma_wait3A_273 = arith.constant 2 : i32
        %dma_wait3A_274 = arith.constant 256 : i32
        %dma_wait3A_275 = arith.constant 0 : i32
        %dma_wait3A_276 = tpu.memref_slice %arg23[%dma_wait3A_274, %dma_wait3A_275] : memref<640x32xf32, #tpu.memory_space<vmem>> -> memref<128x32xf32, #tpu.memory_space<vmem>>
        %dma_wait3A_277 = arith.constant 0 : i32
        %dma_wait3A_278 = tpu.memref_slice %arg22[%dma_wait3A_273, %dma_wait3A_277] : memref<5x128xi32, #tpu.memory_space<vmem>> -> memref<1x128xi32, #tpu.memory_space<vmem>>
        %dma_wait3A_279 = tpu.memref_squeeze %dma_wait3A_278 : memref<1x128xi32, #tpu.memory_space<vmem>> -> memref<128xi32, #tpu.memory_space<vmem>>
        %dma_wait3A_280 = arith.constant 0 : i32
        %dma_wait3A_281 = arith.constant 0 : i32
        %dma_wait3A_282 = tpu.memref_slice %arg24[%dma_wait3A_280, %dma_wait3A_281] : memref<50176x32xf32, #tpu.memory_space<vmem_shared>> -> memref<50176x32xf32, #tpu.memory_space<vmem_shared>>
        tpu.wait_indirect_dma semaphore(%arg26 : memref<!tpu.dma_semaphore, #tpu.memory_space<semaphore_mem>>) src(%dma_wait3A_276 : memref<128x32xf32, #tpu.memory_space<vmem>>) dst(%dma_wait3A_282 : memref<50176x32xf32, #tpu.memory_space<vmem_shared>>)
        %dma_wait3A_283 = arith.constant 3 : i32
        %dma_wait3A_284 = arith.constant 384 : i32
        %dma_wait3A_285 = arith.constant 0 : i32
        %dma_wait3A_286 = tpu.memref_slice %arg23[%dma_wait3A_284, %dma_wait3A_285] : memref<640x32xf32, #tpu.memory_space<vmem>> -> memref<128x32xf32, #tpu.memory_space<vmem>>
        %dma_wait3A_287 = arith.constant 0 : i32
        %dma_wait3A_288 = tpu.memref_slice %arg22[%dma_wait3A_283, %dma_wait3A_287] : memref<5x128xi32, #tpu.memory_space<vmem>> -> memref<1x128xi32, #tpu.memory_space<vmem>>
        %dma_wait3A_289 = tpu.memref_squeeze %dma_wait3A_288 : memref<1x128xi32, #tpu.memory_space<vmem>> -> memref<128xi32, #tpu.memory_space<vmem>>
        %dma_wait3A_290 = arith.constant 0 : i32
        %dma_wait3A_291 = arith.constant 0 : i32
        %dma_wait3A_292 = tpu.memref_slice %arg24[%dma_wait3A_290, %dma_wait3A_291] : memref<50176x32xf32, #tpu.memory_space<vmem_shared>> -> memref<50176x32xf32, #tpu.memory_space<vmem_shared>>
        tpu.wait_indirect_dma semaphore(%arg26 : memref<!tpu.dma_semaphore, #tpu.memory_space<semaphore_mem>>) src(%dma_wait3A_286 : memref<128x32xf32, #tpu.memory_space<vmem>>) dst(%dma_wait3A_292 : memref<50176x32xf32, #tpu.memory_space<vmem_shared>>)
        %dma_wait3A_293 = arith.constant 4 : i32
        %dma_wait3A_294 = arith.constant 512 : i32
        %dma_wait3A_295 = arith.constant 0 : i32
        %dma_wait3A_296 = tpu.memref_slice %arg23[%dma_wait3A_294, %dma_wait3A_295] : memref<640x32xf32, #tpu.memory_space<vmem>> -> memref<128x32xf32, #tpu.memory_space<vmem>>
        %dma_wait3A_297 = arith.constant 0 : i32
        %dma_wait3A_298 = tpu.memref_slice %arg22[%dma_wait3A_293, %dma_wait3A_297] : memref<5x128xi32, #tpu.memory_space<vmem>> -> memref<1x128xi32, #tpu.memory_space<vmem>>
        %dma_wait3A_299 = tpu.memref_squeeze %dma_wait3A_298 : memref<1x128xi32, #tpu.memory_space<vmem>> -> memref<128xi32, #tpu.memory_space<vmem>>
        %dma_wait3A_300 = arith.constant 0 : i32
        %dma_wait3A_301 = arith.constant 0 : i32
        %dma_wait3A_302 = tpu.memref_slice %arg24[%dma_wait3A_300, %dma_wait3A_301] : memref<50176x32xf32, #tpu.memory_space<vmem_shared>> -> memref<50176x32xf32, #tpu.memory_space<vmem_shared>>
        tpu.wait_indirect_dma semaphore(%arg26 : memref<!tpu.dma_semaphore, #tpu.memory_space<semaphore_mem>>) src(%dma_wait3A_296 : memref<128x32xf32, #tpu.memory_space<vmem>>) dst(%dma_wait3A_302 : memref<50176x32xf32, #tpu.memory_space<vmem_shared>>)
      }
      %scan3A_99 = arith.constant 16 : i32
    } else {
    }
    %eq3A_3 = arith.constant 1 : i32
    %eq3A_4 = arith.cmpi eq, %arg0, %eq3A_3 : i32
    %convert_element_type3A_5 = arith.extui %eq3A_4 : i1 to i32
    %cond3A_6 = arith.constant 0 : i32
    %cond3A_7 = arith.cmpi ne, %convert_element_type3A_5, %cond3A_6 : i32
    scf.if %cond3A_7 {
      %scan3A = arith.constant 0 : i32
      %scan3A_95 = arith.constant 0 : i32
      %scan3A_96 = arith.constant 16 : i32
      %scan3A_97 = arith.addi %scan3A_95, %scan3A_96 : i32
      %scan3A_98 = arith.constant 1 : i32
      scf.for %scan3A_100 = %scan3A_95 to %scan3A_97 step %scan3A_98  : i32 {
        %mul3A_101 = arith.constant 80 : i32
        %mul3A_102 = arith.muli %arg1, %mul3A_101 : i32
        %mul3A_103 = arith.constant 5 : i32
        %mul3A_104 = arith.muli %scan3A_100, %mul3A_103 : i32
        %add3A = arith.addi %mul3A_102, %mul3A_104 : i32
        "tpu.region"() ({
          %run_scoped3A = tpu.sem_alloc : memref<!tpu.dma_semaphore, #tpu.memory_space<semaphore_mem>>
          %dma_start3A_303 = arith.constant 0 : i32
          %dma_start3A_304 = tpu.memref_slice %arg11[%add3A, %dma_start3A_303] : memref<1280x128xi32, #tpu.memory_space<hbm>> -> memref<5x128xi32, #tpu.memory_space<hbm>>
          %dma_start3A_305 = arith.constant 0 : i32
          %dma_start3A_306 = tpu.memref_slice %arg11[%add3A, %dma_start3A_305] : memref<1280x128xi32, #tpu.memory_space<hbm>> -> memref<5x128xi32, #tpu.memory_space<hbm>>
          tpu.enqueue_dma source(%dma_start3A_306 : memref<5x128xi32, #tpu.memory_space<hbm>>) target(%arg21 : memref<5x128xi32, #tpu.memory_space<vmem>>) target_semaphore(%run_scoped3A : memref<!tpu.dma_semaphore, #tpu.memory_space<semaphore_mem>>)
          %dma_wait3A_307 = arith.constant 0 : i32
          %dma_wait3A_308 = tpu.memref_slice %arg11[%add3A, %dma_wait3A_307] : memref<1280x128xi32, #tpu.memory_space<hbm>> -> memref<5x128xi32, #tpu.memory_space<hbm>>
          %dma_wait3A_309 = arith.constant 0 : i32
          %dma_wait3A_310 = tpu.memref_slice %arg11[%add3A, %dma_wait3A_309] : memref<1280x128xi32, #tpu.memory_space<hbm>> -> memref<5x128xi32, #tpu.memory_space<hbm>>
          tpu.wait_dma2 semaphore(%run_scoped3A : memref<!tpu.dma_semaphore, #tpu.memory_space<semaphore_mem>>) src(%dma_wait3A_310 : memref<5x128xi32, #tpu.memory_space<hbm>>) dst(%arg21 : memref<5x128xi32, #tpu.memory_space<vmem>>)
          tpu.yield
        }) : () -> ()
        "tpu.region"() ({
          %run_scoped3A = tpu.sem_alloc : memref<!tpu.dma_semaphore, #tpu.memory_space<semaphore_mem>>
          %dma_start3A_303 = arith.constant 0 : i32
          %dma_start3A_304 = tpu.memref_slice %arg12[%add3A, %dma_start3A_303] : memref<1280x128xi32, #tpu.memory_space<hbm>> -> memref<5x128xi32, #tpu.memory_space<hbm>>
          %dma_start3A_305 = arith.constant 0 : i32
          %dma_start3A_306 = tpu.memref_slice %arg12[%add3A, %dma_start3A_305] : memref<1280x128xi32, #tpu.memory_space<hbm>> -> memref<5x128xi32, #tpu.memory_space<hbm>>
          tpu.enqueue_dma source(%dma_start3A_306 : memref<5x128xi32, #tpu.memory_space<hbm>>) target(%arg22 : memref<5x128xi32, #tpu.memory_space<vmem>>) target_semaphore(%run_scoped3A : memref<!tpu.dma_semaphore, #tpu.memory_space<semaphore_mem>>)
          %dma_wait3A_307 = arith.constant 0 : i32
          %dma_wait3A_308 = tpu.memref_slice %arg12[%add3A, %dma_wait3A_307] : memref<1280x128xi32, #tpu.memory_space<hbm>> -> memref<5x128xi32, #tpu.memory_space<hbm>>
          %dma_wait3A_309 = arith.constant 0 : i32
          %dma_wait3A_310 = tpu.memref_slice %arg12[%add3A, %dma_wait3A_309] : memref<1280x128xi32, #tpu.memory_space<hbm>> -> memref<5x128xi32, #tpu.memory_space<hbm>>
          tpu.wait_dma2 semaphore(%run_scoped3A : memref<!tpu.dma_semaphore, #tpu.memory_space<semaphore_mem>>) src(%dma_wait3A_310 : memref<5x128xi32, #tpu.memory_space<hbm>>) dst(%arg22 : memref<5x128xi32, #tpu.memory_space<vmem>>)
          tpu.yield
        }) : () -> ()
        %dma_start3A = arith.constant 0 : i32
        %dma_start3A_105 = arith.constant 0 : i32
        %dma_start3A_106 = arith.constant 0 : i32
        %dma_start3A_107 = tpu.memref_slice %arg23[%dma_start3A_105, %dma_start3A_106] : memref<640x32xf32, #tpu.memory_space<vmem>> -> memref<128x32xf32, #tpu.memory_space<vmem>>
        %dma_start3A_108 = arith.constant 0 : i32
        %dma_start3A_109 = tpu.memref_slice %arg21[%dma_start3A, %dma_start3A_108] : memref<5x128xi32, #tpu.memory_space<vmem>> -> memref<1x128xi32, #tpu.memory_space<vmem>>
        %dma_start3A_110 = tpu.memref_squeeze %dma_start3A_109 : memref<1x128xi32, #tpu.memory_space<vmem>> -> memref<128xi32, #tpu.memory_space<vmem>>
        %dma_start3A_111 = arith.constant 0 : i32
        %dma_start3A_112 = arith.constant 0 : i32
        %dma_start3A_113 = tpu.memref_slice %arg4[%dma_start3A_111, %dma_start3A_112] : memref<10000x32xf32, #tpu.memory_space<hbm>> -> memref<10000x32xf32, #tpu.memory_space<hbm>>
        tpu.enqueue_indirect_dma source(%dma_start3A_113 : memref<10000x32xf32, #tpu.memory_space<hbm>>) target(%dma_start3A_107 : memref<128x32xf32, #tpu.memory_space<vmem>>) offsets(%dma_start3A_110 : memref<128xi32, #tpu.memory_space<vmem>>) semaphore(%arg25 : memref<!tpu.dma_semaphore, #tpu.memory_space<semaphore_mem>>)
        %dma_start3A_114 = arith.constant 1 : i32
        %dma_start3A_115 = arith.constant 128 : i32
        %dma_start3A_116 = arith.constant 0 : i32
        %dma_start3A_117 = tpu.memref_slice %arg23[%dma_start3A_115, %dma_start3A_116] : memref<640x32xf32, #tpu.memory_space<vmem>> -> memref<128x32xf32, #tpu.memory_space<vmem>>
        %dma_start3A_118 = arith.constant 0 : i32
        %dma_start3A_119 = tpu.memref_slice %arg21[%dma_start3A_114, %dma_start3A_118] : memref<5x128xi32, #tpu.memory_space<vmem>> -> memref<1x128xi32, #tpu.memory_space<vmem>>
        %dma_start3A_120 = tpu.memref_squeeze %dma_start3A_119 : memref<1x128xi32, #tpu.memory_space<vmem>> -> memref<128xi32, #tpu.memory_space<vmem>>
        %dma_start3A_121 = arith.constant 0 : i32
        %dma_start3A_122 = arith.constant 0 : i32
        %dma_start3A_123 = tpu.memref_slice %arg4[%dma_start3A_121, %dma_start3A_122] : memref<10000x32xf32, #tpu.memory_space<hbm>> -> memref<10000x32xf32, #tpu.memory_space<hbm>>
        tpu.enqueue_indirect_dma source(%dma_start3A_123 : memref<10000x32xf32, #tpu.memory_space<hbm>>) target(%dma_start3A_117 : memref<128x32xf32, #tpu.memory_space<vmem>>) offsets(%dma_start3A_120 : memref<128xi32, #tpu.memory_space<vmem>>) semaphore(%arg25 : memref<!tpu.dma_semaphore, #tpu.memory_space<semaphore_mem>>)
        %dma_start3A_124 = arith.constant 2 : i32
        %dma_start3A_125 = arith.constant 256 : i32
        %dma_start3A_126 = arith.constant 0 : i32
        %dma_start3A_127 = tpu.memref_slice %arg23[%dma_start3A_125, %dma_start3A_126] : memref<640x32xf32, #tpu.memory_space<vmem>> -> memref<128x32xf32, #tpu.memory_space<vmem>>
        %dma_start3A_128 = arith.constant 0 : i32
        %dma_start3A_129 = tpu.memref_slice %arg21[%dma_start3A_124, %dma_start3A_128] : memref<5x128xi32, #tpu.memory_space<vmem>> -> memref<1x128xi32, #tpu.memory_space<vmem>>
        %dma_start3A_130 = tpu.memref_squeeze %dma_start3A_129 : memref<1x128xi32, #tpu.memory_space<vmem>> -> memref<128xi32, #tpu.memory_space<vmem>>
        %dma_start3A_131 = arith.constant 0 : i32
        %dma_start3A_132 = arith.constant 0 : i32
        %dma_start3A_133 = tpu.memref_slice %arg4[%dma_start3A_131, %dma_start3A_132] : memref<10000x32xf32, #tpu.memory_space<hbm>> -> memref<10000x32xf32, #tpu.memory_space<hbm>>
        tpu.enqueue_indirect_dma source(%dma_start3A_133 : memref<10000x32xf32, #tpu.memory_space<hbm>>) target(%dma_start3A_127 : memref<128x32xf32, #tpu.memory_space<vmem>>) offsets(%dma_start3A_130 : memref<128xi32, #tpu.memory_space<vmem>>) semaphore(%arg25 : memref<!tpu.dma_semaphore, #tpu.memory_space<semaphore_mem>>)
        %dma_start3A_134 = arith.constant 3 : i32
        %dma_start3A_135 = arith.constant 384 : i32
        %dma_start3A_136 = arith.constant 0 : i32
        %dma_start3A_137 = tpu.memref_slice %arg23[%dma_start3A_135, %dma_start3A_136] : memref<640x32xf32, #tpu.memory_space<vmem>> -> memref<128x32xf32, #tpu.memory_space<vmem>>
        %dma_start3A_138 = arith.constant 0 : i32
        %dma_start3A_139 = tpu.memref_slice %arg21[%dma_start3A_134, %dma_start3A_138] : memref<5x128xi32, #tpu.memory_space<vmem>> -> memref<1x128xi32, #tpu.memory_space<vmem>>
        %dma_start3A_140 = tpu.memref_squeeze %dma_start3A_139 : memref<1x128xi32, #tpu.memory_space<vmem>> -> memref<128xi32, #tpu.memory_space<vmem>>
        %dma_start3A_141 = arith.constant 0 : i32
        %dma_start3A_142 = arith.constant 0 : i32
        %dma_start3A_143 = tpu.memref_slice %arg4[%dma_start3A_141, %dma_start3A_142] : memref<10000x32xf32, #tpu.memory_space<hbm>> -> memref<10000x32xf32, #tpu.memory_space<hbm>>
        tpu.enqueue_indirect_dma source(%dma_start3A_143 : memref<10000x32xf32, #tpu.memory_space<hbm>>) target(%dma_start3A_137 : memref<128x32xf32, #tpu.memory_space<vmem>>) offsets(%dma_start3A_140 : memref<128xi32, #tpu.memory_space<vmem>>) semaphore(%arg25 : memref<!tpu.dma_semaphore, #tpu.memory_space<semaphore_mem>>)
        %dma_start3A_144 = arith.constant 4 : i32
        %dma_start3A_145 = arith.constant 512 : i32
        %dma_start3A_146 = arith.constant 0 : i32
        %dma_start3A_147 = tpu.memref_slice %arg23[%dma_start3A_145, %dma_start3A_146] : memref<640x32xf32, #tpu.memory_space<vmem>> -> memref<128x32xf32, #tpu.memory_space<vmem>>
        %dma_start3A_148 = arith.constant 0 : i32
        %dma_start3A_149 = tpu.memref_slice %arg21[%dma_start3A_144, %dma_start3A_148] : memref<5x128xi32, #tpu.memory_space<vmem>> -> memref<1x128xi32, #tpu.memory_space<vmem>>
        %dma_start3A_150 = tpu.memref_squeeze %dma_start3A_149 : memref<1x128xi32, #tpu.memory_space<vmem>> -> memref<128xi32, #tpu.memory_space<vmem>>
        %dma_start3A_151 = arith.constant 0 : i32
        %dma_start3A_152 = arith.constant 0 : i32
        %dma_start3A_153 = tpu.memref_slice %arg4[%dma_start3A_151, %dma_start3A_152] : memref<10000x32xf32, #tpu.memory_space<hbm>> -> memref<10000x32xf32, #tpu.memory_space<hbm>>
        tpu.enqueue_indirect_dma source(%dma_start3A_153 : memref<10000x32xf32, #tpu.memory_space<hbm>>) target(%dma_start3A_147 : memref<128x32xf32, #tpu.memory_space<vmem>>) offsets(%dma_start3A_150 : memref<128xi32, #tpu.memory_space<vmem>>) semaphore(%arg25 : memref<!tpu.dma_semaphore, #tpu.memory_space<semaphore_mem>>)
        %dma_wait3A = arith.constant 0 : i32
        %dma_wait3A_154 = arith.constant 0 : i32
        %dma_wait3A_155 = arith.constant 0 : i32
        %dma_wait3A_156 = tpu.memref_slice %arg23[%dma_wait3A_154, %dma_wait3A_155] : memref<640x32xf32, #tpu.memory_space<vmem>> -> memref<128x32xf32, #tpu.memory_space<vmem>>
        %dma_wait3A_157 = arith.constant 0 : i32
        %dma_wait3A_158 = tpu.memref_slice %arg21[%dma_wait3A, %dma_wait3A_157] : memref<5x128xi32, #tpu.memory_space<vmem>> -> memref<1x128xi32, #tpu.memory_space<vmem>>
        %dma_wait3A_159 = tpu.memref_squeeze %dma_wait3A_158 : memref<1x128xi32, #tpu.memory_space<vmem>> -> memref<128xi32, #tpu.memory_space<vmem>>
        %dma_wait3A_160 = arith.constant 0 : i32
        %dma_wait3A_161 = arith.constant 0 : i32
        %dma_wait3A_162 = tpu.memref_slice %arg4[%dma_wait3A_160, %dma_wait3A_161] : memref<10000x32xf32, #tpu.memory_space<hbm>> -> memref<10000x32xf32, #tpu.memory_space<hbm>>
        tpu.wait_indirect_dma semaphore(%arg25 : memref<!tpu.dma_semaphore, #tpu.memory_space<semaphore_mem>>) src(%dma_wait3A_162 : memref<10000x32xf32, #tpu.memory_space<hbm>>) dst(%dma_wait3A_156 : memref<128x32xf32, #tpu.memory_space<vmem>>)
        %dma_wait3A_163 = arith.constant 1 : i32
        %dma_wait3A_164 = arith.constant 128 : i32
        %dma_wait3A_165 = arith.constant 0 : i32
        %dma_wait3A_166 = tpu.memref_slice %arg23[%dma_wait3A_164, %dma_wait3A_165] : memref<640x32xf32, #tpu.memory_space<vmem>> -> memref<128x32xf32, #tpu.memory_space<vmem>>
        %dma_wait3A_167 = arith.constant 0 : i32
        %dma_wait3A_168 = tpu.memref_slice %arg21[%dma_wait3A_163, %dma_wait3A_167] : memref<5x128xi32, #tpu.memory_space<vmem>> -> memref<1x128xi32, #tpu.memory_space<vmem>>
        %dma_wait3A_169 = tpu.memref_squeeze %dma_wait3A_168 : memref<1x128xi32, #tpu.memory_space<vmem>> -> memref<128xi32, #tpu.memory_space<vmem>>
        %dma_wait3A_170 = arith.constant 0 : i32
        %dma_wait3A_171 = arith.constant 0 : i32
        %dma_wait3A_172 = tpu.memref_slice %arg4[%dma_wait3A_170, %dma_wait3A_171] : memref<10000x32xf32, #tpu.memory_space<hbm>> -> memref<10000x32xf32, #tpu.memory_space<hbm>>
        tpu.wait_indirect_dma semaphore(%arg25 : memref<!tpu.dma_semaphore, #tpu.memory_space<semaphore_mem>>) src(%dma_wait3A_172 : memref<10000x32xf32, #tpu.memory_space<hbm>>) dst(%dma_wait3A_166 : memref<128x32xf32, #tpu.memory_space<vmem>>)
        %dma_wait3A_173 = arith.constant 2 : i32
        %dma_wait3A_174 = arith.constant 256 : i32
        %dma_wait3A_175 = arith.constant 0 : i32
        %dma_wait3A_176 = tpu.memref_slice %arg23[%dma_wait3A_174, %dma_wait3A_175] : memref<640x32xf32, #tpu.memory_space<vmem>> -> memref<128x32xf32, #tpu.memory_space<vmem>>
        %dma_wait3A_177 = arith.constant 0 : i32
        %dma_wait3A_178 = tpu.memref_slice %arg21[%dma_wait3A_173, %dma_wait3A_177] : memref<5x128xi32, #tpu.memory_space<vmem>> -> memref<1x128xi32, #tpu.memory_space<vmem>>
        %dma_wait3A_179 = tpu.memref_squeeze %dma_wait3A_178 : memref<1x128xi32, #tpu.memory_space<vmem>> -> memref<128xi32, #tpu.memory_space<vmem>>
        %dma_wait3A_180 = arith.constant 0 : i32
        %dma_wait3A_181 = arith.constant 0 : i32
        %dma_wait3A_182 = tpu.memref_slice %arg4[%dma_wait3A_180, %dma_wait3A_181] : memref<10000x32xf32, #tpu.memory_space<hbm>> -> memref<10000x32xf32, #tpu.memory_space<hbm>>
        tpu.wait_indirect_dma semaphore(%arg25 : memref<!tpu.dma_semaphore, #tpu.memory_space<semaphore_mem>>) src(%dma_wait3A_182 : memref<10000x32xf32, #tpu.memory_space<hbm>>) dst(%dma_wait3A_176 : memref<128x32xf32, #tpu.memory_space<vmem>>)
        %dma_wait3A_183 = arith.constant 3 : i32
        %dma_wait3A_184 = arith.constant 384 : i32
        %dma_wait3A_185 = arith.constant 0 : i32
        %dma_wait3A_186 = tpu.memref_slice %arg23[%dma_wait3A_184, %dma_wait3A_185] : memref<640x32xf32, #tpu.memory_space<vmem>> -> memref<128x32xf32, #tpu.memory_space<vmem>>
        %dma_wait3A_187 = arith.constant 0 : i32
        %dma_wait3A_188 = tpu.memref_slice %arg21[%dma_wait3A_183, %dma_wait3A_187] : memref<5x128xi32, #tpu.memory_space<vmem>> -> memref<1x128xi32, #tpu.memory_space<vmem>>
        %dma_wait3A_189 = tpu.memref_squeeze %dma_wait3A_188 : memref<1x128xi32, #tpu.memory_space<vmem>> -> memref<128xi32, #tpu.memory_space<vmem>>
        %dma_wait3A_190 = arith.constant 0 : i32
        %dma_wait3A_191 = arith.constant 0 : i32
        %dma_wait3A_192 = tpu.memref_slice %arg4[%dma_wait3A_190, %dma_wait3A_191] : memref<10000x32xf32, #tpu.memory_space<hbm>> -> memref<10000x32xf32, #tpu.memory_space<hbm>>
        tpu.wait_indirect_dma semaphore(%arg25 : memref<!tpu.dma_semaphore, #tpu.memory_space<semaphore_mem>>) src(%dma_wait3A_192 : memref<10000x32xf32, #tpu.memory_space<hbm>>) dst(%dma_wait3A_186 : memref<128x32xf32, #tpu.memory_space<vmem>>)
        %dma_wait3A_193 = arith.constant 4 : i32
        %dma_wait3A_194 = arith.constant 512 : i32
        %dma_wait3A_195 = arith.constant 0 : i32
        %dma_wait3A_196 = tpu.memref_slice %arg23[%dma_wait3A_194, %dma_wait3A_195] : memref<640x32xf32, #tpu.memory_space<vmem>> -> memref<128x32xf32, #tpu.memory_space<vmem>>
        %dma_wait3A_197 = arith.constant 0 : i32
        %dma_wait3A_198 = tpu.memref_slice %arg21[%dma_wait3A_193, %dma_wait3A_197] : memref<5x128xi32, #tpu.memory_space<vmem>> -> memref<1x128xi32, #tpu.memory_space<vmem>>
        %dma_wait3A_199 = tpu.memref_squeeze %dma_wait3A_198 : memref<1x128xi32, #tpu.memory_space<vmem>> -> memref<128xi32, #tpu.memory_space<vmem>>
        %dma_wait3A_200 = arith.constant 0 : i32
        %dma_wait3A_201 = arith.constant 0 : i32
        %dma_wait3A_202 = tpu.memref_slice %arg4[%dma_wait3A_200, %dma_wait3A_201] : memref<10000x32xf32, #tpu.memory_space<hbm>> -> memref<10000x32xf32, #tpu.memory_space<hbm>>
        tpu.wait_indirect_dma semaphore(%arg25 : memref<!tpu.dma_semaphore, #tpu.memory_space<semaphore_mem>>) src(%dma_wait3A_202 : memref<10000x32xf32, #tpu.memory_space<hbm>>) dst(%dma_wait3A_196 : memref<128x32xf32, #tpu.memory_space<vmem>>)
        %dma_start3A_203 = arith.constant 0 : i32
        %dma_start3A_204 = arith.constant 0 : i32
        %dma_start3A_205 = arith.constant 0 : i32
        %dma_start3A_206 = tpu.memref_slice %arg23[%dma_start3A_204, %dma_start3A_205] : memref<640x32xf32, #tpu.memory_space<vmem>> -> memref<128x32xf32, #tpu.memory_space<vmem>>
        %dma_start3A_207 = arith.constant 0 : i32
        %dma_start3A_208 = tpu.memref_slice %arg22[%dma_start3A_203, %dma_start3A_207] : memref<5x128xi32, #tpu.memory_space<vmem>> -> memref<1x128xi32, #tpu.memory_space<vmem>>
        %dma_start3A_209 = tpu.memref_squeeze %dma_start3A_208 : memref<1x128xi32, #tpu.memory_space<vmem>> -> memref<128xi32, #tpu.memory_space<vmem>>
        %dma_start3A_210 = arith.constant 0 : i32
        %dma_start3A_211 = arith.constant 0 : i32
        %dma_start3A_212 = tpu.memref_slice %arg24[%dma_start3A_210, %dma_start3A_211] : memref<50176x32xf32, #tpu.memory_space<vmem_shared>> -> memref<50176x32xf32, #tpu.memory_space<vmem_shared>>
        tpu.enqueue_indirect_dma source(%dma_start3A_206 : memref<128x32xf32, #tpu.memory_space<vmem>>) target(%dma_start3A_212 : memref<50176x32xf32, #tpu.memory_space<vmem_shared>>) offsets(%dma_start3A_209 : memref<128xi32, #tpu.memory_space<vmem>>) semaphore(%arg26 : memref<!tpu.dma_semaphore, #tpu.memory_space<semaphore_mem>>) {add = true}
        %dma_start3A_213 = arith.constant 1 : i32
        %dma_start3A_214 = arith.constant 128 : i32
        %dma_start3A_215 = arith.constant 0 : i32
        %dma_start3A_216 = tpu.memref_slice %arg23[%dma_start3A_214, %dma_start3A_215] : memref<640x32xf32, #tpu.memory_space<vmem>> -> memref<128x32xf32, #tpu.memory_space<vmem>>
        %dma_start3A_217 = arith.constant 0 : i32
        %dma_start3A_218 = tpu.memref_slice %arg22[%dma_start3A_213, %dma_start3A_217] : memref<5x128xi32, #tpu.memory_space<vmem>> -> memref<1x128xi32, #tpu.memory_space<vmem>>
        %dma_start3A_219 = tpu.memref_squeeze %dma_start3A_218 : memref<1x128xi32, #tpu.memory_space<vmem>> -> memref<128xi32, #tpu.memory_space<vmem>>
        %dma_start3A_220 = arith.constant 0 : i32
        %dma_start3A_221 = arith.constant 0 : i32
        %dma_start3A_222 = tpu.memref_slice %arg24[%dma_start3A_220, %dma_start3A_221] : memref<50176x32xf32, #tpu.memory_space<vmem_shared>> -> memref<50176x32xf32, #tpu.memory_space<vmem_shared>>
        tpu.enqueue_indirect_dma source(%dma_start3A_216 : memref<128x32xf32, #tpu.memory_space<vmem>>) target(%dma_start3A_222 : memref<50176x32xf32, #tpu.memory_space<vmem_shared>>) offsets(%dma_start3A_219 : memref<128xi32, #tpu.memory_space<vmem>>) semaphore(%arg26 : memref<!tpu.dma_semaphore, #tpu.memory_space<semaphore_mem>>) {add = true}
        %dma_start3A_223 = arith.constant 2 : i32
        %dma_start3A_224 = arith.constant 256 : i32
        %dma_start3A_225 = arith.constant 0 : i32
        %dma_start3A_226 = tpu.memref_slice %arg23[%dma_start3A_224, %dma_start3A_225] : memref<640x32xf32, #tpu.memory_space<vmem>> -> memref<128x32xf32, #tpu.memory_space<vmem>>
        %dma_start3A_227 = arith.constant 0 : i32
        %dma_start3A_228 = tpu.memref_slice %arg22[%dma_start3A_223, %dma_start3A_227] : memref<5x128xi32, #tpu.memory_space<vmem>> -> memref<1x128xi32, #tpu.memory_space<vmem>>
        %dma_start3A_229 = tpu.memref_squeeze %dma_start3A_228 : memref<1x128xi32, #tpu.memory_space<vmem>> -> memref<128xi32, #tpu.memory_space<vmem>>
        %dma_start3A_230 = arith.constant 0 : i32
        %dma_start3A_231 = arith.constant 0 : i32
        %dma_start3A_232 = tpu.memref_slice %arg24[%dma_start3A_230, %dma_start3A_231] : memref<50176x32xf32, #tpu.memory_space<vmem_shared>> -> memref<50176x32xf32, #tpu.memory_space<vmem_shared>>
        tpu.enqueue_indirect_dma source(%dma_start3A_226 : memref<128x32xf32, #tpu.memory_space<vmem>>) target(%dma_start3A_232 : memref<50176x32xf32, #tpu.memory_space<vmem_shared>>) offsets(%dma_start3A_229 : memref<128xi32, #tpu.memory_space<vmem>>) semaphore(%arg26 : memref<!tpu.dma_semaphore, #tpu.memory_space<semaphore_mem>>) {add = true}
        %dma_start3A_233 = arith.constant 3 : i32
        %dma_start3A_234 = arith.constant 384 : i32
        %dma_start3A_235 = arith.constant 0 : i32
        %dma_start3A_236 = tpu.memref_slice %arg23[%dma_start3A_234, %dma_start3A_235] : memref<640x32xf32, #tpu.memory_space<vmem>> -> memref<128x32xf32, #tpu.memory_space<vmem>>
        %dma_start3A_237 = arith.constant 0 : i32
        %dma_start3A_238 = tpu.memref_slice %arg22[%dma_start3A_233, %dma_start3A_237] : memref<5x128xi32, #tpu.memory_space<vmem>> -> memref<1x128xi32, #tpu.memory_space<vmem>>
        %dma_start3A_239 = tpu.memref_squeeze %dma_start3A_238 : memref<1x128xi32, #tpu.memory_space<vmem>> -> memref<128xi32, #tpu.memory_space<vmem>>
        %dma_start3A_240 = arith.constant 0 : i32
        %dma_start3A_241 = arith.constant 0 : i32
        %dma_start3A_242 = tpu.memref_slice %arg24[%dma_start3A_240, %dma_start3A_241] : memref<50176x32xf32, #tpu.memory_space<vmem_shared>> -> memref<50176x32xf32, #tpu.memory_space<vmem_shared>>
        tpu.enqueue_indirect_dma source(%dma_start3A_236 : memref<128x32xf32, #tpu.memory_space<vmem>>) target(%dma_start3A_242 : memref<50176x32xf32, #tpu.memory_space<vmem_shared>>) offsets(%dma_start3A_239 : memref<128xi32, #tpu.memory_space<vmem>>) semaphore(%arg26 : memref<!tpu.dma_semaphore, #tpu.memory_space<semaphore_mem>>) {add = true}
        %dma_start3A_243 = arith.constant 4 : i32
        %dma_start3A_244 = arith.constant 512 : i32
        %dma_start3A_245 = arith.constant 0 : i32
        %dma_start3A_246 = tpu.memref_slice %arg23[%dma_start3A_244, %dma_start3A_245] : memref<640x32xf32, #tpu.memory_space<vmem>> -> memref<128x32xf32, #tpu.memory_space<vmem>>
        %dma_start3A_247 = arith.constant 0 : i32
        %dma_start3A_248 = tpu.memref_slice %arg22[%dma_start3A_243, %dma_start3A_247] : memref<5x128xi32, #tpu.memory_space<vmem>> -> memref<1x128xi32, #tpu.memory_space<vmem>>
        %dma_start3A_249 = tpu.memref_squeeze %dma_start3A_248 : memref<1x128xi32, #tpu.memory_space<vmem>> -> memref<128xi32, #tpu.memory_space<vmem>>
        %dma_start3A_250 = arith.constant 0 : i32
        %dma_start3A_251 = arith.constant 0 : i32
        %dma_start3A_252 = tpu.memref_slice %arg24[%dma_start3A_250, %dma_start3A_251] : memref<50176x32xf32, #tpu.memory_space<vmem_shared>> -> memref<50176x32xf32, #tpu.memory_space<vmem_shared>>
        tpu.enqueue_indirect_dma source(%dma_start3A_246 : memref<128x32xf32, #tpu.memory_space<vmem>>) target(%dma_start3A_252 : memref<50176x32xf32, #tpu.memory_space<vmem_shared>>) offsets(%dma_start3A_249 : memref<128xi32, #tpu.memory_space<vmem>>) semaphore(%arg26 : memref<!tpu.dma_semaphore, #tpu.memory_space<semaphore_mem>>) {add = true}
        %dma_wait3A_253 = arith.constant 0 : i32
        %dma_wait3A_254 = arith.constant 0 : i32
        %dma_wait3A_255 = arith.constant 0 : i32
        %dma_wait3A_256 = tpu.memref_slice %arg23[%dma_wait3A_254, %dma_wait3A_255] : memref<640x32xf32, #tpu.memory_space<vmem>> -> memref<128x32xf32, #tpu.memory_space<vmem>>
        %dma_wait3A_257 = arith.constant 0 : i32
        %dma_wait3A_258 = tpu.memref_slice %arg22[%dma_wait3A_253, %dma_wait3A_257] : memref<5x128xi32, #tpu.memory_space<vmem>> -> memref<1x128xi32, #tpu.memory_space<vmem>>
        %dma_wait3A_259 = tpu.memref_squeeze %dma_wait3A_258 : memref<1x128xi32, #tpu.memory_space<vmem>> -> memref<128xi32, #tpu.memory_space<vmem>>
        %dma_wait3A_260 = arith.constant 0 : i32
        %dma_wait3A_261 = arith.constant 0 : i32
        %dma_wait3A_262 = tpu.memref_slice %arg24[%dma_wait3A_260, %dma_wait3A_261] : memref<50176x32xf32, #tpu.memory_space<vmem_shared>> -> memref<50176x32xf32, #tpu.memory_space<vmem_shared>>
        tpu.wait_indirect_dma semaphore(%arg26 : memref<!tpu.dma_semaphore, #tpu.memory_space<semaphore_mem>>) src(%dma_wait3A_256 : memref<128x32xf32, #tpu.memory_space<vmem>>) dst(%dma_wait3A_262 : memref<50176x32xf32, #tpu.memory_space<vmem_shared>>)
        %dma_wait3A_263 = arith.constant 1 : i32
        %dma_wait3A_264 = arith.constant 128 : i32
        %dma_wait3A_265 = arith.constant 0 : i32
        %dma_wait3A_266 = tpu.memref_slice %arg23[%dma_wait3A_264, %dma_wait3A_265] : memref<640x32xf32, #tpu.memory_space<vmem>> -> memref<128x32xf32, #tpu.memory_space<vmem>>
        %dma_wait3A_267 = arith.constant 0 : i32
        %dma_wait3A_268 = tpu.memref_slice %arg22[%dma_wait3A_263, %dma_wait3A_267] : memref<5x128xi32, #tpu.memory_space<vmem>> -> memref<1x128xi32, #tpu.memory_space<vmem>>
        %dma_wait3A_269 = tpu.memref_squeeze %dma_wait3A_268 : memref<1x128xi32, #tpu.memory_space<vmem>> -> memref<128xi32, #tpu.memory_space<vmem>>
        %dma_wait3A_270 = arith.constant 0 : i32
        %dma_wait3A_271 = arith.constant 0 : i32
        %dma_wait3A_272 = tpu.memref_slice %arg24[%dma_wait3A_270, %dma_wait3A_271] : memref<50176x32xf32, #tpu.memory_space<vmem_shared>> -> memref<50176x32xf32, #tpu.memory_space<vmem_shared>>
        tpu.wait_indirect_dma semaphore(%arg26 : memref<!tpu.dma_semaphore, #tpu.memory_space<semaphore_mem>>) src(%dma_wait3A_266 : memref<128x32xf32, #tpu.memory_space<vmem>>) dst(%dma_wait3A_272 : memref<50176x32xf32, #tpu.memory_space<vmem_shared>>)
        %dma_wait3A_273 = arith.constant 2 : i32
        %dma_wait3A_274 = arith.constant 256 : i32
        %dma_wait3A_275 = arith.constant 0 : i32
        %dma_wait3A_276 = tpu.memref_slice %arg23[%dma_wait3A_274, %dma_wait3A_275] : memref<640x32xf32, #tpu.memory_space<vmem>> -> memref<128x32xf32, #tpu.memory_space<vmem>>
        %dma_wait3A_277 = arith.constant 0 : i32
        %dma_wait3A_278 = tpu.memref_slice %arg22[%dma_wait3A_273, %dma_wait3A_277] : memref<5x128xi32, #tpu.memory_space<vmem>> -> memref<1x128xi32, #tpu.memory_space<vmem>>
        %dma_wait3A_279 = tpu.memref_squeeze %dma_wait3A_278 : memref<1x128xi32, #tpu.memory_space<vmem>> -> memref<128xi32, #tpu.memory_space<vmem>>
        %dma_wait3A_280 = arith.constant 0 : i32
        %dma_wait3A_281 = arith.constant 0 : i32
        %dma_wait3A_282 = tpu.memref_slice %arg24[%dma_wait3A_280, %dma_wait3A_281] : memref<50176x32xf32, #tpu.memory_space<vmem_shared>> -> memref<50176x32xf32, #tpu.memory_space<vmem_shared>>
        tpu.wait_indirect_dma semaphore(%arg26 : memref<!tpu.dma_semaphore, #tpu.memory_space<semaphore_mem>>) src(%dma_wait3A_276 : memref<128x32xf32, #tpu.memory_space<vmem>>) dst(%dma_wait3A_282 : memref<50176x32xf32, #tpu.memory_space<vmem_shared>>)
        %dma_wait3A_283 = arith.constant 3 : i32
        %dma_wait3A_284 = arith.constant 384 : i32
        %dma_wait3A_285 = arith.constant 0 : i32
        %dma_wait3A_286 = tpu.memref_slice %arg23[%dma_wait3A_284, %dma_wait3A_285] : memref<640x32xf32, #tpu.memory_space<vmem>> -> memref<128x32xf32, #tpu.memory_space<vmem>>
        %dma_wait3A_287 = arith.constant 0 : i32
        %dma_wait3A_288 = tpu.memref_slice %arg22[%dma_wait3A_283, %dma_wait3A_287] : memref<5x128xi32, #tpu.memory_space<vmem>> -> memref<1x128xi32, #tpu.memory_space<vmem>>
        %dma_wait3A_289 = tpu.memref_squeeze %dma_wait3A_288 : memref<1x128xi32, #tpu.memory_space<vmem>> -> memref<128xi32, #tpu.memory_space<vmem>>
        %dma_wait3A_290 = arith.constant 0 : i32
        %dma_wait3A_291 = arith.constant 0 : i32
        %dma_wait3A_292 = tpu.memref_slice %arg24[%dma_wait3A_290, %dma_wait3A_291] : memref<50176x32xf32, #tpu.memory_space<vmem_shared>> -> memref<50176x32xf32, #tpu.memory_space<vmem_shared>>
        tpu.wait_indirect_dma semaphore(%arg26 : memref<!tpu.dma_semaphore, #tpu.memory_space<semaphore_mem>>) src(%dma_wait3A_286 : memref<128x32xf32, #tpu.memory_space<vmem>>) dst(%dma_wait3A_292 : memref<50176x32xf32, #tpu.memory_space<vmem_shared>>)
        %dma_wait3A_293 = arith.constant 4 : i32
        %dma_wait3A_294 = arith.constant 512 : i32
        %dma_wait3A_295 = arith.constant 0 : i32
        %dma_wait3A_296 = tpu.memref_slice %arg23[%dma_wait3A_294, %dma_wait3A_295] : memref<640x32xf32, #tpu.memory_space<vmem>> -> memref<128x32xf32, #tpu.memory_space<vmem>>
        %dma_wait3A_297 = arith.constant 0 : i32
        %dma_wait3A_298 = tpu.memref_slice %arg22[%dma_wait3A_293, %dma_wait3A_297] : memref<5x128xi32, #tpu.memory_space<vmem>> -> memref<1x128xi32, #tpu.memory_space<vmem>>
        %dma_wait3A_299 = tpu.memref_squeeze %dma_wait3A_298 : memref<1x128xi32, #tpu.memory_space<vmem>> -> memref<128xi32, #tpu.memory_space<vmem>>
        %dma_wait3A_300 = arith.constant 0 : i32
        %dma_wait3A_301 = arith.constant 0 : i32
        %dma_wait3A_302 = tpu.memref_slice %arg24[%dma_wait3A_300, %dma_wait3A_301] : memref<50176x32xf32, #tpu.memory_space<vmem_shared>> -> memref<50176x32xf32, #tpu.memory_space<vmem_shared>>
        tpu.wait_indirect_dma semaphore(%arg26 : memref<!tpu.dma_semaphore, #tpu.memory_space<semaphore_mem>>) src(%dma_wait3A_296 : memref<128x32xf32, #tpu.memory_space<vmem>>) dst(%dma_wait3A_302 : memref<50176x32xf32, #tpu.memory_space<vmem_shared>>)
      }
      %scan3A_99 = arith.constant 16 : i32
    } else {
    }
    %barrier3A_8 = arith.constant 0 : index
    tpu.barrier barrier_id(%barrier3A_8)
    %eq3A_9 = arith.constant 0 : i32
    %eq3A_10 = arith.cmpi eq, %arg0, %eq3A_9 : i32
    %convert_element_type3A_11 = arith.extui %eq3A_10 : i1 to i32
    %cond3A_12 = arith.constant 0 : i32
    %cond3A_13 = arith.cmpi ne, %convert_element_type3A_11, %cond3A_12 : i32
    scf.if %cond3A_13 {
      "tpu.region"() ({
        %run_scoped3A = tpu.sem_alloc : memref<!tpu.dma_semaphore, #tpu.memory_space<semaphore_mem>>
        %dma_start3A = arith.constant 0 : i32
        %dma_start3A_95 = tpu.memref_slice %arg19[%mul3A_0, %dma_start3A] : memref<10240x128xf32, #tpu.memory_space<hbm>> -> memref<640x32xf32, #tpu.memory_space<hbm>>
        %dma_start3A_96 = arith.constant 0 : i32
        %dma_start3A_97 = tpu.memref_slice %arg24[%mul3A_0, %dma_start3A_96] : memref<50176x32xf32, #tpu.memory_space<vmem_shared>> -> memref<640x32xf32, #tpu.memory_space<vmem_shared>>
        tpu.enqueue_dma source(%dma_start3A_97 : memref<640x32xf32, #tpu.memory_space<vmem_shared>>) target(%dma_start3A_95 : memref<640x32xf32, #tpu.memory_space<hbm>>) target_semaphore(%run_scoped3A : memref<!tpu.dma_semaphore, #tpu.memory_space<semaphore_mem>>)
        %dma_wait3A = arith.constant 0 : i32
        %dma_wait3A_98 = tpu.memref_slice %arg19[%mul3A_0, %dma_wait3A] : memref<10240x128xf32, #tpu.memory_space<hbm>> -> memref<640x32xf32, #tpu.memory_space<hbm>>
        %dma_wait3A_99 = arith.constant 0 : i32
        %dma_wait3A_100 = tpu.memref_slice %arg24[%mul3A_0, %dma_wait3A_99] : memref<50176x32xf32, #tpu.memory_space<vmem_shared>> -> memref<640x32xf32, #tpu.memory_space<vmem_shared>>
        tpu.wait_dma2 semaphore(%run_scoped3A : memref<!tpu.dma_semaphore, #tpu.memory_space<semaphore_mem>>) src(%dma_wait3A_100 : memref<640x32xf32, #tpu.memory_space<vmem_shared>>) dst(%dma_wait3A_98 : memref<640x32xf32, #tpu.memory_space<hbm>>)
        tpu.yield
      }) : () -> ()
    } else {
    }
    %eq3A_14 = arith.constant 1 : i32
    %eq3A_15 = arith.cmpi eq, %arg0, %eq3A_14 : i32
    %convert_element_type3A_16 = arith.extui %eq3A_15 : i1 to i32
    %cond3A_17 = arith.constant 0 : i32
    %cond3A_18 = arith.cmpi ne, %convert_element_type3A_16, %cond3A_17 : i32
    scf.if %cond3A_18 {
      "tpu.region"() ({
        %run_scoped3A = tpu.sem_alloc : memref<!tpu.dma_semaphore, #tpu.memory_space<semaphore_mem>>
        %dma_start3A = arith.constant 32 : i32
        %dma_start3A_95 = tpu.memref_slice %arg19[%mul3A_0, %dma_start3A] : memref<10240x128xf32, #tpu.memory_space<hbm>> -> memref<640x32xf32, #tpu.memory_space<hbm>>
        %dma_start3A_96 = arith.constant 0 : i32
        %dma_start3A_97 = tpu.memref_slice %arg24[%mul3A_0, %dma_start3A_96] : memref<50176x32xf32, #tpu.memory_space<vmem_shared>> -> memref<640x32xf32, #tpu.memory_space<vmem_shared>>
        tpu.enqueue_dma source(%dma_start3A_97 : memref<640x32xf32, #tpu.memory_space<vmem_shared>>) target(%dma_start3A_95 : memref<640x32xf32, #tpu.memory_space<hbm>>) target_semaphore(%run_scoped3A : memref<!tpu.dma_semaphore, #tpu.memory_space<semaphore_mem>>)
        %dma_wait3A = arith.constant 32 : i32
        %dma_wait3A_98 = tpu.memref_slice %arg19[%mul3A_0, %dma_wait3A] : memref<10240x128xf32, #tpu.memory_space<hbm>> -> memref<640x32xf32, #tpu.memory_space<hbm>>
        %dma_wait3A_99 = arith.constant 0 : i32
        %dma_wait3A_100 = tpu.memref_slice %arg24[%mul3A_0, %dma_wait3A_99] : memref<50176x32xf32, #tpu.memory_space<vmem_shared>> -> memref<640x32xf32, #tpu.memory_space<vmem_shared>>
        tpu.wait_dma2 semaphore(%run_scoped3A : memref<!tpu.dma_semaphore, #tpu.memory_space<semaphore_mem>>) src(%dma_wait3A_100 : memref<640x32xf32, #tpu.memory_space<vmem_shared>>) dst(%dma_wait3A_98 : memref<640x32xf32, #tpu.memory_space<hbm>>)
        tpu.yield
      }) : () -> ()
    } else {
    }
    %barrier3A_19 = arith.constant 0 : index
    tpu.barrier barrier_id(%barrier3A_19)
    %mul3A_20 = arith.constant 640 : i32
    %mul3A_21 = arith.muli %arg1, %mul3A_20 : i32
    "tpu.region"() ({
      %run_scoped3A = tpu.sem_alloc : memref<!tpu.dma_semaphore, #tpu.memory_space<semaphore_mem>>
      %dma_start3A = arith.constant 0 : i32
      %dma_start3A_95 = tpu.memref_slice %arg24[%mul3A_21, %dma_start3A] : memref<50176x32xf32, #tpu.memory_space<vmem_shared>> -> memref<640x32xf32, #tpu.memory_space<vmem_shared>>
      %dma_start3A_96 = arith.constant 0 : i32
      %dma_start3A_97 = tpu.memref_slice %arg2[%mul3A_21, %dma_start3A_96] : memref<50176x32xf32, #tpu.memory_space<hbm>> -> memref<640x32xf32, #tpu.memory_space<hbm>>
      tpu.enqueue_dma source(%dma_start3A_97 : memref<640x32xf32, #tpu.memory_space<hbm>>) target(%dma_start3A_95 : memref<640x32xf32, #tpu.memory_space<vmem_shared>>) target_semaphore(%run_scoped3A : memref<!tpu.dma_semaphore, #tpu.memory_space<semaphore_mem>>)
      %dma_wait3A = arith.constant 0 : i32
      %dma_wait3A_98 = tpu.memref_slice %arg24[%mul3A_21, %dma_wait3A] : memref<50176x32xf32, #tpu.memory_space<vmem_shared>> -> memref<640x32xf32, #tpu.memory_space<vmem_shared>>
      %dma_wait3A_99 = arith.constant 0 : i32
      %dma_wait3A_100 = tpu.memref_slice %arg2[%mul3A_21, %dma_wait3A_99] : memref<50176x32xf32, #tpu.memory_space<hbm>> -> memref<640x32xf32, #tpu.memory_space<hbm>>
      tpu.wait_dma2 semaphore(%run_scoped3A : memref<!tpu.dma_semaphore, #tpu.memory_space<semaphore_mem>>) src(%dma_wait3A_100 : memref<640x32xf32, #tpu.memory_space<hbm>>) dst(%dma_wait3A_98 : memref<640x32xf32, #tpu.memory_space<vmem_shared>>)
      tpu.yield
    }) : () -> ()
    %barrier3A_22 = arith.constant 0 : index
    tpu.barrier barrier_id(%barrier3A_22)
    %eq3A_23 = arith.constant 0 : i32
    %eq3A_24 = arith.cmpi eq, %arg0, %eq3A_23 : i32
    %convert_element_type3A_25 = arith.extui %eq3A_24 : i1 to i32
    %cond3A_26 = arith.constant 0 : i32
    %cond3A_27 = arith.cmpi ne, %convert_element_type3A_25, %cond3A_26 : i32
    scf.if %cond3A_27 {
      %scan3A = arith.constant 0 : i32
      %scan3A_95 = arith.constant 0 : i32
      %scan3A_96 = arith.constant 16 : i32
      %scan3A_97 = arith.addi %scan3A_95, %scan3A_96 : i32
      %scan3A_98 = arith.constant 1 : i32
      scf.for %scan3A_100 = %scan3A_95 to %scan3A_97 step %scan3A_98  : i32 {
        %mul3A_101 = arith.constant 80 : i32
        %mul3A_102 = arith.muli %arg1, %mul3A_101 : i32
        %mul3A_103 = arith.constant 5 : i32
        %mul3A_104 = arith.muli %scan3A_100, %mul3A_103 : i32
        %add3A = arith.addi %mul3A_102, %mul3A_104 : i32
        "tpu.region"() ({
          %run_scoped3A = tpu.sem_alloc : memref<!tpu.dma_semaphore, #tpu.memory_space<semaphore_mem>>
          %dma_start3A_303 = arith.constant 0 : i32
          %dma_start3A_304 = tpu.memref_slice %arg13[%add3A, %dma_start3A_303] : memref<1280x128xi32, #tpu.memory_space<hbm>> -> memref<5x128xi32, #tpu.memory_space<hbm>>
          %dma_start3A_305 = arith.constant 0 : i32
          %dma_start3A_306 = tpu.memref_slice %arg13[%add3A, %dma_start3A_305] : memref<1280x128xi32, #tpu.memory_space<hbm>> -> memref<5x128xi32, #tpu.memory_space<hbm>>
          tpu.enqueue_dma source(%dma_start3A_306 : memref<5x128xi32, #tpu.memory_space<hbm>>) target(%arg21 : memref<5x128xi32, #tpu.memory_space<vmem>>) target_semaphore(%run_scoped3A : memref<!tpu.dma_semaphore, #tpu.memory_space<semaphore_mem>>)
          %dma_wait3A_307 = arith.constant 0 : i32
          %dma_wait3A_308 = tpu.memref_slice %arg13[%add3A, %dma_wait3A_307] : memref<1280x128xi32, #tpu.memory_space<hbm>> -> memref<5x128xi32, #tpu.memory_space<hbm>>
          %dma_wait3A_309 = arith.constant 0 : i32
          %dma_wait3A_310 = tpu.memref_slice %arg13[%add3A, %dma_wait3A_309] : memref<1280x128xi32, #tpu.memory_space<hbm>> -> memref<5x128xi32, #tpu.memory_space<hbm>>
          tpu.wait_dma2 semaphore(%run_scoped3A : memref<!tpu.dma_semaphore, #tpu.memory_space<semaphore_mem>>) src(%dma_wait3A_310 : memref<5x128xi32, #tpu.memory_space<hbm>>) dst(%arg21 : memref<5x128xi32, #tpu.memory_space<vmem>>)
          tpu.yield
        }) : () -> ()
        "tpu.region"() ({
          %run_scoped3A = tpu.sem_alloc : memref<!tpu.dma_semaphore, #tpu.memory_space<semaphore_mem>>
          %dma_start3A_303 = arith.constant 0 : i32
          %dma_start3A_304 = tpu.memref_slice %arg14[%add3A, %dma_start3A_303] : memref<1280x128xi32, #tpu.memory_space<hbm>> -> memref<5x128xi32, #tpu.memory_space<hbm>>
          %dma_start3A_305 = arith.constant 0 : i32
          %dma_start3A_306 = tpu.memref_slice %arg14[%add3A, %dma_start3A_305] : memref<1280x128xi32, #tpu.memory_space<hbm>> -> memref<5x128xi32, #tpu.memory_space<hbm>>
          tpu.enqueue_dma source(%dma_start3A_306 : memref<5x128xi32, #tpu.memory_space<hbm>>) target(%arg22 : memref<5x128xi32, #tpu.memory_space<vmem>>) target_semaphore(%run_scoped3A : memref<!tpu.dma_semaphore, #tpu.memory_space<semaphore_mem>>)
          %dma_wait3A_307 = arith.constant 0 : i32
          %dma_wait3A_308 = tpu.memref_slice %arg14[%add3A, %dma_wait3A_307] : memref<1280x128xi32, #tpu.memory_space<hbm>> -> memref<5x128xi32, #tpu.memory_space<hbm>>
          %dma_wait3A_309 = arith.constant 0 : i32
          %dma_wait3A_310 = tpu.memref_slice %arg14[%add3A, %dma_wait3A_309] : memref<1280x128xi32, #tpu.memory_space<hbm>> -> memref<5x128xi32, #tpu.memory_space<hbm>>
          tpu.wait_dma2 semaphore(%run_scoped3A : memref<!tpu.dma_semaphore, #tpu.memory_space<semaphore_mem>>) src(%dma_wait3A_310 : memref<5x128xi32, #tpu.memory_space<hbm>>) dst(%arg22 : memref<5x128xi32, #tpu.memory_space<vmem>>)
          tpu.yield
        }) : () -> ()
        %dma_start3A = arith.constant 0 : i32
        %dma_start3A_105 = arith.constant 0 : i32
        %dma_start3A_106 = arith.constant 0 : i32
        %dma_start3A_107 = tpu.memref_slice %arg23[%dma_start3A_105, %dma_start3A_106] : memref<640x32xf32, #tpu.memory_space<vmem>> -> memref<128x32xf32, #tpu.memory_space<vmem>>
        %dma_start3A_108 = arith.constant 0 : i32
        %dma_start3A_109 = tpu.memref_slice %arg21[%dma_start3A, %dma_start3A_108] : memref<5x128xi32, #tpu.memory_space<vmem>> -> memref<1x128xi32, #tpu.memory_space<vmem>>
        %dma_start3A_110 = tpu.memref_squeeze %dma_start3A_109 : memref<1x128xi32, #tpu.memory_space<vmem>> -> memref<128xi32, #tpu.memory_space<vmem>>
        %dma_start3A_111 = arith.constant 0 : i32
        %dma_start3A_112 = arith.constant 0 : i32
        %dma_start3A_113 = tpu.memref_slice %arg5[%dma_start3A_111, %dma_start3A_112] : memref<50000x32xf32, #tpu.memory_space<hbm>> -> memref<50000x32xf32, #tpu.memory_space<hbm>>
        tpu.enqueue_indirect_dma source(%dma_start3A_113 : memref<50000x32xf32, #tpu.memory_space<hbm>>) target(%dma_start3A_107 : memref<128x32xf32, #tpu.memory_space<vmem>>) offsets(%dma_start3A_110 : memref<128xi32, #tpu.memory_space<vmem>>) semaphore(%arg25 : memref<!tpu.dma_semaphore, #tpu.memory_space<semaphore_mem>>)
        %dma_start3A_114 = arith.constant 1 : i32
        %dma_start3A_115 = arith.constant 128 : i32
        %dma_start3A_116 = arith.constant 0 : i32
        %dma_start3A_117 = tpu.memref_slice %arg23[%dma_start3A_115, %dma_start3A_116] : memref<640x32xf32, #tpu.memory_space<vmem>> -> memref<128x32xf32, #tpu.memory_space<vmem>>
        %dma_start3A_118 = arith.constant 0 : i32
        %dma_start3A_119 = tpu.memref_slice %arg21[%dma_start3A_114, %dma_start3A_118] : memref<5x128xi32, #tpu.memory_space<vmem>> -> memref<1x128xi32, #tpu.memory_space<vmem>>
        %dma_start3A_120 = tpu.memref_squeeze %dma_start3A_119 : memref<1x128xi32, #tpu.memory_space<vmem>> -> memref<128xi32, #tpu.memory_space<vmem>>
        %dma_start3A_121 = arith.constant 0 : i32
        %dma_start3A_122 = arith.constant 0 : i32
        %dma_start3A_123 = tpu.memref_slice %arg5[%dma_start3A_121, %dma_start3A_122] : memref<50000x32xf32, #tpu.memory_space<hbm>> -> memref<50000x32xf32, #tpu.memory_space<hbm>>
        tpu.enqueue_indirect_dma source(%dma_start3A_123 : memref<50000x32xf32, #tpu.memory_space<hbm>>) target(%dma_start3A_117 : memref<128x32xf32, #tpu.memory_space<vmem>>) offsets(%dma_start3A_120 : memref<128xi32, #tpu.memory_space<vmem>>) semaphore(%arg25 : memref<!tpu.dma_semaphore, #tpu.memory_space<semaphore_mem>>)
        %dma_start3A_124 = arith.constant 2 : i32
        %dma_start3A_125 = arith.constant 256 : i32
        %dma_start3A_126 = arith.constant 0 : i32
        %dma_start3A_127 = tpu.memref_slice %arg23[%dma_start3A_125, %dma_start3A_126] : memref<640x32xf32, #tpu.memory_space<vmem>> -> memref<128x32xf32, #tpu.memory_space<vmem>>
        %dma_start3A_128 = arith.constant 0 : i32
        %dma_start3A_129 = tpu.memref_slice %arg21[%dma_start3A_124, %dma_start3A_128] : memref<5x128xi32, #tpu.memory_space<vmem>> -> memref<1x128xi32, #tpu.memory_space<vmem>>
        %dma_start3A_130 = tpu.memref_squeeze %dma_start3A_129 : memref<1x128xi32, #tpu.memory_space<vmem>> -> memref<128xi32, #tpu.memory_space<vmem>>
        %dma_start3A_131 = arith.constant 0 : i32
        %dma_start3A_132 = arith.constant 0 : i32
        %dma_start3A_133 = tpu.memref_slice %arg5[%dma_start3A_131, %dma_start3A_132] : memref<50000x32xf32, #tpu.memory_space<hbm>> -> memref<50000x32xf32, #tpu.memory_space<hbm>>
        tpu.enqueue_indirect_dma source(%dma_start3A_133 : memref<50000x32xf32, #tpu.memory_space<hbm>>) target(%dma_start3A_127 : memref<128x32xf32, #tpu.memory_space<vmem>>) offsets(%dma_start3A_130 : memref<128xi32, #tpu.memory_space<vmem>>) semaphore(%arg25 : memref<!tpu.dma_semaphore, #tpu.memory_space<semaphore_mem>>)
        %dma_start3A_134 = arith.constant 3 : i32
        %dma_start3A_135 = arith.constant 384 : i32
        %dma_start3A_136 = arith.constant 0 : i32
        %dma_start3A_137 = tpu.memref_slice %arg23[%dma_start3A_135, %dma_start3A_136] : memref<640x32xf32, #tpu.memory_space<vmem>> -> memref<128x32xf32, #tpu.memory_space<vmem>>
        %dma_start3A_138 = arith.constant 0 : i32
        %dma_start3A_139 = tpu.memref_slice %arg21[%dma_start3A_134, %dma_start3A_138] : memref<5x128xi32, #tpu.memory_space<vmem>> -> memref<1x128xi32, #tpu.memory_space<vmem>>
        %dma_start3A_140 = tpu.memref_squeeze %dma_start3A_139 : memref<1x128xi32, #tpu.memory_space<vmem>> -> memref<128xi32, #tpu.memory_space<vmem>>
        %dma_start3A_141 = arith.constant 0 : i32
        %dma_start3A_142 = arith.constant 0 : i32
        %dma_start3A_143 = tpu.memref_slice %arg5[%dma_start3A_141, %dma_start3A_142] : memref<50000x32xf32, #tpu.memory_space<hbm>> -> memref<50000x32xf32, #tpu.memory_space<hbm>>
        tpu.enqueue_indirect_dma source(%dma_start3A_143 : memref<50000x32xf32, #tpu.memory_space<hbm>>) target(%dma_start3A_137 : memref<128x32xf32, #tpu.memory_space<vmem>>) offsets(%dma_start3A_140 : memref<128xi32, #tpu.memory_space<vmem>>) semaphore(%arg25 : memref<!tpu.dma_semaphore, #tpu.memory_space<semaphore_mem>>)
        %dma_start3A_144 = arith.constant 4 : i32
        %dma_start3A_145 = arith.constant 512 : i32
        %dma_start3A_146 = arith.constant 0 : i32
        %dma_start3A_147 = tpu.memref_slice %arg23[%dma_start3A_145, %dma_start3A_146] : memref<640x32xf32, #tpu.memory_space<vmem>> -> memref<128x32xf32, #tpu.memory_space<vmem>>
        %dma_start3A_148 = arith.constant 0 : i32
        %dma_start3A_149 = tpu.memref_slice %arg21[%dma_start3A_144, %dma_start3A_148] : memref<5x128xi32, #tpu.memory_space<vmem>> -> memref<1x128xi32, #tpu.memory_space<vmem>>
        %dma_start3A_150 = tpu.memref_squeeze %dma_start3A_149 : memref<1x128xi32, #tpu.memory_space<vmem>> -> memref<128xi32, #tpu.memory_space<vmem>>
        %dma_start3A_151 = arith.constant 0 : i32
        %dma_start3A_152 = arith.constant 0 : i32
        %dma_start3A_153 = tpu.memref_slice %arg5[%dma_start3A_151, %dma_start3A_152] : memref<50000x32xf32, #tpu.memory_space<hbm>> -> memref<50000x32xf32, #tpu.memory_space<hbm>>
        tpu.enqueue_indirect_dma source(%dma_start3A_153 : memref<50000x32xf32, #tpu.memory_space<hbm>>) target(%dma_start3A_147 : memref<128x32xf32, #tpu.memory_space<vmem>>) offsets(%dma_start3A_150 : memref<128xi32, #tpu.memory_space<vmem>>) semaphore(%arg25 : memref<!tpu.dma_semaphore, #tpu.memory_space<semaphore_mem>>)
        %dma_wait3A = arith.constant 0 : i32
        %dma_wait3A_154 = arith.constant 0 : i32
        %dma_wait3A_155 = arith.constant 0 : i32
        %dma_wait3A_156 = tpu.memref_slice %arg23[%dma_wait3A_154, %dma_wait3A_155] : memref<640x32xf32, #tpu.memory_space<vmem>> -> memref<128x32xf32, #tpu.memory_space<vmem>>
        %dma_wait3A_157 = arith.constant 0 : i32
        %dma_wait3A_158 = tpu.memref_slice %arg21[%dma_wait3A, %dma_wait3A_157] : memref<5x128xi32, #tpu.memory_space<vmem>> -> memref<1x128xi32, #tpu.memory_space<vmem>>
        %dma_wait3A_159 = tpu.memref_squeeze %dma_wait3A_158 : memref<1x128xi32, #tpu.memory_space<vmem>> -> memref<128xi32, #tpu.memory_space<vmem>>
        %dma_wait3A_160 = arith.constant 0 : i32
        %dma_wait3A_161 = arith.constant 0 : i32
        %dma_wait3A_162 = tpu.memref_slice %arg5[%dma_wait3A_160, %dma_wait3A_161] : memref<50000x32xf32, #tpu.memory_space<hbm>> -> memref<50000x32xf32, #tpu.memory_space<hbm>>
        tpu.wait_indirect_dma semaphore(%arg25 : memref<!tpu.dma_semaphore, #tpu.memory_space<semaphore_mem>>) src(%dma_wait3A_162 : memref<50000x32xf32, #tpu.memory_space<hbm>>) dst(%dma_wait3A_156 : memref<128x32xf32, #tpu.memory_space<vmem>>)
        %dma_wait3A_163 = arith.constant 1 : i32
        %dma_wait3A_164 = arith.constant 128 : i32
        %dma_wait3A_165 = arith.constant 0 : i32
        %dma_wait3A_166 = tpu.memref_slice %arg23[%dma_wait3A_164, %dma_wait3A_165] : memref<640x32xf32, #tpu.memory_space<vmem>> -> memref<128x32xf32, #tpu.memory_space<vmem>>
        %dma_wait3A_167 = arith.constant 0 : i32
        %dma_wait3A_168 = tpu.memref_slice %arg21[%dma_wait3A_163, %dma_wait3A_167] : memref<5x128xi32, #tpu.memory_space<vmem>> -> memref<1x128xi32, #tpu.memory_space<vmem>>
        %dma_wait3A_169 = tpu.memref_squeeze %dma_wait3A_168 : memref<1x128xi32, #tpu.memory_space<vmem>> -> memref<128xi32, #tpu.memory_space<vmem>>
        %dma_wait3A_170 = arith.constant 0 : i32
        %dma_wait3A_171 = arith.constant 0 : i32
        %dma_wait3A_172 = tpu.memref_slice %arg5[%dma_wait3A_170, %dma_wait3A_171] : memref<50000x32xf32, #tpu.memory_space<hbm>> -> memref<50000x32xf32, #tpu.memory_space<hbm>>
        tpu.wait_indirect_dma semaphore(%arg25 : memref<!tpu.dma_semaphore, #tpu.memory_space<semaphore_mem>>) src(%dma_wait3A_172 : memref<50000x32xf32, #tpu.memory_space<hbm>>) dst(%dma_wait3A_166 : memref<128x32xf32, #tpu.memory_space<vmem>>)
        %dma_wait3A_173 = arith.constant 2 : i32
        %dma_wait3A_174 = arith.constant 256 : i32
        %dma_wait3A_175 = arith.constant 0 : i32
        %dma_wait3A_176 = tpu.memref_slice %arg23[%dma_wait3A_174, %dma_wait3A_175] : memref<640x32xf32, #tpu.memory_space<vmem>> -> memref<128x32xf32, #tpu.memory_space<vmem>>
        %dma_wait3A_177 = arith.constant 0 : i32
        %dma_wait3A_178 = tpu.memref_slice %arg21[%dma_wait3A_173, %dma_wait3A_177] : memref<5x128xi32, #tpu.memory_space<vmem>> -> memref<1x128xi32, #tpu.memory_space<vmem>>
        %dma_wait3A_179 = tpu.memref_squeeze %dma_wait3A_178 : memref<1x128xi32, #tpu.memory_space<vmem>> -> memref<128xi32, #tpu.memory_space<vmem>>
        %dma_wait3A_180 = arith.constant 0 : i32
        %dma_wait3A_181 = arith.constant 0 : i32
        %dma_wait3A_182 = tpu.memref_slice %arg5[%dma_wait3A_180, %dma_wait3A_181] : memref<50000x32xf32, #tpu.memory_space<hbm>> -> memref<50000x32xf32, #tpu.memory_space<hbm>>
        tpu.wait_indirect_dma semaphore(%arg25 : memref<!tpu.dma_semaphore, #tpu.memory_space<semaphore_mem>>) src(%dma_wait3A_182 : memref<50000x32xf32, #tpu.memory_space<hbm>>) dst(%dma_wait3A_176 : memref<128x32xf32, #tpu.memory_space<vmem>>)
        %dma_wait3A_183 = arith.constant 3 : i32
        %dma_wait3A_184 = arith.constant 384 : i32
        %dma_wait3A_185 = arith.constant 0 : i32
        %dma_wait3A_186 = tpu.memref_slice %arg23[%dma_wait3A_184, %dma_wait3A_185] : memref<640x32xf32, #tpu.memory_space<vmem>> -> memref<128x32xf32, #tpu.memory_space<vmem>>
        %dma_wait3A_187 = arith.constant 0 : i32
        %dma_wait3A_188 = tpu.memref_slice %arg21[%dma_wait3A_183, %dma_wait3A_187] : memref<5x128xi32, #tpu.memory_space<vmem>> -> memref<1x128xi32, #tpu.memory_space<vmem>>
        %dma_wait3A_189 = tpu.memref_squeeze %dma_wait3A_188 : memref<1x128xi32, #tpu.memory_space<vmem>> -> memref<128xi32, #tpu.memory_space<vmem>>
        %dma_wait3A_190 = arith.constant 0 : i32
        %dma_wait3A_191 = arith.constant 0 : i32
        %dma_wait3A_192 = tpu.memref_slice %arg5[%dma_wait3A_190, %dma_wait3A_191] : memref<50000x32xf32, #tpu.memory_space<hbm>> -> memref<50000x32xf32, #tpu.memory_space<hbm>>
        tpu.wait_indirect_dma semaphore(%arg25 : memref<!tpu.dma_semaphore, #tpu.memory_space<semaphore_mem>>) src(%dma_wait3A_192 : memref<50000x32xf32, #tpu.memory_space<hbm>>) dst(%dma_wait3A_186 : memref<128x32xf32, #tpu.memory_space<vmem>>)
        %dma_wait3A_193 = arith.constant 4 : i32
        %dma_wait3A_194 = arith.constant 512 : i32
        %dma_wait3A_195 = arith.constant 0 : i32
        %dma_wait3A_196 = tpu.memref_slice %arg23[%dma_wait3A_194, %dma_wait3A_195] : memref<640x32xf32, #tpu.memory_space<vmem>> -> memref<128x32xf32, #tpu.memory_space<vmem>>
        %dma_wait3A_197 = arith.constant 0 : i32
        %dma_wait3A_198 = tpu.memref_slice %arg21[%dma_wait3A_193, %dma_wait3A_197] : memref<5x128xi32, #tpu.memory_space<vmem>> -> memref<1x128xi32, #tpu.memory_space<vmem>>
        %dma_wait3A_199 = tpu.memref_squeeze %dma_wait3A_198 : memref<1x128xi32, #tpu.memory_space<vmem>> -> memref<128xi32, #tpu.memory_space<vmem>>
        %dma_wait3A_200 = arith.constant 0 : i32
        %dma_wait3A_201 = arith.constant 0 : i32
        %dma_wait3A_202 = tpu.memref_slice %arg5[%dma_wait3A_200, %dma_wait3A_201] : memref<50000x32xf32, #tpu.memory_space<hbm>> -> memref<50000x32xf32, #tpu.memory_space<hbm>>
        tpu.wait_indirect_dma semaphore(%arg25 : memref<!tpu.dma_semaphore, #tpu.memory_space<semaphore_mem>>) src(%dma_wait3A_202 : memref<50000x32xf32, #tpu.memory_space<hbm>>) dst(%dma_wait3A_196 : memref<128x32xf32, #tpu.memory_space<vmem>>)
        %dma_start3A_203 = arith.constant 0 : i32
        %dma_start3A_204 = arith.constant 0 : i32
        %dma_start3A_205 = arith.constant 0 : i32
        %dma_start3A_206 = tpu.memref_slice %arg23[%dma_start3A_204, %dma_start3A_205] : memref<640x32xf32, #tpu.memory_space<vmem>> -> memref<128x32xf32, #tpu.memory_space<vmem>>
        %dma_start3A_207 = arith.constant 0 : i32
        %dma_start3A_208 = tpu.memref_slice %arg22[%dma_start3A_203, %dma_start3A_207] : memref<5x128xi32, #tpu.memory_space<vmem>> -> memref<1x128xi32, #tpu.memory_space<vmem>>
        %dma_start3A_209 = tpu.memref_squeeze %dma_start3A_208 : memref<1x128xi32, #tpu.memory_space<vmem>> -> memref<128xi32, #tpu.memory_space<vmem>>
        %dma_start3A_210 = arith.constant 0 : i32
        %dma_start3A_211 = arith.constant 0 : i32
        %dma_start3A_212 = tpu.memref_slice %arg24[%dma_start3A_210, %dma_start3A_211] : memref<50176x32xf32, #tpu.memory_space<vmem_shared>> -> memref<50176x32xf32, #tpu.memory_space<vmem_shared>>
        tpu.enqueue_indirect_dma source(%dma_start3A_206 : memref<128x32xf32, #tpu.memory_space<vmem>>) target(%dma_start3A_212 : memref<50176x32xf32, #tpu.memory_space<vmem_shared>>) offsets(%dma_start3A_209 : memref<128xi32, #tpu.memory_space<vmem>>) semaphore(%arg26 : memref<!tpu.dma_semaphore, #tpu.memory_space<semaphore_mem>>) {add = true}
        %dma_start3A_213 = arith.constant 1 : i32
        %dma_start3A_214 = arith.constant 128 : i32
        %dma_start3A_215 = arith.constant 0 : i32
        %dma_start3A_216 = tpu.memref_slice %arg23[%dma_start3A_214, %dma_start3A_215] : memref<640x32xf32, #tpu.memory_space<vmem>> -> memref<128x32xf32, #tpu.memory_space<vmem>>
        %dma_start3A_217 = arith.constant 0 : i32
        %dma_start3A_218 = tpu.memref_slice %arg22[%dma_start3A_213, %dma_start3A_217] : memref<5x128xi32, #tpu.memory_space<vmem>> -> memref<1x128xi32, #tpu.memory_space<vmem>>
        %dma_start3A_219 = tpu.memref_squeeze %dma_start3A_218 : memref<1x128xi32, #tpu.memory_space<vmem>> -> memref<128xi32, #tpu.memory_space<vmem>>
        %dma_start3A_220 = arith.constant 0 : i32
        %dma_start3A_221 = arith.constant 0 : i32
        %dma_start3A_222 = tpu.memref_slice %arg24[%dma_start3A_220, %dma_start3A_221] : memref<50176x32xf32, #tpu.memory_space<vmem_shared>> -> memref<50176x32xf32, #tpu.memory_space<vmem_shared>>
        tpu.enqueue_indirect_dma source(%dma_start3A_216 : memref<128x32xf32, #tpu.memory_space<vmem>>) target(%dma_start3A_222 : memref<50176x32xf32, #tpu.memory_space<vmem_shared>>) offsets(%dma_start3A_219 : memref<128xi32, #tpu.memory_space<vmem>>) semaphore(%arg26 : memref<!tpu.dma_semaphore, #tpu.memory_space<semaphore_mem>>) {add = true}
        %dma_start3A_223 = arith.constant 2 : i32
        %dma_start3A_224 = arith.constant 256 : i32
        %dma_start3A_225 = arith.constant 0 : i32
        %dma_start3A_226 = tpu.memref_slice %arg23[%dma_start3A_224, %dma_start3A_225] : memref<640x32xf32, #tpu.memory_space<vmem>> -> memref<128x32xf32, #tpu.memory_space<vmem>>
        %dma_start3A_227 = arith.constant 0 : i32
        %dma_start3A_228 = tpu.memref_slice %arg22[%dma_start3A_223, %dma_start3A_227] : memref<5x128xi32, #tpu.memory_space<vmem>> -> memref<1x128xi32, #tpu.memory_space<vmem>>
        %dma_start3A_229 = tpu.memref_squeeze %dma_start3A_228 : memref<1x128xi32, #tpu.memory_space<vmem>> -> memref<128xi32, #tpu.memory_space<vmem>>
        %dma_start3A_230 = arith.constant 0 : i32
        %dma_start3A_231 = arith.constant 0 : i32
        %dma_start3A_232 = tpu.memref_slice %arg24[%dma_start3A_230, %dma_start3A_231] : memref<50176x32xf32, #tpu.memory_space<vmem_shared>> -> memref<50176x32xf32, #tpu.memory_space<vmem_shared>>
        tpu.enqueue_indirect_dma source(%dma_start3A_226 : memref<128x32xf32, #tpu.memory_space<vmem>>) target(%dma_start3A_232 : memref<50176x32xf32, #tpu.memory_space<vmem_shared>>) offsets(%dma_start3A_229 : memref<128xi32, #tpu.memory_space<vmem>>) semaphore(%arg26 : memref<!tpu.dma_semaphore, #tpu.memory_space<semaphore_mem>>) {add = true}
        %dma_start3A_233 = arith.constant 3 : i32
        %dma_start3A_234 = arith.constant 384 : i32
        %dma_start3A_235 = arith.constant 0 : i32
        %dma_start3A_236 = tpu.memref_slice %arg23[%dma_start3A_234, %dma_start3A_235] : memref<640x32xf32, #tpu.memory_space<vmem>> -> memref<128x32xf32, #tpu.memory_space<vmem>>
        %dma_start3A_237 = arith.constant 0 : i32
        %dma_start3A_238 = tpu.memref_slice %arg22[%dma_start3A_233, %dma_start3A_237] : memref<5x128xi32, #tpu.memory_space<vmem>> -> memref<1x128xi32, #tpu.memory_space<vmem>>
        %dma_start3A_239 = tpu.memref_squeeze %dma_start3A_238 : memref<1x128xi32, #tpu.memory_space<vmem>> -> memref<128xi32, #tpu.memory_space<vmem>>
        %dma_start3A_240 = arith.constant 0 : i32
        %dma_start3A_241 = arith.constant 0 : i32
        %dma_start3A_242 = tpu.memref_slice %arg24[%dma_start3A_240, %dma_start3A_241] : memref<50176x32xf32, #tpu.memory_space<vmem_shared>> -> memref<50176x32xf32, #tpu.memory_space<vmem_shared>>
        tpu.enqueue_indirect_dma source(%dma_start3A_236 : memref<128x32xf32, #tpu.memory_space<vmem>>) target(%dma_start3A_242 : memref<50176x32xf32, #tpu.memory_space<vmem_shared>>) offsets(%dma_start3A_239 : memref<128xi32, #tpu.memory_space<vmem>>) semaphore(%arg26 : memref<!tpu.dma_semaphore, #tpu.memory_space<semaphore_mem>>) {add = true}
        %dma_start3A_243 = arith.constant 4 : i32
        %dma_start3A_244 = arith.constant 512 : i32
        %dma_start3A_245 = arith.constant 0 : i32
        %dma_start3A_246 = tpu.memref_slice %arg23[%dma_start3A_244, %dma_start3A_245] : memref<640x32xf32, #tpu.memory_space<vmem>> -> memref<128x32xf32, #tpu.memory_space<vmem>>
        %dma_start3A_247 = arith.constant 0 : i32
        %dma_start3A_248 = tpu.memref_slice %arg22[%dma_start3A_243, %dma_start3A_247] : memref<5x128xi32, #tpu.memory_space<vmem>> -> memref<1x128xi32, #tpu.memory_space<vmem>>
        %dma_start3A_249 = tpu.memref_squeeze %dma_start3A_248 : memref<1x128xi32, #tpu.memory_space<vmem>> -> memref<128xi32, #tpu.memory_space<vmem>>
        %dma_start3A_250 = arith.constant 0 : i32
        %dma_start3A_251 = arith.constant 0 : i32
        %dma_start3A_252 = tpu.memref_slice %arg24[%dma_start3A_250, %dma_start3A_251] : memref<50176x32xf32, #tpu.memory_space<vmem_shared>> -> memref<50176x32xf32, #tpu.memory_space<vmem_shared>>
        tpu.enqueue_indirect_dma source(%dma_start3A_246 : memref<128x32xf32, #tpu.memory_space<vmem>>) target(%dma_start3A_252 : memref<50176x32xf32, #tpu.memory_space<vmem_shared>>) offsets(%dma_start3A_249 : memref<128xi32, #tpu.memory_space<vmem>>) semaphore(%arg26 : memref<!tpu.dma_semaphore, #tpu.memory_space<semaphore_mem>>) {add = true}
        %dma_wait3A_253 = arith.constant 0 : i32
        %dma_wait3A_254 = arith.constant 0 : i32
        %dma_wait3A_255 = arith.constant 0 : i32
        %dma_wait3A_256 = tpu.memref_slice %arg23[%dma_wait3A_254, %dma_wait3A_255] : memref<640x32xf32, #tpu.memory_space<vmem>> -> memref<128x32xf32, #tpu.memory_space<vmem>>
        %dma_wait3A_257 = arith.constant 0 : i32
        %dma_wait3A_258 = tpu.memref_slice %arg22[%dma_wait3A_253, %dma_wait3A_257] : memref<5x128xi32, #tpu.memory_space<vmem>> -> memref<1x128xi32, #tpu.memory_space<vmem>>
        %dma_wait3A_259 = tpu.memref_squeeze %dma_wait3A_258 : memref<1x128xi32, #tpu.memory_space<vmem>> -> memref<128xi32, #tpu.memory_space<vmem>>
        %dma_wait3A_260 = arith.constant 0 : i32
        %dma_wait3A_261 = arith.constant 0 : i32
        %dma_wait3A_262 = tpu.memref_slice %arg24[%dma_wait3A_260, %dma_wait3A_261] : memref<50176x32xf32, #tpu.memory_space<vmem_shared>> -> memref<50176x32xf32, #tpu.memory_space<vmem_shared>>
        tpu.wait_indirect_dma semaphore(%arg26 : memref<!tpu.dma_semaphore, #tpu.memory_space<semaphore_mem>>) src(%dma_wait3A_256 : memref<128x32xf32, #tpu.memory_space<vmem>>) dst(%dma_wait3A_262 : memref<50176x32xf32, #tpu.memory_space<vmem_shared>>)
        %dma_wait3A_263 = arith.constant 1 : i32
        %dma_wait3A_264 = arith.constant 128 : i32
        %dma_wait3A_265 = arith.constant 0 : i32
        %dma_wait3A_266 = tpu.memref_slice %arg23[%dma_wait3A_264, %dma_wait3A_265] : memref<640x32xf32, #tpu.memory_space<vmem>> -> memref<128x32xf32, #tpu.memory_space<vmem>>
        %dma_wait3A_267 = arith.constant 0 : i32
        %dma_wait3A_268 = tpu.memref_slice %arg22[%dma_wait3A_263, %dma_wait3A_267] : memref<5x128xi32, #tpu.memory_space<vmem>> -> memref<1x128xi32, #tpu.memory_space<vmem>>
        %dma_wait3A_269 = tpu.memref_squeeze %dma_wait3A_268 : memref<1x128xi32, #tpu.memory_space<vmem>> -> memref<128xi32, #tpu.memory_space<vmem>>
        %dma_wait3A_270 = arith.constant 0 : i32
        %dma_wait3A_271 = arith.constant 0 : i32
        %dma_wait3A_272 = tpu.memref_slice %arg24[%dma_wait3A_270, %dma_wait3A_271] : memref<50176x32xf32, #tpu.memory_space<vmem_shared>> -> memref<50176x32xf32, #tpu.memory_space<vmem_shared>>
        tpu.wait_indirect_dma semaphore(%arg26 : memref<!tpu.dma_semaphore, #tpu.memory_space<semaphore_mem>>) src(%dma_wait3A_266 : memref<128x32xf32, #tpu.memory_space<vmem>>) dst(%dma_wait3A_272 : memref<50176x32xf32, #tpu.memory_space<vmem_shared>>)
        %dma_wait3A_273 = arith.constant 2 : i32
        %dma_wait3A_274 = arith.constant 256 : i32
        %dma_wait3A_275 = arith.constant 0 : i32
        %dma_wait3A_276 = tpu.memref_slice %arg23[%dma_wait3A_274, %dma_wait3A_275] : memref<640x32xf32, #tpu.memory_space<vmem>> -> memref<128x32xf32, #tpu.memory_space<vmem>>
        %dma_wait3A_277 = arith.constant 0 : i32
        %dma_wait3A_278 = tpu.memref_slice %arg22[%dma_wait3A_273, %dma_wait3A_277] : memref<5x128xi32, #tpu.memory_space<vmem>> -> memref<1x128xi32, #tpu.memory_space<vmem>>
        %dma_wait3A_279 = tpu.memref_squeeze %dma_wait3A_278 : memref<1x128xi32, #tpu.memory_space<vmem>> -> memref<128xi32, #tpu.memory_space<vmem>>
        %dma_wait3A_280 = arith.constant 0 : i32
        %dma_wait3A_281 = arith.constant 0 : i32
        %dma_wait3A_282 = tpu.memref_slice %arg24[%dma_wait3A_280, %dma_wait3A_281] : memref<50176x32xf32, #tpu.memory_space<vmem_shared>> -> memref<50176x32xf32, #tpu.memory_space<vmem_shared>>
        tpu.wait_indirect_dma semaphore(%arg26 : memref<!tpu.dma_semaphore, #tpu.memory_space<semaphore_mem>>) src(%dma_wait3A_276 : memref<128x32xf32, #tpu.memory_space<vmem>>) dst(%dma_wait3A_282 : memref<50176x32xf32, #tpu.memory_space<vmem_shared>>)
        %dma_wait3A_283 = arith.constant 3 : i32
        %dma_wait3A_284 = arith.constant 384 : i32
        %dma_wait3A_285 = arith.constant 0 : i32
        %dma_wait3A_286 = tpu.memref_slice %arg23[%dma_wait3A_284, %dma_wait3A_285] : memref<640x32xf32, #tpu.memory_space<vmem>> -> memref<128x32xf32, #tpu.memory_space<vmem>>
        %dma_wait3A_287 = arith.constant 0 : i32
        %dma_wait3A_288 = tpu.memref_slice %arg22[%dma_wait3A_283, %dma_wait3A_287] : memref<5x128xi32, #tpu.memory_space<vmem>> -> memref<1x128xi32, #tpu.memory_space<vmem>>
        %dma_wait3A_289 = tpu.memref_squeeze %dma_wait3A_288 : memref<1x128xi32, #tpu.memory_space<vmem>> -> memref<128xi32, #tpu.memory_space<vmem>>
        %dma_wait3A_290 = arith.constant 0 : i32
        %dma_wait3A_291 = arith.constant 0 : i32
        %dma_wait3A_292 = tpu.memref_slice %arg24[%dma_wait3A_290, %dma_wait3A_291] : memref<50176x32xf32, #tpu.memory_space<vmem_shared>> -> memref<50176x32xf32, #tpu.memory_space<vmem_shared>>
        tpu.wait_indirect_dma semaphore(%arg26 : memref<!tpu.dma_semaphore, #tpu.memory_space<semaphore_mem>>) src(%dma_wait3A_286 : memref<128x32xf32, #tpu.memory_space<vmem>>) dst(%dma_wait3A_292 : memref<50176x32xf32, #tpu.memory_space<vmem_shared>>)
        %dma_wait3A_293 = arith.constant 4 : i32
        %dma_wait3A_294 = arith.constant 512 : i32
        %dma_wait3A_295 = arith.constant 0 : i32
        %dma_wait3A_296 = tpu.memref_slice %arg23[%dma_wait3A_294, %dma_wait3A_295] : memref<640x32xf32, #tpu.memory_space<vmem>> -> memref<128x32xf32, #tpu.memory_space<vmem>>
        %dma_wait3A_297 = arith.constant 0 : i32
        %dma_wait3A_298 = tpu.memref_slice %arg22[%dma_wait3A_293, %dma_wait3A_297] : memref<5x128xi32, #tpu.memory_space<vmem>> -> memref<1x128xi32, #tpu.memory_space<vmem>>
        %dma_wait3A_299 = tpu.memref_squeeze %dma_wait3A_298 : memref<1x128xi32, #tpu.memory_space<vmem>> -> memref<128xi32, #tpu.memory_space<vmem>>
        %dma_wait3A_300 = arith.constant 0 : i32
        %dma_wait3A_301 = arith.constant 0 : i32
        %dma_wait3A_302 = tpu.memref_slice %arg24[%dma_wait3A_300, %dma_wait3A_301] : memref<50176x32xf32, #tpu.memory_space<vmem_shared>> -> memref<50176x32xf32, #tpu.memory_space<vmem_shared>>
        tpu.wait_indirect_dma semaphore(%arg26 : memref<!tpu.dma_semaphore, #tpu.memory_space<semaphore_mem>>) src(%dma_wait3A_296 : memref<128x32xf32, #tpu.memory_space<vmem>>) dst(%dma_wait3A_302 : memref<50176x32xf32, #tpu.memory_space<vmem_shared>>)
      }
      %scan3A_99 = arith.constant 16 : i32
    } else {
    }
    %eq3A_28 = arith.constant 1 : i32
    %eq3A_29 = arith.cmpi eq, %arg0, %eq3A_28 : i32
    %convert_element_type3A_30 = arith.extui %eq3A_29 : i1 to i32
    %cond3A_31 = arith.constant 0 : i32
    %cond3A_32 = arith.cmpi ne, %convert_element_type3A_30, %cond3A_31 : i32
    scf.if %cond3A_32 {
      %scan3A = arith.constant 0 : i32
      %scan3A_95 = arith.constant 0 : i32
      %scan3A_96 = arith.constant 16 : i32
      %scan3A_97 = arith.addi %scan3A_95, %scan3A_96 : i32
      %scan3A_98 = arith.constant 1 : i32
      scf.for %scan3A_100 = %scan3A_95 to %scan3A_97 step %scan3A_98  : i32 {
        %mul3A_101 = arith.constant 80 : i32
        %mul3A_102 = arith.muli %arg1, %mul3A_101 : i32
        %mul3A_103 = arith.constant 5 : i32
        %mul3A_104 = arith.muli %scan3A_100, %mul3A_103 : i32
        %add3A = arith.addi %mul3A_102, %mul3A_104 : i32
        "tpu.region"() ({
          %run_scoped3A = tpu.sem_alloc : memref<!tpu.dma_semaphore, #tpu.memory_space<semaphore_mem>>
          %dma_start3A_303 = arith.constant 0 : i32
          %dma_start3A_304 = tpu.memref_slice %arg13[%add3A, %dma_start3A_303] : memref<1280x128xi32, #tpu.memory_space<hbm>> -> memref<5x128xi32, #tpu.memory_space<hbm>>
          %dma_start3A_305 = arith.constant 0 : i32
          %dma_start3A_306 = tpu.memref_slice %arg13[%add3A, %dma_start3A_305] : memref<1280x128xi32, #tpu.memory_space<hbm>> -> memref<5x128xi32, #tpu.memory_space<hbm>>
          tpu.enqueue_dma source(%dma_start3A_306 : memref<5x128xi32, #tpu.memory_space<hbm>>) target(%arg21 : memref<5x128xi32, #tpu.memory_space<vmem>>) target_semaphore(%run_scoped3A : memref<!tpu.dma_semaphore, #tpu.memory_space<semaphore_mem>>)
          %dma_wait3A_307 = arith.constant 0 : i32
          %dma_wait3A_308 = tpu.memref_slice %arg13[%add3A, %dma_wait3A_307] : memref<1280x128xi32, #tpu.memory_space<hbm>> -> memref<5x128xi32, #tpu.memory_space<hbm>>
          %dma_wait3A_309 = arith.constant 0 : i32
          %dma_wait3A_310 = tpu.memref_slice %arg13[%add3A, %dma_wait3A_309] : memref<1280x128xi32, #tpu.memory_space<hbm>> -> memref<5x128xi32, #tpu.memory_space<hbm>>
          tpu.wait_dma2 semaphore(%run_scoped3A : memref<!tpu.dma_semaphore, #tpu.memory_space<semaphore_mem>>) src(%dma_wait3A_310 : memref<5x128xi32, #tpu.memory_space<hbm>>) dst(%arg21 : memref<5x128xi32, #tpu.memory_space<vmem>>)
          tpu.yield
        }) : () -> ()
        "tpu.region"() ({
          %run_scoped3A = tpu.sem_alloc : memref<!tpu.dma_semaphore, #tpu.memory_space<semaphore_mem>>
          %dma_start3A_303 = arith.constant 0 : i32
          %dma_start3A_304 = tpu.memref_slice %arg14[%add3A, %dma_start3A_303] : memref<1280x128xi32, #tpu.memory_space<hbm>> -> memref<5x128xi32, #tpu.memory_space<hbm>>
          %dma_start3A_305 = arith.constant 0 : i32
          %dma_start3A_306 = tpu.memref_slice %arg14[%add3A, %dma_start3A_305] : memref<1280x128xi32, #tpu.memory_space<hbm>> -> memref<5x128xi32, #tpu.memory_space<hbm>>
          tpu.enqueue_dma source(%dma_start3A_306 : memref<5x128xi32, #tpu.memory_space<hbm>>) target(%arg22 : memref<5x128xi32, #tpu.memory_space<vmem>>) target_semaphore(%run_scoped3A : memref<!tpu.dma_semaphore, #tpu.memory_space<semaphore_mem>>)
          %dma_wait3A_307 = arith.constant 0 : i32
          %dma_wait3A_308 = tpu.memref_slice %arg14[%add3A, %dma_wait3A_307] : memref<1280x128xi32, #tpu.memory_space<hbm>> -> memref<5x128xi32, #tpu.memory_space<hbm>>
          %dma_wait3A_309 = arith.constant 0 : i32
          %dma_wait3A_310 = tpu.memref_slice %arg14[%add3A, %dma_wait3A_309] : memref<1280x128xi32, #tpu.memory_space<hbm>> -> memref<5x128xi32, #tpu.memory_space<hbm>>
          tpu.wait_dma2 semaphore(%run_scoped3A : memref<!tpu.dma_semaphore, #tpu.memory_space<semaphore_mem>>) src(%dma_wait3A_310 : memref<5x128xi32, #tpu.memory_space<hbm>>) dst(%arg22 : memref<5x128xi32, #tpu.memory_space<vmem>>)
          tpu.yield
        }) : () -> ()
        %dma_start3A = arith.constant 0 : i32
        %dma_start3A_105 = arith.constant 0 : i32
        %dma_start3A_106 = arith.constant 0 : i32
        %dma_start3A_107 = tpu.memref_slice %arg23[%dma_start3A_105, %dma_start3A_106] : memref<640x32xf32, #tpu.memory_space<vmem>> -> memref<128x32xf32, #tpu.memory_space<vmem>>
        %dma_start3A_108 = arith.constant 0 : i32
        %dma_start3A_109 = tpu.memref_slice %arg21[%dma_start3A, %dma_start3A_108] : memref<5x128xi32, #tpu.memory_space<vmem>> -> memref<1x128xi32, #tpu.memory_space<vmem>>
        %dma_start3A_110 = tpu.memref_squeeze %dma_start3A_109 : memref<1x128xi32, #tpu.memory_space<vmem>> -> memref<128xi32, #tpu.memory_space<vmem>>
        %dma_start3A_111 = arith.constant 0 : i32
        %dma_start3A_112 = arith.constant 0 : i32
        %dma_start3A_113 = tpu.memref_slice %arg6[%dma_start3A_111, %dma_start3A_112] : memref<50000x32xf32, #tpu.memory_space<hbm>> -> memref<50000x32xf32, #tpu.memory_space<hbm>>
        tpu.enqueue_indirect_dma source(%dma_start3A_113 : memref<50000x32xf32, #tpu.memory_space<hbm>>) target(%dma_start3A_107 : memref<128x32xf32, #tpu.memory_space<vmem>>) offsets(%dma_start3A_110 : memref<128xi32, #tpu.memory_space<vmem>>) semaphore(%arg25 : memref<!tpu.dma_semaphore, #tpu.memory_space<semaphore_mem>>)
        %dma_start3A_114 = arith.constant 1 : i32
        %dma_start3A_115 = arith.constant 128 : i32
        %dma_start3A_116 = arith.constant 0 : i32
        %dma_start3A_117 = tpu.memref_slice %arg23[%dma_start3A_115, %dma_start3A_116] : memref<640x32xf32, #tpu.memory_space<vmem>> -> memref<128x32xf32, #tpu.memory_space<vmem>>
        %dma_start3A_118 = arith.constant 0 : i32
        %dma_start3A_119 = tpu.memref_slice %arg21[%dma_start3A_114, %dma_start3A_118] : memref<5x128xi32, #tpu.memory_space<vmem>> -> memref<1x128xi32, #tpu.memory_space<vmem>>
        %dma_start3A_120 = tpu.memref_squeeze %dma_start3A_119 : memref<1x128xi32, #tpu.memory_space<vmem>> -> memref<128xi32, #tpu.memory_space<vmem>>
        %dma_start3A_121 = arith.constant 0 : i32
        %dma_start3A_122 = arith.constant 0 : i32
        %dma_start3A_123 = tpu.memref_slice %arg6[%dma_start3A_121, %dma_start3A_122] : memref<50000x32xf32, #tpu.memory_space<hbm>> -> memref<50000x32xf32, #tpu.memory_space<hbm>>
        tpu.enqueue_indirect_dma source(%dma_start3A_123 : memref<50000x32xf32, #tpu.memory_space<hbm>>) target(%dma_start3A_117 : memref<128x32xf32, #tpu.memory_space<vmem>>) offsets(%dma_start3A_120 : memref<128xi32, #tpu.memory_space<vmem>>) semaphore(%arg25 : memref<!tpu.dma_semaphore, #tpu.memory_space<semaphore_mem>>)
        %dma_start3A_124 = arith.constant 2 : i32
        %dma_start3A_125 = arith.constant 256 : i32
        %dma_start3A_126 = arith.constant 0 : i32
        %dma_start3A_127 = tpu.memref_slice %arg23[%dma_start3A_125, %dma_start3A_126] : memref<640x32xf32, #tpu.memory_space<vmem>> -> memref<128x32xf32, #tpu.memory_space<vmem>>
        %dma_start3A_128 = arith.constant 0 : i32
        %dma_start3A_129 = tpu.memref_slice %arg21[%dma_start3A_124, %dma_start3A_128] : memref<5x128xi32, #tpu.memory_space<vmem>> -> memref<1x128xi32, #tpu.memory_space<vmem>>
        %dma_start3A_130 = tpu.memref_squeeze %dma_start3A_129 : memref<1x128xi32, #tpu.memory_space<vmem>> -> memref<128xi32, #tpu.memory_space<vmem>>
        %dma_start3A_131 = arith.constant 0 : i32
        %dma_start3A_132 = arith.constant 0 : i32
        %dma_start3A_133 = tpu.memref_slice %arg6[%dma_start3A_131, %dma_start3A_132] : memref<50000x32xf32, #tpu.memory_space<hbm>> -> memref<50000x32xf32, #tpu.memory_space<hbm>>
        tpu.enqueue_indirect_dma source(%dma_start3A_133 : memref<50000x32xf32, #tpu.memory_space<hbm>>) target(%dma_start3A_127 : memref<128x32xf32, #tpu.memory_space<vmem>>) offsets(%dma_start3A_130 : memref<128xi32, #tpu.memory_space<vmem>>) semaphore(%arg25 : memref<!tpu.dma_semaphore, #tpu.memory_space<semaphore_mem>>)
        %dma_start3A_134 = arith.constant 3 : i32
        %dma_start3A_135 = arith.constant 384 : i32
        %dma_start3A_136 = arith.constant 0 : i32
        %dma_start3A_137 = tpu.memref_slice %arg23[%dma_start3A_135, %dma_start3A_136] : memref<640x32xf32, #tpu.memory_space<vmem>> -> memref<128x32xf32, #tpu.memory_space<vmem>>
        %dma_start3A_138 = arith.constant 0 : i32
        %dma_start3A_139 = tpu.memref_slice %arg21[%dma_start3A_134, %dma_start3A_138] : memref<5x128xi32, #tpu.memory_space<vmem>> -> memref<1x128xi32, #tpu.memory_space<vmem>>
        %dma_start3A_140 = tpu.memref_squeeze %dma_start3A_139 : memref<1x128xi32, #tpu.memory_space<vmem>> -> memref<128xi32, #tpu.memory_space<vmem>>
        %dma_start3A_141 = arith.constant 0 : i32
        %dma_start3A_142 = arith.constant 0 : i32
        %dma_start3A_143 = tpu.memref_slice %arg6[%dma_start3A_141, %dma_start3A_142] : memref<50000x32xf32, #tpu.memory_space<hbm>> -> memref<50000x32xf32, #tpu.memory_space<hbm>>
        tpu.enqueue_indirect_dma source(%dma_start3A_143 : memref<50000x32xf32, #tpu.memory_space<hbm>>) target(%dma_start3A_137 : memref<128x32xf32, #tpu.memory_space<vmem>>) offsets(%dma_start3A_140 : memref<128xi32, #tpu.memory_space<vmem>>) semaphore(%arg25 : memref<!tpu.dma_semaphore, #tpu.memory_space<semaphore_mem>>)
        %dma_start3A_144 = arith.constant 4 : i32
        %dma_start3A_145 = arith.constant 512 : i32
        %dma_start3A_146 = arith.constant 0 : i32
        %dma_start3A_147 = tpu.memref_slice %arg23[%dma_start3A_145, %dma_start3A_146] : memref<640x32xf32, #tpu.memory_space<vmem>> -> memref<128x32xf32, #tpu.memory_space<vmem>>
        %dma_start3A_148 = arith.constant 0 : i32
        %dma_start3A_149 = tpu.memref_slice %arg21[%dma_start3A_144, %dma_start3A_148] : memref<5x128xi32, #tpu.memory_space<vmem>> -> memref<1x128xi32, #tpu.memory_space<vmem>>
        %dma_start3A_150 = tpu.memref_squeeze %dma_start3A_149 : memref<1x128xi32, #tpu.memory_space<vmem>> -> memref<128xi32, #tpu.memory_space<vmem>>
        %dma_start3A_151 = arith.constant 0 : i32
        %dma_start3A_152 = arith.constant 0 : i32
        %dma_start3A_153 = tpu.memref_slice %arg6[%dma_start3A_151, %dma_start3A_152] : memref<50000x32xf32, #tpu.memory_space<hbm>> -> memref<50000x32xf32, #tpu.memory_space<hbm>>
        tpu.enqueue_indirect_dma source(%dma_start3A_153 : memref<50000x32xf32, #tpu.memory_space<hbm>>) target(%dma_start3A_147 : memref<128x32xf32, #tpu.memory_space<vmem>>) offsets(%dma_start3A_150 : memref<128xi32, #tpu.memory_space<vmem>>) semaphore(%arg25 : memref<!tpu.dma_semaphore, #tpu.memory_space<semaphore_mem>>)
        %dma_wait3A = arith.constant 0 : i32
        %dma_wait3A_154 = arith.constant 0 : i32
        %dma_wait3A_155 = arith.constant 0 : i32
        %dma_wait3A_156 = tpu.memref_slice %arg23[%dma_wait3A_154, %dma_wait3A_155] : memref<640x32xf32, #tpu.memory_space<vmem>> -> memref<128x32xf32, #tpu.memory_space<vmem>>
        %dma_wait3A_157 = arith.constant 0 : i32
        %dma_wait3A_158 = tpu.memref_slice %arg21[%dma_wait3A, %dma_wait3A_157] : memref<5x128xi32, #tpu.memory_space<vmem>> -> memref<1x128xi32, #tpu.memory_space<vmem>>
        %dma_wait3A_159 = tpu.memref_squeeze %dma_wait3A_158 : memref<1x128xi32, #tpu.memory_space<vmem>> -> memref<128xi32, #tpu.memory_space<vmem>>
        %dma_wait3A_160 = arith.constant 0 : i32
        %dma_wait3A_161 = arith.constant 0 : i32
        %dma_wait3A_162 = tpu.memref_slice %arg6[%dma_wait3A_160, %dma_wait3A_161] : memref<50000x32xf32, #tpu.memory_space<hbm>> -> memref<50000x32xf32, #tpu.memory_space<hbm>>
        tpu.wait_indirect_dma semaphore(%arg25 : memref<!tpu.dma_semaphore, #tpu.memory_space<semaphore_mem>>) src(%dma_wait3A_162 : memref<50000x32xf32, #tpu.memory_space<hbm>>) dst(%dma_wait3A_156 : memref<128x32xf32, #tpu.memory_space<vmem>>)
        %dma_wait3A_163 = arith.constant 1 : i32
        %dma_wait3A_164 = arith.constant 128 : i32
        %dma_wait3A_165 = arith.constant 0 : i32
        %dma_wait3A_166 = tpu.memref_slice %arg23[%dma_wait3A_164, %dma_wait3A_165] : memref<640x32xf32, #tpu.memory_space<vmem>> -> memref<128x32xf32, #tpu.memory_space<vmem>>
        %dma_wait3A_167 = arith.constant 0 : i32
        %dma_wait3A_168 = tpu.memref_slice %arg21[%dma_wait3A_163, %dma_wait3A_167] : memref<5x128xi32, #tpu.memory_space<vmem>> -> memref<1x128xi32, #tpu.memory_space<vmem>>
        %dma_wait3A_169 = tpu.memref_squeeze %dma_wait3A_168 : memref<1x128xi32, #tpu.memory_space<vmem>> -> memref<128xi32, #tpu.memory_space<vmem>>
        %dma_wait3A_170 = arith.constant 0 : i32
        %dma_wait3A_171 = arith.constant 0 : i32
        %dma_wait3A_172 = tpu.memref_slice %arg6[%dma_wait3A_170, %dma_wait3A_171] : memref<50000x32xf32, #tpu.memory_space<hbm>> -> memref<50000x32xf32, #tpu.memory_space<hbm>>
        tpu.wait_indirect_dma semaphore(%arg25 : memref<!tpu.dma_semaphore, #tpu.memory_space<semaphore_mem>>) src(%dma_wait3A_172 : memref<50000x32xf32, #tpu.memory_space<hbm>>) dst(%dma_wait3A_166 : memref<128x32xf32, #tpu.memory_space<vmem>>)
        %dma_wait3A_173 = arith.constant 2 : i32
        %dma_wait3A_174 = arith.constant 256 : i32
        %dma_wait3A_175 = arith.constant 0 : i32
        %dma_wait3A_176 = tpu.memref_slice %arg23[%dma_wait3A_174, %dma_wait3A_175] : memref<640x32xf32, #tpu.memory_space<vmem>> -> memref<128x32xf32, #tpu.memory_space<vmem>>
        %dma_wait3A_177 = arith.constant 0 : i32
        %dma_wait3A_178 = tpu.memref_slice %arg21[%dma_wait3A_173, %dma_wait3A_177] : memref<5x128xi32, #tpu.memory_space<vmem>> -> memref<1x128xi32, #tpu.memory_space<vmem>>
        %dma_wait3A_179 = tpu.memref_squeeze %dma_wait3A_178 : memref<1x128xi32, #tpu.memory_space<vmem>> -> memref<128xi32, #tpu.memory_space<vmem>>
        %dma_wait3A_180 = arith.constant 0 : i32
        %dma_wait3A_181 = arith.constant 0 : i32
        %dma_wait3A_182 = tpu.memref_slice %arg6[%dma_wait3A_180, %dma_wait3A_181] : memref<50000x32xf32, #tpu.memory_space<hbm>> -> memref<50000x32xf32, #tpu.memory_space<hbm>>
        tpu.wait_indirect_dma semaphore(%arg25 : memref<!tpu.dma_semaphore, #tpu.memory_space<semaphore_mem>>) src(%dma_wait3A_182 : memref<50000x32xf32, #tpu.memory_space<hbm>>) dst(%dma_wait3A_176 : memref<128x32xf32, #tpu.memory_space<vmem>>)
        %dma_wait3A_183 = arith.constant 3 : i32
        %dma_wait3A_184 = arith.constant 384 : i32
        %dma_wait3A_185 = arith.constant 0 : i32
        %dma_wait3A_186 = tpu.memref_slice %arg23[%dma_wait3A_184, %dma_wait3A_185] : memref<640x32xf32, #tpu.memory_space<vmem>> -> memref<128x32xf32, #tpu.memory_space<vmem>>
        %dma_wait3A_187 = arith.constant 0 : i32
        %dma_wait3A_188 = tpu.memref_slice %arg21[%dma_wait3A_183, %dma_wait3A_187] : memref<5x128xi32, #tpu.memory_space<vmem>> -> memref<1x128xi32, #tpu.memory_space<vmem>>
        %dma_wait3A_189 = tpu.memref_squeeze %dma_wait3A_188 : memref<1x128xi32, #tpu.memory_space<vmem>> -> memref<128xi32, #tpu.memory_space<vmem>>
        %dma_wait3A_190 = arith.constant 0 : i32
        %dma_wait3A_191 = arith.constant 0 : i32
        %dma_wait3A_192 = tpu.memref_slice %arg6[%dma_wait3A_190, %dma_wait3A_191] : memref<50000x32xf32, #tpu.memory_space<hbm>> -> memref<50000x32xf32, #tpu.memory_space<hbm>>
        tpu.wait_indirect_dma semaphore(%arg25 : memref<!tpu.dma_semaphore, #tpu.memory_space<semaphore_mem>>) src(%dma_wait3A_192 : memref<50000x32xf32, #tpu.memory_space<hbm>>) dst(%dma_wait3A_186 : memref<128x32xf32, #tpu.memory_space<vmem>>)
        %dma_wait3A_193 = arith.constant 4 : i32
        %dma_wait3A_194 = arith.constant 512 : i32
        %dma_wait3A_195 = arith.constant 0 : i32
        %dma_wait3A_196 = tpu.memref_slice %arg23[%dma_wait3A_194, %dma_wait3A_195] : memref<640x32xf32, #tpu.memory_space<vmem>> -> memref<128x32xf32, #tpu.memory_space<vmem>>
        %dma_wait3A_197 = arith.constant 0 : i32
        %dma_wait3A_198 = tpu.memref_slice %arg21[%dma_wait3A_193, %dma_wait3A_197] : memref<5x128xi32, #tpu.memory_space<vmem>> -> memref<1x128xi32, #tpu.memory_space<vmem>>
        %dma_wait3A_199 = tpu.memref_squeeze %dma_wait3A_198 : memref<1x128xi32, #tpu.memory_space<vmem>> -> memref<128xi32, #tpu.memory_space<vmem>>
        %dma_wait3A_200 = arith.constant 0 : i32
        %dma_wait3A_201 = arith.constant 0 : i32
        %dma_wait3A_202 = tpu.memref_slice %arg6[%dma_wait3A_200, %dma_wait3A_201] : memref<50000x32xf32, #tpu.memory_space<hbm>> -> memref<50000x32xf32, #tpu.memory_space<hbm>>
        tpu.wait_indirect_dma semaphore(%arg25 : memref<!tpu.dma_semaphore, #tpu.memory_space<semaphore_mem>>) src(%dma_wait3A_202 : memref<50000x32xf32, #tpu.memory_space<hbm>>) dst(%dma_wait3A_196 : memref<128x32xf32, #tpu.memory_space<vmem>>)
        %dma_start3A_203 = arith.constant 0 : i32
        %dma_start3A_204 = arith.constant 0 : i32
        %dma_start3A_205 = arith.constant 0 : i32
        %dma_start3A_206 = tpu.memref_slice %arg23[%dma_start3A_204, %dma_start3A_205] : memref<640x32xf32, #tpu.memory_space<vmem>> -> memref<128x32xf32, #tpu.memory_space<vmem>>
        %dma_start3A_207 = arith.constant 0 : i32
        %dma_start3A_208 = tpu.memref_slice %arg22[%dma_start3A_203, %dma_start3A_207] : memref<5x128xi32, #tpu.memory_space<vmem>> -> memref<1x128xi32, #tpu.memory_space<vmem>>
        %dma_start3A_209 = tpu.memref_squeeze %dma_start3A_208 : memref<1x128xi32, #tpu.memory_space<vmem>> -> memref<128xi32, #tpu.memory_space<vmem>>
        %dma_start3A_210 = arith.constant 0 : i32
        %dma_start3A_211 = arith.constant 0 : i32
        %dma_start3A_212 = tpu.memref_slice %arg24[%dma_start3A_210, %dma_start3A_211] : memref<50176x32xf32, #tpu.memory_space<vmem_shared>> -> memref<50176x32xf32, #tpu.memory_space<vmem_shared>>
        tpu.enqueue_indirect_dma source(%dma_start3A_206 : memref<128x32xf32, #tpu.memory_space<vmem>>) target(%dma_start3A_212 : memref<50176x32xf32, #tpu.memory_space<vmem_shared>>) offsets(%dma_start3A_209 : memref<128xi32, #tpu.memory_space<vmem>>) semaphore(%arg26 : memref<!tpu.dma_semaphore, #tpu.memory_space<semaphore_mem>>) {add = true}
        %dma_start3A_213 = arith.constant 1 : i32
        %dma_start3A_214 = arith.constant 128 : i32
        %dma_start3A_215 = arith.constant 0 : i32
        %dma_start3A_216 = tpu.memref_slice %arg23[%dma_start3A_214, %dma_start3A_215] : memref<640x32xf32, #tpu.memory_space<vmem>> -> memref<128x32xf32, #tpu.memory_space<vmem>>
        %dma_start3A_217 = arith.constant 0 : i32
        %dma_start3A_218 = tpu.memref_slice %arg22[%dma_start3A_213, %dma_start3A_217] : memref<5x128xi32, #tpu.memory_space<vmem>> -> memref<1x128xi32, #tpu.memory_space<vmem>>
        %dma_start3A_219 = tpu.memref_squeeze %dma_start3A_218 : memref<1x128xi32, #tpu.memory_space<vmem>> -> memref<128xi32, #tpu.memory_space<vmem>>
        %dma_start3A_220 = arith.constant 0 : i32
        %dma_start3A_221 = arith.constant 0 : i32
        %dma_start3A_222 = tpu.memref_slice %arg24[%dma_start3A_220, %dma_start3A_221] : memref<50176x32xf32, #tpu.memory_space<vmem_shared>> -> memref<50176x32xf32, #tpu.memory_space<vmem_shared>>
        tpu.enqueue_indirect_dma source(%dma_start3A_216 : memref<128x32xf32, #tpu.memory_space<vmem>>) target(%dma_start3A_222 : memref<50176x32xf32, #tpu.memory_space<vmem_shared>>) offsets(%dma_start3A_219 : memref<128xi32, #tpu.memory_space<vmem>>) semaphore(%arg26 : memref<!tpu.dma_semaphore, #tpu.memory_space<semaphore_mem>>) {add = true}
        %dma_start3A_223 = arith.constant 2 : i32
        %dma_start3A_224 = arith.constant 256 : i32
        %dma_start3A_225 = arith.constant 0 : i32
        %dma_start3A_226 = tpu.memref_slice %arg23[%dma_start3A_224, %dma_start3A_225] : memref<640x32xf32, #tpu.memory_space<vmem>> -> memref<128x32xf32, #tpu.memory_space<vmem>>
        %dma_start3A_227 = arith.constant 0 : i32
        %dma_start3A_228 = tpu.memref_slice %arg22[%dma_start3A_223, %dma_start3A_227] : memref<5x128xi32, #tpu.memory_space<vmem>> -> memref<1x128xi32, #tpu.memory_space<vmem>>
        %dma_start3A_229 = tpu.memref_squeeze %dma_start3A_228 : memref<1x128xi32, #tpu.memory_space<vmem>> -> memref<128xi32, #tpu.memory_space<vmem>>
        %dma_start3A_230 = arith.constant 0 : i32
        %dma_start3A_231 = arith.constant 0 : i32
        %dma_start3A_232 = tpu.memref_slice %arg24[%dma_start3A_230, %dma_start3A_231] : memref<50176x32xf32, #tpu.memory_space<vmem_shared>> -> memref<50176x32xf32, #tpu.memory_space<vmem_shared>>
        tpu.enqueue_indirect_dma source(%dma_start3A_226 : memref<128x32xf32, #tpu.memory_space<vmem>>) target(%dma_start3A_232 : memref<50176x32xf32, #tpu.memory_space<vmem_shared>>) offsets(%dma_start3A_229 : memref<128xi32, #tpu.memory_space<vmem>>) semaphore(%arg26 : memref<!tpu.dma_semaphore, #tpu.memory_space<semaphore_mem>>) {add = true}
        %dma_start3A_233 = arith.constant 3 : i32
        %dma_start3A_234 = arith.constant 384 : i32
        %dma_start3A_235 = arith.constant 0 : i32
        %dma_start3A_236 = tpu.memref_slice %arg23[%dma_start3A_234, %dma_start3A_235] : memref<640x32xf32, #tpu.memory_space<vmem>> -> memref<128x32xf32, #tpu.memory_space<vmem>>
        %dma_start3A_237 = arith.constant 0 : i32
        %dma_start3A_238 = tpu.memref_slice %arg22[%dma_start3A_233, %dma_start3A_237] : memref<5x128xi32, #tpu.memory_space<vmem>> -> memref<1x128xi32, #tpu.memory_space<vmem>>
        %dma_start3A_239 = tpu.memref_squeeze %dma_start3A_238 : memref<1x128xi32, #tpu.memory_space<vmem>> -> memref<128xi32, #tpu.memory_space<vmem>>
        %dma_start3A_240 = arith.constant 0 : i32
        %dma_start3A_241 = arith.constant 0 : i32
        %dma_start3A_242 = tpu.memref_slice %arg24[%dma_start3A_240, %dma_start3A_241] : memref<50176x32xf32, #tpu.memory_space<vmem_shared>> -> memref<50176x32xf32, #tpu.memory_space<vmem_shared>>
        tpu.enqueue_indirect_dma source(%dma_start3A_236 : memref<128x32xf32, #tpu.memory_space<vmem>>) target(%dma_start3A_242 : memref<50176x32xf32, #tpu.memory_space<vmem_shared>>) offsets(%dma_start3A_239 : memref<128xi32, #tpu.memory_space<vmem>>) semaphore(%arg26 : memref<!tpu.dma_semaphore, #tpu.memory_space<semaphore_mem>>) {add = true}
        %dma_start3A_243 = arith.constant 4 : i32
        %dma_start3A_244 = arith.constant 512 : i32
        %dma_start3A_245 = arith.constant 0 : i32
        %dma_start3A_246 = tpu.memref_slice %arg23[%dma_start3A_244, %dma_start3A_245] : memref<640x32xf32, #tpu.memory_space<vmem>> -> memref<128x32xf32, #tpu.memory_space<vmem>>
        %dma_start3A_247 = arith.constant 0 : i32
        %dma_start3A_248 = tpu.memref_slice %arg22[%dma_start3A_243, %dma_start3A_247] : memref<5x128xi32, #tpu.memory_space<vmem>> -> memref<1x128xi32, #tpu.memory_space<vmem>>
        %dma_start3A_249 = tpu.memref_squeeze %dma_start3A_248 : memref<1x128xi32, #tpu.memory_space<vmem>> -> memref<128xi32, #tpu.memory_space<vmem>>
        %dma_start3A_250 = arith.constant 0 : i32
        %dma_start3A_251 = arith.constant 0 : i32
        %dma_start3A_252 = tpu.memref_slice %arg24[%dma_start3A_250, %dma_start3A_251] : memref<50176x32xf32, #tpu.memory_space<vmem_shared>> -> memref<50176x32xf32, #tpu.memory_space<vmem_shared>>
        tpu.enqueue_indirect_dma source(%dma_start3A_246 : memref<128x32xf32, #tpu.memory_space<vmem>>) target(%dma_start3A_252 : memref<50176x32xf32, #tpu.memory_space<vmem_shared>>) offsets(%dma_start3A_249 : memref<128xi32, #tpu.memory_space<vmem>>) semaphore(%arg26 : memref<!tpu.dma_semaphore, #tpu.memory_space<semaphore_mem>>) {add = true}
        %dma_wait3A_253 = arith.constant 0 : i32
        %dma_wait3A_254 = arith.constant 0 : i32
        %dma_wait3A_255 = arith.constant 0 : i32
        %dma_wait3A_256 = tpu.memref_slice %arg23[%dma_wait3A_254, %dma_wait3A_255] : memref<640x32xf32, #tpu.memory_space<vmem>> -> memref<128x32xf32, #tpu.memory_space<vmem>>
        %dma_wait3A_257 = arith.constant 0 : i32
        %dma_wait3A_258 = tpu.memref_slice %arg22[%dma_wait3A_253, %dma_wait3A_257] : memref<5x128xi32, #tpu.memory_space<vmem>> -> memref<1x128xi32, #tpu.memory_space<vmem>>
        %dma_wait3A_259 = tpu.memref_squeeze %dma_wait3A_258 : memref<1x128xi32, #tpu.memory_space<vmem>> -> memref<128xi32, #tpu.memory_space<vmem>>
        %dma_wait3A_260 = arith.constant 0 : i32
        %dma_wait3A_261 = arith.constant 0 : i32
        %dma_wait3A_262 = tpu.memref_slice %arg24[%dma_wait3A_260, %dma_wait3A_261] : memref<50176x32xf32, #tpu.memory_space<vmem_shared>> -> memref<50176x32xf32, #tpu.memory_space<vmem_shared>>
        tpu.wait_indirect_dma semaphore(%arg26 : memref<!tpu.dma_semaphore, #tpu.memory_space<semaphore_mem>>) src(%dma_wait3A_256 : memref<128x32xf32, #tpu.memory_space<vmem>>) dst(%dma_wait3A_262 : memref<50176x32xf32, #tpu.memory_space<vmem_shared>>)
        %dma_wait3A_263 = arith.constant 1 : i32
        %dma_wait3A_264 = arith.constant 128 : i32
        %dma_wait3A_265 = arith.constant 0 : i32
        %dma_wait3A_266 = tpu.memref_slice %arg23[%dma_wait3A_264, %dma_wait3A_265] : memref<640x32xf32, #tpu.memory_space<vmem>> -> memref<128x32xf32, #tpu.memory_space<vmem>>
        %dma_wait3A_267 = arith.constant 0 : i32
        %dma_wait3A_268 = tpu.memref_slice %arg22[%dma_wait3A_263, %dma_wait3A_267] : memref<5x128xi32, #tpu.memory_space<vmem>> -> memref<1x128xi32, #tpu.memory_space<vmem>>
        %dma_wait3A_269 = tpu.memref_squeeze %dma_wait3A_268 : memref<1x128xi32, #tpu.memory_space<vmem>> -> memref<128xi32, #tpu.memory_space<vmem>>
        %dma_wait3A_270 = arith.constant 0 : i32
        %dma_wait3A_271 = arith.constant 0 : i32
        %dma_wait3A_272 = tpu.memref_slice %arg24[%dma_wait3A_270, %dma_wait3A_271] : memref<50176x32xf32, #tpu.memory_space<vmem_shared>> -> memref<50176x32xf32, #tpu.memory_space<vmem_shared>>
        tpu.wait_indirect_dma semaphore(%arg26 : memref<!tpu.dma_semaphore, #tpu.memory_space<semaphore_mem>>) src(%dma_wait3A_266 : memref<128x32xf32, #tpu.memory_space<vmem>>) dst(%dma_wait3A_272 : memref<50176x32xf32, #tpu.memory_space<vmem_shared>>)
        %dma_wait3A_273 = arith.constant 2 : i32
        %dma_wait3A_274 = arith.constant 256 : i32
        %dma_wait3A_275 = arith.constant 0 : i32
        %dma_wait3A_276 = tpu.memref_slice %arg23[%dma_wait3A_274, %dma_wait3A_275] : memref<640x32xf32, #tpu.memory_space<vmem>> -> memref<128x32xf32, #tpu.memory_space<vmem>>
        %dma_wait3A_277 = arith.constant 0 : i32
        %dma_wait3A_278 = tpu.memref_slice %arg22[%dma_wait3A_273, %dma_wait3A_277] : memref<5x128xi32, #tpu.memory_space<vmem>> -> memref<1x128xi32, #tpu.memory_space<vmem>>
        %dma_wait3A_279 = tpu.memref_squeeze %dma_wait3A_278 : memref<1x128xi32, #tpu.memory_space<vmem>> -> memref<128xi32, #tpu.memory_space<vmem>>
        %dma_wait3A_280 = arith.constant 0 : i32
        %dma_wait3A_281 = arith.constant 0 : i32
        %dma_wait3A_282 = tpu.memref_slice %arg24[%dma_wait3A_280, %dma_wait3A_281] : memref<50176x32xf32, #tpu.memory_space<vmem_shared>> -> memref<50176x32xf32, #tpu.memory_space<vmem_shared>>
        tpu.wait_indirect_dma semaphore(%arg26 : memref<!tpu.dma_semaphore, #tpu.memory_space<semaphore_mem>>) src(%dma_wait3A_276 : memref<128x32xf32, #tpu.memory_space<vmem>>) dst(%dma_wait3A_282 : memref<50176x32xf32, #tpu.memory_space<vmem_shared>>)
        %dma_wait3A_283 = arith.constant 3 : i32
        %dma_wait3A_284 = arith.constant 384 : i32
        %dma_wait3A_285 = arith.constant 0 : i32
        %dma_wait3A_286 = tpu.memref_slice %arg23[%dma_wait3A_284, %dma_wait3A_285] : memref<640x32xf32, #tpu.memory_space<vmem>> -> memref<128x32xf32, #tpu.memory_space<vmem>>
        %dma_wait3A_287 = arith.constant 0 : i32
        %dma_wait3A_288 = tpu.memref_slice %arg22[%dma_wait3A_283, %dma_wait3A_287] : memref<5x128xi32, #tpu.memory_space<vmem>> -> memref<1x128xi32, #tpu.memory_space<vmem>>
        %dma_wait3A_289 = tpu.memref_squeeze %dma_wait3A_288 : memref<1x128xi32, #tpu.memory_space<vmem>> -> memref<128xi32, #tpu.memory_space<vmem>>
        %dma_wait3A_290 = arith.constant 0 : i32
        %dma_wait3A_291 = arith.constant 0 : i32
        %dma_wait3A_292 = tpu.memref_slice %arg24[%dma_wait3A_290, %dma_wait3A_291] : memref<50176x32xf32, #tpu.memory_space<vmem_shared>> -> memref<50176x32xf32, #tpu.memory_space<vmem_shared>>
        tpu.wait_indirect_dma semaphore(%arg26 : memref<!tpu.dma_semaphore, #tpu.memory_space<semaphore_mem>>) src(%dma_wait3A_286 : memref<128x32xf32, #tpu.memory_space<vmem>>) dst(%dma_wait3A_292 : memref<50176x32xf32, #tpu.memory_space<vmem_shared>>)
        %dma_wait3A_293 = arith.constant 4 : i32
        %dma_wait3A_294 = arith.constant 512 : i32
        %dma_wait3A_295 = arith.constant 0 : i32
        %dma_wait3A_296 = tpu.memref_slice %arg23[%dma_wait3A_294, %dma_wait3A_295] : memref<640x32xf32, #tpu.memory_space<vmem>> -> memref<128x32xf32, #tpu.memory_space<vmem>>
        %dma_wait3A_297 = arith.constant 0 : i32
        %dma_wait3A_298 = tpu.memref_slice %arg22[%dma_wait3A_293, %dma_wait3A_297] : memref<5x128xi32, #tpu.memory_space<vmem>> -> memref<1x128xi32, #tpu.memory_space<vmem>>
        %dma_wait3A_299 = tpu.memref_squeeze %dma_wait3A_298 : memref<1x128xi32, #tpu.memory_space<vmem>> -> memref<128xi32, #tpu.memory_space<vmem>>
        %dma_wait3A_300 = arith.constant 0 : i32
        %dma_wait3A_301 = arith.constant 0 : i32
        %dma_wait3A_302 = tpu.memref_slice %arg24[%dma_wait3A_300, %dma_wait3A_301] : memref<50176x32xf32, #tpu.memory_space<vmem_shared>> -> memref<50176x32xf32, #tpu.memory_space<vmem_shared>>
        tpu.wait_indirect_dma semaphore(%arg26 : memref<!tpu.dma_semaphore, #tpu.memory_space<semaphore_mem>>) src(%dma_wait3A_296 : memref<128x32xf32, #tpu.memory_space<vmem>>) dst(%dma_wait3A_302 : memref<50176x32xf32, #tpu.memory_space<vmem_shared>>)
      }
      %scan3A_99 = arith.constant 16 : i32
    } else {
    }
    %barrier3A_33 = arith.constant 0 : index
    tpu.barrier barrier_id(%barrier3A_33)
    %eq3A_34 = arith.constant 0 : i32
    %eq3A_35 = arith.cmpi eq, %arg0, %eq3A_34 : i32
    %convert_element_type3A_36 = arith.extui %eq3A_35 : i1 to i32
    %cond3A_37 = arith.constant 0 : i32
    %cond3A_38 = arith.cmpi ne, %convert_element_type3A_36, %cond3A_37 : i32
    scf.if %cond3A_38 {
      "tpu.region"() ({
        %run_scoped3A = tpu.sem_alloc : memref<!tpu.dma_semaphore, #tpu.memory_space<semaphore_mem>>
        %dma_start3A = arith.constant 64 : i32
        %dma_start3A_95 = tpu.memref_slice %arg19[%mul3A_21, %dma_start3A] : memref<10240x128xf32, #tpu.memory_space<hbm>> -> memref<640x32xf32, #tpu.memory_space<hbm>>
        %dma_start3A_96 = arith.constant 0 : i32
        %dma_start3A_97 = tpu.memref_slice %arg24[%mul3A_21, %dma_start3A_96] : memref<50176x32xf32, #tpu.memory_space<vmem_shared>> -> memref<640x32xf32, #tpu.memory_space<vmem_shared>>
        tpu.enqueue_dma source(%dma_start3A_97 : memref<640x32xf32, #tpu.memory_space<vmem_shared>>) target(%dma_start3A_95 : memref<640x32xf32, #tpu.memory_space<hbm>>) target_semaphore(%run_scoped3A : memref<!tpu.dma_semaphore, #tpu.memory_space<semaphore_mem>>)
        %dma_wait3A = arith.constant 64 : i32
        %dma_wait3A_98 = tpu.memref_slice %arg19[%mul3A_21, %dma_wait3A] : memref<10240x128xf32, #tpu.memory_space<hbm>> -> memref<640x32xf32, #tpu.memory_space<hbm>>
        %dma_wait3A_99 = arith.constant 0 : i32
        %dma_wait3A_100 = tpu.memref_slice %arg24[%mul3A_21, %dma_wait3A_99] : memref<50176x32xf32, #tpu.memory_space<vmem_shared>> -> memref<640x32xf32, #tpu.memory_space<vmem_shared>>
        tpu.wait_dma2 semaphore(%run_scoped3A : memref<!tpu.dma_semaphore, #tpu.memory_space<semaphore_mem>>) src(%dma_wait3A_100 : memref<640x32xf32, #tpu.memory_space<vmem_shared>>) dst(%dma_wait3A_98 : memref<640x32xf32, #tpu.memory_space<hbm>>)
        tpu.yield
      }) : () -> ()
    } else {
    }
    %eq3A_39 = arith.constant 1 : i32
    %eq3A_40 = arith.cmpi eq, %arg0, %eq3A_39 : i32
    %convert_element_type3A_41 = arith.extui %eq3A_40 : i1 to i32
    %cond3A_42 = arith.constant 0 : i32
    %cond3A_43 = arith.cmpi ne, %convert_element_type3A_41, %cond3A_42 : i32
    scf.if %cond3A_43 {
      "tpu.region"() ({
        %run_scoped3A = tpu.sem_alloc : memref<!tpu.dma_semaphore, #tpu.memory_space<semaphore_mem>>
        %dma_start3A = arith.constant 96 : i32
        %dma_start3A_95 = tpu.memref_slice %arg19[%mul3A_21, %dma_start3A] : memref<10240x128xf32, #tpu.memory_space<hbm>> -> memref<640x32xf32, #tpu.memory_space<hbm>>
        %dma_start3A_96 = arith.constant 0 : i32
        %dma_start3A_97 = tpu.memref_slice %arg24[%mul3A_21, %dma_start3A_96] : memref<50176x32xf32, #tpu.memory_space<vmem_shared>> -> memref<640x32xf32, #tpu.memory_space<vmem_shared>>
        tpu.enqueue_dma source(%dma_start3A_97 : memref<640x32xf32, #tpu.memory_space<vmem_shared>>) target(%dma_start3A_95 : memref<640x32xf32, #tpu.memory_space<hbm>>) target_semaphore(%run_scoped3A : memref<!tpu.dma_semaphore, #tpu.memory_space<semaphore_mem>>)
        %dma_wait3A = arith.constant 96 : i32
        %dma_wait3A_98 = tpu.memref_slice %arg19[%mul3A_21, %dma_wait3A] : memref<10240x128xf32, #tpu.memory_space<hbm>> -> memref<640x32xf32, #tpu.memory_space<hbm>>
        %dma_wait3A_99 = arith.constant 0 : i32
        %dma_wait3A_100 = tpu.memref_slice %arg24[%mul3A_21, %dma_wait3A_99] : memref<50176x32xf32, #tpu.memory_space<vmem_shared>> -> memref<640x32xf32, #tpu.memory_space<vmem_shared>>
        tpu.wait_dma2 semaphore(%run_scoped3A : memref<!tpu.dma_semaphore, #tpu.memory_space<semaphore_mem>>) src(%dma_wait3A_100 : memref<640x32xf32, #tpu.memory_space<vmem_shared>>) dst(%dma_wait3A_98 : memref<640x32xf32, #tpu.memory_space<hbm>>)
        tpu.yield
      }) : () -> ()
    } else {
    }
    %barrier3A_44 = arith.constant 0 : index
    tpu.barrier barrier_id(%barrier3A_44)
    %mul3A_45 = arith.constant 3136 : i32
    %mul3A_46 = arith.muli %arg1, %mul3A_45 : i32
    "tpu.region"() ({
      %run_scoped3A = tpu.sem_alloc : memref<!tpu.dma_semaphore, #tpu.memory_space<semaphore_mem>>
      %dma_start3A = arith.constant 0 : i32
      %dma_start3A_95 = tpu.memref_slice %arg24[%mul3A_46, %dma_start3A] : memref<50176x32xf32, #tpu.memory_space<vmem_shared>> -> memref<3136x32xf32, #tpu.memory_space<vmem_shared>>
      %dma_start3A_96 = arith.constant 0 : i32
      %dma_start3A_97 = tpu.memref_slice %arg2[%mul3A_46, %dma_start3A_96] : memref<50176x32xf32, #tpu.memory_space<hbm>> -> memref<3136x32xf32, #tpu.memory_space<hbm>>
      tpu.enqueue_dma source(%dma_start3A_97 : memref<3136x32xf32, #tpu.memory_space<hbm>>) target(%dma_start3A_95 : memref<3136x32xf32, #tpu.memory_space<vmem_shared>>) target_semaphore(%run_scoped3A : memref<!tpu.dma_semaphore, #tpu.memory_space<semaphore_mem>>)
      %dma_wait3A = arith.constant 0 : i32
      %dma_wait3A_98 = tpu.memref_slice %arg24[%mul3A_46, %dma_wait3A] : memref<50176x32xf32, #tpu.memory_space<vmem_shared>> -> memref<3136x32xf32, #tpu.memory_space<vmem_shared>>
      %dma_wait3A_99 = arith.constant 0 : i32
      %dma_wait3A_100 = tpu.memref_slice %arg2[%mul3A_46, %dma_wait3A_99] : memref<50176x32xf32, #tpu.memory_space<hbm>> -> memref<3136x32xf32, #tpu.memory_space<hbm>>
      tpu.wait_dma2 semaphore(%run_scoped3A : memref<!tpu.dma_semaphore, #tpu.memory_space<semaphore_mem>>) src(%dma_wait3A_100 : memref<3136x32xf32, #tpu.memory_space<hbm>>) dst(%dma_wait3A_98 : memref<3136x32xf32, #tpu.memory_space<vmem_shared>>)
      tpu.yield
    }) : () -> ()
    %barrier3A_47 = arith.constant 0 : index
    tpu.barrier barrier_id(%barrier3A_47)
    %eq3A_48 = arith.constant 0 : i32
    %eq3A_49 = arith.cmpi eq, %arg0, %eq3A_48 : i32
    %convert_element_type3A_50 = arith.extui %eq3A_49 : i1 to i32
    %cond3A_51 = arith.constant 0 : i32
    %cond3A_52 = arith.cmpi ne, %convert_element_type3A_50, %cond3A_51 : i32
    scf.if %cond3A_52 {
      %scan3A = arith.constant 0 : i32
      %scan3A_95 = arith.constant 0 : i32
      %scan3A_96 = arith.constant 16 : i32
      %scan3A_97 = arith.addi %scan3A_95, %scan3A_96 : i32
      %scan3A_98 = arith.constant 1 : i32
      scf.for %scan3A_100 = %scan3A_95 to %scan3A_97 step %scan3A_98  : i32 {
        %mul3A_101 = arith.constant 80 : i32
        %mul3A_102 = arith.muli %arg1, %mul3A_101 : i32
        %mul3A_103 = arith.constant 5 : i32
        %mul3A_104 = arith.muli %scan3A_100, %mul3A_103 : i32
        %add3A = arith.addi %mul3A_102, %mul3A_104 : i32
        "tpu.region"() ({
          %run_scoped3A = tpu.sem_alloc : memref<!tpu.dma_semaphore, #tpu.memory_space<semaphore_mem>>
          %dma_start3A_303 = arith.constant 0 : i32
          %dma_start3A_304 = tpu.memref_slice %arg15[%add3A, %dma_start3A_303] : memref<1280x128xi32, #tpu.memory_space<hbm>> -> memref<5x128xi32, #tpu.memory_space<hbm>>
          %dma_start3A_305 = arith.constant 0 : i32
          %dma_start3A_306 = tpu.memref_slice %arg15[%add3A, %dma_start3A_305] : memref<1280x128xi32, #tpu.memory_space<hbm>> -> memref<5x128xi32, #tpu.memory_space<hbm>>
          tpu.enqueue_dma source(%dma_start3A_306 : memref<5x128xi32, #tpu.memory_space<hbm>>) target(%arg21 : memref<5x128xi32, #tpu.memory_space<vmem>>) target_semaphore(%run_scoped3A : memref<!tpu.dma_semaphore, #tpu.memory_space<semaphore_mem>>)
          %dma_wait3A_307 = arith.constant 0 : i32
          %dma_wait3A_308 = tpu.memref_slice %arg15[%add3A, %dma_wait3A_307] : memref<1280x128xi32, #tpu.memory_space<hbm>> -> memref<5x128xi32, #tpu.memory_space<hbm>>
          %dma_wait3A_309 = arith.constant 0 : i32
          %dma_wait3A_310 = tpu.memref_slice %arg15[%add3A, %dma_wait3A_309] : memref<1280x128xi32, #tpu.memory_space<hbm>> -> memref<5x128xi32, #tpu.memory_space<hbm>>
          tpu.wait_dma2 semaphore(%run_scoped3A : memref<!tpu.dma_semaphore, #tpu.memory_space<semaphore_mem>>) src(%dma_wait3A_310 : memref<5x128xi32, #tpu.memory_space<hbm>>) dst(%arg21 : memref<5x128xi32, #tpu.memory_space<vmem>>)
          tpu.yield
        }) : () -> ()
        "tpu.region"() ({
          %run_scoped3A = tpu.sem_alloc : memref<!tpu.dma_semaphore, #tpu.memory_space<semaphore_mem>>
          %dma_start3A_303 = arith.constant 0 : i32
          %dma_start3A_304 = tpu.memref_slice %arg16[%add3A, %dma_start3A_303] : memref<1280x128xi32, #tpu.memory_space<hbm>> -> memref<5x128xi32, #tpu.memory_space<hbm>>
          %dma_start3A_305 = arith.constant 0 : i32
          %dma_start3A_306 = tpu.memref_slice %arg16[%add3A, %dma_start3A_305] : memref<1280x128xi32, #tpu.memory_space<hbm>> -> memref<5x128xi32, #tpu.memory_space<hbm>>
          tpu.enqueue_dma source(%dma_start3A_306 : memref<5x128xi32, #tpu.memory_space<hbm>>) target(%arg22 : memref<5x128xi32, #tpu.memory_space<vmem>>) target_semaphore(%run_scoped3A : memref<!tpu.dma_semaphore, #tpu.memory_space<semaphore_mem>>)
          %dma_wait3A_307 = arith.constant 0 : i32
          %dma_wait3A_308 = tpu.memref_slice %arg16[%add3A, %dma_wait3A_307] : memref<1280x128xi32, #tpu.memory_space<hbm>> -> memref<5x128xi32, #tpu.memory_space<hbm>>
          %dma_wait3A_309 = arith.constant 0 : i32
          %dma_wait3A_310 = tpu.memref_slice %arg16[%add3A, %dma_wait3A_309] : memref<1280x128xi32, #tpu.memory_space<hbm>> -> memref<5x128xi32, #tpu.memory_space<hbm>>
          tpu.wait_dma2 semaphore(%run_scoped3A : memref<!tpu.dma_semaphore, #tpu.memory_space<semaphore_mem>>) src(%dma_wait3A_310 : memref<5x128xi32, #tpu.memory_space<hbm>>) dst(%arg22 : memref<5x128xi32, #tpu.memory_space<vmem>>)
          tpu.yield
        }) : () -> ()
        %dma_start3A = arith.constant 0 : i32
        %dma_start3A_105 = arith.constant 0 : i32
        %dma_start3A_106 = arith.constant 0 : i32
        %dma_start3A_107 = tpu.memref_slice %arg23[%dma_start3A_105, %dma_start3A_106] : memref<640x32xf32, #tpu.memory_space<vmem>> -> memref<128x32xf32, #tpu.memory_space<vmem>>
        %dma_start3A_108 = arith.constant 0 : i32
        %dma_start3A_109 = tpu.memref_slice %arg21[%dma_start3A, %dma_start3A_108] : memref<5x128xi32, #tpu.memory_space<vmem>> -> memref<1x128xi32, #tpu.memory_space<vmem>>
        %dma_start3A_110 = tpu.memref_squeeze %dma_start3A_109 : memref<1x128xi32, #tpu.memory_space<vmem>> -> memref<128xi32, #tpu.memory_space<vmem>>
        %dma_start3A_111 = arith.constant 0 : i32
        %dma_start3A_112 = arith.constant 0 : i32
        %dma_start3A_113 = tpu.memref_slice %arg7[%dma_start3A_111, %dma_start3A_112] : memref<10000x32xf32, #tpu.memory_space<hbm>> -> memref<10000x32xf32, #tpu.memory_space<hbm>>
        tpu.enqueue_indirect_dma source(%dma_start3A_113 : memref<10000x32xf32, #tpu.memory_space<hbm>>) target(%dma_start3A_107 : memref<128x32xf32, #tpu.memory_space<vmem>>) offsets(%dma_start3A_110 : memref<128xi32, #tpu.memory_space<vmem>>) semaphore(%arg25 : memref<!tpu.dma_semaphore, #tpu.memory_space<semaphore_mem>>)
        %dma_start3A_114 = arith.constant 1 : i32
        %dma_start3A_115 = arith.constant 128 : i32
        %dma_start3A_116 = arith.constant 0 : i32
        %dma_start3A_117 = tpu.memref_slice %arg23[%dma_start3A_115, %dma_start3A_116] : memref<640x32xf32, #tpu.memory_space<vmem>> -> memref<128x32xf32, #tpu.memory_space<vmem>>
        %dma_start3A_118 = arith.constant 0 : i32
        %dma_start3A_119 = tpu.memref_slice %arg21[%dma_start3A_114, %dma_start3A_118] : memref<5x128xi32, #tpu.memory_space<vmem>> -> memref<1x128xi32, #tpu.memory_space<vmem>>
        %dma_start3A_120 = tpu.memref_squeeze %dma_start3A_119 : memref<1x128xi32, #tpu.memory_space<vmem>> -> memref<128xi32, #tpu.memory_space<vmem>>
        %dma_start3A_121 = arith.constant 0 : i32
        %dma_start3A_122 = arith.constant 0 : i32
        %dma_start3A_123 = tpu.memref_slice %arg7[%dma_start3A_121, %dma_start3A_122] : memref<10000x32xf32, #tpu.memory_space<hbm>> -> memref<10000x32xf32, #tpu.memory_space<hbm>>
        tpu.enqueue_indirect_dma source(%dma_start3A_123 : memref<10000x32xf32, #tpu.memory_space<hbm>>) target(%dma_start3A_117 : memref<128x32xf32, #tpu.memory_space<vmem>>) offsets(%dma_start3A_120 : memref<128xi32, #tpu.memory_space<vmem>>) semaphore(%arg25 : memref<!tpu.dma_semaphore, #tpu.memory_space<semaphore_mem>>)
        %dma_start3A_124 = arith.constant 2 : i32
        %dma_start3A_125 = arith.constant 256 : i32
        %dma_start3A_126 = arith.constant 0 : i32
        %dma_start3A_127 = tpu.memref_slice %arg23[%dma_start3A_125, %dma_start3A_126] : memref<640x32xf32, #tpu.memory_space<vmem>> -> memref<128x32xf32, #tpu.memory_space<vmem>>
        %dma_start3A_128 = arith.constant 0 : i32
        %dma_start3A_129 = tpu.memref_slice %arg21[%dma_start3A_124, %dma_start3A_128] : memref<5x128xi32, #tpu.memory_space<vmem>> -> memref<1x128xi32, #tpu.memory_space<vmem>>
        %dma_start3A_130 = tpu.memref_squeeze %dma_start3A_129 : memref<1x128xi32, #tpu.memory_space<vmem>> -> memref<128xi32, #tpu.memory_space<vmem>>
        %dma_start3A_131 = arith.constant 0 : i32
        %dma_start3A_132 = arith.constant 0 : i32
        %dma_start3A_133 = tpu.memref_slice %arg7[%dma_start3A_131, %dma_start3A_132] : memref<10000x32xf32, #tpu.memory_space<hbm>> -> memref<10000x32xf32, #tpu.memory_space<hbm>>
        tpu.enqueue_indirect_dma source(%dma_start3A_133 : memref<10000x32xf32, #tpu.memory_space<hbm>>) target(%dma_start3A_127 : memref<128x32xf32, #tpu.memory_space<vmem>>) offsets(%dma_start3A_130 : memref<128xi32, #tpu.memory_space<vmem>>) semaphore(%arg25 : memref<!tpu.dma_semaphore, #tpu.memory_space<semaphore_mem>>)
        %dma_start3A_134 = arith.constant 3 : i32
        %dma_start3A_135 = arith.constant 384 : i32
        %dma_start3A_136 = arith.constant 0 : i32
        %dma_start3A_137 = tpu.memref_slice %arg23[%dma_start3A_135, %dma_start3A_136] : memref<640x32xf32, #tpu.memory_space<vmem>> -> memref<128x32xf32, #tpu.memory_space<vmem>>
        %dma_start3A_138 = arith.constant 0 : i32
        %dma_start3A_139 = tpu.memref_slice %arg21[%dma_start3A_134, %dma_start3A_138] : memref<5x128xi32, #tpu.memory_space<vmem>> -> memref<1x128xi32, #tpu.memory_space<vmem>>
        %dma_start3A_140 = tpu.memref_squeeze %dma_start3A_139 : memref<1x128xi32, #tpu.memory_space<vmem>> -> memref<128xi32, #tpu.memory_space<vmem>>
        %dma_start3A_141 = arith.constant 0 : i32
        %dma_start3A_142 = arith.constant 0 : i32
        %dma_start3A_143 = tpu.memref_slice %arg7[%dma_start3A_141, %dma_start3A_142] : memref<10000x32xf32, #tpu.memory_space<hbm>> -> memref<10000x32xf32, #tpu.memory_space<hbm>>
        tpu.enqueue_indirect_dma source(%dma_start3A_143 : memref<10000x32xf32, #tpu.memory_space<hbm>>) target(%dma_start3A_137 : memref<128x32xf32, #tpu.memory_space<vmem>>) offsets(%dma_start3A_140 : memref<128xi32, #tpu.memory_space<vmem>>) semaphore(%arg25 : memref<!tpu.dma_semaphore, #tpu.memory_space<semaphore_mem>>)
        %dma_start3A_144 = arith.constant 4 : i32
        %dma_start3A_145 = arith.constant 512 : i32
        %dma_start3A_146 = arith.constant 0 : i32
        %dma_start3A_147 = tpu.memref_slice %arg23[%dma_start3A_145, %dma_start3A_146] : memref<640x32xf32, #tpu.memory_space<vmem>> -> memref<128x32xf32, #tpu.memory_space<vmem>>
        %dma_start3A_148 = arith.constant 0 : i32
        %dma_start3A_149 = tpu.memref_slice %arg21[%dma_start3A_144, %dma_start3A_148] : memref<5x128xi32, #tpu.memory_space<vmem>> -> memref<1x128xi32, #tpu.memory_space<vmem>>
        %dma_start3A_150 = tpu.memref_squeeze %dma_start3A_149 : memref<1x128xi32, #tpu.memory_space<vmem>> -> memref<128xi32, #tpu.memory_space<vmem>>
        %dma_start3A_151 = arith.constant 0 : i32
        %dma_start3A_152 = arith.constant 0 : i32
        %dma_start3A_153 = tpu.memref_slice %arg7[%dma_start3A_151, %dma_start3A_152] : memref<10000x32xf32, #tpu.memory_space<hbm>> -> memref<10000x32xf32, #tpu.memory_space<hbm>>
        tpu.enqueue_indirect_dma source(%dma_start3A_153 : memref<10000x32xf32, #tpu.memory_space<hbm>>) target(%dma_start3A_147 : memref<128x32xf32, #tpu.memory_space<vmem>>) offsets(%dma_start3A_150 : memref<128xi32, #tpu.memory_space<vmem>>) semaphore(%arg25 : memref<!tpu.dma_semaphore, #tpu.memory_space<semaphore_mem>>)
        %dma_wait3A = arith.constant 0 : i32
        %dma_wait3A_154 = arith.constant 0 : i32
        %dma_wait3A_155 = arith.constant 0 : i32
        %dma_wait3A_156 = tpu.memref_slice %arg23[%dma_wait3A_154, %dma_wait3A_155] : memref<640x32xf32, #tpu.memory_space<vmem>> -> memref<128x32xf32, #tpu.memory_space<vmem>>
        %dma_wait3A_157 = arith.constant 0 : i32
        %dma_wait3A_158 = tpu.memref_slice %arg21[%dma_wait3A, %dma_wait3A_157] : memref<5x128xi32, #tpu.memory_space<vmem>> -> memref<1x128xi32, #tpu.memory_space<vmem>>
        %dma_wait3A_159 = tpu.memref_squeeze %dma_wait3A_158 : memref<1x128xi32, #tpu.memory_space<vmem>> -> memref<128xi32, #tpu.memory_space<vmem>>
        %dma_wait3A_160 = arith.constant 0 : i32
        %dma_wait3A_161 = arith.constant 0 : i32
        %dma_wait3A_162 = tpu.memref_slice %arg7[%dma_wait3A_160, %dma_wait3A_161] : memref<10000x32xf32, #tpu.memory_space<hbm>> -> memref<10000x32xf32, #tpu.memory_space<hbm>>
        tpu.wait_indirect_dma semaphore(%arg25 : memref<!tpu.dma_semaphore, #tpu.memory_space<semaphore_mem>>) src(%dma_wait3A_162 : memref<10000x32xf32, #tpu.memory_space<hbm>>) dst(%dma_wait3A_156 : memref<128x32xf32, #tpu.memory_space<vmem>>)
        %dma_wait3A_163 = arith.constant 1 : i32
        %dma_wait3A_164 = arith.constant 128 : i32
        %dma_wait3A_165 = arith.constant 0 : i32
        %dma_wait3A_166 = tpu.memref_slice %arg23[%dma_wait3A_164, %dma_wait3A_165] : memref<640x32xf32, #tpu.memory_space<vmem>> -> memref<128x32xf32, #tpu.memory_space<vmem>>
        %dma_wait3A_167 = arith.constant 0 : i32
        %dma_wait3A_168 = tpu.memref_slice %arg21[%dma_wait3A_163, %dma_wait3A_167] : memref<5x128xi32, #tpu.memory_space<vmem>> -> memref<1x128xi32, #tpu.memory_space<vmem>>
        %dma_wait3A_169 = tpu.memref_squeeze %dma_wait3A_168 : memref<1x128xi32, #tpu.memory_space<vmem>> -> memref<128xi32, #tpu.memory_space<vmem>>
        %dma_wait3A_170 = arith.constant 0 : i32
        %dma_wait3A_171 = arith.constant 0 : i32
        %dma_wait3A_172 = tpu.memref_slice %arg7[%dma_wait3A_170, %dma_wait3A_171] : memref<10000x32xf32, #tpu.memory_space<hbm>> -> memref<10000x32xf32, #tpu.memory_space<hbm>>
        tpu.wait_indirect_dma semaphore(%arg25 : memref<!tpu.dma_semaphore, #tpu.memory_space<semaphore_mem>>) src(%dma_wait3A_172 : memref<10000x32xf32, #tpu.memory_space<hbm>>) dst(%dma_wait3A_166 : memref<128x32xf32, #tpu.memory_space<vmem>>)
        %dma_wait3A_173 = arith.constant 2 : i32
        %dma_wait3A_174 = arith.constant 256 : i32
        %dma_wait3A_175 = arith.constant 0 : i32
        %dma_wait3A_176 = tpu.memref_slice %arg23[%dma_wait3A_174, %dma_wait3A_175] : memref<640x32xf32, #tpu.memory_space<vmem>> -> memref<128x32xf32, #tpu.memory_space<vmem>>
        %dma_wait3A_177 = arith.constant 0 : i32
        %dma_wait3A_178 = tpu.memref_slice %arg21[%dma_wait3A_173, %dma_wait3A_177] : memref<5x128xi32, #tpu.memory_space<vmem>> -> memref<1x128xi32, #tpu.memory_space<vmem>>
        %dma_wait3A_179 = tpu.memref_squeeze %dma_wait3A_178 : memref<1x128xi32, #tpu.memory_space<vmem>> -> memref<128xi32, #tpu.memory_space<vmem>>
        %dma_wait3A_180 = arith.constant 0 : i32
        %dma_wait3A_181 = arith.constant 0 : i32
        %dma_wait3A_182 = tpu.memref_slice %arg7[%dma_wait3A_180, %dma_wait3A_181] : memref<10000x32xf32, #tpu.memory_space<hbm>> -> memref<10000x32xf32, #tpu.memory_space<hbm>>
        tpu.wait_indirect_dma semaphore(%arg25 : memref<!tpu.dma_semaphore, #tpu.memory_space<semaphore_mem>>) src(%dma_wait3A_182 : memref<10000x32xf32, #tpu.memory_space<hbm>>) dst(%dma_wait3A_176 : memref<128x32xf32, #tpu.memory_space<vmem>>)
        %dma_wait3A_183 = arith.constant 3 : i32
        %dma_wait3A_184 = arith.constant 384 : i32
        %dma_wait3A_185 = arith.constant 0 : i32
        %dma_wait3A_186 = tpu.memref_slice %arg23[%dma_wait3A_184, %dma_wait3A_185] : memref<640x32xf32, #tpu.memory_space<vmem>> -> memref<128x32xf32, #tpu.memory_space<vmem>>
        %dma_wait3A_187 = arith.constant 0 : i32
        %dma_wait3A_188 = tpu.memref_slice %arg21[%dma_wait3A_183, %dma_wait3A_187] : memref<5x128xi32, #tpu.memory_space<vmem>> -> memref<1x128xi32, #tpu.memory_space<vmem>>
        %dma_wait3A_189 = tpu.memref_squeeze %dma_wait3A_188 : memref<1x128xi32, #tpu.memory_space<vmem>> -> memref<128xi32, #tpu.memory_space<vmem>>
        %dma_wait3A_190 = arith.constant 0 : i32
        %dma_wait3A_191 = arith.constant 0 : i32
        %dma_wait3A_192 = tpu.memref_slice %arg7[%dma_wait3A_190, %dma_wait3A_191] : memref<10000x32xf32, #tpu.memory_space<hbm>> -> memref<10000x32xf32, #tpu.memory_space<hbm>>
        tpu.wait_indirect_dma semaphore(%arg25 : memref<!tpu.dma_semaphore, #tpu.memory_space<semaphore_mem>>) src(%dma_wait3A_192 : memref<10000x32xf32, #tpu.memory_space<hbm>>) dst(%dma_wait3A_186 : memref<128x32xf32, #tpu.memory_space<vmem>>)
        %dma_wait3A_193 = arith.constant 4 : i32
        %dma_wait3A_194 = arith.constant 512 : i32
        %dma_wait3A_195 = arith.constant 0 : i32
        %dma_wait3A_196 = tpu.memref_slice %arg23[%dma_wait3A_194, %dma_wait3A_195] : memref<640x32xf32, #tpu.memory_space<vmem>> -> memref<128x32xf32, #tpu.memory_space<vmem>>
        %dma_wait3A_197 = arith.constant 0 : i32
        %dma_wait3A_198 = tpu.memref_slice %arg21[%dma_wait3A_193, %dma_wait3A_197] : memref<5x128xi32, #tpu.memory_space<vmem>> -> memref<1x128xi32, #tpu.memory_space<vmem>>
        %dma_wait3A_199 = tpu.memref_squeeze %dma_wait3A_198 : memref<1x128xi32, #tpu.memory_space<vmem>> -> memref<128xi32, #tpu.memory_space<vmem>>
        %dma_wait3A_200 = arith.constant 0 : i32
        %dma_wait3A_201 = arith.constant 0 : i32
        %dma_wait3A_202 = tpu.memref_slice %arg7[%dma_wait3A_200, %dma_wait3A_201] : memref<10000x32xf32, #tpu.memory_space<hbm>> -> memref<10000x32xf32, #tpu.memory_space<hbm>>
        tpu.wait_indirect_dma semaphore(%arg25 : memref<!tpu.dma_semaphore, #tpu.memory_space<semaphore_mem>>) src(%dma_wait3A_202 : memref<10000x32xf32, #tpu.memory_space<hbm>>) dst(%dma_wait3A_196 : memref<128x32xf32, #tpu.memory_space<vmem>>)
        %dma_start3A_203 = arith.constant 0 : i32
        %dma_start3A_204 = arith.constant 0 : i32
        %dma_start3A_205 = arith.constant 0 : i32
        %dma_start3A_206 = tpu.memref_slice %arg23[%dma_start3A_204, %dma_start3A_205] : memref<640x32xf32, #tpu.memory_space<vmem>> -> memref<128x32xf32, #tpu.memory_space<vmem>>
        %dma_start3A_207 = arith.constant 0 : i32
        %dma_start3A_208 = tpu.memref_slice %arg22[%dma_start3A_203, %dma_start3A_207] : memref<5x128xi32, #tpu.memory_space<vmem>> -> memref<1x128xi32, #tpu.memory_space<vmem>>
        %dma_start3A_209 = tpu.memref_squeeze %dma_start3A_208 : memref<1x128xi32, #tpu.memory_space<vmem>> -> memref<128xi32, #tpu.memory_space<vmem>>
        %dma_start3A_210 = arith.constant 0 : i32
        %dma_start3A_211 = arith.constant 0 : i32
        %dma_start3A_212 = tpu.memref_slice %arg24[%dma_start3A_210, %dma_start3A_211] : memref<50176x32xf32, #tpu.memory_space<vmem_shared>> -> memref<50176x32xf32, #tpu.memory_space<vmem_shared>>
        tpu.enqueue_indirect_dma source(%dma_start3A_206 : memref<128x32xf32, #tpu.memory_space<vmem>>) target(%dma_start3A_212 : memref<50176x32xf32, #tpu.memory_space<vmem_shared>>) offsets(%dma_start3A_209 : memref<128xi32, #tpu.memory_space<vmem>>) semaphore(%arg26 : memref<!tpu.dma_semaphore, #tpu.memory_space<semaphore_mem>>) {add = true}
        %dma_start3A_213 = arith.constant 1 : i32
        %dma_start3A_214 = arith.constant 128 : i32
        %dma_start3A_215 = arith.constant 0 : i32
        %dma_start3A_216 = tpu.memref_slice %arg23[%dma_start3A_214, %dma_start3A_215] : memref<640x32xf32, #tpu.memory_space<vmem>> -> memref<128x32xf32, #tpu.memory_space<vmem>>
        %dma_start3A_217 = arith.constant 0 : i32
        %dma_start3A_218 = tpu.memref_slice %arg22[%dma_start3A_213, %dma_start3A_217] : memref<5x128xi32, #tpu.memory_space<vmem>> -> memref<1x128xi32, #tpu.memory_space<vmem>>
        %dma_start3A_219 = tpu.memref_squeeze %dma_start3A_218 : memref<1x128xi32, #tpu.memory_space<vmem>> -> memref<128xi32, #tpu.memory_space<vmem>>
        %dma_start3A_220 = arith.constant 0 : i32
        %dma_start3A_221 = arith.constant 0 : i32
        %dma_start3A_222 = tpu.memref_slice %arg24[%dma_start3A_220, %dma_start3A_221] : memref<50176x32xf32, #tpu.memory_space<vmem_shared>> -> memref<50176x32xf32, #tpu.memory_space<vmem_shared>>
        tpu.enqueue_indirect_dma source(%dma_start3A_216 : memref<128x32xf32, #tpu.memory_space<vmem>>) target(%dma_start3A_222 : memref<50176x32xf32, #tpu.memory_space<vmem_shared>>) offsets(%dma_start3A_219 : memref<128xi32, #tpu.memory_space<vmem>>) semaphore(%arg26 : memref<!tpu.dma_semaphore, #tpu.memory_space<semaphore_mem>>) {add = true}
        %dma_start3A_223 = arith.constant 2 : i32
        %dma_start3A_224 = arith.constant 256 : i32
        %dma_start3A_225 = arith.constant 0 : i32
        %dma_start3A_226 = tpu.memref_slice %arg23[%dma_start3A_224, %dma_start3A_225] : memref<640x32xf32, #tpu.memory_space<vmem>> -> memref<128x32xf32, #tpu.memory_space<vmem>>
        %dma_start3A_227 = arith.constant 0 : i32
        %dma_start3A_228 = tpu.memref_slice %arg22[%dma_start3A_223, %dma_start3A_227] : memref<5x128xi32, #tpu.memory_space<vmem>> -> memref<1x128xi32, #tpu.memory_space<vmem>>
        %dma_start3A_229 = tpu.memref_squeeze %dma_start3A_228 : memref<1x128xi32, #tpu.memory_space<vmem>> -> memref<128xi32, #tpu.memory_space<vmem>>
        %dma_start3A_230 = arith.constant 0 : i32
        %dma_start3A_231 = arith.constant 0 : i32
        %dma_start3A_232 = tpu.memref_slice %arg24[%dma_start3A_230, %dma_start3A_231] : memref<50176x32xf32, #tpu.memory_space<vmem_shared>> -> memref<50176x32xf32, #tpu.memory_space<vmem_shared>>
        tpu.enqueue_indirect_dma source(%dma_start3A_226 : memref<128x32xf32, #tpu.memory_space<vmem>>) target(%dma_start3A_232 : memref<50176x32xf32, #tpu.memory_space<vmem_shared>>) offsets(%dma_start3A_229 : memref<128xi32, #tpu.memory_space<vmem>>) semaphore(%arg26 : memref<!tpu.dma_semaphore, #tpu.memory_space<semaphore_mem>>) {add = true}
        %dma_start3A_233 = arith.constant 3 : i32
        %dma_start3A_234 = arith.constant 384 : i32
        %dma_start3A_235 = arith.constant 0 : i32
        %dma_start3A_236 = tpu.memref_slice %arg23[%dma_start3A_234, %dma_start3A_235] : memref<640x32xf32, #tpu.memory_space<vmem>> -> memref<128x32xf32, #tpu.memory_space<vmem>>
        %dma_start3A_237 = arith.constant 0 : i32
        %dma_start3A_238 = tpu.memref_slice %arg22[%dma_start3A_233, %dma_start3A_237] : memref<5x128xi32, #tpu.memory_space<vmem>> -> memref<1x128xi32, #tpu.memory_space<vmem>>
        %dma_start3A_239 = tpu.memref_squeeze %dma_start3A_238 : memref<1x128xi32, #tpu.memory_space<vmem>> -> memref<128xi32, #tpu.memory_space<vmem>>
        %dma_start3A_240 = arith.constant 0 : i32
        %dma_start3A_241 = arith.constant 0 : i32
        %dma_start3A_242 = tpu.memref_slice %arg24[%dma_start3A_240, %dma_start3A_241] : memref<50176x32xf32, #tpu.memory_space<vmem_shared>> -> memref<50176x32xf32, #tpu.memory_space<vmem_shared>>
        tpu.enqueue_indirect_dma source(%dma_start3A_236 : memref<128x32xf32, #tpu.memory_space<vmem>>) target(%dma_start3A_242 : memref<50176x32xf32, #tpu.memory_space<vmem_shared>>) offsets(%dma_start3A_239 : memref<128xi32, #tpu.memory_space<vmem>>) semaphore(%arg26 : memref<!tpu.dma_semaphore, #tpu.memory_space<semaphore_mem>>) {add = true}
        %dma_start3A_243 = arith.constant 4 : i32
        %dma_start3A_244 = arith.constant 512 : i32
        %dma_start3A_245 = arith.constant 0 : i32
        %dma_start3A_246 = tpu.memref_slice %arg23[%dma_start3A_244, %dma_start3A_245] : memref<640x32xf32, #tpu.memory_space<vmem>> -> memref<128x32xf32, #tpu.memory_space<vmem>>
        %dma_start3A_247 = arith.constant 0 : i32
        %dma_start3A_248 = tpu.memref_slice %arg22[%dma_start3A_243, %dma_start3A_247] : memref<5x128xi32, #tpu.memory_space<vmem>> -> memref<1x128xi32, #tpu.memory_space<vmem>>
        %dma_start3A_249 = tpu.memref_squeeze %dma_start3A_248 : memref<1x128xi32, #tpu.memory_space<vmem>> -> memref<128xi32, #tpu.memory_space<vmem>>
        %dma_start3A_250 = arith.constant 0 : i32
        %dma_start3A_251 = arith.constant 0 : i32
        %dma_start3A_252 = tpu.memref_slice %arg24[%dma_start3A_250, %dma_start3A_251] : memref<50176x32xf32, #tpu.memory_space<vmem_shared>> -> memref<50176x32xf32, #tpu.memory_space<vmem_shared>>
        tpu.enqueue_indirect_dma source(%dma_start3A_246 : memref<128x32xf32, #tpu.memory_space<vmem>>) target(%dma_start3A_252 : memref<50176x32xf32, #tpu.memory_space<vmem_shared>>) offsets(%dma_start3A_249 : memref<128xi32, #tpu.memory_space<vmem>>) semaphore(%arg26 : memref<!tpu.dma_semaphore, #tpu.memory_space<semaphore_mem>>) {add = true}
        %dma_wait3A_253 = arith.constant 0 : i32
        %dma_wait3A_254 = arith.constant 0 : i32
        %dma_wait3A_255 = arith.constant 0 : i32
        %dma_wait3A_256 = tpu.memref_slice %arg23[%dma_wait3A_254, %dma_wait3A_255] : memref<640x32xf32, #tpu.memory_space<vmem>> -> memref<128x32xf32, #tpu.memory_space<vmem>>
        %dma_wait3A_257 = arith.constant 0 : i32
        %dma_wait3A_258 = tpu.memref_slice %arg22[%dma_wait3A_253, %dma_wait3A_257] : memref<5x128xi32, #tpu.memory_space<vmem>> -> memref<1x128xi32, #tpu.memory_space<vmem>>
        %dma_wait3A_259 = tpu.memref_squeeze %dma_wait3A_258 : memref<1x128xi32, #tpu.memory_space<vmem>> -> memref<128xi32, #tpu.memory_space<vmem>>
        %dma_wait3A_260 = arith.constant 0 : i32
        %dma_wait3A_261 = arith.constant 0 : i32
        %dma_wait3A_262 = tpu.memref_slice %arg24[%dma_wait3A_260, %dma_wait3A_261] : memref<50176x32xf32, #tpu.memory_space<vmem_shared>> -> memref<50176x32xf32, #tpu.memory_space<vmem_shared>>
        tpu.wait_indirect_dma semaphore(%arg26 : memref<!tpu.dma_semaphore, #tpu.memory_space<semaphore_mem>>) src(%dma_wait3A_256 : memref<128x32xf32, #tpu.memory_space<vmem>>) dst(%dma_wait3A_262 : memref<50176x32xf32, #tpu.memory_space<vmem_shared>>)
        %dma_wait3A_263 = arith.constant 1 : i32
        %dma_wait3A_264 = arith.constant 128 : i32
        %dma_wait3A_265 = arith.constant 0 : i32
        %dma_wait3A_266 = tpu.memref_slice %arg23[%dma_wait3A_264, %dma_wait3A_265] : memref<640x32xf32, #tpu.memory_space<vmem>> -> memref<128x32xf32, #tpu.memory_space<vmem>>
        %dma_wait3A_267 = arith.constant 0 : i32
        %dma_wait3A_268 = tpu.memref_slice %arg22[%dma_wait3A_263, %dma_wait3A_267] : memref<5x128xi32, #tpu.memory_space<vmem>> -> memref<1x128xi32, #tpu.memory_space<vmem>>
        %dma_wait3A_269 = tpu.memref_squeeze %dma_wait3A_268 : memref<1x128xi32, #tpu.memory_space<vmem>> -> memref<128xi32, #tpu.memory_space<vmem>>
        %dma_wait3A_270 = arith.constant 0 : i32
        %dma_wait3A_271 = arith.constant 0 : i32
        %dma_wait3A_272 = tpu.memref_slice %arg24[%dma_wait3A_270, %dma_wait3A_271] : memref<50176x32xf32, #tpu.memory_space<vmem_shared>> -> memref<50176x32xf32, #tpu.memory_space<vmem_shared>>
        tpu.wait_indirect_dma semaphore(%arg26 : memref<!tpu.dma_semaphore, #tpu.memory_space<semaphore_mem>>) src(%dma_wait3A_266 : memref<128x32xf32, #tpu.memory_space<vmem>>) dst(%dma_wait3A_272 : memref<50176x32xf32, #tpu.memory_space<vmem_shared>>)
        %dma_wait3A_273 = arith.constant 2 : i32
        %dma_wait3A_274 = arith.constant 256 : i32
        %dma_wait3A_275 = arith.constant 0 : i32
        %dma_wait3A_276 = tpu.memref_slice %arg23[%dma_wait3A_274, %dma_wait3A_275] : memref<640x32xf32, #tpu.memory_space<vmem>> -> memref<128x32xf32, #tpu.memory_space<vmem>>
        %dma_wait3A_277 = arith.constant 0 : i32
        %dma_wait3A_278 = tpu.memref_slice %arg22[%dma_wait3A_273, %dma_wait3A_277] : memref<5x128xi32, #tpu.memory_space<vmem>> -> memref<1x128xi32, #tpu.memory_space<vmem>>
        %dma_wait3A_279 = tpu.memref_squeeze %dma_wait3A_278 : memref<1x128xi32, #tpu.memory_space<vmem>> -> memref<128xi32, #tpu.memory_space<vmem>>
        %dma_wait3A_280 = arith.constant 0 : i32
        %dma_wait3A_281 = arith.constant 0 : i32
        %dma_wait3A_282 = tpu.memref_slice %arg24[%dma_wait3A_280, %dma_wait3A_281] : memref<50176x32xf32, #tpu.memory_space<vmem_shared>> -> memref<50176x32xf32, #tpu.memory_space<vmem_shared>>
        tpu.wait_indirect_dma semaphore(%arg26 : memref<!tpu.dma_semaphore, #tpu.memory_space<semaphore_mem>>) src(%dma_wait3A_276 : memref<128x32xf32, #tpu.memory_space<vmem>>) dst(%dma_wait3A_282 : memref<50176x32xf32, #tpu.memory_space<vmem_shared>>)
        %dma_wait3A_283 = arith.constant 3 : i32
        %dma_wait3A_284 = arith.constant 384 : i32
        %dma_wait3A_285 = arith.constant 0 : i32
        %dma_wait3A_286 = tpu.memref_slice %arg23[%dma_wait3A_284, %dma_wait3A_285] : memref<640x32xf32, #tpu.memory_space<vmem>> -> memref<128x32xf32, #tpu.memory_space<vmem>>
        %dma_wait3A_287 = arith.constant 0 : i32
        %dma_wait3A_288 = tpu.memref_slice %arg22[%dma_wait3A_283, %dma_wait3A_287] : memref<5x128xi32, #tpu.memory_space<vmem>> -> memref<1x128xi32, #tpu.memory_space<vmem>>
        %dma_wait3A_289 = tpu.memref_squeeze %dma_wait3A_288 : memref<1x128xi32, #tpu.memory_space<vmem>> -> memref<128xi32, #tpu.memory_space<vmem>>
        %dma_wait3A_290 = arith.constant 0 : i32
        %dma_wait3A_291 = arith.constant 0 : i32
        %dma_wait3A_292 = tpu.memref_slice %arg24[%dma_wait3A_290, %dma_wait3A_291] : memref<50176x32xf32, #tpu.memory_space<vmem_shared>> -> memref<50176x32xf32, #tpu.memory_space<vmem_shared>>
        tpu.wait_indirect_dma semaphore(%arg26 : memref<!tpu.dma_semaphore, #tpu.memory_space<semaphore_mem>>) src(%dma_wait3A_286 : memref<128x32xf32, #tpu.memory_space<vmem>>) dst(%dma_wait3A_292 : memref<50176x32xf32, #tpu.memory_space<vmem_shared>>)
        %dma_wait3A_293 = arith.constant 4 : i32
        %dma_wait3A_294 = arith.constant 512 : i32
        %dma_wait3A_295 = arith.constant 0 : i32
        %dma_wait3A_296 = tpu.memref_slice %arg23[%dma_wait3A_294, %dma_wait3A_295] : memref<640x32xf32, #tpu.memory_space<vmem>> -> memref<128x32xf32, #tpu.memory_space<vmem>>
        %dma_wait3A_297 = arith.constant 0 : i32
        %dma_wait3A_298 = tpu.memref_slice %arg22[%dma_wait3A_293, %dma_wait3A_297] : memref<5x128xi32, #tpu.memory_space<vmem>> -> memref<1x128xi32, #tpu.memory_space<vmem>>
        %dma_wait3A_299 = tpu.memref_squeeze %dma_wait3A_298 : memref<1x128xi32, #tpu.memory_space<vmem>> -> memref<128xi32, #tpu.memory_space<vmem>>
        %dma_wait3A_300 = arith.constant 0 : i32
        %dma_wait3A_301 = arith.constant 0 : i32
        %dma_wait3A_302 = tpu.memref_slice %arg24[%dma_wait3A_300, %dma_wait3A_301] : memref<50176x32xf32, #tpu.memory_space<vmem_shared>> -> memref<50176x32xf32, #tpu.memory_space<vmem_shared>>
        tpu.wait_indirect_dma semaphore(%arg26 : memref<!tpu.dma_semaphore, #tpu.memory_space<semaphore_mem>>) src(%dma_wait3A_296 : memref<128x32xf32, #tpu.memory_space<vmem>>) dst(%dma_wait3A_302 : memref<50176x32xf32, #tpu.memory_space<vmem_shared>>)
      }
      %scan3A_99 = arith.constant 16 : i32
    } else {
    }
    %eq3A_53 = arith.constant 1 : i32
    %eq3A_54 = arith.cmpi eq, %arg0, %eq3A_53 : i32
    %convert_element_type3A_55 = arith.extui %eq3A_54 : i1 to i32
    %cond3A_56 = arith.constant 0 : i32
    %cond3A_57 = arith.cmpi ne, %convert_element_type3A_55, %cond3A_56 : i32
    scf.if %cond3A_57 {
      %scan3A = arith.constant 0 : i32
      %scan3A_95 = arith.constant 0 : i32
      %scan3A_96 = arith.constant 16 : i32
      %scan3A_97 = arith.addi %scan3A_95, %scan3A_96 : i32
      %scan3A_98 = arith.constant 1 : i32
      scf.for %scan3A_100 = %scan3A_95 to %scan3A_97 step %scan3A_98  : i32 {
        %mul3A_101 = arith.constant 80 : i32
        %mul3A_102 = arith.muli %arg1, %mul3A_101 : i32
        %mul3A_103 = arith.constant 5 : i32
        %mul3A_104 = arith.muli %scan3A_100, %mul3A_103 : i32
        %add3A = arith.addi %mul3A_102, %mul3A_104 : i32
        "tpu.region"() ({
          %run_scoped3A = tpu.sem_alloc : memref<!tpu.dma_semaphore, #tpu.memory_space<semaphore_mem>>
          %dma_start3A_303 = arith.constant 0 : i32
          %dma_start3A_304 = tpu.memref_slice %arg15[%add3A, %dma_start3A_303] : memref<1280x128xi32, #tpu.memory_space<hbm>> -> memref<5x128xi32, #tpu.memory_space<hbm>>
          %dma_start3A_305 = arith.constant 0 : i32
          %dma_start3A_306 = tpu.memref_slice %arg15[%add3A, %dma_start3A_305] : memref<1280x128xi32, #tpu.memory_space<hbm>> -> memref<5x128xi32, #tpu.memory_space<hbm>>
          tpu.enqueue_dma source(%dma_start3A_306 : memref<5x128xi32, #tpu.memory_space<hbm>>) target(%arg21 : memref<5x128xi32, #tpu.memory_space<vmem>>) target_semaphore(%run_scoped3A : memref<!tpu.dma_semaphore, #tpu.memory_space<semaphore_mem>>)
          %dma_wait3A_307 = arith.constant 0 : i32
          %dma_wait3A_308 = tpu.memref_slice %arg15[%add3A, %dma_wait3A_307] : memref<1280x128xi32, #tpu.memory_space<hbm>> -> memref<5x128xi32, #tpu.memory_space<hbm>>
          %dma_wait3A_309 = arith.constant 0 : i32
          %dma_wait3A_310 = tpu.memref_slice %arg15[%add3A, %dma_wait3A_309] : memref<1280x128xi32, #tpu.memory_space<hbm>> -> memref<5x128xi32, #tpu.memory_space<hbm>>
          tpu.wait_dma2 semaphore(%run_scoped3A : memref<!tpu.dma_semaphore, #tpu.memory_space<semaphore_mem>>) src(%dma_wait3A_310 : memref<5x128xi32, #tpu.memory_space<hbm>>) dst(%arg21 : memref<5x128xi32, #tpu.memory_space<vmem>>)
          tpu.yield
        }) : () -> ()
        "tpu.region"() ({
          %run_scoped3A = tpu.sem_alloc : memref<!tpu.dma_semaphore, #tpu.memory_space<semaphore_mem>>
          %dma_start3A_303 = arith.constant 0 : i32
          %dma_start3A_304 = tpu.memref_slice %arg16[%add3A, %dma_start3A_303] : memref<1280x128xi32, #tpu.memory_space<hbm>> -> memref<5x128xi32, #tpu.memory_space<hbm>>
          %dma_start3A_305 = arith.constant 0 : i32
          %dma_start3A_306 = tpu.memref_slice %arg16[%add3A, %dma_start3A_305] : memref<1280x128xi32, #tpu.memory_space<hbm>> -> memref<5x128xi32, #tpu.memory_space<hbm>>
          tpu.enqueue_dma source(%dma_start3A_306 : memref<5x128xi32, #tpu.memory_space<hbm>>) target(%arg22 : memref<5x128xi32, #tpu.memory_space<vmem>>) target_semaphore(%run_scoped3A : memref<!tpu.dma_semaphore, #tpu.memory_space<semaphore_mem>>)
          %dma_wait3A_307 = arith.constant 0 : i32
          %dma_wait3A_308 = tpu.memref_slice %arg16[%add3A, %dma_wait3A_307] : memref<1280x128xi32, #tpu.memory_space<hbm>> -> memref<5x128xi32, #tpu.memory_space<hbm>>
          %dma_wait3A_309 = arith.constant 0 : i32
          %dma_wait3A_310 = tpu.memref_slice %arg16[%add3A, %dma_wait3A_309] : memref<1280x128xi32, #tpu.memory_space<hbm>> -> memref<5x128xi32, #tpu.memory_space<hbm>>
          tpu.wait_dma2 semaphore(%run_scoped3A : memref<!tpu.dma_semaphore, #tpu.memory_space<semaphore_mem>>) src(%dma_wait3A_310 : memref<5x128xi32, #tpu.memory_space<hbm>>) dst(%arg22 : memref<5x128xi32, #tpu.memory_space<vmem>>)
          tpu.yield
        }) : () -> ()
        %dma_start3A = arith.constant 0 : i32
        %dma_start3A_105 = arith.constant 0 : i32
        %dma_start3A_106 = arith.constant 0 : i32
        %dma_start3A_107 = tpu.memref_slice %arg23[%dma_start3A_105, %dma_start3A_106] : memref<640x32xf32, #tpu.memory_space<vmem>> -> memref<128x32xf32, #tpu.memory_space<vmem>>
        %dma_start3A_108 = arith.constant 0 : i32
        %dma_start3A_109 = tpu.memref_slice %arg21[%dma_start3A, %dma_start3A_108] : memref<5x128xi32, #tpu.memory_space<vmem>> -> memref<1x128xi32, #tpu.memory_space<vmem>>
        %dma_start3A_110 = tpu.memref_squeeze %dma_start3A_109 : memref<1x128xi32, #tpu.memory_space<vmem>> -> memref<128xi32, #tpu.memory_space<vmem>>
        %dma_start3A_111 = arith.constant 0 : i32
        %dma_start3A_112 = arith.constant 0 : i32
        %dma_start3A_113 = tpu.memref_slice %arg8[%dma_start3A_111, %dma_start3A_112] : memref<10000x32xf32, #tpu.memory_space<hbm>> -> memref<10000x32xf32, #tpu.memory_space<hbm>>
        tpu.enqueue_indirect_dma source(%dma_start3A_113 : memref<10000x32xf32, #tpu.memory_space<hbm>>) target(%dma_start3A_107 : memref<128x32xf32, #tpu.memory_space<vmem>>) offsets(%dma_start3A_110 : memref<128xi32, #tpu.memory_space<vmem>>) semaphore(%arg25 : memref<!tpu.dma_semaphore, #tpu.memory_space<semaphore_mem>>)
        %dma_start3A_114 = arith.constant 1 : i32
        %dma_start3A_115 = arith.constant 128 : i32
        %dma_start3A_116 = arith.constant 0 : i32
        %dma_start3A_117 = tpu.memref_slice %arg23[%dma_start3A_115, %dma_start3A_116] : memref<640x32xf32, #tpu.memory_space<vmem>> -> memref<128x32xf32, #tpu.memory_space<vmem>>
        %dma_start3A_118 = arith.constant 0 : i32
        %dma_start3A_119 = tpu.memref_slice %arg21[%dma_start3A_114, %dma_start3A_118] : memref<5x128xi32, #tpu.memory_space<vmem>> -> memref<1x128xi32, #tpu.memory_space<vmem>>
        %dma_start3A_120 = tpu.memref_squeeze %dma_start3A_119 : memref<1x128xi32, #tpu.memory_space<vmem>> -> memref<128xi32, #tpu.memory_space<vmem>>
        %dma_start3A_121 = arith.constant 0 : i32
        %dma_start3A_122 = arith.constant 0 : i32
        %dma_start3A_123 = tpu.memref_slice %arg8[%dma_start3A_121, %dma_start3A_122] : memref<10000x32xf32, #tpu.memory_space<hbm>> -> memref<10000x32xf32, #tpu.memory_space<hbm>>
        tpu.enqueue_indirect_dma source(%dma_start3A_123 : memref<10000x32xf32, #tpu.memory_space<hbm>>) target(%dma_start3A_117 : memref<128x32xf32, #tpu.memory_space<vmem>>) offsets(%dma_start3A_120 : memref<128xi32, #tpu.memory_space<vmem>>) semaphore(%arg25 : memref<!tpu.dma_semaphore, #tpu.memory_space<semaphore_mem>>)
        %dma_start3A_124 = arith.constant 2 : i32
        %dma_start3A_125 = arith.constant 256 : i32
        %dma_start3A_126 = arith.constant 0 : i32
        %dma_start3A_127 = tpu.memref_slice %arg23[%dma_start3A_125, %dma_start3A_126] : memref<640x32xf32, #tpu.memory_space<vmem>> -> memref<128x32xf32, #tpu.memory_space<vmem>>
        %dma_start3A_128 = arith.constant 0 : i32
        %dma_start3A_129 = tpu.memref_slice %arg21[%dma_start3A_124, %dma_start3A_128] : memref<5x128xi32, #tpu.memory_space<vmem>> -> memref<1x128xi32, #tpu.memory_space<vmem>>
        %dma_start3A_130 = tpu.memref_squeeze %dma_start3A_129 : memref<1x128xi32, #tpu.memory_space<vmem>> -> memref<128xi32, #tpu.memory_space<vmem>>
        %dma_start3A_131 = arith.constant 0 : i32
        %dma_start3A_132 = arith.constant 0 : i32
        %dma_start3A_133 = tpu.memref_slice %arg8[%dma_start3A_131, %dma_start3A_132] : memref<10000x32xf32, #tpu.memory_space<hbm>> -> memref<10000x32xf32, #tpu.memory_space<hbm>>
        tpu.enqueue_indirect_dma source(%dma_start3A_133 : memref<10000x32xf32, #tpu.memory_space<hbm>>) target(%dma_start3A_127 : memref<128x32xf32, #tpu.memory_space<vmem>>) offsets(%dma_start3A_130 : memref<128xi32, #tpu.memory_space<vmem>>) semaphore(%arg25 : memref<!tpu.dma_semaphore, #tpu.memory_space<semaphore_mem>>)
        %dma_start3A_134 = arith.constant 3 : i32
        %dma_start3A_135 = arith.constant 384 : i32
        %dma_start3A_136 = arith.constant 0 : i32
        %dma_start3A_137 = tpu.memref_slice %arg23[%dma_start3A_135, %dma_start3A_136] : memref<640x32xf32, #tpu.memory_space<vmem>> -> memref<128x32xf32, #tpu.memory_space<vmem>>
        %dma_start3A_138 = arith.constant 0 : i32
        %dma_start3A_139 = tpu.memref_slice %arg21[%dma_start3A_134, %dma_start3A_138] : memref<5x128xi32, #tpu.memory_space<vmem>> -> memref<1x128xi32, #tpu.memory_space<vmem>>
        %dma_start3A_140 = tpu.memref_squeeze %dma_start3A_139 : memref<1x128xi32, #tpu.memory_space<vmem>> -> memref<128xi32, #tpu.memory_space<vmem>>
        %dma_start3A_141 = arith.constant 0 : i32
        %dma_start3A_142 = arith.constant 0 : i32
        %dma_start3A_143 = tpu.memref_slice %arg8[%dma_start3A_141, %dma_start3A_142] : memref<10000x32xf32, #tpu.memory_space<hbm>> -> memref<10000x32xf32, #tpu.memory_space<hbm>>
        tpu.enqueue_indirect_dma source(%dma_start3A_143 : memref<10000x32xf32, #tpu.memory_space<hbm>>) target(%dma_start3A_137 : memref<128x32xf32, #tpu.memory_space<vmem>>) offsets(%dma_start3A_140 : memref<128xi32, #tpu.memory_space<vmem>>) semaphore(%arg25 : memref<!tpu.dma_semaphore, #tpu.memory_space<semaphore_mem>>)
        %dma_start3A_144 = arith.constant 4 : i32
        %dma_start3A_145 = arith.constant 512 : i32
        %dma_start3A_146 = arith.constant 0 : i32
        %dma_start3A_147 = tpu.memref_slice %arg23[%dma_start3A_145, %dma_start3A_146] : memref<640x32xf32, #tpu.memory_space<vmem>> -> memref<128x32xf32, #tpu.memory_space<vmem>>
        %dma_start3A_148 = arith.constant 0 : i32
        %dma_start3A_149 = tpu.memref_slice %arg21[%dma_start3A_144, %dma_start3A_148] : memref<5x128xi32, #tpu.memory_space<vmem>> -> memref<1x128xi32, #tpu.memory_space<vmem>>
        %dma_start3A_150 = tpu.memref_squeeze %dma_start3A_149 : memref<1x128xi32, #tpu.memory_space<vmem>> -> memref<128xi32, #tpu.memory_space<vmem>>
        %dma_start3A_151 = arith.constant 0 : i32
        %dma_start3A_152 = arith.constant 0 : i32
        %dma_start3A_153 = tpu.memref_slice %arg8[%dma_start3A_151, %dma_start3A_152] : memref<10000x32xf32, #tpu.memory_space<hbm>> -> memref<10000x32xf32, #tpu.memory_space<hbm>>
        tpu.enqueue_indirect_dma source(%dma_start3A_153 : memref<10000x32xf32, #tpu.memory_space<hbm>>) target(%dma_start3A_147 : memref<128x32xf32, #tpu.memory_space<vmem>>) offsets(%dma_start3A_150 : memref<128xi32, #tpu.memory_space<vmem>>) semaphore(%arg25 : memref<!tpu.dma_semaphore, #tpu.memory_space<semaphore_mem>>)
        %dma_wait3A = arith.constant 0 : i32
        %dma_wait3A_154 = arith.constant 0 : i32
        %dma_wait3A_155 = arith.constant 0 : i32
        %dma_wait3A_156 = tpu.memref_slice %arg23[%dma_wait3A_154, %dma_wait3A_155] : memref<640x32xf32, #tpu.memory_space<vmem>> -> memref<128x32xf32, #tpu.memory_space<vmem>>
        %dma_wait3A_157 = arith.constant 0 : i32
        %dma_wait3A_158 = tpu.memref_slice %arg21[%dma_wait3A, %dma_wait3A_157] : memref<5x128xi32, #tpu.memory_space<vmem>> -> memref<1x128xi32, #tpu.memory_space<vmem>>
        %dma_wait3A_159 = tpu.memref_squeeze %dma_wait3A_158 : memref<1x128xi32, #tpu.memory_space<vmem>> -> memref<128xi32, #tpu.memory_space<vmem>>
        %dma_wait3A_160 = arith.constant 0 : i32
        %dma_wait3A_161 = arith.constant 0 : i32
        %dma_wait3A_162 = tpu.memref_slice %arg8[%dma_wait3A_160, %dma_wait3A_161] : memref<10000x32xf32, #tpu.memory_space<hbm>> -> memref<10000x32xf32, #tpu.memory_space<hbm>>
        tpu.wait_indirect_dma semaphore(%arg25 : memref<!tpu.dma_semaphore, #tpu.memory_space<semaphore_mem>>) src(%dma_wait3A_162 : memref<10000x32xf32, #tpu.memory_space<hbm>>) dst(%dma_wait3A_156 : memref<128x32xf32, #tpu.memory_space<vmem>>)
        %dma_wait3A_163 = arith.constant 1 : i32
        %dma_wait3A_164 = arith.constant 128 : i32
        %dma_wait3A_165 = arith.constant 0 : i32
        %dma_wait3A_166 = tpu.memref_slice %arg23[%dma_wait3A_164, %dma_wait3A_165] : memref<640x32xf32, #tpu.memory_space<vmem>> -> memref<128x32xf32, #tpu.memory_space<vmem>>
        %dma_wait3A_167 = arith.constant 0 : i32
        %dma_wait3A_168 = tpu.memref_slice %arg21[%dma_wait3A_163, %dma_wait3A_167] : memref<5x128xi32, #tpu.memory_space<vmem>> -> memref<1x128xi32, #tpu.memory_space<vmem>>
        %dma_wait3A_169 = tpu.memref_squeeze %dma_wait3A_168 : memref<1x128xi32, #tpu.memory_space<vmem>> -> memref<128xi32, #tpu.memory_space<vmem>>
        %dma_wait3A_170 = arith.constant 0 : i32
        %dma_wait3A_171 = arith.constant 0 : i32
        %dma_wait3A_172 = tpu.memref_slice %arg8[%dma_wait3A_170, %dma_wait3A_171] : memref<10000x32xf32, #tpu.memory_space<hbm>> -> memref<10000x32xf32, #tpu.memory_space<hbm>>
        tpu.wait_indirect_dma semaphore(%arg25 : memref<!tpu.dma_semaphore, #tpu.memory_space<semaphore_mem>>) src(%dma_wait3A_172 : memref<10000x32xf32, #tpu.memory_space<hbm>>) dst(%dma_wait3A_166 : memref<128x32xf32, #tpu.memory_space<vmem>>)
        %dma_wait3A_173 = arith.constant 2 : i32
        %dma_wait3A_174 = arith.constant 256 : i32
        %dma_wait3A_175 = arith.constant 0 : i32
        %dma_wait3A_176 = tpu.memref_slice %arg23[%dma_wait3A_174, %dma_wait3A_175] : memref<640x32xf32, #tpu.memory_space<vmem>> -> memref<128x32xf32, #tpu.memory_space<vmem>>
        %dma_wait3A_177 = arith.constant 0 : i32
        %dma_wait3A_178 = tpu.memref_slice %arg21[%dma_wait3A_173, %dma_wait3A_177] : memref<5x128xi32, #tpu.memory_space<vmem>> -> memref<1x128xi32, #tpu.memory_space<vmem>>
        %dma_wait3A_179 = tpu.memref_squeeze %dma_wait3A_178 : memref<1x128xi32, #tpu.memory_space<vmem>> -> memref<128xi32, #tpu.memory_space<vmem>>
        %dma_wait3A_180 = arith.constant 0 : i32
        %dma_wait3A_181 = arith.constant 0 : i32
        %dma_wait3A_182 = tpu.memref_slice %arg8[%dma_wait3A_180, %dma_wait3A_181] : memref<10000x32xf32, #tpu.memory_space<hbm>> -> memref<10000x32xf32, #tpu.memory_space<hbm>>
        tpu.wait_indirect_dma semaphore(%arg25 : memref<!tpu.dma_semaphore, #tpu.memory_space<semaphore_mem>>) src(%dma_wait3A_182 : memref<10000x32xf32, #tpu.memory_space<hbm>>) dst(%dma_wait3A_176 : memref<128x32xf32, #tpu.memory_space<vmem>>)
        %dma_wait3A_183 = arith.constant 3 : i32
        %dma_wait3A_184 = arith.constant 384 : i32
        %dma_wait3A_185 = arith.constant 0 : i32
        %dma_wait3A_186 = tpu.memref_slice %arg23[%dma_wait3A_184, %dma_wait3A_185] : memref<640x32xf32, #tpu.memory_space<vmem>> -> memref<128x32xf32, #tpu.memory_space<vmem>>
        %dma_wait3A_187 = arith.constant 0 : i32
        %dma_wait3A_188 = tpu.memref_slice %arg21[%dma_wait3A_183, %dma_wait3A_187] : memref<5x128xi32, #tpu.memory_space<vmem>> -> memref<1x128xi32, #tpu.memory_space<vmem>>
        %dma_wait3A_189 = tpu.memref_squeeze %dma_wait3A_188 : memref<1x128xi32, #tpu.memory_space<vmem>> -> memref<128xi32, #tpu.memory_space<vmem>>
        %dma_wait3A_190 = arith.constant 0 : i32
        %dma_wait3A_191 = arith.constant 0 : i32
        %dma_wait3A_192 = tpu.memref_slice %arg8[%dma_wait3A_190, %dma_wait3A_191] : memref<10000x32xf32, #tpu.memory_space<hbm>> -> memref<10000x32xf32, #tpu.memory_space<hbm>>
        tpu.wait_indirect_dma semaphore(%arg25 : memref<!tpu.dma_semaphore, #tpu.memory_space<semaphore_mem>>) src(%dma_wait3A_192 : memref<10000x32xf32, #tpu.memory_space<hbm>>) dst(%dma_wait3A_186 : memref<128x32xf32, #tpu.memory_space<vmem>>)
        %dma_wait3A_193 = arith.constant 4 : i32
        %dma_wait3A_194 = arith.constant 512 : i32
        %dma_wait3A_195 = arith.constant 0 : i32
        %dma_wait3A_196 = tpu.memref_slice %arg23[%dma_wait3A_194, %dma_wait3A_195] : memref<640x32xf32, #tpu.memory_space<vmem>> -> memref<128x32xf32, #tpu.memory_space<vmem>>
        %dma_wait3A_197 = arith.constant 0 : i32
        %dma_wait3A_198 = tpu.memref_slice %arg21[%dma_wait3A_193, %dma_wait3A_197] : memref<5x128xi32, #tpu.memory_space<vmem>> -> memref<1x128xi32, #tpu.memory_space<vmem>>
        %dma_wait3A_199 = tpu.memref_squeeze %dma_wait3A_198 : memref<1x128xi32, #tpu.memory_space<vmem>> -> memref<128xi32, #tpu.memory_space<vmem>>
        %dma_wait3A_200 = arith.constant 0 : i32
        %dma_wait3A_201 = arith.constant 0 : i32
        %dma_wait3A_202 = tpu.memref_slice %arg8[%dma_wait3A_200, %dma_wait3A_201] : memref<10000x32xf32, #tpu.memory_space<hbm>> -> memref<10000x32xf32, #tpu.memory_space<hbm>>
        tpu.wait_indirect_dma semaphore(%arg25 : memref<!tpu.dma_semaphore, #tpu.memory_space<semaphore_mem>>) src(%dma_wait3A_202 : memref<10000x32xf32, #tpu.memory_space<hbm>>) dst(%dma_wait3A_196 : memref<128x32xf32, #tpu.memory_space<vmem>>)
        %dma_start3A_203 = arith.constant 0 : i32
        %dma_start3A_204 = arith.constant 0 : i32
        %dma_start3A_205 = arith.constant 0 : i32
        %dma_start3A_206 = tpu.memref_slice %arg23[%dma_start3A_204, %dma_start3A_205] : memref<640x32xf32, #tpu.memory_space<vmem>> -> memref<128x32xf32, #tpu.memory_space<vmem>>
        %dma_start3A_207 = arith.constant 0 : i32
        %dma_start3A_208 = tpu.memref_slice %arg22[%dma_start3A_203, %dma_start3A_207] : memref<5x128xi32, #tpu.memory_space<vmem>> -> memref<1x128xi32, #tpu.memory_space<vmem>>
        %dma_start3A_209 = tpu.memref_squeeze %dma_start3A_208 : memref<1x128xi32, #tpu.memory_space<vmem>> -> memref<128xi32, #tpu.memory_space<vmem>>
        %dma_start3A_210 = arith.constant 0 : i32
        %dma_start3A_211 = arith.constant 0 : i32
        %dma_start3A_212 = tpu.memref_slice %arg24[%dma_start3A_210, %dma_start3A_211] : memref<50176x32xf32, #tpu.memory_space<vmem_shared>> -> memref<50176x32xf32, #tpu.memory_space<vmem_shared>>
        tpu.enqueue_indirect_dma source(%dma_start3A_206 : memref<128x32xf32, #tpu.memory_space<vmem>>) target(%dma_start3A_212 : memref<50176x32xf32, #tpu.memory_space<vmem_shared>>) offsets(%dma_start3A_209 : memref<128xi32, #tpu.memory_space<vmem>>) semaphore(%arg26 : memref<!tpu.dma_semaphore, #tpu.memory_space<semaphore_mem>>) {add = true}
        %dma_start3A_213 = arith.constant 1 : i32
        %dma_start3A_214 = arith.constant 128 : i32
        %dma_start3A_215 = arith.constant 0 : i32
        %dma_start3A_216 = tpu.memref_slice %arg23[%dma_start3A_214, %dma_start3A_215] : memref<640x32xf32, #tpu.memory_space<vmem>> -> memref<128x32xf32, #tpu.memory_space<vmem>>
        %dma_start3A_217 = arith.constant 0 : i32
        %dma_start3A_218 = tpu.memref_slice %arg22[%dma_start3A_213, %dma_start3A_217] : memref<5x128xi32, #tpu.memory_space<vmem>> -> memref<1x128xi32, #tpu.memory_space<vmem>>
        %dma_start3A_219 = tpu.memref_squeeze %dma_start3A_218 : memref<1x128xi32, #tpu.memory_space<vmem>> -> memref<128xi32, #tpu.memory_space<vmem>>
        %dma_start3A_220 = arith.constant 0 : i32
        %dma_start3A_221 = arith.constant 0 : i32
        %dma_start3A_222 = tpu.memref_slice %arg24[%dma_start3A_220, %dma_start3A_221] : memref<50176x32xf32, #tpu.memory_space<vmem_shared>> -> memref<50176x32xf32, #tpu.memory_space<vmem_shared>>
        tpu.enqueue_indirect_dma source(%dma_start3A_216 : memref<128x32xf32, #tpu.memory_space<vmem>>) target(%dma_start3A_222 : memref<50176x32xf32, #tpu.memory_space<vmem_shared>>) offsets(%dma_start3A_219 : memref<128xi32, #tpu.memory_space<vmem>>) semaphore(%arg26 : memref<!tpu.dma_semaphore, #tpu.memory_space<semaphore_mem>>) {add = true}
        %dma_start3A_223 = arith.constant 2 : i32
        %dma_start3A_224 = arith.constant 256 : i32
        %dma_start3A_225 = arith.constant 0 : i32
        %dma_start3A_226 = tpu.memref_slice %arg23[%dma_start3A_224, %dma_start3A_225] : memref<640x32xf32, #tpu.memory_space<vmem>> -> memref<128x32xf32, #tpu.memory_space<vmem>>
        %dma_start3A_227 = arith.constant 0 : i32
        %dma_start3A_228 = tpu.memref_slice %arg22[%dma_start3A_223, %dma_start3A_227] : memref<5x128xi32, #tpu.memory_space<vmem>> -> memref<1x128xi32, #tpu.memory_space<vmem>>
        %dma_start3A_229 = tpu.memref_squeeze %dma_start3A_228 : memref<1x128xi32, #tpu.memory_space<vmem>> -> memref<128xi32, #tpu.memory_space<vmem>>
        %dma_start3A_230 = arith.constant 0 : i32
        %dma_start3A_231 = arith.constant 0 : i32
        %dma_start3A_232 = tpu.memref_slice %arg24[%dma_start3A_230, %dma_start3A_231] : memref<50176x32xf32, #tpu.memory_space<vmem_shared>> -> memref<50176x32xf32, #tpu.memory_space<vmem_shared>>
        tpu.enqueue_indirect_dma source(%dma_start3A_226 : memref<128x32xf32, #tpu.memory_space<vmem>>) target(%dma_start3A_232 : memref<50176x32xf32, #tpu.memory_space<vmem_shared>>) offsets(%dma_start3A_229 : memref<128xi32, #tpu.memory_space<vmem>>) semaphore(%arg26 : memref<!tpu.dma_semaphore, #tpu.memory_space<semaphore_mem>>) {add = true}
        %dma_start3A_233 = arith.constant 3 : i32
        %dma_start3A_234 = arith.constant 384 : i32
        %dma_start3A_235 = arith.constant 0 : i32
        %dma_start3A_236 = tpu.memref_slice %arg23[%dma_start3A_234, %dma_start3A_235] : memref<640x32xf32, #tpu.memory_space<vmem>> -> memref<128x32xf32, #tpu.memory_space<vmem>>
        %dma_start3A_237 = arith.constant 0 : i32
        %dma_start3A_238 = tpu.memref_slice %arg22[%dma_start3A_233, %dma_start3A_237] : memref<5x128xi32, #tpu.memory_space<vmem>> -> memref<1x128xi32, #tpu.memory_space<vmem>>
        %dma_start3A_239 = tpu.memref_squeeze %dma_start3A_238 : memref<1x128xi32, #tpu.memory_space<vmem>> -> memref<128xi32, #tpu.memory_space<vmem>>
        %dma_start3A_240 = arith.constant 0 : i32
        %dma_start3A_241 = arith.constant 0 : i32
        %dma_start3A_242 = tpu.memref_slice %arg24[%dma_start3A_240, %dma_start3A_241] : memref<50176x32xf32, #tpu.memory_space<vmem_shared>> -> memref<50176x32xf32, #tpu.memory_space<vmem_shared>>
        tpu.enqueue_indirect_dma source(%dma_start3A_236 : memref<128x32xf32, #tpu.memory_space<vmem>>) target(%dma_start3A_242 : memref<50176x32xf32, #tpu.memory_space<vmem_shared>>) offsets(%dma_start3A_239 : memref<128xi32, #tpu.memory_space<vmem>>) semaphore(%arg26 : memref<!tpu.dma_semaphore, #tpu.memory_space<semaphore_mem>>) {add = true}
        %dma_start3A_243 = arith.constant 4 : i32
        %dma_start3A_244 = arith.constant 512 : i32
        %dma_start3A_245 = arith.constant 0 : i32
        %dma_start3A_246 = tpu.memref_slice %arg23[%dma_start3A_244, %dma_start3A_245] : memref<640x32xf32, #tpu.memory_space<vmem>> -> memref<128x32xf32, #tpu.memory_space<vmem>>
        %dma_start3A_247 = arith.constant 0 : i32
        %dma_start3A_248 = tpu.memref_slice %arg22[%dma_start3A_243, %dma_start3A_247] : memref<5x128xi32, #tpu.memory_space<vmem>> -> memref<1x128xi32, #tpu.memory_space<vmem>>
        %dma_start3A_249 = tpu.memref_squeeze %dma_start3A_248 : memref<1x128xi32, #tpu.memory_space<vmem>> -> memref<128xi32, #tpu.memory_space<vmem>>
        %dma_start3A_250 = arith.constant 0 : i32
        %dma_start3A_251 = arith.constant 0 : i32
        %dma_start3A_252 = tpu.memref_slice %arg24[%dma_start3A_250, %dma_start3A_251] : memref<50176x32xf32, #tpu.memory_space<vmem_shared>> -> memref<50176x32xf32, #tpu.memory_space<vmem_shared>>
        tpu.enqueue_indirect_dma source(%dma_start3A_246 : memref<128x32xf32, #tpu.memory_space<vmem>>) target(%dma_start3A_252 : memref<50176x32xf32, #tpu.memory_space<vmem_shared>>) offsets(%dma_start3A_249 : memref<128xi32, #tpu.memory_space<vmem>>) semaphore(%arg26 : memref<!tpu.dma_semaphore, #tpu.memory_space<semaphore_mem>>) {add = true}
        %dma_wait3A_253 = arith.constant 0 : i32
        %dma_wait3A_254 = arith.constant 0 : i32
        %dma_wait3A_255 = arith.constant 0 : i32
        %dma_wait3A_256 = tpu.memref_slice %arg23[%dma_wait3A_254, %dma_wait3A_255] : memref<640x32xf32, #tpu.memory_space<vmem>> -> memref<128x32xf32, #tpu.memory_space<vmem>>
        %dma_wait3A_257 = arith.constant 0 : i32
        %dma_wait3A_258 = tpu.memref_slice %arg22[%dma_wait3A_253, %dma_wait3A_257] : memref<5x128xi32, #tpu.memory_space<vmem>> -> memref<1x128xi32, #tpu.memory_space<vmem>>
        %dma_wait3A_259 = tpu.memref_squeeze %dma_wait3A_258 : memref<1x128xi32, #tpu.memory_space<vmem>> -> memref<128xi32, #tpu.memory_space<vmem>>
        %dma_wait3A_260 = arith.constant 0 : i32
        %dma_wait3A_261 = arith.constant 0 : i32
        %dma_wait3A_262 = tpu.memref_slice %arg24[%dma_wait3A_260, %dma_wait3A_261] : memref<50176x32xf32, #tpu.memory_space<vmem_shared>> -> memref<50176x32xf32, #tpu.memory_space<vmem_shared>>
        tpu.wait_indirect_dma semaphore(%arg26 : memref<!tpu.dma_semaphore, #tpu.memory_space<semaphore_mem>>) src(%dma_wait3A_256 : memref<128x32xf32, #tpu.memory_space<vmem>>) dst(%dma_wait3A_262 : memref<50176x32xf32, #tpu.memory_space<vmem_shared>>)
        %dma_wait3A_263 = arith.constant 1 : i32
        %dma_wait3A_264 = arith.constant 128 : i32
        %dma_wait3A_265 = arith.constant 0 : i32
        %dma_wait3A_266 = tpu.memref_slice %arg23[%dma_wait3A_264, %dma_wait3A_265] : memref<640x32xf32, #tpu.memory_space<vmem>> -> memref<128x32xf32, #tpu.memory_space<vmem>>
        %dma_wait3A_267 = arith.constant 0 : i32
        %dma_wait3A_268 = tpu.memref_slice %arg22[%dma_wait3A_263, %dma_wait3A_267] : memref<5x128xi32, #tpu.memory_space<vmem>> -> memref<1x128xi32, #tpu.memory_space<vmem>>
        %dma_wait3A_269 = tpu.memref_squeeze %dma_wait3A_268 : memref<1x128xi32, #tpu.memory_space<vmem>> -> memref<128xi32, #tpu.memory_space<vmem>>
        %dma_wait3A_270 = arith.constant 0 : i32
        %dma_wait3A_271 = arith.constant 0 : i32
        %dma_wait3A_272 = tpu.memref_slice %arg24[%dma_wait3A_270, %dma_wait3A_271] : memref<50176x32xf32, #tpu.memory_space<vmem_shared>> -> memref<50176x32xf32, #tpu.memory_space<vmem_shared>>
        tpu.wait_indirect_dma semaphore(%arg26 : memref<!tpu.dma_semaphore, #tpu.memory_space<semaphore_mem>>) src(%dma_wait3A_266 : memref<128x32xf32, #tpu.memory_space<vmem>>) dst(%dma_wait3A_272 : memref<50176x32xf32, #tpu.memory_space<vmem_shared>>)
        %dma_wait3A_273 = arith.constant 2 : i32
        %dma_wait3A_274 = arith.constant 256 : i32
        %dma_wait3A_275 = arith.constant 0 : i32
        %dma_wait3A_276 = tpu.memref_slice %arg23[%dma_wait3A_274, %dma_wait3A_275] : memref<640x32xf32, #tpu.memory_space<vmem>> -> memref<128x32xf32, #tpu.memory_space<vmem>>
        %dma_wait3A_277 = arith.constant 0 : i32
        %dma_wait3A_278 = tpu.memref_slice %arg22[%dma_wait3A_273, %dma_wait3A_277] : memref<5x128xi32, #tpu.memory_space<vmem>> -> memref<1x128xi32, #tpu.memory_space<vmem>>
        %dma_wait3A_279 = tpu.memref_squeeze %dma_wait3A_278 : memref<1x128xi32, #tpu.memory_space<vmem>> -> memref<128xi32, #tpu.memory_space<vmem>>
        %dma_wait3A_280 = arith.constant 0 : i32
        %dma_wait3A_281 = arith.constant 0 : i32
        %dma_wait3A_282 = tpu.memref_slice %arg24[%dma_wait3A_280, %dma_wait3A_281] : memref<50176x32xf32, #tpu.memory_space<vmem_shared>> -> memref<50176x32xf32, #tpu.memory_space<vmem_shared>>
        tpu.wait_indirect_dma semaphore(%arg26 : memref<!tpu.dma_semaphore, #tpu.memory_space<semaphore_mem>>) src(%dma_wait3A_276 : memref<128x32xf32, #tpu.memory_space<vmem>>) dst(%dma_wait3A_282 : memref<50176x32xf32, #tpu.memory_space<vmem_shared>>)
        %dma_wait3A_283 = arith.constant 3 : i32
        %dma_wait3A_284 = arith.constant 384 : i32
        %dma_wait3A_285 = arith.constant 0 : i32
        %dma_wait3A_286 = tpu.memref_slice %arg23[%dma_wait3A_284, %dma_wait3A_285] : memref<640x32xf32, #tpu.memory_space<vmem>> -> memref<128x32xf32, #tpu.memory_space<vmem>>
        %dma_wait3A_287 = arith.constant 0 : i32
        %dma_wait3A_288 = tpu.memref_slice %arg22[%dma_wait3A_283, %dma_wait3A_287] : memref<5x128xi32, #tpu.memory_space<vmem>> -> memref<1x128xi32, #tpu.memory_space<vmem>>
        %dma_wait3A_289 = tpu.memref_squeeze %dma_wait3A_288 : memref<1x128xi32, #tpu.memory_space<vmem>> -> memref<128xi32, #tpu.memory_space<vmem>>
        %dma_wait3A_290 = arith.constant 0 : i32
        %dma_wait3A_291 = arith.constant 0 : i32
        %dma_wait3A_292 = tpu.memref_slice %arg24[%dma_wait3A_290, %dma_wait3A_291] : memref<50176x32xf32, #tpu.memory_space<vmem_shared>> -> memref<50176x32xf32, #tpu.memory_space<vmem_shared>>
        tpu.wait_indirect_dma semaphore(%arg26 : memref<!tpu.dma_semaphore, #tpu.memory_space<semaphore_mem>>) src(%dma_wait3A_286 : memref<128x32xf32, #tpu.memory_space<vmem>>) dst(%dma_wait3A_292 : memref<50176x32xf32, #tpu.memory_space<vmem_shared>>)
        %dma_wait3A_293 = arith.constant 4 : i32
        %dma_wait3A_294 = arith.constant 512 : i32
        %dma_wait3A_295 = arith.constant 0 : i32
        %dma_wait3A_296 = tpu.memref_slice %arg23[%dma_wait3A_294, %dma_wait3A_295] : memref<640x32xf32, #tpu.memory_space<vmem>> -> memref<128x32xf32, #tpu.memory_space<vmem>>
        %dma_wait3A_297 = arith.constant 0 : i32
        %dma_wait3A_298 = tpu.memref_slice %arg22[%dma_wait3A_293, %dma_wait3A_297] : memref<5x128xi32, #tpu.memory_space<vmem>> -> memref<1x128xi32, #tpu.memory_space<vmem>>
        %dma_wait3A_299 = tpu.memref_squeeze %dma_wait3A_298 : memref<1x128xi32, #tpu.memory_space<vmem>> -> memref<128xi32, #tpu.memory_space<vmem>>
        %dma_wait3A_300 = arith.constant 0 : i32
        %dma_wait3A_301 = arith.constant 0 : i32
        %dma_wait3A_302 = tpu.memref_slice %arg24[%dma_wait3A_300, %dma_wait3A_301] : memref<50176x32xf32, #tpu.memory_space<vmem_shared>> -> memref<50176x32xf32, #tpu.memory_space<vmem_shared>>
        tpu.wait_indirect_dma semaphore(%arg26 : memref<!tpu.dma_semaphore, #tpu.memory_space<semaphore_mem>>) src(%dma_wait3A_296 : memref<128x32xf32, #tpu.memory_space<vmem>>) dst(%dma_wait3A_302 : memref<50176x32xf32, #tpu.memory_space<vmem_shared>>)
      }
      %scan3A_99 = arith.constant 16 : i32
    } else {
    }
    %barrier3A_58 = arith.constant 0 : index
    tpu.barrier barrier_id(%barrier3A_58)
    %eq3A_59 = arith.constant 0 : i32
    %eq3A_60 = arith.cmpi eq, %arg0, %eq3A_59 : i32
    %convert_element_type3A_61 = arith.extui %eq3A_60 : i1 to i32
    %cond3A_62 = arith.constant 0 : i32
    %cond3A_63 = arith.cmpi ne, %convert_element_type3A_61, %cond3A_62 : i32
    scf.if %cond3A_63 {
      "tpu.region"() ({
        %run_scoped3A = tpu.sem_alloc : memref<!tpu.dma_semaphore, #tpu.memory_space<semaphore_mem>>
        %dma_start3A = arith.constant 0 : i32
        %dma_start3A_95 = tpu.memref_slice %arg20[%mul3A_46, %dma_start3A] : memref<50176x128xf32, #tpu.memory_space<hbm>> -> memref<3136x32xf32, #tpu.memory_space<hbm>>
        %dma_start3A_96 = arith.constant 0 : i32
        %dma_start3A_97 = tpu.memref_slice %arg24[%mul3A_46, %dma_start3A_96] : memref<50176x32xf32, #tpu.memory_space<vmem_shared>> -> memref<3136x32xf32, #tpu.memory_space<vmem_shared>>
        tpu.enqueue_dma source(%dma_start3A_97 : memref<3136x32xf32, #tpu.memory_space<vmem_shared>>) target(%dma_start3A_95 : memref<3136x32xf32, #tpu.memory_space<hbm>>) target_semaphore(%run_scoped3A : memref<!tpu.dma_semaphore, #tpu.memory_space<semaphore_mem>>)
        %dma_wait3A = arith.constant 0 : i32
        %dma_wait3A_98 = tpu.memref_slice %arg20[%mul3A_46, %dma_wait3A] : memref<50176x128xf32, #tpu.memory_space<hbm>> -> memref<3136x32xf32, #tpu.memory_space<hbm>>
        %dma_wait3A_99 = arith.constant 0 : i32
        %dma_wait3A_100 = tpu.memref_slice %arg24[%mul3A_46, %dma_wait3A_99] : memref<50176x32xf32, #tpu.memory_space<vmem_shared>> -> memref<3136x32xf32, #tpu.memory_space<vmem_shared>>
        tpu.wait_dma2 semaphore(%run_scoped3A : memref<!tpu.dma_semaphore, #tpu.memory_space<semaphore_mem>>) src(%dma_wait3A_100 : memref<3136x32xf32, #tpu.memory_space<vmem_shared>>) dst(%dma_wait3A_98 : memref<3136x32xf32, #tpu.memory_space<hbm>>)
        tpu.yield
      }) : () -> ()
    } else {
    }
    %eq3A_64 = arith.constant 1 : i32
    %eq3A_65 = arith.cmpi eq, %arg0, %eq3A_64 : i32
    %convert_element_type3A_66 = arith.extui %eq3A_65 : i1 to i32
    %cond3A_67 = arith.constant 0 : i32
    %cond3A_68 = arith.cmpi ne, %convert_element_type3A_66, %cond3A_67 : i32
    scf.if %cond3A_68 {
      "tpu.region"() ({
        %run_scoped3A = tpu.sem_alloc : memref<!tpu.dma_semaphore, #tpu.memory_space<semaphore_mem>>
        %dma_start3A = arith.constant 32 : i32
        %dma_start3A_95 = tpu.memref_slice %arg20[%mul3A_46, %dma_start3A] : memref<50176x128xf32, #tpu.memory_space<hbm>> -> memref<3136x32xf32, #tpu.memory_space<hbm>>
        %dma_start3A_96 = arith.constant 0 : i32
        %dma_start3A_97 = tpu.memref_slice %arg24[%mul3A_46, %dma_start3A_96] : memref<50176x32xf32, #tpu.memory_space<vmem_shared>> -> memref<3136x32xf32, #tpu.memory_space<vmem_shared>>
        tpu.enqueue_dma source(%dma_start3A_97 : memref<3136x32xf32, #tpu.memory_space<vmem_shared>>) target(%dma_start3A_95 : memref<3136x32xf32, #tpu.memory_space<hbm>>) target_semaphore(%run_scoped3A : memref<!tpu.dma_semaphore, #tpu.memory_space<semaphore_mem>>)
        %dma_wait3A = arith.constant 32 : i32
        %dma_wait3A_98 = tpu.memref_slice %arg20[%mul3A_46, %dma_wait3A] : memref<50176x128xf32, #tpu.memory_space<hbm>> -> memref<3136x32xf32, #tpu.memory_space<hbm>>
        %dma_wait3A_99 = arith.constant 0 : i32
        %dma_wait3A_100 = tpu.memref_slice %arg24[%mul3A_46, %dma_wait3A_99] : memref<50176x32xf32, #tpu.memory_space<vmem_shared>> -> memref<3136x32xf32, #tpu.memory_space<vmem_shared>>
        tpu.wait_dma2 semaphore(%run_scoped3A : memref<!tpu.dma_semaphore, #tpu.memory_space<semaphore_mem>>) src(%dma_wait3A_100 : memref<3136x32xf32, #tpu.memory_space<vmem_shared>>) dst(%dma_wait3A_98 : memref<3136x32xf32, #tpu.memory_space<hbm>>)
        tpu.yield
      }) : () -> ()
    } else {
    }
    %barrier3A_69 = arith.constant 0 : index
    tpu.barrier barrier_id(%barrier3A_69)
    %mul3A_70 = arith.constant 3136 : i32
    %mul3A_71 = arith.muli %arg1, %mul3A_70 : i32
    "tpu.region"() ({
      %run_scoped3A = tpu.sem_alloc : memref<!tpu.dma_semaphore, #tpu.memory_space<semaphore_mem>>
      %dma_start3A = arith.constant 0 : i32
      %dma_start3A_95 = tpu.memref_slice %arg24[%mul3A_71, %dma_start3A] : memref<50176x32xf32, #tpu.memory_space<vmem_shared>> -> memref<3136x32xf32, #tpu.memory_space<vmem_shared>>
      %dma_start3A_96 = arith.constant 0 : i32
      %dma_start3A_97 = tpu.memref_slice %arg2[%mul3A_71, %dma_start3A_96] : memref<50176x32xf32, #tpu.memory_space<hbm>> -> memref<3136x32xf32, #tpu.memory_space<hbm>>
      tpu.enqueue_dma source(%dma_start3A_97 : memref<3136x32xf32, #tpu.memory_space<hbm>>) target(%dma_start3A_95 : memref<3136x32xf32, #tpu.memory_space<vmem_shared>>) target_semaphore(%run_scoped3A : memref<!tpu.dma_semaphore, #tpu.memory_space<semaphore_mem>>)
      %dma_wait3A = arith.constant 0 : i32
      %dma_wait3A_98 = tpu.memref_slice %arg24[%mul3A_71, %dma_wait3A] : memref<50176x32xf32, #tpu.memory_space<vmem_shared>> -> memref<3136x32xf32, #tpu.memory_space<vmem_shared>>
      %dma_wait3A_99 = arith.constant 0 : i32
      %dma_wait3A_100 = tpu.memref_slice %arg2[%mul3A_71, %dma_wait3A_99] : memref<50176x32xf32, #tpu.memory_space<hbm>> -> memref<3136x32xf32, #tpu.memory_space<hbm>>
      tpu.wait_dma2 semaphore(%run_scoped3A : memref<!tpu.dma_semaphore, #tpu.memory_space<semaphore_mem>>) src(%dma_wait3A_100 : memref<3136x32xf32, #tpu.memory_space<hbm>>) dst(%dma_wait3A_98 : memref<3136x32xf32, #tpu.memory_space<vmem_shared>>)
      tpu.yield
    }) : () -> ()
    %barrier3A_72 = arith.constant 0 : index
    tpu.barrier barrier_id(%barrier3A_72)
    %eq3A_73 = arith.constant 0 : i32
    %eq3A_74 = arith.cmpi eq, %arg0, %eq3A_73 : i32
    %convert_element_type3A_75 = arith.extui %eq3A_74 : i1 to i32
    %cond3A_76 = arith.constant 0 : i32
    %cond3A_77 = arith.cmpi ne, %convert_element_type3A_75, %cond3A_76 : i32
    scf.if %cond3A_77 {
      %scan3A = arith.constant 0 : i32
      %scan3A_95 = arith.constant 0 : i32
      %scan3A_96 = arith.constant 16 : i32
      %scan3A_97 = arith.addi %scan3A_95, %scan3A_96 : i32
      %scan3A_98 = arith.constant 1 : i32
      scf.for %scan3A_100 = %scan3A_95 to %scan3A_97 step %scan3A_98  : i32 {
        %mul3A_101 = arith.constant 80 : i32
        %mul3A_102 = arith.muli %arg1, %mul3A_101 : i32
        %mul3A_103 = arith.constant 5 : i32
        %mul3A_104 = arith.muli %scan3A_100, %mul3A_103 : i32
        %add3A = arith.addi %mul3A_102, %mul3A_104 : i32
        "tpu.region"() ({
          %run_scoped3A = tpu.sem_alloc : memref<!tpu.dma_semaphore, #tpu.memory_space<semaphore_mem>>
          %dma_start3A_303 = arith.constant 0 : i32
          %dma_start3A_304 = tpu.memref_slice %arg17[%add3A, %dma_start3A_303] : memref<1280x128xi32, #tpu.memory_space<hbm>> -> memref<5x128xi32, #tpu.memory_space<hbm>>
          %dma_start3A_305 = arith.constant 0 : i32
          %dma_start3A_306 = tpu.memref_slice %arg17[%add3A, %dma_start3A_305] : memref<1280x128xi32, #tpu.memory_space<hbm>> -> memref<5x128xi32, #tpu.memory_space<hbm>>
          tpu.enqueue_dma source(%dma_start3A_306 : memref<5x128xi32, #tpu.memory_space<hbm>>) target(%arg21 : memref<5x128xi32, #tpu.memory_space<vmem>>) target_semaphore(%run_scoped3A : memref<!tpu.dma_semaphore, #tpu.memory_space<semaphore_mem>>)
          %dma_wait3A_307 = arith.constant 0 : i32
          %dma_wait3A_308 = tpu.memref_slice %arg17[%add3A, %dma_wait3A_307] : memref<1280x128xi32, #tpu.memory_space<hbm>> -> memref<5x128xi32, #tpu.memory_space<hbm>>
          %dma_wait3A_309 = arith.constant 0 : i32
          %dma_wait3A_310 = tpu.memref_slice %arg17[%add3A, %dma_wait3A_309] : memref<1280x128xi32, #tpu.memory_space<hbm>> -> memref<5x128xi32, #tpu.memory_space<hbm>>
          tpu.wait_dma2 semaphore(%run_scoped3A : memref<!tpu.dma_semaphore, #tpu.memory_space<semaphore_mem>>) src(%dma_wait3A_310 : memref<5x128xi32, #tpu.memory_space<hbm>>) dst(%arg21 : memref<5x128xi32, #tpu.memory_space<vmem>>)
          tpu.yield
        }) : () -> ()
        "tpu.region"() ({
          %run_scoped3A = tpu.sem_alloc : memref<!tpu.dma_semaphore, #tpu.memory_space<semaphore_mem>>
          %dma_start3A_303 = arith.constant 0 : i32
          %dma_start3A_304 = tpu.memref_slice %arg18[%add3A, %dma_start3A_303] : memref<1280x128xi32, #tpu.memory_space<hbm>> -> memref<5x128xi32, #tpu.memory_space<hbm>>
          %dma_start3A_305 = arith.constant 0 : i32
          %dma_start3A_306 = tpu.memref_slice %arg18[%add3A, %dma_start3A_305] : memref<1280x128xi32, #tpu.memory_space<hbm>> -> memref<5x128xi32, #tpu.memory_space<hbm>>
          tpu.enqueue_dma source(%dma_start3A_306 : memref<5x128xi32, #tpu.memory_space<hbm>>) target(%arg22 : memref<5x128xi32, #tpu.memory_space<vmem>>) target_semaphore(%run_scoped3A : memref<!tpu.dma_semaphore, #tpu.memory_space<semaphore_mem>>)
          %dma_wait3A_307 = arith.constant 0 : i32
          %dma_wait3A_308 = tpu.memref_slice %arg18[%add3A, %dma_wait3A_307] : memref<1280x128xi32, #tpu.memory_space<hbm>> -> memref<5x128xi32, #tpu.memory_space<hbm>>
          %dma_wait3A_309 = arith.constant 0 : i32
          %dma_wait3A_310 = tpu.memref_slice %arg18[%add3A, %dma_wait3A_309] : memref<1280x128xi32, #tpu.memory_space<hbm>> -> memref<5x128xi32, #tpu.memory_space<hbm>>
          tpu.wait_dma2 semaphore(%run_scoped3A : memref<!tpu.dma_semaphore, #tpu.memory_space<semaphore_mem>>) src(%dma_wait3A_310 : memref<5x128xi32, #tpu.memory_space<hbm>>) dst(%arg22 : memref<5x128xi32, #tpu.memory_space<vmem>>)
          tpu.yield
        }) : () -> ()
        %dma_start3A = arith.constant 0 : i32
        %dma_start3A_105 = arith.constant 0 : i32
        %dma_start3A_106 = arith.constant 0 : i32
        %dma_start3A_107 = tpu.memref_slice %arg23[%dma_start3A_105, %dma_start3A_106] : memref<640x32xf32, #tpu.memory_space<vmem>> -> memref<128x32xf32, #tpu.memory_space<vmem>>
        %dma_start3A_108 = arith.constant 0 : i32
        %dma_start3A_109 = tpu.memref_slice %arg21[%dma_start3A, %dma_start3A_108] : memref<5x128xi32, #tpu.memory_space<vmem>> -> memref<1x128xi32, #tpu.memory_space<vmem>>
        %dma_start3A_110 = tpu.memref_squeeze %dma_start3A_109 : memref<1x128xi32, #tpu.memory_space<vmem>> -> memref<128xi32, #tpu.memory_space<vmem>>
        %dma_start3A_111 = arith.constant 0 : i32
        %dma_start3A_112 = arith.constant 0 : i32
        %dma_start3A_113 = tpu.memref_slice %arg9[%dma_start3A_111, %dma_start3A_112] : memref<50000x32xf32, #tpu.memory_space<hbm>> -> memref<50000x32xf32, #tpu.memory_space<hbm>>
        tpu.enqueue_indirect_dma source(%dma_start3A_113 : memref<50000x32xf32, #tpu.memory_space<hbm>>) target(%dma_start3A_107 : memref<128x32xf32, #tpu.memory_space<vmem>>) offsets(%dma_start3A_110 : memref<128xi32, #tpu.memory_space<vmem>>) semaphore(%arg25 : memref<!tpu.dma_semaphore, #tpu.memory_space<semaphore_mem>>)
        %dma_start3A_114 = arith.constant 1 : i32
        %dma_start3A_115 = arith.constant 128 : i32
        %dma_start3A_116 = arith.constant 0 : i32
        %dma_start3A_117 = tpu.memref_slice %arg23[%dma_start3A_115, %dma_start3A_116] : memref<640x32xf32, #tpu.memory_space<vmem>> -> memref<128x32xf32, #tpu.memory_space<vmem>>
        %dma_start3A_118 = arith.constant 0 : i32
        %dma_start3A_119 = tpu.memref_slice %arg21[%dma_start3A_114, %dma_start3A_118] : memref<5x128xi32, #tpu.memory_space<vmem>> -> memref<1x128xi32, #tpu.memory_space<vmem>>
        %dma_start3A_120 = tpu.memref_squeeze %dma_start3A_119 : memref<1x128xi32, #tpu.memory_space<vmem>> -> memref<128xi32, #tpu.memory_space<vmem>>
        %dma_start3A_121 = arith.constant 0 : i32
        %dma_start3A_122 = arith.constant 0 : i32
        %dma_start3A_123 = tpu.memref_slice %arg9[%dma_start3A_121, %dma_start3A_122] : memref<50000x32xf32, #tpu.memory_space<hbm>> -> memref<50000x32xf32, #tpu.memory_space<hbm>>
        tpu.enqueue_indirect_dma source(%dma_start3A_123 : memref<50000x32xf32, #tpu.memory_space<hbm>>) target(%dma_start3A_117 : memref<128x32xf32, #tpu.memory_space<vmem>>) offsets(%dma_start3A_120 : memref<128xi32, #tpu.memory_space<vmem>>) semaphore(%arg25 : memref<!tpu.dma_semaphore, #tpu.memory_space<semaphore_mem>>)
        %dma_start3A_124 = arith.constant 2 : i32
        %dma_start3A_125 = arith.constant 256 : i32
        %dma_start3A_126 = arith.constant 0 : i32
        %dma_start3A_127 = tpu.memref_slice %arg23[%dma_start3A_125, %dma_start3A_126] : memref<640x32xf32, #tpu.memory_space<vmem>> -> memref<128x32xf32, #tpu.memory_space<vmem>>
        %dma_start3A_128 = arith.constant 0 : i32
        %dma_start3A_129 = tpu.memref_slice %arg21[%dma_start3A_124, %dma_start3A_128] : memref<5x128xi32, #tpu.memory_space<vmem>> -> memref<1x128xi32, #tpu.memory_space<vmem>>
        %dma_start3A_130 = tpu.memref_squeeze %dma_start3A_129 : memref<1x128xi32, #tpu.memory_space<vmem>> -> memref<128xi32, #tpu.memory_space<vmem>>
        %dma_start3A_131 = arith.constant 0 : i32
        %dma_start3A_132 = arith.constant 0 : i32
        %dma_start3A_133 = tpu.memref_slice %arg9[%dma_start3A_131, %dma_start3A_132] : memref<50000x32xf32, #tpu.memory_space<hbm>> -> memref<50000x32xf32, #tpu.memory_space<hbm>>
        tpu.enqueue_indirect_dma source(%dma_start3A_133 : memref<50000x32xf32, #tpu.memory_space<hbm>>) target(%dma_start3A_127 : memref<128x32xf32, #tpu.memory_space<vmem>>) offsets(%dma_start3A_130 : memref<128xi32, #tpu.memory_space<vmem>>) semaphore(%arg25 : memref<!tpu.dma_semaphore, #tpu.memory_space<semaphore_mem>>)
        %dma_start3A_134 = arith.constant 3 : i32
        %dma_start3A_135 = arith.constant 384 : i32
        %dma_start3A_136 = arith.constant 0 : i32
        %dma_start3A_137 = tpu.memref_slice %arg23[%dma_start3A_135, %dma_start3A_136] : memref<640x32xf32, #tpu.memory_space<vmem>> -> memref<128x32xf32, #tpu.memory_space<vmem>>
        %dma_start3A_138 = arith.constant 0 : i32
        %dma_start3A_139 = tpu.memref_slice %arg21[%dma_start3A_134, %dma_start3A_138] : memref<5x128xi32, #tpu.memory_space<vmem>> -> memref<1x128xi32, #tpu.memory_space<vmem>>
        %dma_start3A_140 = tpu.memref_squeeze %dma_start3A_139 : memref<1x128xi32, #tpu.memory_space<vmem>> -> memref<128xi32, #tpu.memory_space<vmem>>
        %dma_start3A_141 = arith.constant 0 : i32
        %dma_start3A_142 = arith.constant 0 : i32
        %dma_start3A_143 = tpu.memref_slice %arg9[%dma_start3A_141, %dma_start3A_142] : memref<50000x32xf32, #tpu.memory_space<hbm>> -> memref<50000x32xf32, #tpu.memory_space<hbm>>
        tpu.enqueue_indirect_dma source(%dma_start3A_143 : memref<50000x32xf32, #tpu.memory_space<hbm>>) target(%dma_start3A_137 : memref<128x32xf32, #tpu.memory_space<vmem>>) offsets(%dma_start3A_140 : memref<128xi32, #tpu.memory_space<vmem>>) semaphore(%arg25 : memref<!tpu.dma_semaphore, #tpu.memory_space<semaphore_mem>>)
        %dma_start3A_144 = arith.constant 4 : i32
        %dma_start3A_145 = arith.constant 512 : i32
        %dma_start3A_146 = arith.constant 0 : i32
        %dma_start3A_147 = tpu.memref_slice %arg23[%dma_start3A_145, %dma_start3A_146] : memref<640x32xf32, #tpu.memory_space<vmem>> -> memref<128x32xf32, #tpu.memory_space<vmem>>
        %dma_start3A_148 = arith.constant 0 : i32
        %dma_start3A_149 = tpu.memref_slice %arg21[%dma_start3A_144, %dma_start3A_148] : memref<5x128xi32, #tpu.memory_space<vmem>> -> memref<1x128xi32, #tpu.memory_space<vmem>>
        %dma_start3A_150 = tpu.memref_squeeze %dma_start3A_149 : memref<1x128xi32, #tpu.memory_space<vmem>> -> memref<128xi32, #tpu.memory_space<vmem>>
        %dma_start3A_151 = arith.constant 0 : i32
        %dma_start3A_152 = arith.constant 0 : i32
        %dma_start3A_153 = tpu.memref_slice %arg9[%dma_start3A_151, %dma_start3A_152] : memref<50000x32xf32, #tpu.memory_space<hbm>> -> memref<50000x32xf32, #tpu.memory_space<hbm>>
        tpu.enqueue_indirect_dma source(%dma_start3A_153 : memref<50000x32xf32, #tpu.memory_space<hbm>>) target(%dma_start3A_147 : memref<128x32xf32, #tpu.memory_space<vmem>>) offsets(%dma_start3A_150 : memref<128xi32, #tpu.memory_space<vmem>>) semaphore(%arg25 : memref<!tpu.dma_semaphore, #tpu.memory_space<semaphore_mem>>)
        %dma_wait3A = arith.constant 0 : i32
        %dma_wait3A_154 = arith.constant 0 : i32
        %dma_wait3A_155 = arith.constant 0 : i32
        %dma_wait3A_156 = tpu.memref_slice %arg23[%dma_wait3A_154, %dma_wait3A_155] : memref<640x32xf32, #tpu.memory_space<vmem>> -> memref<128x32xf32, #tpu.memory_space<vmem>>
        %dma_wait3A_157 = arith.constant 0 : i32
        %dma_wait3A_158 = tpu.memref_slice %arg21[%dma_wait3A, %dma_wait3A_157] : memref<5x128xi32, #tpu.memory_space<vmem>> -> memref<1x128xi32, #tpu.memory_space<vmem>>
        %dma_wait3A_159 = tpu.memref_squeeze %dma_wait3A_158 : memref<1x128xi32, #tpu.memory_space<vmem>> -> memref<128xi32, #tpu.memory_space<vmem>>
        %dma_wait3A_160 = arith.constant 0 : i32
        %dma_wait3A_161 = arith.constant 0 : i32
        %dma_wait3A_162 = tpu.memref_slice %arg9[%dma_wait3A_160, %dma_wait3A_161] : memref<50000x32xf32, #tpu.memory_space<hbm>> -> memref<50000x32xf32, #tpu.memory_space<hbm>>
        tpu.wait_indirect_dma semaphore(%arg25 : memref<!tpu.dma_semaphore, #tpu.memory_space<semaphore_mem>>) src(%dma_wait3A_162 : memref<50000x32xf32, #tpu.memory_space<hbm>>) dst(%dma_wait3A_156 : memref<128x32xf32, #tpu.memory_space<vmem>>)
        %dma_wait3A_163 = arith.constant 1 : i32
        %dma_wait3A_164 = arith.constant 128 : i32
        %dma_wait3A_165 = arith.constant 0 : i32
        %dma_wait3A_166 = tpu.memref_slice %arg23[%dma_wait3A_164, %dma_wait3A_165] : memref<640x32xf32, #tpu.memory_space<vmem>> -> memref<128x32xf32, #tpu.memory_space<vmem>>
        %dma_wait3A_167 = arith.constant 0 : i32
        %dma_wait3A_168 = tpu.memref_slice %arg21[%dma_wait3A_163, %dma_wait3A_167] : memref<5x128xi32, #tpu.memory_space<vmem>> -> memref<1x128xi32, #tpu.memory_space<vmem>>
        %dma_wait3A_169 = tpu.memref_squeeze %dma_wait3A_168 : memref<1x128xi32, #tpu.memory_space<vmem>> -> memref<128xi32, #tpu.memory_space<vmem>>
        %dma_wait3A_170 = arith.constant 0 : i32
        %dma_wait3A_171 = arith.constant 0 : i32
        %dma_wait3A_172 = tpu.memref_slice %arg9[%dma_wait3A_170, %dma_wait3A_171] : memref<50000x32xf32, #tpu.memory_space<hbm>> -> memref<50000x32xf32, #tpu.memory_space<hbm>>
        tpu.wait_indirect_dma semaphore(%arg25 : memref<!tpu.dma_semaphore, #tpu.memory_space<semaphore_mem>>) src(%dma_wait3A_172 : memref<50000x32xf32, #tpu.memory_space<hbm>>) dst(%dma_wait3A_166 : memref<128x32xf32, #tpu.memory_space<vmem>>)
        %dma_wait3A_173 = arith.constant 2 : i32
        %dma_wait3A_174 = arith.constant 256 : i32
        %dma_wait3A_175 = arith.constant 0 : i32
        %dma_wait3A_176 = tpu.memref_slice %arg23[%dma_wait3A_174, %dma_wait3A_175] : memref<640x32xf32, #tpu.memory_space<vmem>> -> memref<128x32xf32, #tpu.memory_space<vmem>>
        %dma_wait3A_177 = arith.constant 0 : i32
        %dma_wait3A_178 = tpu.memref_slice %arg21[%dma_wait3A_173, %dma_wait3A_177] : memref<5x128xi32, #tpu.memory_space<vmem>> -> memref<1x128xi32, #tpu.memory_space<vmem>>
        %dma_wait3A_179 = tpu.memref_squeeze %dma_wait3A_178 : memref<1x128xi32, #tpu.memory_space<vmem>> -> memref<128xi32, #tpu.memory_space<vmem>>
        %dma_wait3A_180 = arith.constant 0 : i32
        %dma_wait3A_181 = arith.constant 0 : i32
        %dma_wait3A_182 = tpu.memref_slice %arg9[%dma_wait3A_180, %dma_wait3A_181] : memref<50000x32xf32, #tpu.memory_space<hbm>> -> memref<50000x32xf32, #tpu.memory_space<hbm>>
        tpu.wait_indirect_dma semaphore(%arg25 : memref<!tpu.dma_semaphore, #tpu.memory_space<semaphore_mem>>) src(%dma_wait3A_182 : memref<50000x32xf32, #tpu.memory_space<hbm>>) dst(%dma_wait3A_176 : memref<128x32xf32, #tpu.memory_space<vmem>>)
        %dma_wait3A_183 = arith.constant 3 : i32
        %dma_wait3A_184 = arith.constant 384 : i32
        %dma_wait3A_185 = arith.constant 0 : i32
        %dma_wait3A_186 = tpu.memref_slice %arg23[%dma_wait3A_184, %dma_wait3A_185] : memref<640x32xf32, #tpu.memory_space<vmem>> -> memref<128x32xf32, #tpu.memory_space<vmem>>
        %dma_wait3A_187 = arith.constant 0 : i32
        %dma_wait3A_188 = tpu.memref_slice %arg21[%dma_wait3A_183, %dma_wait3A_187] : memref<5x128xi32, #tpu.memory_space<vmem>> -> memref<1x128xi32, #tpu.memory_space<vmem>>
        %dma_wait3A_189 = tpu.memref_squeeze %dma_wait3A_188 : memref<1x128xi32, #tpu.memory_space<vmem>> -> memref<128xi32, #tpu.memory_space<vmem>>
        %dma_wait3A_190 = arith.constant 0 : i32
        %dma_wait3A_191 = arith.constant 0 : i32
        %dma_wait3A_192 = tpu.memref_slice %arg9[%dma_wait3A_190, %dma_wait3A_191] : memref<50000x32xf32, #tpu.memory_space<hbm>> -> memref<50000x32xf32, #tpu.memory_space<hbm>>
        tpu.wait_indirect_dma semaphore(%arg25 : memref<!tpu.dma_semaphore, #tpu.memory_space<semaphore_mem>>) src(%dma_wait3A_192 : memref<50000x32xf32, #tpu.memory_space<hbm>>) dst(%dma_wait3A_186 : memref<128x32xf32, #tpu.memory_space<vmem>>)
        %dma_wait3A_193 = arith.constant 4 : i32
        %dma_wait3A_194 = arith.constant 512 : i32
        %dma_wait3A_195 = arith.constant 0 : i32
        %dma_wait3A_196 = tpu.memref_slice %arg23[%dma_wait3A_194, %dma_wait3A_195] : memref<640x32xf32, #tpu.memory_space<vmem>> -> memref<128x32xf32, #tpu.memory_space<vmem>>
        %dma_wait3A_197 = arith.constant 0 : i32
        %dma_wait3A_198 = tpu.memref_slice %arg21[%dma_wait3A_193, %dma_wait3A_197] : memref<5x128xi32, #tpu.memory_space<vmem>> -> memref<1x128xi32, #tpu.memory_space<vmem>>
        %dma_wait3A_199 = tpu.memref_squeeze %dma_wait3A_198 : memref<1x128xi32, #tpu.memory_space<vmem>> -> memref<128xi32, #tpu.memory_space<vmem>>
        %dma_wait3A_200 = arith.constant 0 : i32
        %dma_wait3A_201 = arith.constant 0 : i32
        %dma_wait3A_202 = tpu.memref_slice %arg9[%dma_wait3A_200, %dma_wait3A_201] : memref<50000x32xf32, #tpu.memory_space<hbm>> -> memref<50000x32xf32, #tpu.memory_space<hbm>>
        tpu.wait_indirect_dma semaphore(%arg25 : memref<!tpu.dma_semaphore, #tpu.memory_space<semaphore_mem>>) src(%dma_wait3A_202 : memref<50000x32xf32, #tpu.memory_space<hbm>>) dst(%dma_wait3A_196 : memref<128x32xf32, #tpu.memory_space<vmem>>)
        %dma_start3A_203 = arith.constant 0 : i32
        %dma_start3A_204 = arith.constant 0 : i32
        %dma_start3A_205 = arith.constant 0 : i32
        %dma_start3A_206 = tpu.memref_slice %arg23[%dma_start3A_204, %dma_start3A_205] : memref<640x32xf32, #tpu.memory_space<vmem>> -> memref<128x32xf32, #tpu.memory_space<vmem>>
        %dma_start3A_207 = arith.constant 0 : i32
        %dma_start3A_208 = tpu.memref_slice %arg22[%dma_start3A_203, %dma_start3A_207] : memref<5x128xi32, #tpu.memory_space<vmem>> -> memref<1x128xi32, #tpu.memory_space<vmem>>
        %dma_start3A_209 = tpu.memref_squeeze %dma_start3A_208 : memref<1x128xi32, #tpu.memory_space<vmem>> -> memref<128xi32, #tpu.memory_space<vmem>>
        %dma_start3A_210 = arith.constant 0 : i32
        %dma_start3A_211 = arith.constant 0 : i32
        %dma_start3A_212 = tpu.memref_slice %arg24[%dma_start3A_210, %dma_start3A_211] : memref<50176x32xf32, #tpu.memory_space<vmem_shared>> -> memref<50176x32xf32, #tpu.memory_space<vmem_shared>>
        tpu.enqueue_indirect_dma source(%dma_start3A_206 : memref<128x32xf32, #tpu.memory_space<vmem>>) target(%dma_start3A_212 : memref<50176x32xf32, #tpu.memory_space<vmem_shared>>) offsets(%dma_start3A_209 : memref<128xi32, #tpu.memory_space<vmem>>) semaphore(%arg26 : memref<!tpu.dma_semaphore, #tpu.memory_space<semaphore_mem>>) {add = true}
        %dma_start3A_213 = arith.constant 1 : i32
        %dma_start3A_214 = arith.constant 128 : i32
        %dma_start3A_215 = arith.constant 0 : i32
        %dma_start3A_216 = tpu.memref_slice %arg23[%dma_start3A_214, %dma_start3A_215] : memref<640x32xf32, #tpu.memory_space<vmem>> -> memref<128x32xf32, #tpu.memory_space<vmem>>
        %dma_start3A_217 = arith.constant 0 : i32
        %dma_start3A_218 = tpu.memref_slice %arg22[%dma_start3A_213, %dma_start3A_217] : memref<5x128xi32, #tpu.memory_space<vmem>> -> memref<1x128xi32, #tpu.memory_space<vmem>>
        %dma_start3A_219 = tpu.memref_squeeze %dma_start3A_218 : memref<1x128xi32, #tpu.memory_space<vmem>> -> memref<128xi32, #tpu.memory_space<vmem>>
        %dma_start3A_220 = arith.constant 0 : i32
        %dma_start3A_221 = arith.constant 0 : i32
        %dma_start3A_222 = tpu.memref_slice %arg24[%dma_start3A_220, %dma_start3A_221] : memref<50176x32xf32, #tpu.memory_space<vmem_shared>> -> memref<50176x32xf32, #tpu.memory_space<vmem_shared>>
        tpu.enqueue_indirect_dma source(%dma_start3A_216 : memref<128x32xf32, #tpu.memory_space<vmem>>) target(%dma_start3A_222 : memref<50176x32xf32, #tpu.memory_space<vmem_shared>>) offsets(%dma_start3A_219 : memref<128xi32, #tpu.memory_space<vmem>>) semaphore(%arg26 : memref<!tpu.dma_semaphore, #tpu.memory_space<semaphore_mem>>) {add = true}
        %dma_start3A_223 = arith.constant 2 : i32
        %dma_start3A_224 = arith.constant 256 : i32
        %dma_start3A_225 = arith.constant 0 : i32
        %dma_start3A_226 = tpu.memref_slice %arg23[%dma_start3A_224, %dma_start3A_225] : memref<640x32xf32, #tpu.memory_space<vmem>> -> memref<128x32xf32, #tpu.memory_space<vmem>>
        %dma_start3A_227 = arith.constant 0 : i32
        %dma_start3A_228 = tpu.memref_slice %arg22[%dma_start3A_223, %dma_start3A_227] : memref<5x128xi32, #tpu.memory_space<vmem>> -> memref<1x128xi32, #tpu.memory_space<vmem>>
        %dma_start3A_229 = tpu.memref_squeeze %dma_start3A_228 : memref<1x128xi32, #tpu.memory_space<vmem>> -> memref<128xi32, #tpu.memory_space<vmem>>
        %dma_start3A_230 = arith.constant 0 : i32
        %dma_start3A_231 = arith.constant 0 : i32
        %dma_start3A_232 = tpu.memref_slice %arg24[%dma_start3A_230, %dma_start3A_231] : memref<50176x32xf32, #tpu.memory_space<vmem_shared>> -> memref<50176x32xf32, #tpu.memory_space<vmem_shared>>
        tpu.enqueue_indirect_dma source(%dma_start3A_226 : memref<128x32xf32, #tpu.memory_space<vmem>>) target(%dma_start3A_232 : memref<50176x32xf32, #tpu.memory_space<vmem_shared>>) offsets(%dma_start3A_229 : memref<128xi32, #tpu.memory_space<vmem>>) semaphore(%arg26 : memref<!tpu.dma_semaphore, #tpu.memory_space<semaphore_mem>>) {add = true}
        %dma_start3A_233 = arith.constant 3 : i32
        %dma_start3A_234 = arith.constant 384 : i32
        %dma_start3A_235 = arith.constant 0 : i32
        %dma_start3A_236 = tpu.memref_slice %arg23[%dma_start3A_234, %dma_start3A_235] : memref<640x32xf32, #tpu.memory_space<vmem>> -> memref<128x32xf32, #tpu.memory_space<vmem>>
        %dma_start3A_237 = arith.constant 0 : i32
        %dma_start3A_238 = tpu.memref_slice %arg22[%dma_start3A_233, %dma_start3A_237] : memref<5x128xi32, #tpu.memory_space<vmem>> -> memref<1x128xi32, #tpu.memory_space<vmem>>
        %dma_start3A_239 = tpu.memref_squeeze %dma_start3A_238 : memref<1x128xi32, #tpu.memory_space<vmem>> -> memref<128xi32, #tpu.memory_space<vmem>>
        %dma_start3A_240 = arith.constant 0 : i32
        %dma_start3A_241 = arith.constant 0 : i32
        %dma_start3A_242 = tpu.memref_slice %arg24[%dma_start3A_240, %dma_start3A_241] : memref<50176x32xf32, #tpu.memory_space<vmem_shared>> -> memref<50176x32xf32, #tpu.memory_space<vmem_shared>>
        tpu.enqueue_indirect_dma source(%dma_start3A_236 : memref<128x32xf32, #tpu.memory_space<vmem>>) target(%dma_start3A_242 : memref<50176x32xf32, #tpu.memory_space<vmem_shared>>) offsets(%dma_start3A_239 : memref<128xi32, #tpu.memory_space<vmem>>) semaphore(%arg26 : memref<!tpu.dma_semaphore, #tpu.memory_space<semaphore_mem>>) {add = true}
        %dma_start3A_243 = arith.constant 4 : i32
        %dma_start3A_244 = arith.constant 512 : i32
        %dma_start3A_245 = arith.constant 0 : i32
        %dma_start3A_246 = tpu.memref_slice %arg23[%dma_start3A_244, %dma_start3A_245] : memref<640x32xf32, #tpu.memory_space<vmem>> -> memref<128x32xf32, #tpu.memory_space<vmem>>
        %dma_start3A_247 = arith.constant 0 : i32
        %dma_start3A_248 = tpu.memref_slice %arg22[%dma_start3A_243, %dma_start3A_247] : memref<5x128xi32, #tpu.memory_space<vmem>> -> memref<1x128xi32, #tpu.memory_space<vmem>>
        %dma_start3A_249 = tpu.memref_squeeze %dma_start3A_248 : memref<1x128xi32, #tpu.memory_space<vmem>> -> memref<128xi32, #tpu.memory_space<vmem>>
        %dma_start3A_250 = arith.constant 0 : i32
        %dma_start3A_251 = arith.constant 0 : i32
        %dma_start3A_252 = tpu.memref_slice %arg24[%dma_start3A_250, %dma_start3A_251] : memref<50176x32xf32, #tpu.memory_space<vmem_shared>> -> memref<50176x32xf32, #tpu.memory_space<vmem_shared>>
        tpu.enqueue_indirect_dma source(%dma_start3A_246 : memref<128x32xf32, #tpu.memory_space<vmem>>) target(%dma_start3A_252 : memref<50176x32xf32, #tpu.memory_space<vmem_shared>>) offsets(%dma_start3A_249 : memref<128xi32, #tpu.memory_space<vmem>>) semaphore(%arg26 : memref<!tpu.dma_semaphore, #tpu.memory_space<semaphore_mem>>) {add = true}
        %dma_wait3A_253 = arith.constant 0 : i32
        %dma_wait3A_254 = arith.constant 0 : i32
        %dma_wait3A_255 = arith.constant 0 : i32
        %dma_wait3A_256 = tpu.memref_slice %arg23[%dma_wait3A_254, %dma_wait3A_255] : memref<640x32xf32, #tpu.memory_space<vmem>> -> memref<128x32xf32, #tpu.memory_space<vmem>>
        %dma_wait3A_257 = arith.constant 0 : i32
        %dma_wait3A_258 = tpu.memref_slice %arg22[%dma_wait3A_253, %dma_wait3A_257] : memref<5x128xi32, #tpu.memory_space<vmem>> -> memref<1x128xi32, #tpu.memory_space<vmem>>
        %dma_wait3A_259 = tpu.memref_squeeze %dma_wait3A_258 : memref<1x128xi32, #tpu.memory_space<vmem>> -> memref<128xi32, #tpu.memory_space<vmem>>
        %dma_wait3A_260 = arith.constant 0 : i32
        %dma_wait3A_261 = arith.constant 0 : i32
        %dma_wait3A_262 = tpu.memref_slice %arg24[%dma_wait3A_260, %dma_wait3A_261] : memref<50176x32xf32, #tpu.memory_space<vmem_shared>> -> memref<50176x32xf32, #tpu.memory_space<vmem_shared>>
        tpu.wait_indirect_dma semaphore(%arg26 : memref<!tpu.dma_semaphore, #tpu.memory_space<semaphore_mem>>) src(%dma_wait3A_256 : memref<128x32xf32, #tpu.memory_space<vmem>>) dst(%dma_wait3A_262 : memref<50176x32xf32, #tpu.memory_space<vmem_shared>>)
        %dma_wait3A_263 = arith.constant 1 : i32
        %dma_wait3A_264 = arith.constant 128 : i32
        %dma_wait3A_265 = arith.constant 0 : i32
        %dma_wait3A_266 = tpu.memref_slice %arg23[%dma_wait3A_264, %dma_wait3A_265] : memref<640x32xf32, #tpu.memory_space<vmem>> -> memref<128x32xf32, #tpu.memory_space<vmem>>
        %dma_wait3A_267 = arith.constant 0 : i32
        %dma_wait3A_268 = tpu.memref_slice %arg22[%dma_wait3A_263, %dma_wait3A_267] : memref<5x128xi32, #tpu.memory_space<vmem>> -> memref<1x128xi32, #tpu.memory_space<vmem>>
        %dma_wait3A_269 = tpu.memref_squeeze %dma_wait3A_268 : memref<1x128xi32, #tpu.memory_space<vmem>> -> memref<128xi32, #tpu.memory_space<vmem>>
        %dma_wait3A_270 = arith.constant 0 : i32
        %dma_wait3A_271 = arith.constant 0 : i32
        %dma_wait3A_272 = tpu.memref_slice %arg24[%dma_wait3A_270, %dma_wait3A_271] : memref<50176x32xf32, #tpu.memory_space<vmem_shared>> -> memref<50176x32xf32, #tpu.memory_space<vmem_shared>>
        tpu.wait_indirect_dma semaphore(%arg26 : memref<!tpu.dma_semaphore, #tpu.memory_space<semaphore_mem>>) src(%dma_wait3A_266 : memref<128x32xf32, #tpu.memory_space<vmem>>) dst(%dma_wait3A_272 : memref<50176x32xf32, #tpu.memory_space<vmem_shared>>)
        %dma_wait3A_273 = arith.constant 2 : i32
        %dma_wait3A_274 = arith.constant 256 : i32
        %dma_wait3A_275 = arith.constant 0 : i32
        %dma_wait3A_276 = tpu.memref_slice %arg23[%dma_wait3A_274, %dma_wait3A_275] : memref<640x32xf32, #tpu.memory_space<vmem>> -> memref<128x32xf32, #tpu.memory_space<vmem>>
        %dma_wait3A_277 = arith.constant 0 : i32
        %dma_wait3A_278 = tpu.memref_slice %arg22[%dma_wait3A_273, %dma_wait3A_277] : memref<5x128xi32, #tpu.memory_space<vmem>> -> memref<1x128xi32, #tpu.memory_space<vmem>>
        %dma_wait3A_279 = tpu.memref_squeeze %dma_wait3A_278 : memref<1x128xi32, #tpu.memory_space<vmem>> -> memref<128xi32, #tpu.memory_space<vmem>>
        %dma_wait3A_280 = arith.constant 0 : i32
        %dma_wait3A_281 = arith.constant 0 : i32
        %dma_wait3A_282 = tpu.memref_slice %arg24[%dma_wait3A_280, %dma_wait3A_281] : memref<50176x32xf32, #tpu.memory_space<vmem_shared>> -> memref<50176x32xf32, #tpu.memory_space<vmem_shared>>
        tpu.wait_indirect_dma semaphore(%arg26 : memref<!tpu.dma_semaphore, #tpu.memory_space<semaphore_mem>>) src(%dma_wait3A_276 : memref<128x32xf32, #tpu.memory_space<vmem>>) dst(%dma_wait3A_282 : memref<50176x32xf32, #tpu.memory_space<vmem_shared>>)
        %dma_wait3A_283 = arith.constant 3 : i32
        %dma_wait3A_284 = arith.constant 384 : i32
        %dma_wait3A_285 = arith.constant 0 : i32
        %dma_wait3A_286 = tpu.memref_slice %arg23[%dma_wait3A_284, %dma_wait3A_285] : memref<640x32xf32, #tpu.memory_space<vmem>> -> memref<128x32xf32, #tpu.memory_space<vmem>>
        %dma_wait3A_287 = arith.constant 0 : i32
        %dma_wait3A_288 = tpu.memref_slice %arg22[%dma_wait3A_283, %dma_wait3A_287] : memref<5x128xi32, #tpu.memory_space<vmem>> -> memref<1x128xi32, #tpu.memory_space<vmem>>
        %dma_wait3A_289 = tpu.memref_squeeze %dma_wait3A_288 : memref<1x128xi32, #tpu.memory_space<vmem>> -> memref<128xi32, #tpu.memory_space<vmem>>
        %dma_wait3A_290 = arith.constant 0 : i32
        %dma_wait3A_291 = arith.constant 0 : i32
        %dma_wait3A_292 = tpu.memref_slice %arg24[%dma_wait3A_290, %dma_wait3A_291] : memref<50176x32xf32, #tpu.memory_space<vmem_shared>> -> memref<50176x32xf32, #tpu.memory_space<vmem_shared>>
        tpu.wait_indirect_dma semaphore(%arg26 : memref<!tpu.dma_semaphore, #tpu.memory_space<semaphore_mem>>) src(%dma_wait3A_286 : memref<128x32xf32, #tpu.memory_space<vmem>>) dst(%dma_wait3A_292 : memref<50176x32xf32, #tpu.memory_space<vmem_shared>>)
        %dma_wait3A_293 = arith.constant 4 : i32
        %dma_wait3A_294 = arith.constant 512 : i32
        %dma_wait3A_295 = arith.constant 0 : i32
        %dma_wait3A_296 = tpu.memref_slice %arg23[%dma_wait3A_294, %dma_wait3A_295] : memref<640x32xf32, #tpu.memory_space<vmem>> -> memref<128x32xf32, #tpu.memory_space<vmem>>
        %dma_wait3A_297 = arith.constant 0 : i32
        %dma_wait3A_298 = tpu.memref_slice %arg22[%dma_wait3A_293, %dma_wait3A_297] : memref<5x128xi32, #tpu.memory_space<vmem>> -> memref<1x128xi32, #tpu.memory_space<vmem>>
        %dma_wait3A_299 = tpu.memref_squeeze %dma_wait3A_298 : memref<1x128xi32, #tpu.memory_space<vmem>> -> memref<128xi32, #tpu.memory_space<vmem>>
        %dma_wait3A_300 = arith.constant 0 : i32
        %dma_wait3A_301 = arith.constant 0 : i32
        %dma_wait3A_302 = tpu.memref_slice %arg24[%dma_wait3A_300, %dma_wait3A_301] : memref<50176x32xf32, #tpu.memory_space<vmem_shared>> -> memref<50176x32xf32, #tpu.memory_space<vmem_shared>>
        tpu.wait_indirect_dma semaphore(%arg26 : memref<!tpu.dma_semaphore, #tpu.memory_space<semaphore_mem>>) src(%dma_wait3A_296 : memref<128x32xf32, #tpu.memory_space<vmem>>) dst(%dma_wait3A_302 : memref<50176x32xf32, #tpu.memory_space<vmem_shared>>)
      }
      %scan3A_99 = arith.constant 16 : i32
    } else {
    }
    %eq3A_78 = arith.constant 1 : i32
    %eq3A_79 = arith.cmpi eq, %arg0, %eq3A_78 : i32
    %convert_element_type3A_80 = arith.extui %eq3A_79 : i1 to i32
    %cond3A_81 = arith.constant 0 : i32
    %cond3A_82 = arith.cmpi ne, %convert_element_type3A_80, %cond3A_81 : i32
    scf.if %cond3A_82 {
      %scan3A = arith.constant 0 : i32
      %scan3A_95 = arith.constant 0 : i32
      %scan3A_96 = arith.constant 16 : i32
      %scan3A_97 = arith.addi %scan3A_95, %scan3A_96 : i32
      %scan3A_98 = arith.constant 1 : i32
      scf.for %scan3A_100 = %scan3A_95 to %scan3A_97 step %scan3A_98  : i32 {
        %mul3A_101 = arith.constant 80 : i32
        %mul3A_102 = arith.muli %arg1, %mul3A_101 : i32
        %mul3A_103 = arith.constant 5 : i32
        %mul3A_104 = arith.muli %scan3A_100, %mul3A_103 : i32
        %add3A = arith.addi %mul3A_102, %mul3A_104 : i32
        "tpu.region"() ({
          %run_scoped3A = tpu.sem_alloc : memref<!tpu.dma_semaphore, #tpu.memory_space<semaphore_mem>>
          %dma_start3A_303 = arith.constant 0 : i32
          %dma_start3A_304 = tpu.memref_slice %arg17[%add3A, %dma_start3A_303] : memref<1280x128xi32, #tpu.memory_space<hbm>> -> memref<5x128xi32, #tpu.memory_space<hbm>>
          %dma_start3A_305 = arith.constant 0 : i32
          %dma_start3A_306 = tpu.memref_slice %arg17[%add3A, %dma_start3A_305] : memref<1280x128xi32, #tpu.memory_space<hbm>> -> memref<5x128xi32, #tpu.memory_space<hbm>>
          tpu.enqueue_dma source(%dma_start3A_306 : memref<5x128xi32, #tpu.memory_space<hbm>>) target(%arg21 : memref<5x128xi32, #tpu.memory_space<vmem>>) target_semaphore(%run_scoped3A : memref<!tpu.dma_semaphore, #tpu.memory_space<semaphore_mem>>)
          %dma_wait3A_307 = arith.constant 0 : i32
          %dma_wait3A_308 = tpu.memref_slice %arg17[%add3A, %dma_wait3A_307] : memref<1280x128xi32, #tpu.memory_space<hbm>> -> memref<5x128xi32, #tpu.memory_space<hbm>>
          %dma_wait3A_309 = arith.constant 0 : i32
          %dma_wait3A_310 = tpu.memref_slice %arg17[%add3A, %dma_wait3A_309] : memref<1280x128xi32, #tpu.memory_space<hbm>> -> memref<5x128xi32, #tpu.memory_space<hbm>>
          tpu.wait_dma2 semaphore(%run_scoped3A : memref<!tpu.dma_semaphore, #tpu.memory_space<semaphore_mem>>) src(%dma_wait3A_310 : memref<5x128xi32, #tpu.memory_space<hbm>>) dst(%arg21 : memref<5x128xi32, #tpu.memory_space<vmem>>)
          tpu.yield
        }) : () -> ()
        "tpu.region"() ({
          %run_scoped3A = tpu.sem_alloc : memref<!tpu.dma_semaphore, #tpu.memory_space<semaphore_mem>>
          %dma_start3A_303 = arith.constant 0 : i32
          %dma_start3A_304 = tpu.memref_slice %arg18[%add3A, %dma_start3A_303] : memref<1280x128xi32, #tpu.memory_space<hbm>> -> memref<5x128xi32, #tpu.memory_space<hbm>>
          %dma_start3A_305 = arith.constant 0 : i32
          %dma_start3A_306 = tpu.memref_slice %arg18[%add3A, %dma_start3A_305] : memref<1280x128xi32, #tpu.memory_space<hbm>> -> memref<5x128xi32, #tpu.memory_space<hbm>>
          tpu.enqueue_dma source(%dma_start3A_306 : memref<5x128xi32, #tpu.memory_space<hbm>>) target(%arg22 : memref<5x128xi32, #tpu.memory_space<vmem>>) target_semaphore(%run_scoped3A : memref<!tpu.dma_semaphore, #tpu.memory_space<semaphore_mem>>)
          %dma_wait3A_307 = arith.constant 0 : i32
          %dma_wait3A_308 = tpu.memref_slice %arg18[%add3A, %dma_wait3A_307] : memref<1280x128xi32, #tpu.memory_space<hbm>> -> memref<5x128xi32, #tpu.memory_space<hbm>>
          %dma_wait3A_309 = arith.constant 0 : i32
          %dma_wait3A_310 = tpu.memref_slice %arg18[%add3A, %dma_wait3A_309] : memref<1280x128xi32, #tpu.memory_space<hbm>> -> memref<5x128xi32, #tpu.memory_space<hbm>>
          tpu.wait_dma2 semaphore(%run_scoped3A : memref<!tpu.dma_semaphore, #tpu.memory_space<semaphore_mem>>) src(%dma_wait3A_310 : memref<5x128xi32, #tpu.memory_space<hbm>>) dst(%arg22 : memref<5x128xi32, #tpu.memory_space<vmem>>)
          tpu.yield
        }) : () -> ()
        %dma_start3A = arith.constant 0 : i32
        %dma_start3A_105 = arith.constant 0 : i32
        %dma_start3A_106 = arith.constant 0 : i32
        %dma_start3A_107 = tpu.memref_slice %arg23[%dma_start3A_105, %dma_start3A_106] : memref<640x32xf32, #tpu.memory_space<vmem>> -> memref<128x32xf32, #tpu.memory_space<vmem>>
        %dma_start3A_108 = arith.constant 0 : i32
        %dma_start3A_109 = tpu.memref_slice %arg21[%dma_start3A, %dma_start3A_108] : memref<5x128xi32, #tpu.memory_space<vmem>> -> memref<1x128xi32, #tpu.memory_space<vmem>>
        %dma_start3A_110 = tpu.memref_squeeze %dma_start3A_109 : memref<1x128xi32, #tpu.memory_space<vmem>> -> memref<128xi32, #tpu.memory_space<vmem>>
        %dma_start3A_111 = arith.constant 0 : i32
        %dma_start3A_112 = arith.constant 0 : i32
        %dma_start3A_113 = tpu.memref_slice %arg10[%dma_start3A_111, %dma_start3A_112] : memref<50000x32xf32, #tpu.memory_space<hbm>> -> memref<50000x32xf32, #tpu.memory_space<hbm>>
        tpu.enqueue_indirect_dma source(%dma_start3A_113 : memref<50000x32xf32, #tpu.memory_space<hbm>>) target(%dma_start3A_107 : memref<128x32xf32, #tpu.memory_space<vmem>>) offsets(%dma_start3A_110 : memref<128xi32, #tpu.memory_space<vmem>>) semaphore(%arg25 : memref<!tpu.dma_semaphore, #tpu.memory_space<semaphore_mem>>)
        %dma_start3A_114 = arith.constant 1 : i32
        %dma_start3A_115 = arith.constant 128 : i32
        %dma_start3A_116 = arith.constant 0 : i32
        %dma_start3A_117 = tpu.memref_slice %arg23[%dma_start3A_115, %dma_start3A_116] : memref<640x32xf32, #tpu.memory_space<vmem>> -> memref<128x32xf32, #tpu.memory_space<vmem>>
        %dma_start3A_118 = arith.constant 0 : i32
        %dma_start3A_119 = tpu.memref_slice %arg21[%dma_start3A_114, %dma_start3A_118] : memref<5x128xi32, #tpu.memory_space<vmem>> -> memref<1x128xi32, #tpu.memory_space<vmem>>
        %dma_start3A_120 = tpu.memref_squeeze %dma_start3A_119 : memref<1x128xi32, #tpu.memory_space<vmem>> -> memref<128xi32, #tpu.memory_space<vmem>>
        %dma_start3A_121 = arith.constant 0 : i32
        %dma_start3A_122 = arith.constant 0 : i32
        %dma_start3A_123 = tpu.memref_slice %arg10[%dma_start3A_121, %dma_start3A_122] : memref<50000x32xf32, #tpu.memory_space<hbm>> -> memref<50000x32xf32, #tpu.memory_space<hbm>>
        tpu.enqueue_indirect_dma source(%dma_start3A_123 : memref<50000x32xf32, #tpu.memory_space<hbm>>) target(%dma_start3A_117 : memref<128x32xf32, #tpu.memory_space<vmem>>) offsets(%dma_start3A_120 : memref<128xi32, #tpu.memory_space<vmem>>) semaphore(%arg25 : memref<!tpu.dma_semaphore, #tpu.memory_space<semaphore_mem>>)
        %dma_start3A_124 = arith.constant 2 : i32
        %dma_start3A_125 = arith.constant 256 : i32
        %dma_start3A_126 = arith.constant 0 : i32
        %dma_start3A_127 = tpu.memref_slice %arg23[%dma_start3A_125, %dma_start3A_126] : memref<640x32xf32, #tpu.memory_space<vmem>> -> memref<128x32xf32, #tpu.memory_space<vmem>>
        %dma_start3A_128 = arith.constant 0 : i32
        %dma_start3A_129 = tpu.memref_slice %arg21[%dma_start3A_124, %dma_start3A_128] : memref<5x128xi32, #tpu.memory_space<vmem>> -> memref<1x128xi32, #tpu.memory_space<vmem>>
        %dma_start3A_130 = tpu.memref_squeeze %dma_start3A_129 : memref<1x128xi32, #tpu.memory_space<vmem>> -> memref<128xi32, #tpu.memory_space<vmem>>
        %dma_start3A_131 = arith.constant 0 : i32
        %dma_start3A_132 = arith.constant 0 : i32
        %dma_start3A_133 = tpu.memref_slice %arg10[%dma_start3A_131, %dma_start3A_132] : memref<50000x32xf32, #tpu.memory_space<hbm>> -> memref<50000x32xf32, #tpu.memory_space<hbm>>
        tpu.enqueue_indirect_dma source(%dma_start3A_133 : memref<50000x32xf32, #tpu.memory_space<hbm>>) target(%dma_start3A_127 : memref<128x32xf32, #tpu.memory_space<vmem>>) offsets(%dma_start3A_130 : memref<128xi32, #tpu.memory_space<vmem>>) semaphore(%arg25 : memref<!tpu.dma_semaphore, #tpu.memory_space<semaphore_mem>>)
        %dma_start3A_134 = arith.constant 3 : i32
        %dma_start3A_135 = arith.constant 384 : i32
        %dma_start3A_136 = arith.constant 0 : i32
        %dma_start3A_137 = tpu.memref_slice %arg23[%dma_start3A_135, %dma_start3A_136] : memref<640x32xf32, #tpu.memory_space<vmem>> -> memref<128x32xf32, #tpu.memory_space<vmem>>
        %dma_start3A_138 = arith.constant 0 : i32
        %dma_start3A_139 = tpu.memref_slice %arg21[%dma_start3A_134, %dma_start3A_138] : memref<5x128xi32, #tpu.memory_space<vmem>> -> memref<1x128xi32, #tpu.memory_space<vmem>>
        %dma_start3A_140 = tpu.memref_squeeze %dma_start3A_139 : memref<1x128xi32, #tpu.memory_space<vmem>> -> memref<128xi32, #tpu.memory_space<vmem>>
        %dma_start3A_141 = arith.constant 0 : i32
        %dma_start3A_142 = arith.constant 0 : i32
        %dma_start3A_143 = tpu.memref_slice %arg10[%dma_start3A_141, %dma_start3A_142] : memref<50000x32xf32, #tpu.memory_space<hbm>> -> memref<50000x32xf32, #tpu.memory_space<hbm>>
        tpu.enqueue_indirect_dma source(%dma_start3A_143 : memref<50000x32xf32, #tpu.memory_space<hbm>>) target(%dma_start3A_137 : memref<128x32xf32, #tpu.memory_space<vmem>>) offsets(%dma_start3A_140 : memref<128xi32, #tpu.memory_space<vmem>>) semaphore(%arg25 : memref<!tpu.dma_semaphore, #tpu.memory_space<semaphore_mem>>)
        %dma_start3A_144 = arith.constant 4 : i32
        %dma_start3A_145 = arith.constant 512 : i32
        %dma_start3A_146 = arith.constant 0 : i32
        %dma_start3A_147 = tpu.memref_slice %arg23[%dma_start3A_145, %dma_start3A_146] : memref<640x32xf32, #tpu.memory_space<vmem>> -> memref<128x32xf32, #tpu.memory_space<vmem>>
        %dma_start3A_148 = arith.constant 0 : i32
        %dma_start3A_149 = tpu.memref_slice %arg21[%dma_start3A_144, %dma_start3A_148] : memref<5x128xi32, #tpu.memory_space<vmem>> -> memref<1x128xi32, #tpu.memory_space<vmem>>
        %dma_start3A_150 = tpu.memref_squeeze %dma_start3A_149 : memref<1x128xi32, #tpu.memory_space<vmem>> -> memref<128xi32, #tpu.memory_space<vmem>>
        %dma_start3A_151 = arith.constant 0 : i32
        %dma_start3A_152 = arith.constant 0 : i32
        %dma_start3A_153 = tpu.memref_slice %arg10[%dma_start3A_151, %dma_start3A_152] : memref<50000x32xf32, #tpu.memory_space<hbm>> -> memref<50000x32xf32, #tpu.memory_space<hbm>>
        tpu.enqueue_indirect_dma source(%dma_start3A_153 : memref<50000x32xf32, #tpu.memory_space<hbm>>) target(%dma_start3A_147 : memref<128x32xf32, #tpu.memory_space<vmem>>) offsets(%dma_start3A_150 : memref<128xi32, #tpu.memory_space<vmem>>) semaphore(%arg25 : memref<!tpu.dma_semaphore, #tpu.memory_space<semaphore_mem>>)
        %dma_wait3A = arith.constant 0 : i32
        %dma_wait3A_154 = arith.constant 0 : i32
        %dma_wait3A_155 = arith.constant 0 : i32
        %dma_wait3A_156 = tpu.memref_slice %arg23[%dma_wait3A_154, %dma_wait3A_155] : memref<640x32xf32, #tpu.memory_space<vmem>> -> memref<128x32xf32, #tpu.memory_space<vmem>>
        %dma_wait3A_157 = arith.constant 0 : i32
        %dma_wait3A_158 = tpu.memref_slice %arg21[%dma_wait3A, %dma_wait3A_157] : memref<5x128xi32, #tpu.memory_space<vmem>> -> memref<1x128xi32, #tpu.memory_space<vmem>>
        %dma_wait3A_159 = tpu.memref_squeeze %dma_wait3A_158 : memref<1x128xi32, #tpu.memory_space<vmem>> -> memref<128xi32, #tpu.memory_space<vmem>>
        %dma_wait3A_160 = arith.constant 0 : i32
        %dma_wait3A_161 = arith.constant 0 : i32
        %dma_wait3A_162 = tpu.memref_slice %arg10[%dma_wait3A_160, %dma_wait3A_161] : memref<50000x32xf32, #tpu.memory_space<hbm>> -> memref<50000x32xf32, #tpu.memory_space<hbm>>
        tpu.wait_indirect_dma semaphore(%arg25 : memref<!tpu.dma_semaphore, #tpu.memory_space<semaphore_mem>>) src(%dma_wait3A_162 : memref<50000x32xf32, #tpu.memory_space<hbm>>) dst(%dma_wait3A_156 : memref<128x32xf32, #tpu.memory_space<vmem>>)
        %dma_wait3A_163 = arith.constant 1 : i32
        %dma_wait3A_164 = arith.constant 128 : i32
        %dma_wait3A_165 = arith.constant 0 : i32
        %dma_wait3A_166 = tpu.memref_slice %arg23[%dma_wait3A_164, %dma_wait3A_165] : memref<640x32xf32, #tpu.memory_space<vmem>> -> memref<128x32xf32, #tpu.memory_space<vmem>>
        %dma_wait3A_167 = arith.constant 0 : i32
        %dma_wait3A_168 = tpu.memref_slice %arg21[%dma_wait3A_163, %dma_wait3A_167] : memref<5x128xi32, #tpu.memory_space<vmem>> -> memref<1x128xi32, #tpu.memory_space<vmem>>
        %dma_wait3A_169 = tpu.memref_squeeze %dma_wait3A_168 : memref<1x128xi32, #tpu.memory_space<vmem>> -> memref<128xi32, #tpu.memory_space<vmem>>
        %dma_wait3A_170 = arith.constant 0 : i32
        %dma_wait3A_171 = arith.constant 0 : i32
        %dma_wait3A_172 = tpu.memref_slice %arg10[%dma_wait3A_170, %dma_wait3A_171] : memref<50000x32xf32, #tpu.memory_space<hbm>> -> memref<50000x32xf32, #tpu.memory_space<hbm>>
        tpu.wait_indirect_dma semaphore(%arg25 : memref<!tpu.dma_semaphore, #tpu.memory_space<semaphore_mem>>) src(%dma_wait3A_172 : memref<50000x32xf32, #tpu.memory_space<hbm>>) dst(%dma_wait3A_166 : memref<128x32xf32, #tpu.memory_space<vmem>>)
        %dma_wait3A_173 = arith.constant 2 : i32
        %dma_wait3A_174 = arith.constant 256 : i32
        %dma_wait3A_175 = arith.constant 0 : i32
        %dma_wait3A_176 = tpu.memref_slice %arg23[%dma_wait3A_174, %dma_wait3A_175] : memref<640x32xf32, #tpu.memory_space<vmem>> -> memref<128x32xf32, #tpu.memory_space<vmem>>
        %dma_wait3A_177 = arith.constant 0 : i32
        %dma_wait3A_178 = tpu.memref_slice %arg21[%dma_wait3A_173, %dma_wait3A_177] : memref<5x128xi32, #tpu.memory_space<vmem>> -> memref<1x128xi32, #tpu.memory_space<vmem>>
        %dma_wait3A_179 = tpu.memref_squeeze %dma_wait3A_178 : memref<1x128xi32, #tpu.memory_space<vmem>> -> memref<128xi32, #tpu.memory_space<vmem>>
        %dma_wait3A_180 = arith.constant 0 : i32
        %dma_wait3A_181 = arith.constant 0 : i32
        %dma_wait3A_182 = tpu.memref_slice %arg10[%dma_wait3A_180, %dma_wait3A_181] : memref<50000x32xf32, #tpu.memory_space<hbm>> -> memref<50000x32xf32, #tpu.memory_space<hbm>>
        tpu.wait_indirect_dma semaphore(%arg25 : memref<!tpu.dma_semaphore, #tpu.memory_space<semaphore_mem>>) src(%dma_wait3A_182 : memref<50000x32xf32, #tpu.memory_space<hbm>>) dst(%dma_wait3A_176 : memref<128x32xf32, #tpu.memory_space<vmem>>)
        %dma_wait3A_183 = arith.constant 3 : i32
        %dma_wait3A_184 = arith.constant 384 : i32
        %dma_wait3A_185 = arith.constant 0 : i32
        %dma_wait3A_186 = tpu.memref_slice %arg23[%dma_wait3A_184, %dma_wait3A_185] : memref<640x32xf32, #tpu.memory_space<vmem>> -> memref<128x32xf32, #tpu.memory_space<vmem>>
        %dma_wait3A_187 = arith.constant 0 : i32
        %dma_wait3A_188 = tpu.memref_slice %arg21[%dma_wait3A_183, %dma_wait3A_187] : memref<5x128xi32, #tpu.memory_space<vmem>> -> memref<1x128xi32, #tpu.memory_space<vmem>>
        %dma_wait3A_189 = tpu.memref_squeeze %dma_wait3A_188 : memref<1x128xi32, #tpu.memory_space<vmem>> -> memref<128xi32, #tpu.memory_space<vmem>>
        %dma_wait3A_190 = arith.constant 0 : i32
        %dma_wait3A_191 = arith.constant 0 : i32
        %dma_wait3A_192 = tpu.memref_slice %arg10[%dma_wait3A_190, %dma_wait3A_191] : memref<50000x32xf32, #tpu.memory_space<hbm>> -> memref<50000x32xf32, #tpu.memory_space<hbm>>
        tpu.wait_indirect_dma semaphore(%arg25 : memref<!tpu.dma_semaphore, #tpu.memory_space<semaphore_mem>>) src(%dma_wait3A_192 : memref<50000x32xf32, #tpu.memory_space<hbm>>) dst(%dma_wait3A_186 : memref<128x32xf32, #tpu.memory_space<vmem>>)
        %dma_wait3A_193 = arith.constant 4 : i32
        %dma_wait3A_194 = arith.constant 512 : i32
        %dma_wait3A_195 = arith.constant 0 : i32
        %dma_wait3A_196 = tpu.memref_slice %arg23[%dma_wait3A_194, %dma_wait3A_195] : memref<640x32xf32, #tpu.memory_space<vmem>> -> memref<128x32xf32, #tpu.memory_space<vmem>>
        %dma_wait3A_197 = arith.constant 0 : i32
        %dma_wait3A_198 = tpu.memref_slice %arg21[%dma_wait3A_193, %dma_wait3A_197] : memref<5x128xi32, #tpu.memory_space<vmem>> -> memref<1x128xi32, #tpu.memory_space<vmem>>
        %dma_wait3A_199 = tpu.memref_squeeze %dma_wait3A_198 : memref<1x128xi32, #tpu.memory_space<vmem>> -> memref<128xi32, #tpu.memory_space<vmem>>
        %dma_wait3A_200 = arith.constant 0 : i32
        %dma_wait3A_201 = arith.constant 0 : i32
        %dma_wait3A_202 = tpu.memref_slice %arg10[%dma_wait3A_200, %dma_wait3A_201] : memref<50000x32xf32, #tpu.memory_space<hbm>> -> memref<50000x32xf32, #tpu.memory_space<hbm>>
        tpu.wait_indirect_dma semaphore(%arg25 : memref<!tpu.dma_semaphore, #tpu.memory_space<semaphore_mem>>) src(%dma_wait3A_202 : memref<50000x32xf32, #tpu.memory_space<hbm>>) dst(%dma_wait3A_196 : memref<128x32xf32, #tpu.memory_space<vmem>>)
        %dma_start3A_203 = arith.constant 0 : i32
        %dma_start3A_204 = arith.constant 0 : i32
        %dma_start3A_205 = arith.constant 0 : i32
        %dma_start3A_206 = tpu.memref_slice %arg23[%dma_start3A_204, %dma_start3A_205] : memref<640x32xf32, #tpu.memory_space<vmem>> -> memref<128x32xf32, #tpu.memory_space<vmem>>
        %dma_start3A_207 = arith.constant 0 : i32
        %dma_start3A_208 = tpu.memref_slice %arg22[%dma_start3A_203, %dma_start3A_207] : memref<5x128xi32, #tpu.memory_space<vmem>> -> memref<1x128xi32, #tpu.memory_space<vmem>>
        %dma_start3A_209 = tpu.memref_squeeze %dma_start3A_208 : memref<1x128xi32, #tpu.memory_space<vmem>> -> memref<128xi32, #tpu.memory_space<vmem>>
        %dma_start3A_210 = arith.constant 0 : i32
        %dma_start3A_211 = arith.constant 0 : i32
        %dma_start3A_212 = tpu.memref_slice %arg24[%dma_start3A_210, %dma_start3A_211] : memref<50176x32xf32, #tpu.memory_space<vmem_shared>> -> memref<50176x32xf32, #tpu.memory_space<vmem_shared>>
        tpu.enqueue_indirect_dma source(%dma_start3A_206 : memref<128x32xf32, #tpu.memory_space<vmem>>) target(%dma_start3A_212 : memref<50176x32xf32, #tpu.memory_space<vmem_shared>>) offsets(%dma_start3A_209 : memref<128xi32, #tpu.memory_space<vmem>>) semaphore(%arg26 : memref<!tpu.dma_semaphore, #tpu.memory_space<semaphore_mem>>) {add = true}
        %dma_start3A_213 = arith.constant 1 : i32
        %dma_start3A_214 = arith.constant 128 : i32
        %dma_start3A_215 = arith.constant 0 : i32
        %dma_start3A_216 = tpu.memref_slice %arg23[%dma_start3A_214, %dma_start3A_215] : memref<640x32xf32, #tpu.memory_space<vmem>> -> memref<128x32xf32, #tpu.memory_space<vmem>>
        %dma_start3A_217 = arith.constant 0 : i32
        %dma_start3A_218 = tpu.memref_slice %arg22[%dma_start3A_213, %dma_start3A_217] : memref<5x128xi32, #tpu.memory_space<vmem>> -> memref<1x128xi32, #tpu.memory_space<vmem>>
        %dma_start3A_219 = tpu.memref_squeeze %dma_start3A_218 : memref<1x128xi32, #tpu.memory_space<vmem>> -> memref<128xi32, #tpu.memory_space<vmem>>
        %dma_start3A_220 = arith.constant 0 : i32
        %dma_start3A_221 = arith.constant 0 : i32
        %dma_start3A_222 = tpu.memref_slice %arg24[%dma_start3A_220, %dma_start3A_221] : memref<50176x32xf32, #tpu.memory_space<vmem_shared>> -> memref<50176x32xf32, #tpu.memory_space<vmem_shared>>
        tpu.enqueue_indirect_dma source(%dma_start3A_216 : memref<128x32xf32, #tpu.memory_space<vmem>>) target(%dma_start3A_222 : memref<50176x32xf32, #tpu.memory_space<vmem_shared>>) offsets(%dma_start3A_219 : memref<128xi32, #tpu.memory_space<vmem>>) semaphore(%arg26 : memref<!tpu.dma_semaphore, #tpu.memory_space<semaphore_mem>>) {add = true}
        %dma_start3A_223 = arith.constant 2 : i32
        %dma_start3A_224 = arith.constant 256 : i32
        %dma_start3A_225 = arith.constant 0 : i32
        %dma_start3A_226 = tpu.memref_slice %arg23[%dma_start3A_224, %dma_start3A_225] : memref<640x32xf32, #tpu.memory_space<vmem>> -> memref<128x32xf32, #tpu.memory_space<vmem>>
        %dma_start3A_227 = arith.constant 0 : i32
        %dma_start3A_228 = tpu.memref_slice %arg22[%dma_start3A_223, %dma_start3A_227] : memref<5x128xi32, #tpu.memory_space<vmem>> -> memref<1x128xi32, #tpu.memory_space<vmem>>
        %dma_start3A_229 = tpu.memref_squeeze %dma_start3A_228 : memref<1x128xi32, #tpu.memory_space<vmem>> -> memref<128xi32, #tpu.memory_space<vmem>>
        %dma_start3A_230 = arith.constant 0 : i32
        %dma_start3A_231 = arith.constant 0 : i32
        %dma_start3A_232 = tpu.memref_slice %arg24[%dma_start3A_230, %dma_start3A_231] : memref<50176x32xf32, #tpu.memory_space<vmem_shared>> -> memref<50176x32xf32, #tpu.memory_space<vmem_shared>>
        tpu.enqueue_indirect_dma source(%dma_start3A_226 : memref<128x32xf32, #tpu.memory_space<vmem>>) target(%dma_start3A_232 : memref<50176x32xf32, #tpu.memory_space<vmem_shared>>) offsets(%dma_start3A_229 : memref<128xi32, #tpu.memory_space<vmem>>) semaphore(%arg26 : memref<!tpu.dma_semaphore, #tpu.memory_space<semaphore_mem>>) {add = true}
        %dma_start3A_233 = arith.constant 3 : i32
        %dma_start3A_234 = arith.constant 384 : i32
        %dma_start3A_235 = arith.constant 0 : i32
        %dma_start3A_236 = tpu.memref_slice %arg23[%dma_start3A_234, %dma_start3A_235] : memref<640x32xf32, #tpu.memory_space<vmem>> -> memref<128x32xf32, #tpu.memory_space<vmem>>
        %dma_start3A_237 = arith.constant 0 : i32
        %dma_start3A_238 = tpu.memref_slice %arg22[%dma_start3A_233, %dma_start3A_237] : memref<5x128xi32, #tpu.memory_space<vmem>> -> memref<1x128xi32, #tpu.memory_space<vmem>>
        %dma_start3A_239 = tpu.memref_squeeze %dma_start3A_238 : memref<1x128xi32, #tpu.memory_space<vmem>> -> memref<128xi32, #tpu.memory_space<vmem>>
        %dma_start3A_240 = arith.constant 0 : i32
        %dma_start3A_241 = arith.constant 0 : i32
        %dma_start3A_242 = tpu.memref_slice %arg24[%dma_start3A_240, %dma_start3A_241] : memref<50176x32xf32, #tpu.memory_space<vmem_shared>> -> memref<50176x32xf32, #tpu.memory_space<vmem_shared>>
        tpu.enqueue_indirect_dma source(%dma_start3A_236 : memref<128x32xf32, #tpu.memory_space<vmem>>) target(%dma_start3A_242 : memref<50176x32xf32, #tpu.memory_space<vmem_shared>>) offsets(%dma_start3A_239 : memref<128xi32, #tpu.memory_space<vmem>>) semaphore(%arg26 : memref<!tpu.dma_semaphore, #tpu.memory_space<semaphore_mem>>) {add = true}
        %dma_start3A_243 = arith.constant 4 : i32
        %dma_start3A_244 = arith.constant 512 : i32
        %dma_start3A_245 = arith.constant 0 : i32
        %dma_start3A_246 = tpu.memref_slice %arg23[%dma_start3A_244, %dma_start3A_245] : memref<640x32xf32, #tpu.memory_space<vmem>> -> memref<128x32xf32, #tpu.memory_space<vmem>>
        %dma_start3A_247 = arith.constant 0 : i32
        %dma_start3A_248 = tpu.memref_slice %arg22[%dma_start3A_243, %dma_start3A_247] : memref<5x128xi32, #tpu.memory_space<vmem>> -> memref<1x128xi32, #tpu.memory_space<vmem>>
        %dma_start3A_249 = tpu.memref_squeeze %dma_start3A_248 : memref<1x128xi32, #tpu.memory_space<vmem>> -> memref<128xi32, #tpu.memory_space<vmem>>
        %dma_start3A_250 = arith.constant 0 : i32
        %dma_start3A_251 = arith.constant 0 : i32
        %dma_start3A_252 = tpu.memref_slice %arg24[%dma_start3A_250, %dma_start3A_251] : memref<50176x32xf32, #tpu.memory_space<vmem_shared>> -> memref<50176x32xf32, #tpu.memory_space<vmem_shared>>
        tpu.enqueue_indirect_dma source(%dma_start3A_246 : memref<128x32xf32, #tpu.memory_space<vmem>>) target(%dma_start3A_252 : memref<50176x32xf32, #tpu.memory_space<vmem_shared>>) offsets(%dma_start3A_249 : memref<128xi32, #tpu.memory_space<vmem>>) semaphore(%arg26 : memref<!tpu.dma_semaphore, #tpu.memory_space<semaphore_mem>>) {add = true}
        %dma_wait3A_253 = arith.constant 0 : i32
        %dma_wait3A_254 = arith.constant 0 : i32
        %dma_wait3A_255 = arith.constant 0 : i32
        %dma_wait3A_256 = tpu.memref_slice %arg23[%dma_wait3A_254, %dma_wait3A_255] : memref<640x32xf32, #tpu.memory_space<vmem>> -> memref<128x32xf32, #tpu.memory_space<vmem>>
        %dma_wait3A_257 = arith.constant 0 : i32
        %dma_wait3A_258 = tpu.memref_slice %arg22[%dma_wait3A_253, %dma_wait3A_257] : memref<5x128xi32, #tpu.memory_space<vmem>> -> memref<1x128xi32, #tpu.memory_space<vmem>>
        %dma_wait3A_259 = tpu.memref_squeeze %dma_wait3A_258 : memref<1x128xi32, #tpu.memory_space<vmem>> -> memref<128xi32, #tpu.memory_space<vmem>>
        %dma_wait3A_260 = arith.constant 0 : i32
        %dma_wait3A_261 = arith.constant 0 : i32
        %dma_wait3A_262 = tpu.memref_slice %arg24[%dma_wait3A_260, %dma_wait3A_261] : memref<50176x32xf32, #tpu.memory_space<vmem_shared>> -> memref<50176x32xf32, #tpu.memory_space<vmem_shared>>
        tpu.wait_indirect_dma semaphore(%arg26 : memref<!tpu.dma_semaphore, #tpu.memory_space<semaphore_mem>>) src(%dma_wait3A_256 : memref<128x32xf32, #tpu.memory_space<vmem>>) dst(%dma_wait3A_262 : memref<50176x32xf32, #tpu.memory_space<vmem_shared>>)
        %dma_wait3A_263 = arith.constant 1 : i32
        %dma_wait3A_264 = arith.constant 128 : i32
        %dma_wait3A_265 = arith.constant 0 : i32
        %dma_wait3A_266 = tpu.memref_slice %arg23[%dma_wait3A_264, %dma_wait3A_265] : memref<640x32xf32, #tpu.memory_space<vmem>> -> memref<128x32xf32, #tpu.memory_space<vmem>>
        %dma_wait3A_267 = arith.constant 0 : i32
        %dma_wait3A_268 = tpu.memref_slice %arg22[%dma_wait3A_263, %dma_wait3A_267] : memref<5x128xi32, #tpu.memory_space<vmem>> -> memref<1x128xi32, #tpu.memory_space<vmem>>
        %dma_wait3A_269 = tpu.memref_squeeze %dma_wait3A_268 : memref<1x128xi32, #tpu.memory_space<vmem>> -> memref<128xi32, #tpu.memory_space<vmem>>
        %dma_wait3A_270 = arith.constant 0 : i32
        %dma_wait3A_271 = arith.constant 0 : i32
        %dma_wait3A_272 = tpu.memref_slice %arg24[%dma_wait3A_270, %dma_wait3A_271] : memref<50176x32xf32, #tpu.memory_space<vmem_shared>> -> memref<50176x32xf32, #tpu.memory_space<vmem_shared>>
        tpu.wait_indirect_dma semaphore(%arg26 : memref<!tpu.dma_semaphore, #tpu.memory_space<semaphore_mem>>) src(%dma_wait3A_266 : memref<128x32xf32, #tpu.memory_space<vmem>>) dst(%dma_wait3A_272 : memref<50176x32xf32, #tpu.memory_space<vmem_shared>>)
        %dma_wait3A_273 = arith.constant 2 : i32
        %dma_wait3A_274 = arith.constant 256 : i32
        %dma_wait3A_275 = arith.constant 0 : i32
        %dma_wait3A_276 = tpu.memref_slice %arg23[%dma_wait3A_274, %dma_wait3A_275] : memref<640x32xf32, #tpu.memory_space<vmem>> -> memref<128x32xf32, #tpu.memory_space<vmem>>
        %dma_wait3A_277 = arith.constant 0 : i32
        %dma_wait3A_278 = tpu.memref_slice %arg22[%dma_wait3A_273, %dma_wait3A_277] : memref<5x128xi32, #tpu.memory_space<vmem>> -> memref<1x128xi32, #tpu.memory_space<vmem>>
        %dma_wait3A_279 = tpu.memref_squeeze %dma_wait3A_278 : memref<1x128xi32, #tpu.memory_space<vmem>> -> memref<128xi32, #tpu.memory_space<vmem>>
        %dma_wait3A_280 = arith.constant 0 : i32
        %dma_wait3A_281 = arith.constant 0 : i32
        %dma_wait3A_282 = tpu.memref_slice %arg24[%dma_wait3A_280, %dma_wait3A_281] : memref<50176x32xf32, #tpu.memory_space<vmem_shared>> -> memref<50176x32xf32, #tpu.memory_space<vmem_shared>>
        tpu.wait_indirect_dma semaphore(%arg26 : memref<!tpu.dma_semaphore, #tpu.memory_space<semaphore_mem>>) src(%dma_wait3A_276 : memref<128x32xf32, #tpu.memory_space<vmem>>) dst(%dma_wait3A_282 : memref<50176x32xf32, #tpu.memory_space<vmem_shared>>)
        %dma_wait3A_283 = arith.constant 3 : i32
        %dma_wait3A_284 = arith.constant 384 : i32
        %dma_wait3A_285 = arith.constant 0 : i32
        %dma_wait3A_286 = tpu.memref_slice %arg23[%dma_wait3A_284, %dma_wait3A_285] : memref<640x32xf32, #tpu.memory_space<vmem>> -> memref<128x32xf32, #tpu.memory_space<vmem>>
        %dma_wait3A_287 = arith.constant 0 : i32
        %dma_wait3A_288 = tpu.memref_slice %arg22[%dma_wait3A_283, %dma_wait3A_287] : memref<5x128xi32, #tpu.memory_space<vmem>> -> memref<1x128xi32, #tpu.memory_space<vmem>>
        %dma_wait3A_289 = tpu.memref_squeeze %dma_wait3A_288 : memref<1x128xi32, #tpu.memory_space<vmem>> -> memref<128xi32, #tpu.memory_space<vmem>>
        %dma_wait3A_290 = arith.constant 0 : i32
        %dma_wait3A_291 = arith.constant 0 : i32
        %dma_wait3A_292 = tpu.memref_slice %arg24[%dma_wait3A_290, %dma_wait3A_291] : memref<50176x32xf32, #tpu.memory_space<vmem_shared>> -> memref<50176x32xf32, #tpu.memory_space<vmem_shared>>
        tpu.wait_indirect_dma semaphore(%arg26 : memref<!tpu.dma_semaphore, #tpu.memory_space<semaphore_mem>>) src(%dma_wait3A_286 : memref<128x32xf32, #tpu.memory_space<vmem>>) dst(%dma_wait3A_292 : memref<50176x32xf32, #tpu.memory_space<vmem_shared>>)
        %dma_wait3A_293 = arith.constant 4 : i32
        %dma_wait3A_294 = arith.constant 512 : i32
        %dma_wait3A_295 = arith.constant 0 : i32
        %dma_wait3A_296 = tpu.memref_slice %arg23[%dma_wait3A_294, %dma_wait3A_295] : memref<640x32xf32, #tpu.memory_space<vmem>> -> memref<128x32xf32, #tpu.memory_space<vmem>>
        %dma_wait3A_297 = arith.constant 0 : i32
        %dma_wait3A_298 = tpu.memref_slice %arg22[%dma_wait3A_293, %dma_wait3A_297] : memref<5x128xi32, #tpu.memory_space<vmem>> -> memref<1x128xi32, #tpu.memory_space<vmem>>
        %dma_wait3A_299 = tpu.memref_squeeze %dma_wait3A_298 : memref<1x128xi32, #tpu.memory_space<vmem>> -> memref<128xi32, #tpu.memory_space<vmem>>
        %dma_wait3A_300 = arith.constant 0 : i32
        %dma_wait3A_301 = arith.constant 0 : i32
        %dma_wait3A_302 = tpu.memref_slice %arg24[%dma_wait3A_300, %dma_wait3A_301] : memref<50176x32xf32, #tpu.memory_space<vmem_shared>> -> memref<50176x32xf32, #tpu.memory_space<vmem_shared>>
        tpu.wait_indirect_dma semaphore(%arg26 : memref<!tpu.dma_semaphore, #tpu.memory_space<semaphore_mem>>) src(%dma_wait3A_296 : memref<128x32xf32, #tpu.memory_space<vmem>>) dst(%dma_wait3A_302 : memref<50176x32xf32, #tpu.memory_space<vmem_shared>>)
      }
      %scan3A_99 = arith.constant 16 : i32
    } else {
    }
    %barrier3A_83 = arith.constant 0 : index
    tpu.barrier barrier_id(%barrier3A_83)
    %eq3A_84 = arith.constant 0 : i32
    %eq3A_85 = arith.cmpi eq, %arg0, %eq3A_84 : i32
    %convert_element_type3A_86 = arith.extui %eq3A_85 : i1 to i32
    %cond3A_87 = arith.constant 0 : i32
    %cond3A_88 = arith.cmpi ne, %convert_element_type3A_86, %cond3A_87 : i32
    scf.if %cond3A_88 {
      "tpu.region"() ({
        %run_scoped3A = tpu.sem_alloc : memref<!tpu.dma_semaphore, #tpu.memory_space<semaphore_mem>>
        %dma_start3A = arith.constant 64 : i32
        %dma_start3A_95 = tpu.memref_slice %arg20[%mul3A_71, %dma_start3A] : memref<50176x128xf32, #tpu.memory_space<hbm>> -> memref<3136x32xf32, #tpu.memory_space<hbm>>
        %dma_start3A_96 = arith.constant 0 : i32
        %dma_start3A_97 = tpu.memref_slice %arg24[%mul3A_71, %dma_start3A_96] : memref<50176x32xf32, #tpu.memory_space<vmem_shared>> -> memref<3136x32xf32, #tpu.memory_space<vmem_shared>>
        tpu.enqueue_dma source(%dma_start3A_97 : memref<3136x32xf32, #tpu.memory_space<vmem_shared>>) target(%dma_start3A_95 : memref<3136x32xf32, #tpu.memory_space<hbm>>) target_semaphore(%run_scoped3A : memref<!tpu.dma_semaphore, #tpu.memory_space<semaphore_mem>>)
        %dma_wait3A = arith.constant 64 : i32
        %dma_wait3A_98 = tpu.memref_slice %arg20[%mul3A_71, %dma_wait3A] : memref<50176x128xf32, #tpu.memory_space<hbm>> -> memref<3136x32xf32, #tpu.memory_space<hbm>>
        %dma_wait3A_99 = arith.constant 0 : i32
        %dma_wait3A_100 = tpu.memref_slice %arg24[%mul3A_71, %dma_wait3A_99] : memref<50176x32xf32, #tpu.memory_space<vmem_shared>> -> memref<3136x32xf32, #tpu.memory_space<vmem_shared>>
        tpu.wait_dma2 semaphore(%run_scoped3A : memref<!tpu.dma_semaphore, #tpu.memory_space<semaphore_mem>>) src(%dma_wait3A_100 : memref<3136x32xf32, #tpu.memory_space<vmem_shared>>) dst(%dma_wait3A_98 : memref<3136x32xf32, #tpu.memory_space<hbm>>)
        tpu.yield
      }) : () -> ()
    } else {
    }
    %eq3A_89 = arith.constant 1 : i32
    %eq3A_90 = arith.cmpi eq, %arg0, %eq3A_89 : i32
    %convert_element_type3A_91 = arith.extui %eq3A_90 : i1 to i32
    %cond3A_92 = arith.constant 0 : i32
    %cond3A_93 = arith.cmpi ne, %convert_element_type3A_91, %cond3A_92 : i32
    scf.if %cond3A_93 {
      "tpu.region"() ({
        %run_scoped3A = tpu.sem_alloc : memref<!tpu.dma_semaphore, #tpu.memory_space<semaphore_mem>>
        %dma_start3A = arith.constant 96 : i32
        %dma_start3A_95 = tpu.memref_slice %arg20[%mul3A_71, %dma_start3A] : memref<50176x128xf32, #tpu.memory_space<hbm>> -> memref<3136x32xf32, #tpu.memory_space<hbm>>
        %dma_start3A_96 = arith.constant 0 : i32
        %dma_start3A_97 = tpu.memref_slice %arg24[%mul3A_71, %dma_start3A_96] : memref<50176x32xf32, #tpu.memory_space<vmem_shared>> -> memref<3136x32xf32, #tpu.memory_space<vmem_shared>>
        tpu.enqueue_dma source(%dma_start3A_97 : memref<3136x32xf32, #tpu.memory_space<vmem_shared>>) target(%dma_start3A_95 : memref<3136x32xf32, #tpu.memory_space<hbm>>) target_semaphore(%run_scoped3A : memref<!tpu.dma_semaphore, #tpu.memory_space<semaphore_mem>>)
        %dma_wait3A = arith.constant 96 : i32
        %dma_wait3A_98 = tpu.memref_slice %arg20[%mul3A_71, %dma_wait3A] : memref<50176x128xf32, #tpu.memory_space<hbm>> -> memref<3136x32xf32, #tpu.memory_space<hbm>>
        %dma_wait3A_99 = arith.constant 0 : i32
        %dma_wait3A_100 = tpu.memref_slice %arg24[%mul3A_71, %dma_wait3A_99] : memref<50176x32xf32, #tpu.memory_space<vmem_shared>> -> memref<3136x32xf32, #tpu.memory_space<vmem_shared>>
        tpu.wait_dma2 semaphore(%run_scoped3A : memref<!tpu.dma_semaphore, #tpu.memory_space<semaphore_mem>>) src(%dma_wait3A_100 : memref<3136x32xf32, #tpu.memory_space<vmem_shared>>) dst(%dma_wait3A_98 : memref<3136x32xf32, #tpu.memory_space<hbm>>)
        tpu.yield
      }) : () -> ()
    } else {
    }
    %barrier3A_94 = arith.constant 0 : index
    tpu.barrier barrier_id(%barrier3A_94)
    return
  }
}

module attributes {stable_mosaic.version = 14 : i64} {
  func.func @_enc_body(%arg0: i32, %arg1: memref<1000x128xf32, #tpu.memory_space<vmem>>, %arg2: memref<128x256xf32, #tpu.memory_space<vmem>>, %arg3: memref<1x256xf32, #tpu.memory_space<vmem>>, %arg4: memref<1000x32xf32, #tpu.memory_space<vmem>>, %arg5: memref<1000x32xf32, #tpu.memory_space<vmem>>, %arg6: memref<1000x32xf32, #tpu.memory_space<vmem>>, %arg7: memref<1000x32xf32, #tpu.memory_space<vmem>>, %arg8: memref<1000x128xf32, #tpu.memory_space<vmem>>) attributes {dimension_semantics = [#tpu.dimension_semantics<arbitrary>], iteration_bounds = array<i64: 50>, scalar_prefetch = 0 : i64, scratch_operands = 0 : i64, tpu.core_type = #tpu.core_type<tc>, window_params = [{transform_indices = @transform_0, window_bounds = array<i64: 1000, 128>}, {pipeline_mode = #tpu.pipeline_mode<synchronous>, transform_indices = @transform_1, window_bounds = array<i64: 128, 256>}, {pipeline_mode = #tpu.pipeline_mode<synchronous>, transform_indices = @transform_2, window_bounds = array<i64: 1, 256>}, {transform_indices = @transform_3, window_bounds = array<i64: 1000, 32>}, {transform_indices = @transform_4, window_bounds = array<i64: 1000, 32>}, {transform_indices = @transform_5, window_bounds = array<i64: 1000, 32>}, {transform_indices = @transform_6, window_bounds = array<i64: 1000, 32>}, {transform_indices = @transform_7, window_bounds = array<i64: 1000, 128>}]} {
    %get3A = arith.constant 0 : index
    %get3A_0 = arith.constant 0 : index
    %get3A_1 = vector.load %arg1[%get3A, %get3A_0] : memref<1000x128xf32, #tpu.memory_space<vmem>>, vector<1000x128xf32>
    %get3A_2 = arith.constant 0 : index
    %get3A_3 = arith.constant 0 : index
    %get3A_4 = vector.load %arg2[%get3A_2, %get3A_3] : memref<128x256xf32, #tpu.memory_space<vmem>>, vector<128x256xf32>
    %dot_general3A = arith.constant dense<0.000000e+00> : vector<1000x256xf32>
    %dot_general3A_5 = tpu.matmul %get3A_1, %get3A_4, %dot_general3A {dimension_numbers = #tpu.dot_dimension_numbers<[1], [0], [0], [1], [0, 0, 1, 1], [], []>, transpose_lhs_hint = false} : vector<1000x128xf32>, vector<128x256xf32>, vector<1000x256xf32> -> vector<1000x256xf32>
    %get3A_6 = arith.constant 0 : index
    %get3A_7 = arith.constant 0 : index
    %get3A_8 = vector.load %arg3[%get3A_6, %get3A_7] : memref<1x256xf32, #tpu.memory_space<vmem>>, vector<1x256xf32>
    %add3A = vector.broadcast %get3A_8 : vector<1x256xf32> to vector<1000x256xf32>
    %add3A_9 = arith.addf %dot_general3A_5, %add3A : vector<1000x256xf32>
    %slice3A = vector.extract_strided_slice %add3A_9 {offsets = [0, 0], sizes = [1000, 32], strides = [1, 1]} : vector<1000x256xf32> to vector<1000x32xf32>
    %swap3A = arith.constant 0 : index
    %swap3A_10 = arith.constant 0 : index
    %swap3A_11 = vector.load %arg4[%swap3A, %swap3A_10] : memref<1000x32xf32, #tpu.memory_space<vmem>>, vector<1000x32xf32>
    tpu.vector_store %arg4[%swap3A, %swap3A_10], %slice3A {strides = array<i32>} : memref<1000x32xf32, #tpu.memory_space<vmem>>, vector<1000x32xf32>,
    %slice3A_12 = vector.extract_strided_slice %add3A_9 {offsets = [0, 32], sizes = [1000, 32], strides = [1, 1]} : vector<1000x256xf32> to vector<1000x32xf32>
    %swap3A_13 = arith.constant 0 : index
    %swap3A_14 = arith.constant 0 : index
    %swap3A_15 = vector.load %arg5[%swap3A_13, %swap3A_14] : memref<1000x32xf32, #tpu.memory_space<vmem>>, vector<1000x32xf32>
    tpu.vector_store %arg5[%swap3A_13, %swap3A_14], %slice3A_12 {strides = array<i32>} : memref<1000x32xf32, #tpu.memory_space<vmem>>, vector<1000x32xf32>,
    %slice3A_16 = vector.extract_strided_slice %add3A_9 {offsets = [0, 64], sizes = [1000, 32], strides = [1, 1]} : vector<1000x256xf32> to vector<1000x32xf32>
    %swap3A_17 = arith.constant 0 : index
    %swap3A_18 = arith.constant 0 : index
    %swap3A_19 = vector.load %arg6[%swap3A_17, %swap3A_18] : memref<1000x32xf32, #tpu.memory_space<vmem>>, vector<1000x32xf32>
    tpu.vector_store %arg6[%swap3A_17, %swap3A_18], %slice3A_16 {strides = array<i32>} : memref<1000x32xf32, #tpu.memory_space<vmem>>, vector<1000x32xf32>,
    %slice3A_20 = vector.extract_strided_slice %add3A_9 {offsets = [0, 96], sizes = [1000, 32], strides = [1, 1]} : vector<1000x256xf32> to vector<1000x32xf32>
    %swap3A_21 = arith.constant 0 : index
    %swap3A_22 = arith.constant 0 : index
    %swap3A_23 = vector.load %arg7[%swap3A_21, %swap3A_22] : memref<1000x32xf32, #tpu.memory_space<vmem>>, vector<1000x32xf32>
    tpu.vector_store %arg7[%swap3A_21, %swap3A_22], %slice3A_20 {strides = array<i32>} : memref<1000x32xf32, #tpu.memory_space<vmem>>, vector<1000x32xf32>,
    %slice3A_24 = vector.extract_strided_slice %add3A_9 {offsets = [0, 128], sizes = [1000, 128], strides = [1, 1]} : vector<1000x256xf32> to vector<1000x128xf32>
    %swap3A_25 = arith.constant 0 : index
    %swap3A_26 = arith.constant 0 : index
    %swap3A_27 = vector.load %arg8[%swap3A_25, %swap3A_26] : memref<1000x128xf32, #tpu.memory_space<vmem>>, vector<1000x128xf32>
    tpu.vector_store %arg8[%swap3A_25, %swap3A_26], %slice3A_24 {strides = array<i32>} : memref<1000x128xf32, #tpu.memory_space<vmem>>, vector<1000x128xf32>,
    return
  }
  func.func @transform_0(%arg0: i32) -> (i32, i32) {
    %c0_i32 = arith.constant 0 : i32
    %c0_i32_0 = arith.constant 0 : i32
    return %arg0, %c0_i32 : i32, i32
  }
  func.func @transform_1(%arg0: i32) -> (i32, i32) {
    %c0_i32 = arith.constant 0 : i32
    %c0_i32_0 = arith.constant 0 : i32
    %c0_i32_1 = arith.constant 0 : i32
    return %c0_i32, %c0_i32_0 : i32, i32
  }
  func.func @transform_2(%arg0: i32) -> (i32, i32) {
    %c0_i32 = arith.constant 0 : i32
    %c0_i32_0 = arith.constant 0 : i32
    %c0_i32_1 = arith.constant 0 : i32
    return %c0_i32, %c0_i32_0 : i32, i32
  }
  func.func @transform_3(%arg0: i32) -> (i32, i32) {
    %c0_i32 = arith.constant 0 : i32
    %c0_i32_0 = arith.constant 0 : i32
    return %arg0, %c0_i32 : i32, i32
  }
  func.func @transform_4(%arg0: i32) -> (i32, i32) {
    %c0_i32 = arith.constant 0 : i32
    %c0_i32_0 = arith.constant 0 : i32
    return %arg0, %c0_i32 : i32, i32
  }
  func.func @transform_5(%arg0: i32) -> (i32, i32) {
    %c0_i32 = arith.constant 0 : i32
    %c0_i32_0 = arith.constant 0 : i32
    return %arg0, %c0_i32 : i32, i32
  }
  func.func @transform_6(%arg0: i32) -> (i32, i32) {
    %c0_i32 = arith.constant 0 : i32
    %c0_i32_0 = arith.constant 0 : i32
    return %arg0, %c0_i32 : i32, i32
  }
  func.func @transform_7(%arg0: i32) -> (i32, i32) {
    %c0_i32 = arith.constant 0 : i32
    %c0_i32_0 = arith.constant 0 : i32
    return %arg0, %c0_i32 : i32, i32
  }
}

module attributes {stable_mosaic.version = 14 : i64} {
  func.func @_enc_body(%arg0: i32, %arg1: memref<1000x128xf32, #tpu.memory_space<vmem>>, %arg2: memref<128x256xf32, #tpu.memory_space<vmem>>, %arg3: memref<1x256xf32, #tpu.memory_space<vmem>>, %arg4: memref<1000x32xf32, #tpu.memory_space<vmem>>, %arg5: memref<1000x32xf32, #tpu.memory_space<vmem>>, %arg6: memref<1000x32xf32, #tpu.memory_space<vmem>>, %arg7: memref<1000x32xf32, #tpu.memory_space<vmem>>, %arg8: memref<1000x128xf32, #tpu.memory_space<vmem>>) attributes {dimension_semantics = [#tpu.dimension_semantics<arbitrary>], iteration_bounds = array<i64: 10>, scalar_prefetch = 0 : i64, scratch_operands = 0 : i64, tpu.core_type = #tpu.core_type<tc>, window_params = [{transform_indices = @transform_0, window_bounds = array<i64: 1000, 128>}, {pipeline_mode = #tpu.pipeline_mode<synchronous>, transform_indices = @transform_1, window_bounds = array<i64: 128, 256>}, {pipeline_mode = #tpu.pipeline_mode<synchronous>, transform_indices = @transform_2, window_bounds = array<i64: 1, 256>}, {transform_indices = @transform_3, window_bounds = array<i64: 1000, 32>}, {transform_indices = @transform_4, window_bounds = array<i64: 1000, 32>}, {transform_indices = @transform_5, window_bounds = array<i64: 1000, 32>}, {transform_indices = @transform_6, window_bounds = array<i64: 1000, 32>}, {transform_indices = @transform_7, window_bounds = array<i64: 1000, 128>}]} {
    %get3A = arith.constant 0 : index
    %get3A_0 = arith.constant 0 : index
    %get3A_1 = vector.load %arg1[%get3A, %get3A_0] : memref<1000x128xf32, #tpu.memory_space<vmem>>, vector<1000x128xf32>
    %get3A_2 = arith.constant 0 : index
    %get3A_3 = arith.constant 0 : index
    %get3A_4 = vector.load %arg2[%get3A_2, %get3A_3] : memref<128x256xf32, #tpu.memory_space<vmem>>, vector<128x256xf32>
    %dot_general3A = arith.constant dense<0.000000e+00> : vector<1000x256xf32>
    %dot_general3A_5 = tpu.matmul %get3A_1, %get3A_4, %dot_general3A {dimension_numbers = #tpu.dot_dimension_numbers<[1], [0], [0], [1], [0, 0, 1, 1], [], []>, transpose_lhs_hint = false} : vector<1000x128xf32>, vector<128x256xf32>, vector<1000x256xf32> -> vector<1000x256xf32>
    %get3A_6 = arith.constant 0 : index
    %get3A_7 = arith.constant 0 : index
    %get3A_8 = vector.load %arg3[%get3A_6, %get3A_7] : memref<1x256xf32, #tpu.memory_space<vmem>>, vector<1x256xf32>
    %add3A = vector.broadcast %get3A_8 : vector<1x256xf32> to vector<1000x256xf32>
    %add3A_9 = arith.addf %dot_general3A_5, %add3A : vector<1000x256xf32>
    %slice3A = vector.extract_strided_slice %add3A_9 {offsets = [0, 0], sizes = [1000, 32], strides = [1, 1]} : vector<1000x256xf32> to vector<1000x32xf32>
    %swap3A = arith.constant 0 : index
    %swap3A_10 = arith.constant 0 : index
    %swap3A_11 = vector.load %arg4[%swap3A, %swap3A_10] : memref<1000x32xf32, #tpu.memory_space<vmem>>, vector<1000x32xf32>
    tpu.vector_store %arg4[%swap3A, %swap3A_10], %slice3A {strides = array<i32>} : memref<1000x32xf32, #tpu.memory_space<vmem>>, vector<1000x32xf32>,
    %slice3A_12 = vector.extract_strided_slice %add3A_9 {offsets = [0, 32], sizes = [1000, 32], strides = [1, 1]} : vector<1000x256xf32> to vector<1000x32xf32>
    %swap3A_13 = arith.constant 0 : index
    %swap3A_14 = arith.constant 0 : index
    %swap3A_15 = vector.load %arg5[%swap3A_13, %swap3A_14] : memref<1000x32xf32, #tpu.memory_space<vmem>>, vector<1000x32xf32>
    tpu.vector_store %arg5[%swap3A_13, %swap3A_14], %slice3A_12 {strides = array<i32>} : memref<1000x32xf32, #tpu.memory_space<vmem>>, vector<1000x32xf32>,
    %slice3A_16 = vector.extract_strided_slice %add3A_9 {offsets = [0, 64], sizes = [1000, 32], strides = [1, 1]} : vector<1000x256xf32> to vector<1000x32xf32>
    %swap3A_17 = arith.constant 0 : index
    %swap3A_18 = arith.constant 0 : index
    %swap3A_19 = vector.load %arg6[%swap3A_17, %swap3A_18] : memref<1000x32xf32, #tpu.memory_space<vmem>>, vector<1000x32xf32>
    tpu.vector_store %arg6[%swap3A_17, %swap3A_18], %slice3A_16 {strides = array<i32>} : memref<1000x32xf32, #tpu.memory_space<vmem>>, vector<1000x32xf32>,
    %slice3A_20 = vector.extract_strided_slice %add3A_9 {offsets = [0, 96], sizes = [1000, 32], strides = [1, 1]} : vector<1000x256xf32> to vector<1000x32xf32>
    %swap3A_21 = arith.constant 0 : index
    %swap3A_22 = arith.constant 0 : index
    %swap3A_23 = vector.load %arg7[%swap3A_21, %swap3A_22] : memref<1000x32xf32, #tpu.memory_space<vmem>>, vector<1000x32xf32>
    tpu.vector_store %arg7[%swap3A_21, %swap3A_22], %slice3A_20 {strides = array<i32>} : memref<1000x32xf32, #tpu.memory_space<vmem>>, vector<1000x32xf32>,
    %slice3A_24 = vector.extract_strided_slice %add3A_9 {offsets = [0, 128], sizes = [1000, 128], strides = [1, 1]} : vector<1000x256xf32> to vector<1000x128xf32>
    %swap3A_25 = arith.constant 0 : index
    %swap3A_26 = arith.constant 0 : index
    %swap3A_27 = vector.load %arg8[%swap3A_25, %swap3A_26] : memref<1000x128xf32, #tpu.memory_space<vmem>>, vector<1000x128xf32>
    tpu.vector_store %arg8[%swap3A_25, %swap3A_26], %slice3A_24 {strides = array<i32>} : memref<1000x128xf32, #tpu.memory_space<vmem>>, vector<1000x128xf32>,
    return
  }
  func.func @transform_0(%arg0: i32) -> (i32, i32) {
    %c0_i32 = arith.constant 0 : i32
    %c0_i32_0 = arith.constant 0 : i32
    return %arg0, %c0_i32 : i32, i32
  }
  func.func @transform_1(%arg0: i32) -> (i32, i32) {
    %c0_i32 = arith.constant 0 : i32
    %c0_i32_0 = arith.constant 0 : i32
    %c0_i32_1 = arith.constant 0 : i32
    return %c0_i32, %c0_i32_0 : i32, i32
  }
  func.func @transform_2(%arg0: i32) -> (i32, i32) {
    %c0_i32 = arith.constant 0 : i32
    %c0_i32_0 = arith.constant 0 : i32
    %c0_i32_1 = arith.constant 0 : i32
    return %c0_i32, %c0_i32_0 : i32, i32
  }
  func.func @transform_3(%arg0: i32) -> (i32, i32) {
    %c0_i32 = arith.constant 0 : i32
    %c0_i32_0 = arith.constant 0 : i32
    return %arg0, %c0_i32 : i32, i32
  }
  func.func @transform_4(%arg0: i32) -> (i32, i32) {
    %c0_i32 = arith.constant 0 : i32
    %c0_i32_0 = arith.constant 0 : i32
    return %arg0, %c0_i32 : i32, i32
  }
  func.func @transform_5(%arg0: i32) -> (i32, i32) {
    %c0_i32 = arith.constant 0 : i32
    %c0_i32_0 = arith.constant 0 : i32
    return %arg0, %c0_i32 : i32, i32
  }
  func.func @transform_6(%arg0: i32) -> (i32, i32) {
    %c0_i32 = arith.constant 0 : i32
    %c0_i32_0 = arith.constant 0 : i32
    return %arg0, %c0_i32 : i32, i32
  }
  func.func @transform_7(%arg0: i32) -> (i32, i32) {
    %c0_i32 = arith.constant 0 : i32
    %c0_i32_0 = arith.constant 0 : i32
    return %arg0, %c0_i32 : i32, i32
  }
}

module attributes {stable_mosaic.version = 14 : i64} {
  func.func @_dec_body(%arg0: i32, %arg1: memref<5000x128xf32, #tpu.memory_space<vmem>>, %arg2: memref<5000x128xf32, #tpu.memory_space<vmem>>, %arg3: memref<128x16xf32, #tpu.memory_space<vmem>>, %arg4: memref<1x16xf32, #tpu.memory_space<vmem>>, %arg5: memref<16x32xf32, #tpu.memory_space<vmem>>, %arg6: memref<1x32xf32, #tpu.memory_space<vmem>>, %arg7: memref<128x16xf32, #tpu.memory_space<vmem>>, %arg8: memref<1x16xf32, #tpu.memory_space<vmem>>, %arg9: memref<16x32xf32, #tpu.memory_space<vmem>>, %arg10: memref<1x32xf32, #tpu.memory_space<vmem>>, %arg11: memref<5000x32xf32, #tpu.memory_space<vmem>>, %arg12: memref<5000x32xf32, #tpu.memory_space<vmem>>) attributes {dimension_semantics = [#tpu.dimension_semantics<arbitrary>], iteration_bounds = array<i64: 10>, scalar_prefetch = 0 : i64, scratch_operands = 0 : i64, tpu.core_type = #tpu.core_type<tc>, window_params = [{transform_indices = @transform_0, window_bounds = array<i64: 5000, 128>}, {transform_indices = @transform_1, window_bounds = array<i64: 5000, 128>}, {pipeline_mode = #tpu.pipeline_mode<synchronous>, transform_indices = @transform_2, window_bounds = array<i64: 128, 16>}, {pipeline_mode = #tpu.pipeline_mode<synchronous>, transform_indices = @transform_3, window_bounds = array<i64: 1, 16>}, {pipeline_mode = #tpu.pipeline_mode<synchronous>, transform_indices = @transform_4, window_bounds = array<i64: 16, 32>}, {pipeline_mode = #tpu.pipeline_mode<synchronous>, transform_indices = @transform_5, window_bounds = array<i64: 1, 32>}, {pipeline_mode = #tpu.pipeline_mode<synchronous>, transform_indices = @transform_6, window_bounds = array<i64: 128, 16>}, {pipeline_mode = #tpu.pipeline_mode<synchronous>, transform_indices = @transform_7, window_bounds = array<i64: 1, 16>}, {pipeline_mode = #tpu.pipeline_mode<synchronous>, transform_indices = @transform_8, window_bounds = array<i64: 16, 32>}, {pipeline_mode = #tpu.pipeline_mode<synchronous>, transform_indices = @transform_9, window_bounds = array<i64: 1, 32>}, {transform_indices = @transform_10, window_bounds = array<i64: 5000, 32>}, {transform_indices = @transform_11, window_bounds = array<i64: 5000, 32>}]} {
    %get3A = arith.constant 0 : index
    %get3A_0 = arith.constant 0 : index
    %get3A_1 = vector.load %arg1[%get3A, %get3A_0] : memref<5000x128xf32, #tpu.memory_space<vmem>>, vector<5000x128xf32>
    %get3A_2 = arith.constant 0 : index
    %get3A_3 = arith.constant 0 : index
    %get3A_4 = vector.load %arg2[%get3A_2, %get3A_3] : memref<5000x128xf32, #tpu.memory_space<vmem>>, vector<5000x128xf32>
    %add3A = arith.addf %get3A_1, %get3A_4 : vector<5000x128xf32>
    %iota3A = tpu.iota {dimensions = array<i32: 0>} : vector<128x128xi32>
    %jit3A = arith.constant 64 : i32
    %div3A = vector.broadcast %jit3A : i32 to vector<128x128xi32>
    %div3A_5 = arith.divsi %iota3A, %div3A : vector<128x128xi32>
    %sign3A = arith.constant 0 : i32
    %sign3A_6 = vector.broadcast %sign3A : i32 to vector<128x128xi32>
    %sign3A_7 = arith.cmpi sgt, %iota3A, %sign3A_6 : vector<128x128xi32>
    %sign3A_8 = arith.extui %sign3A_7 : vector<128x128xi1> to vector<128x128xi32>
    %sign3A_9 = arith.constant 0 : i32
    %sign3A_10 = vector.broadcast %sign3A_9 : i32 to vector<128x128xi32>
    %sign3A_11 = arith.cmpi slt, %iota3A, %sign3A_10 : vector<128x128xi32>
    %sign3A_12 = arith.extui %sign3A_11 : vector<128x128xi1> to vector<128x128xi32>
    %sign3A_13 = arith.subi %sign3A_8, %sign3A_12 : vector<128x128xi32>
    %sign3A_14 = arith.constant 0 : i32
    %sign3A_15 = arith.cmpi sgt, %jit3A, %sign3A_14 : i32
    %sign3A_16 = arith.extui %sign3A_15 : i1 to i32
    %sign3A_17 = arith.constant 0 : i32
    %sign3A_18 = arith.cmpi slt, %jit3A, %sign3A_17 : i32
    %sign3A_19 = arith.extui %sign3A_18 : i1 to i32
    %sign3A_20 = arith.subi %sign3A_16, %sign3A_19 : i32
    %ne3A = vector.broadcast %sign3A_20 : i32 to vector<128x128xi32>
    %ne3A_21 = arith.cmpi ne, %sign3A_13, %ne3A : vector<128x128xi32>
    %rem3A = vector.broadcast %jit3A : i32 to vector<128x128xi32>
    %rem3A_22 = arith.remsi %iota3A, %rem3A : vector<128x128xi32>
    %ne3A_23 = arith.constant 0 : i32
    %ne3A_24 = vector.broadcast %ne3A_23 : i32 to vector<128x128xi32>
    %ne3A_25 = arith.cmpi ne, %rem3A_22, %ne3A_24 : vector<128x128xi32>
    %and3A = arith.andi %ne3A_21, %ne3A_25 : vector<128x128xi1>
    %sub3A = arith.constant 1 : i32
    %sub3A_26 = vector.broadcast %sub3A : i32 to vector<128x128xi32>
    %sub3A_27 = arith.subi %div3A_5, %sub3A_26 : vector<128x128xi32>
    %select_n3A = arith.select %and3A, %sub3A_27, %div3A_5 : vector<128x128xi1>, vector<128x128xi32>
    %iota3A_28 = tpu.iota {dimensions = array<i32: 1>} : vector<128x128xi32>
    %jit3A_29 = arith.constant 64 : i32
    %div3A_30 = vector.broadcast %jit3A_29 : i32 to vector<128x128xi32>
    %div3A_31 = arith.divsi %iota3A_28, %div3A_30 : vector<128x128xi32>
    %sign3A_32 = arith.constant 0 : i32
    %sign3A_33 = vector.broadcast %sign3A_32 : i32 to vector<128x128xi32>
    %sign3A_34 = arith.cmpi sgt, %iota3A_28, %sign3A_33 : vector<128x128xi32>
    %sign3A_35 = arith.extui %sign3A_34 : vector<128x128xi1> to vector<128x128xi32>
    %sign3A_36 = arith.constant 0 : i32
    %sign3A_37 = vector.broadcast %sign3A_36 : i32 to vector<128x128xi32>
    %sign3A_38 = arith.cmpi slt, %iota3A_28, %sign3A_37 : vector<128x128xi32>
    %sign3A_39 = arith.extui %sign3A_38 : vector<128x128xi1> to vector<128x128xi32>
    %sign3A_40 = arith.subi %sign3A_35, %sign3A_39 : vector<128x128xi32>
    %sign3A_41 = arith.constant 0 : i32
    %sign3A_42 = arith.cmpi sgt, %jit3A_29, %sign3A_41 : i32
    %sign3A_43 = arith.extui %sign3A_42 : i1 to i32
    %sign3A_44 = arith.constant 0 : i32
    %sign3A_45 = arith.cmpi slt, %jit3A_29, %sign3A_44 : i32
    %sign3A_46 = arith.extui %sign3A_45 : i1 to i32
    %sign3A_47 = arith.subi %sign3A_43, %sign3A_46 : i32
    %ne3A_48 = vector.broadcast %sign3A_47 : i32 to vector<128x128xi32>
    %ne3A_49 = arith.cmpi ne, %sign3A_40, %ne3A_48 : vector<128x128xi32>
    %rem3A_50 = vector.broadcast %jit3A_29 : i32 to vector<128x128xi32>
    %rem3A_51 = arith.remsi %iota3A_28, %rem3A_50 : vector<128x128xi32>
    %ne3A_52 = arith.constant 0 : i32
    %ne3A_53 = vector.broadcast %ne3A_52 : i32 to vector<128x128xi32>
    %ne3A_54 = arith.cmpi ne, %rem3A_51, %ne3A_53 : vector<128x128xi32>
    %and3A_55 = arith.andi %ne3A_49, %ne3A_54 : vector<128x128xi1>
    %sub3A_56 = arith.constant 1 : i32
    %sub3A_57 = vector.broadcast %sub3A_56 : i32 to vector<128x128xi32>
    %sub3A_58 = arith.subi %div3A_31, %sub3A_57 : vector<128x128xi32>
    %select_n3A_59 = arith.select %and3A_55, %sub3A_58, %div3A_31 : vector<128x128xi1>, vector<128x128xi32>
    %eq3A = arith.cmpi eq, %select_n3A, %select_n3A_59 : vector<128x128xi32>
    %convert_element_type3A = arith.extui %eq3A : vector<128x128xi1> to vector<128x128xi32>
    %convert_element_type3A_60 = arith.sitofp %convert_element_type3A : vector<128x128xi32> to vector<128x128xf32>
    %mul3A = arith.mulf %add3A, %add3A : vector<5000x128xf32>
    %dot_general3A = arith.constant dense<0.000000e+00> : vector<5000x128xf32>
    %dot_general3A_61 = tpu.matmul %mul3A, %convert_element_type3A_60, %dot_general3A {dimension_numbers = #tpu.dot_dimension_numbers<[1], [0], [0], [1], [0, 0, 1, 1], [], []>, transpose_lhs_hint = false} : vector<5000x128xf32>, vector<128x128xf32>, vector<5000x128xf32> -> vector<5000x128xf32>
    %max3A = arith.constant 1.000000e-24 : f32
    %max3A_62 = vector.broadcast %max3A : f32 to vector<5000x128xf32>
    %max3A_63 = arith.maximumf %dot_general3A_61, %max3A_62 : vector<5000x128xf32>
    %rsqrt3A = math.rsqrt %max3A_63 : vector<5000x128xf32>
    %mul3A_64 = arith.mulf %add3A, %rsqrt3A : vector<5000x128xf32>
    %get3A_65 = arith.constant 0 : index
    %get3A_66 = arith.constant 0 : index
    %get3A_67 = vector.load %arg3[%get3A_65, %get3A_66] : memref<128x16xf32, #tpu.memory_space<vmem>>, vector<128x16xf32>
    %dot_general3A_68 = arith.constant dense<0.000000e+00> : vector<5000x16xf32>
    %dot_general3A_69 = tpu.matmul %mul3A_64, %get3A_67, %dot_general3A_68 {dimension_numbers = #tpu.dot_dimension_numbers<[1], [0], [0], [1], [0, 0, 1, 1], [], []>, transpose_lhs_hint = false} : vector<5000x128xf32>, vector<128x16xf32>, vector<5000x16xf32> -> vector<5000x16xf32>
    %get3A_70 = arith.constant 0 : index
    %get3A_71 = arith.constant 0 : index
    %get3A_72 = vector.load %arg4[%get3A_70, %get3A_71] : memref<1x16xf32, #tpu.memory_space<vmem>>, vector<1x16xf32>
    %add3A_73 = vector.broadcast %get3A_72 : vector<1x16xf32> to vector<5000x16xf32>
    %add3A_74 = arith.addf %dot_general3A_69, %add3A_73 : vector<5000x16xf32>
    %tanh3A = math.tanh %add3A_74 : vector<5000x16xf32>
    %get3A_75 = arith.constant 0 : index
    %get3A_76 = arith.constant 0 : index
    %get3A_77 = vector.load %arg5[%get3A_75, %get3A_76] : memref<16x32xf32, #tpu.memory_space<vmem>>, vector<16x32xf32>
    %dot_general3A_78 = arith.constant dense<0.000000e+00> : vector<5000x32xf32>
    %dot_general3A_79 = tpu.matmul %tanh3A, %get3A_77, %dot_general3A_78 {dimension_numbers = #tpu.dot_dimension_numbers<[1], [0], [0], [1], [0, 0, 1, 1], [], []>, transpose_lhs_hint = false} : vector<5000x16xf32>, vector<16x32xf32>, vector<5000x32xf32> -> vector<5000x32xf32>
    %get3A_80 = arith.constant 0 : index
    %get3A_81 = arith.constant 0 : index
    %get3A_82 = vector.load %arg6[%get3A_80, %get3A_81] : memref<1x32xf32, #tpu.memory_space<vmem>>, vector<1x32xf32>
    %add3A_83 = vector.broadcast %get3A_82 : vector<1x32xf32> to vector<5000x32xf32>
    %add3A_84 = arith.addf %dot_general3A_79, %add3A_83 : vector<5000x32xf32>
    %swap3A = arith.constant 0 : index
    %swap3A_85 = arith.constant 0 : index
    %swap3A_86 = vector.load %arg11[%swap3A, %swap3A_85] : memref<5000x32xf32, #tpu.memory_space<vmem>>, vector<5000x32xf32>
    tpu.vector_store %arg11[%swap3A, %swap3A_85], %add3A_84 {strides = array<i32>} : memref<5000x32xf32, #tpu.memory_space<vmem>>, vector<5000x32xf32>,
    %get3A_87 = arith.constant 0 : index
    %get3A_88 = arith.constant 0 : index
    %get3A_89 = vector.load %arg7[%get3A_87, %get3A_88] : memref<128x16xf32, #tpu.memory_space<vmem>>, vector<128x16xf32>
    %dot_general3A_90 = arith.constant dense<0.000000e+00> : vector<5000x16xf32>
    %dot_general3A_91 = tpu.matmul %mul3A_64, %get3A_89, %dot_general3A_90 {dimension_numbers = #tpu.dot_dimension_numbers<[1], [0], [0], [1], [0, 0, 1, 1], [], []>, transpose_lhs_hint = false} : vector<5000x128xf32>, vector<128x16xf32>, vector<5000x16xf32> -> vector<5000x16xf32>
    %get3A_92 = arith.constant 0 : index
    %get3A_93 = arith.constant 0 : index
    %get3A_94 = vector.load %arg8[%get3A_92, %get3A_93] : memref<1x16xf32, #tpu.memory_space<vmem>>, vector<1x16xf32>
    %add3A_95 = vector.broadcast %get3A_94 : vector<1x16xf32> to vector<5000x16xf32>
    %add3A_96 = arith.addf %dot_general3A_91, %add3A_95 : vector<5000x16xf32>
    %tanh3A_97 = math.tanh %add3A_96 : vector<5000x16xf32>
    %get3A_98 = arith.constant 0 : index
    %get3A_99 = arith.constant 0 : index
    %get3A_100 = vector.load %arg9[%get3A_98, %get3A_99] : memref<16x32xf32, #tpu.memory_space<vmem>>, vector<16x32xf32>
    %dot_general3A_101 = arith.constant dense<0.000000e+00> : vector<5000x32xf32>
    %dot_general3A_102 = tpu.matmul %tanh3A_97, %get3A_100, %dot_general3A_101 {dimension_numbers = #tpu.dot_dimension_numbers<[1], [0], [0], [1], [0, 0, 1, 1], [], []>, transpose_lhs_hint = false} : vector<5000x16xf32>, vector<16x32xf32>, vector<5000x32xf32> -> vector<5000x32xf32>
    %get3A_103 = arith.constant 0 : index
    %get3A_104 = arith.constant 0 : index
    %get3A_105 = vector.load %arg10[%get3A_103, %get3A_104] : memref<1x32xf32, #tpu.memory_space<vmem>>, vector<1x32xf32>
    %add3A_106 = vector.broadcast %get3A_105 : vector<1x32xf32> to vector<5000x32xf32>
    %add3A_107 = arith.addf %dot_general3A_102, %add3A_106 : vector<5000x32xf32>
    %min3A = arith.constant 1.000000e+01 : f32
    %min3A_108 = vector.broadcast %min3A : f32 to vector<5000x32xf32>
    %min3A_109 = arith.minimumf %add3A_107, %min3A_108 : vector<5000x32xf32>
    %swap3A_110 = arith.constant 0 : index
    %swap3A_111 = arith.constant 0 : index
    %swap3A_112 = vector.load %arg12[%swap3A_110, %swap3A_111] : memref<5000x32xf32, #tpu.memory_space<vmem>>, vector<5000x32xf32>
    tpu.vector_store %arg12[%swap3A_110, %swap3A_111], %min3A_109 {strides = array<i32>} : memref<5000x32xf32, #tpu.memory_space<vmem>>, vector<5000x32xf32>,
    return
  }
  func.func @transform_0(%arg0: i32) -> (i32, i32) {
    %c0_i32 = arith.constant 0 : i32
    %c0_i32_0 = arith.constant 0 : i32
    return %arg0, %c0_i32 : i32, i32
  }
  func.func @transform_1(%arg0: i32) -> (i32, i32) {
    %c0_i32 = arith.constant 0 : i32
    %c0_i32_0 = arith.constant 0 : i32
    return %arg0, %c0_i32 : i32, i32
  }
  func.func @transform_2(%arg0: i32) -> (i32, i32) {
    %c0_i32 = arith.constant 0 : i32
    %c0_i32_0 = arith.constant 0 : i32
    %c0_i32_1 = arith.constant 0 : i32
    return %c0_i32, %c0_i32_0 : i32, i32
  }
  func.func @transform_3(%arg0: i32) -> (i32, i32) {
    %c0_i32 = arith.constant 0 : i32
    %c0_i32_0 = arith.constant 0 : i32
    %c0_i32_1 = arith.constant 0 : i32
    return %c0_i32, %c0_i32_0 : i32, i32
  }
  func.func @transform_4(%arg0: i32) -> (i32, i32) {
    %c0_i32 = arith.constant 0 : i32
    %c0_i32_0 = arith.constant 0 : i32
    %c0_i32_1 = arith.constant 0 : i32
    return %c0_i32, %c0_i32_0 : i32, i32
  }
  func.func @transform_5(%arg0: i32) -> (i32, i32) {
    %c0_i32 = arith.constant 0 : i32
    %c0_i32_0 = arith.constant 0 : i32
    %c0_i32_1 = arith.constant 0 : i32
    return %c0_i32, %c0_i32_0 : i32, i32
  }
  func.func @transform_6(%arg0: i32) -> (i32, i32) {
    %c0_i32 = arith.constant 0 : i32
    %c0_i32_0 = arith.constant 0 : i32
    %c0_i32_1 = arith.constant 0 : i32
    return %c0_i32, %c0_i32_0 : i32, i32
  }
  func.func @transform_7(%arg0: i32) -> (i32, i32) {
    %c0_i32 = arith.constant 0 : i32
    %c0_i32_0 = arith.constant 0 : i32
    %c0_i32_1 = arith.constant 0 : i32
    return %c0_i32, %c0_i32_0 : i32, i32
  }
  func.func @transform_8(%arg0: i32) -> (i32, i32) {
    %c0_i32 = arith.constant 0 : i32
    %c0_i32_0 = arith.constant 0 : i32
    %c0_i32_1 = arith.constant 0 : i32
    return %c0_i32, %c0_i32_0 : i32, i32
  }
  func.func @transform_9(%arg0: i32) -> (i32, i32) {
    %c0_i32 = arith.constant 0 : i32
    %c0_i32_0 = arith.constant 0 : i32
    %c0_i32_1 = arith.constant 0 : i32
    return %c0_i32, %c0_i32_0 : i32, i32
  }
  func.func @transform_10(%arg0: i32) -> (i32, i32) {
    %c0_i32 = arith.constant 0 : i32
    %c0_i32_0 = arith.constant 0 : i32
    return %arg0, %c0_i32 : i32, i32
  }
  func.func @transform_11(%arg0: i32) -> (i32, i32) {
    %c0_i32 = arith.constant 0 : i32
    %c0_i32_0 = arith.constant 0 : i32
    return %arg0, %c0_i32 : i32, i32
  }
}

module attributes {stable_mosaic.version = 14 : i64} {
  func.func @_dec_body(%arg0: i32, %arg1: memref<5000x128xf32, #tpu.memory_space<vmem>>, %arg2: memref<5000x128xf32, #tpu.memory_space<vmem>>, %arg3: memref<128x16xf32, #tpu.memory_space<vmem>>, %arg4: memref<1x16xf32, #tpu.memory_space<vmem>>, %arg5: memref<16x32xf32, #tpu.memory_space<vmem>>, %arg6: memref<1x32xf32, #tpu.memory_space<vmem>>, %arg7: memref<128x16xf32, #tpu.memory_space<vmem>>, %arg8: memref<1x16xf32, #tpu.memory_space<vmem>>, %arg9: memref<16x32xf32, #tpu.memory_space<vmem>>, %arg10: memref<1x32xf32, #tpu.memory_space<vmem>>, %arg11: memref<5000x32xf32, #tpu.memory_space<vmem>>, %arg12: memref<5000x32xf32, #tpu.memory_space<vmem>>) attributes {dimension_semantics = [#tpu.dimension_semantics<arbitrary>], iteration_bounds = array<i64: 2>, scalar_prefetch = 0 : i64, scratch_operands = 0 : i64, tpu.core_type = #tpu.core_type<tc>, window_params = [{transform_indices = @transform_0, window_bounds = array<i64: 5000, 128>}, {transform_indices = @transform_1, window_bounds = array<i64: 5000, 128>}, {pipeline_mode = #tpu.pipeline_mode<synchronous>, transform_indices = @transform_2, window_bounds = array<i64: 128, 16>}, {pipeline_mode = #tpu.pipeline_mode<synchronous>, transform_indices = @transform_3, window_bounds = array<i64: 1, 16>}, {pipeline_mode = #tpu.pipeline_mode<synchronous>, transform_indices = @transform_4, window_bounds = array<i64: 16, 32>}, {pipeline_mode = #tpu.pipeline_mode<synchronous>, transform_indices = @transform_5, window_bounds = array<i64: 1, 32>}, {pipeline_mode = #tpu.pipeline_mode<synchronous>, transform_indices = @transform_6, window_bounds = array<i64: 128, 16>}, {pipeline_mode = #tpu.pipeline_mode<synchronous>, transform_indices = @transform_7, window_bounds = array<i64: 1, 16>}, {pipeline_mode = #tpu.pipeline_mode<synchronous>, transform_indices = @transform_8, window_bounds = array<i64: 16, 32>}, {pipeline_mode = #tpu.pipeline_mode<synchronous>, transform_indices = @transform_9, window_bounds = array<i64: 1, 32>}, {transform_indices = @transform_10, window_bounds = array<i64: 5000, 32>}, {transform_indices = @transform_11, window_bounds = array<i64: 5000, 32>}]} {
    %get3A = arith.constant 0 : index
    %get3A_0 = arith.constant 0 : index
    %get3A_1 = vector.load %arg1[%get3A, %get3A_0] : memref<5000x128xf32, #tpu.memory_space<vmem>>, vector<5000x128xf32>
    %get3A_2 = arith.constant 0 : index
    %get3A_3 = arith.constant 0 : index
    %get3A_4 = vector.load %arg2[%get3A_2, %get3A_3] : memref<5000x128xf32, #tpu.memory_space<vmem>>, vector<5000x128xf32>
    %add3A = arith.addf %get3A_1, %get3A_4 : vector<5000x128xf32>
    %iota3A = tpu.iota {dimensions = array<i32: 0>} : vector<128x128xi32>
    %jit3A = arith.constant 64 : i32
    %div3A = vector.broadcast %jit3A : i32 to vector<128x128xi32>
    %div3A_5 = arith.divsi %iota3A, %div3A : vector<128x128xi32>
    %sign3A = arith.constant 0 : i32
    %sign3A_6 = vector.broadcast %sign3A : i32 to vector<128x128xi32>
    %sign3A_7 = arith.cmpi sgt, %iota3A, %sign3A_6 : vector<128x128xi32>
    %sign3A_8 = arith.extui %sign3A_7 : vector<128x128xi1> to vector<128x128xi32>
    %sign3A_9 = arith.constant 0 : i32
    %sign3A_10 = vector.broadcast %sign3A_9 : i32 to vector<128x128xi32>
    %sign3A_11 = arith.cmpi slt, %iota3A, %sign3A_10 : vector<128x128xi32>
    %sign3A_12 = arith.extui %sign3A_11 : vector<128x128xi1> to vector<128x128xi32>
    %sign3A_13 = arith.subi %sign3A_8, %sign3A_12 : vector<128x128xi32>
    %sign3A_14 = arith.constant 0 : i32
    %sign3A_15 = arith.cmpi sgt, %jit3A, %sign3A_14 : i32
    %sign3A_16 = arith.extui %sign3A_15 : i1 to i32
    %sign3A_17 = arith.constant 0 : i32
    %sign3A_18 = arith.cmpi slt, %jit3A, %sign3A_17 : i32
    %sign3A_19 = arith.extui %sign3A_18 : i1 to i32
    %sign3A_20 = arith.subi %sign3A_16, %sign3A_19 : i32
    %ne3A = vector.broadcast %sign3A_20 : i32 to vector<128x128xi32>
    %ne3A_21 = arith.cmpi ne, %sign3A_13, %ne3A : vector<128x128xi32>
    %rem3A = vector.broadcast %jit3A : i32 to vector<128x128xi32>
    %rem3A_22 = arith.remsi %iota3A, %rem3A : vector<128x128xi32>
    %ne3A_23 = arith.constant 0 : i32
    %ne3A_24 = vector.broadcast %ne3A_23 : i32 to vector<128x128xi32>
    %ne3A_25 = arith.cmpi ne, %rem3A_22, %ne3A_24 : vector<128x128xi32>
    %and3A = arith.andi %ne3A_21, %ne3A_25 : vector<128x128xi1>
    %sub3A = arith.constant 1 : i32
    %sub3A_26 = vector.broadcast %sub3A : i32 to vector<128x128xi32>
    %sub3A_27 = arith.subi %div3A_5, %sub3A_26 : vector<128x128xi32>
    %select_n3A = arith.select %and3A, %sub3A_27, %div3A_5 : vector<128x128xi1>, vector<128x128xi32>
    %iota3A_28 = tpu.iota {dimensions = array<i32: 1>} : vector<128x128xi32>
    %jit3A_29 = arith.constant 64 : i32
    %div3A_30 = vector.broadcast %jit3A_29 : i32 to vector<128x128xi32>
    %div3A_31 = arith.divsi %iota3A_28, %div3A_30 : vector<128x128xi32>
    %sign3A_32 = arith.constant 0 : i32
    %sign3A_33 = vector.broadcast %sign3A_32 : i32 to vector<128x128xi32>
    %sign3A_34 = arith.cmpi sgt, %iota3A_28, %sign3A_33 : vector<128x128xi32>
    %sign3A_35 = arith.extui %sign3A_34 : vector<128x128xi1> to vector<128x128xi32>
    %sign3A_36 = arith.constant 0 : i32
    %sign3A_37 = vector.broadcast %sign3A_36 : i32 to vector<128x128xi32>
    %sign3A_38 = arith.cmpi slt, %iota3A_28, %sign3A_37 : vector<128x128xi32>
    %sign3A_39 = arith.extui %sign3A_38 : vector<128x128xi1> to vector<128x128xi32>
    %sign3A_40 = arith.subi %sign3A_35, %sign3A_39 : vector<128x128xi32>
    %sign3A_41 = arith.constant 0 : i32
    %sign3A_42 = arith.cmpi sgt, %jit3A_29, %sign3A_41 : i32
    %sign3A_43 = arith.extui %sign3A_42 : i1 to i32
    %sign3A_44 = arith.constant 0 : i32
    %sign3A_45 = arith.cmpi slt, %jit3A_29, %sign3A_44 : i32
    %sign3A_46 = arith.extui %sign3A_45 : i1 to i32
    %sign3A_47 = arith.subi %sign3A_43, %sign3A_46 : i32
    %ne3A_48 = vector.broadcast %sign3A_47 : i32 to vector<128x128xi32>
    %ne3A_49 = arith.cmpi ne, %sign3A_40, %ne3A_48 : vector<128x128xi32>
    %rem3A_50 = vector.broadcast %jit3A_29 : i32 to vector<128x128xi32>
    %rem3A_51 = arith.remsi %iota3A_28, %rem3A_50 : vector<128x128xi32>
    %ne3A_52 = arith.constant 0 : i32
    %ne3A_53 = vector.broadcast %ne3A_52 : i32 to vector<128x128xi32>
    %ne3A_54 = arith.cmpi ne, %rem3A_51, %ne3A_53 : vector<128x128xi32>
    %and3A_55 = arith.andi %ne3A_49, %ne3A_54 : vector<128x128xi1>
    %sub3A_56 = arith.constant 1 : i32
    %sub3A_57 = vector.broadcast %sub3A_56 : i32 to vector<128x128xi32>
    %sub3A_58 = arith.subi %div3A_31, %sub3A_57 : vector<128x128xi32>
    %select_n3A_59 = arith.select %and3A_55, %sub3A_58, %div3A_31 : vector<128x128xi1>, vector<128x128xi32>
    %eq3A = arith.cmpi eq, %select_n3A, %select_n3A_59 : vector<128x128xi32>
    %convert_element_type3A = arith.extui %eq3A : vector<128x128xi1> to vector<128x128xi32>
    %convert_element_type3A_60 = arith.sitofp %convert_element_type3A : vector<128x128xi32> to vector<128x128xf32>
    %mul3A = arith.mulf %add3A, %add3A : vector<5000x128xf32>
    %dot_general3A = arith.constant dense<0.000000e+00> : vector<5000x128xf32>
    %dot_general3A_61 = tpu.matmul %mul3A, %convert_element_type3A_60, %dot_general3A {dimension_numbers = #tpu.dot_dimension_numbers<[1], [0], [0], [1], [0, 0, 1, 1], [], []>, transpose_lhs_hint = false} : vector<5000x128xf32>, vector<128x128xf32>, vector<5000x128xf32> -> vector<5000x128xf32>
    %max3A = arith.constant 1.000000e-24 : f32
    %max3A_62 = vector.broadcast %max3A : f32 to vector<5000x128xf32>
    %max3A_63 = arith.maximumf %dot_general3A_61, %max3A_62 : vector<5000x128xf32>
    %rsqrt3A = math.rsqrt %max3A_63 : vector<5000x128xf32>
    %mul3A_64 = arith.mulf %add3A, %rsqrt3A : vector<5000x128xf32>
    %get3A_65 = arith.constant 0 : index
    %get3A_66 = arith.constant 0 : index
    %get3A_67 = vector.load %arg3[%get3A_65, %get3A_66] : memref<128x16xf32, #tpu.memory_space<vmem>>, vector<128x16xf32>
    %dot_general3A_68 = arith.constant dense<0.000000e+00> : vector<5000x16xf32>
    %dot_general3A_69 = tpu.matmul %mul3A_64, %get3A_67, %dot_general3A_68 {dimension_numbers = #tpu.dot_dimension_numbers<[1], [0], [0], [1], [0, 0, 1, 1], [], []>, transpose_lhs_hint = false} : vector<5000x128xf32>, vector<128x16xf32>, vector<5000x16xf32> -> vector<5000x16xf32>
    %get3A_70 = arith.constant 0 : index
    %get3A_71 = arith.constant 0 : index
    %get3A_72 = vector.load %arg4[%get3A_70, %get3A_71] : memref<1x16xf32, #tpu.memory_space<vmem>>, vector<1x16xf32>
    %add3A_73 = vector.broadcast %get3A_72 : vector<1x16xf32> to vector<5000x16xf32>
    %add3A_74 = arith.addf %dot_general3A_69, %add3A_73 : vector<5000x16xf32>
    %tanh3A = math.tanh %add3A_74 : vector<5000x16xf32>
    %get3A_75 = arith.constant 0 : index
    %get3A_76 = arith.constant 0 : index
    %get3A_77 = vector.load %arg5[%get3A_75, %get3A_76] : memref<16x32xf32, #tpu.memory_space<vmem>>, vector<16x32xf32>
    %dot_general3A_78 = arith.constant dense<0.000000e+00> : vector<5000x32xf32>
    %dot_general3A_79 = tpu.matmul %tanh3A, %get3A_77, %dot_general3A_78 {dimension_numbers = #tpu.dot_dimension_numbers<[1], [0], [0], [1], [0, 0, 1, 1], [], []>, transpose_lhs_hint = false} : vector<5000x16xf32>, vector<16x32xf32>, vector<5000x32xf32> -> vector<5000x32xf32>
    %get3A_80 = arith.constant 0 : index
    %get3A_81 = arith.constant 0 : index
    %get3A_82 = vector.load %arg6[%get3A_80, %get3A_81] : memref<1x32xf32, #tpu.memory_space<vmem>>, vector<1x32xf32>
    %add3A_83 = vector.broadcast %get3A_82 : vector<1x32xf32> to vector<5000x32xf32>
    %add3A_84 = arith.addf %dot_general3A_79, %add3A_83 : vector<5000x32xf32>
    %swap3A = arith.constant 0 : index
    %swap3A_85 = arith.constant 0 : index
    %swap3A_86 = vector.load %arg11[%swap3A, %swap3A_85] : memref<5000x32xf32, #tpu.memory_space<vmem>>, vector<5000x32xf32>
    tpu.vector_store %arg11[%swap3A, %swap3A_85], %add3A_84 {strides = array<i32>} : memref<5000x32xf32, #tpu.memory_space<vmem>>, vector<5000x32xf32>,
    %get3A_87 = arith.constant 0 : index
    %get3A_88 = arith.constant 0 : index
    %get3A_89 = vector.load %arg7[%get3A_87, %get3A_88] : memref<128x16xf32, #tpu.memory_space<vmem>>, vector<128x16xf32>
    %dot_general3A_90 = arith.constant dense<0.000000e+00> : vector<5000x16xf32>
    %dot_general3A_91 = tpu.matmul %mul3A_64, %get3A_89, %dot_general3A_90 {dimension_numbers = #tpu.dot_dimension_numbers<[1], [0], [0], [1], [0, 0, 1, 1], [], []>, transpose_lhs_hint = false} : vector<5000x128xf32>, vector<128x16xf32>, vector<5000x16xf32> -> vector<5000x16xf32>
    %get3A_92 = arith.constant 0 : index
    %get3A_93 = arith.constant 0 : index
    %get3A_94 = vector.load %arg8[%get3A_92, %get3A_93] : memref<1x16xf32, #tpu.memory_space<vmem>>, vector<1x16xf32>
    %add3A_95 = vector.broadcast %get3A_94 : vector<1x16xf32> to vector<5000x16xf32>
    %add3A_96 = arith.addf %dot_general3A_91, %add3A_95 : vector<5000x16xf32>
    %tanh3A_97 = math.tanh %add3A_96 : vector<5000x16xf32>
    %get3A_98 = arith.constant 0 : index
    %get3A_99 = arith.constant 0 : index
    %get3A_100 = vector.load %arg9[%get3A_98, %get3A_99] : memref<16x32xf32, #tpu.memory_space<vmem>>, vector<16x32xf32>
    %dot_general3A_101 = arith.constant dense<0.000000e+00> : vector<5000x32xf32>
    %dot_general3A_102 = tpu.matmul %tanh3A_97, %get3A_100, %dot_general3A_101 {dimension_numbers = #tpu.dot_dimension_numbers<[1], [0], [0], [1], [0, 0, 1, 1], [], []>, transpose_lhs_hint = false} : vector<5000x16xf32>, vector<16x32xf32>, vector<5000x32xf32> -> vector<5000x32xf32>
    %get3A_103 = arith.constant 0 : index
    %get3A_104 = arith.constant 0 : index
    %get3A_105 = vector.load %arg10[%get3A_103, %get3A_104] : memref<1x32xf32, #tpu.memory_space<vmem>>, vector<1x32xf32>
    %add3A_106 = vector.broadcast %get3A_105 : vector<1x32xf32> to vector<5000x32xf32>
    %add3A_107 = arith.addf %dot_general3A_102, %add3A_106 : vector<5000x32xf32>
    %min3A = arith.constant 1.000000e+01 : f32
    %min3A_108 = vector.broadcast %min3A : f32 to vector<5000x32xf32>
    %min3A_109 = arith.minimumf %add3A_107, %min3A_108 : vector<5000x32xf32>
    %swap3A_110 = arith.constant 0 : index
    %swap3A_111 = arith.constant 0 : index
    %swap3A_112 = vector.load %arg12[%swap3A_110, %swap3A_111] : memref<5000x32xf32, #tpu.memory_space<vmem>>, vector<5000x32xf32>
    tpu.vector_store %arg12[%swap3A_110, %swap3A_111], %min3A_109 {strides = array<i32>} : memref<5000x32xf32, #tpu.memory_space<vmem>>, vector<5000x32xf32>,
    return
  }
  func.func @transform_0(%arg0: i32) -> (i32, i32) {
    %c0_i32 = arith.constant 0 : i32
    %c0_i32_0 = arith.constant 0 : i32
    return %arg0, %c0_i32 : i32, i32
  }
  func.func @transform_1(%arg0: i32) -> (i32, i32) {
    %c0_i32 = arith.constant 0 : i32
    %c0_i32_0 = arith.constant 0 : i32
    return %arg0, %c0_i32 : i32, i32
  }
  func.func @transform_2(%arg0: i32) -> (i32, i32) {
    %c0_i32 = arith.constant 0 : i32
    %c0_i32_0 = arith.constant 0 : i32
    %c0_i32_1 = arith.constant 0 : i32
    return %c0_i32, %c0_i32_0 : i32, i32
  }
  func.func @transform_3(%arg0: i32) -> (i32, i32) {
    %c0_i32 = arith.constant 0 : i32
    %c0_i32_0 = arith.constant 0 : i32
    %c0_i32_1 = arith.constant 0 : i32
    return %c0_i32, %c0_i32_0 : i32, i32
  }
  func.func @transform_4(%arg0: i32) -> (i32, i32) {
    %c0_i32 = arith.constant 0 : i32
    %c0_i32_0 = arith.constant 0 : i32
    %c0_i32_1 = arith.constant 0 : i32
    return %c0_i32, %c0_i32_0 : i32, i32
  }
  func.func @transform_5(%arg0: i32) -> (i32, i32) {
    %c0_i32 = arith.constant 0 : i32
    %c0_i32_0 = arith.constant 0 : i32
    %c0_i32_1 = arith.constant 0 : i32
    return %c0_i32, %c0_i32_0 : i32, i32
  }
  func.func @transform_6(%arg0: i32) -> (i32, i32) {
    %c0_i32 = arith.constant 0 : i32
    %c0_i32_0 = arith.constant 0 : i32
    %c0_i32_1 = arith.constant 0 : i32
    return %c0_i32, %c0_i32_0 : i32, i32
  }
  func.func @transform_7(%arg0: i32) -> (i32, i32) {
    %c0_i32 = arith.constant 0 : i32
    %c0_i32_0 = arith.constant 0 : i32
    %c0_i32_1 = arith.constant 0 : i32
    return %c0_i32, %c0_i32_0 : i32, i32
  }
  func.func @transform_8(%arg0: i32) -> (i32, i32) {
    %c0_i32 = arith.constant 0 : i32
    %c0_i32_0 = arith.constant 0 : i32
    %c0_i32_1 = arith.constant 0 : i32
    return %c0_i32, %c0_i32_0 : i32, i32
  }
  func.func @transform_9(%arg0: i32) -> (i32, i32) {
    %c0_i32 = arith.constant 0 : i32
    %c0_i32_0 = arith.constant 0 : i32
    %c0_i32_1 = arith.constant 0 : i32
    return %c0_i32, %c0_i32_0 : i32, i32
  }
  func.func @transform_10(%arg0: i32) -> (i32, i32) {
    %c0_i32 = arith.constant 0 : i32
    %c0_i32_0 = arith.constant 0 : i32
    return %arg0, %c0_i32 : i32, i32
  }
  func.func @transform_11(%arg0: i32) -> (i32, i32) {
    %c0_i32 = arith.constant 0 : i32
    %c0_i32_0 = arith.constant 0 : i32
    return %arg0, %c0_i32 : i32, i32
  }
}

</mosaic_0001>

<sc_bundles>
// kernel: kernel.7.cloned.1.call-start
scs
__scs_entry_jumppad:
0x0: {  	(pc) =	sbr.rel $0x88, $3  }
0x1: {  	(tag) =	ssettag $0x0;
	lr =	simm.s32 $0x1  }
0x2: {  	[smem:$0x3F7B] =	sst lr;
	_ =	strace $0xD0000000  }
0x3: {  	_ = 	snop  }
0x4: {  	_ = 	snop  }
0x5: {  	_ = 	snop  }
0x6: {  	_ = 	snop  }
0x7: {  	_ = 	snop  }
__scs_overlays_trampoline_lowered:
0x8: {  	[smem:$0x3F8A] =	sst s0  }
0x9: {  	[smem:$0x3F8B] =	sst s1  }
0xa: {  	[smem:$0x3F8C] =	sst s2  }
0xb: {  	[smem:$0x3F8D] =	sst s3  }
0xc: {  	[smem:$0x3F8E] =	sst s4  }
0xd: {  	[smem:$0x3F8F] =	sst s5  }
0xe: {  	[smem:$0x3F90] =	sst s6  }
0xf: {  	[smem:$0x3F91] =	sst s7  }
0x10: {  	[smem:$0x3F92] =	sst s8  }
0x11: {  	[smem:$0x3F93] =	sst s9;
	s0 =	simm.s32 @!p0 $0x0  }
0x12: {  	s1 =	sld [smem:$0x3F79];
	s0 =	simm.s32 @p0 $0x1  }
0x13: {  	[smem:$0x3F94] =	sst s0;
	s0 =	simm.s32 @!p1 $0x0  }
0x14: {  	s2 =	sld [smem:$0x3F78];
	s0 =	simm.s32 @p1 $0x1  }
0x15: {  	[smem:$0x3F95] =	sst s0;
	s0 =	simm.s32 @!p2 $0x0  }
0x16: {  	s3 =	sld [smem:$0x3FDB];
	s0 =	simm.s32 @p2 $0x1  }
0x17: {  	s4 =	simm.s32 $0x1BF5;
	[smem:$0x3F97] =	sst s0  }
0x18: {  	s0 =	sld [smem:$0x3F7A];
	_ =	swait.ge [sflag:s4], $0x0  }
0x19: {  	s7 =	sld [smem:$0x3F7B]  }
0x1a: {  	s8 =	sadd.s32 $0xFFFFE003, lr  }
0x1b: {  	s9 =	sadd.s32 $0xFFFFFEF7, lr;
	s5 =	simm.s32 $0xFFFFFFFF;
	p2 =	slt.u32 s8, $0xFFFFF086  }
0x1c: {  	p1 =	slt.u32 s9, $0xF7A;
	s5 =	simm.s32 @!p2 $0x0  }
0x1d: {  	s5 =	simm.s32 @p1 $0x1;
	p0 =	seq.s32 s7, s2  }
0x1e: {  	s7 =	smul.u32 @!p0 $0xF7A, s2;
	p2 =	seq.s32 @!p0 s5, $0x0  }
0x1f: {  	s9 =	smul.u32 $0xF7A, s1;
	s8 =	simm.s32 @!p0 $0x1BF5;
	p2 =	por !p2, p0  }
0x20: {  	[sflag:s8] =	ssyncset.s32 @!p0 $0xFFFFF086;
	s6 =	sadd.s32 @!p0 s3, s7;
	s7 =	simm.s32 @!p0 $0x108  }
0x21: {  	s3 =	sadd.s32 s3, s9;
	s6 =	sadd.s32 @!p0 $0x88, s6;
	s7 =	simm.s32 @p2 $0x1082  }
0x22: {  	[simem:s7], [sflag:s8] =	dma.local @!p0 [hbm:s6], $0xF7A  }
0x23: {  	s9 =	sor.u32 $0xD0000000, s2;
	s6 =	simm.s32 $0x108;
	_ =	swait.ge @!p0 [sflag:s8], $0x0  }
0x24: {  	s3 =	sadd.s32 $0x88, s3;
	s6 =	simm.s32 @!p1 $0x1082;
	[sflag:s4] =	ssyncset.s32 $0xFFFFF086  }
0x25: {  	[simem:s6], [sflag:s4] =	dma.local [hbm:s3], $0xF7A  }
0x26: {  	[smem:$0x3F7B] =	sst s1;
	(tag) =	ssettag s2;
	_ =	strace s9  }
0x27: {  	s1 =	sld [smem:$0x3F8B]  }
0x28: {  	s2 =	sld [smem:$0x3F8C]  }
0x29: {  	s4 =	sld [smem:$0x3F8E]  }
0x2a: {  	p0 =	seq.s32 s5, $0x0;
	s5 =	sld [smem:$0x3F8F]  }
0x2b: {  	s6 =	sld [smem:$0x3F90]  }
0x2c: {  	s7 =	sld [smem:$0x3F91]  }
0x2d: {  	s3 =	simm.s32 $0x108;
	s8 =	sld [smem:$0x3F92]  }
0x2e: {  	s3 =	simm.s32 @!p0 $0x1082;
	s9 =	sld [smem:$0x3F93]  }
0x2f: {  	lr =	sadd.s32 s0, s3;
	s0 =	sld [smem:$0x3F8A]  }
0x30: {  	s3 =	sld [smem:$0x3F8D]  }
0x31: {  	[smem:$0x3F96] =	sst s10  }
0x32: {  	s10 =	sld [smem:$0x3F94];
	_ =	sdelay $0x3  }
0x33: {  	p0 =	seq.s32 s10, $0x1;
	s10 =	sld [smem:$0x3F96];
	_ =	sdelay $0x3  }
0x34: {  	[smem:$0x3F96] =	sst s10  }
0x35: {  	s10 =	sld [smem:$0x3F95];
	_ =	sdelay $0x3  }
0x36: {  	p1 =	seq.s32 s10, $0x1;
	s10 =	sld [smem:$0x3F96];
	_ =	sdelay $0x3  }
0x37: {  	[smem:$0x3F96] =	sst s10  }
0x38: {  	s10 =	sld [smem:$0x3F97]  }
0x39: {  	_ = 	snop;
	(pc) =	sbr.ind lr, $3  }
0x3a: {  	_ = 	snop  }
0x3b: {  	_ = 	snop  }
0x3c: {  	p2 =	seq.s32 s10, $0x1;
	s10 =	sld [smem:$0x3F96]  }
0x3d: {  	_ =	shalt  }
0x3e: {  	_ =	shalt  }
0x3f: {  	_ =	shalt  }
0x40: {  	_ =	shalt  }
0x41: {  	_ =	shalt  }
0x42: {  	_ =	shalt  }
0x43: {  	_ =	shalt  }
0x44: {  	_ =	shalt  }
0x45: {  	_ =	shalt  }
0x46: {  	_ =	shalt  }
0x47: {  	_ =	shalt  }
0x48: {  	_ =	shalt  }
0x49: {  	_ =	shalt  }
0x4a: {  	_ =	shalt  }
0x4b: {  	_ =	shalt  }
0x4c: {  	_ =	shalt  }
0x4d: {  	_ =	shalt  }
0x4e: {  	_ =	shalt  }
0x4f: {  	_ =	shalt  }
0x50: {  	_ =	shalt  }
0x51: {  	_ =	shalt  }
0x52: {  	_ =	shalt  }
0x53: {  	_ =	shalt  }
0x54: {  	_ =	shalt  }
0x55: {  	_ =	shalt  }
0x56: {  	_ =	shalt  }
0x57: {  	_ =	shalt  }
0x58: {  	_ =	shalt  }
0x59: {  	_ =	shalt  }
0x5a: {  	_ =	shalt  }
0x5b: {  	_ =	shalt  }
0x5c: {  	_ =	shalt  }
0x5d: {  	_ =	shalt  }
0x5e: {  	_ =	shalt  }
0x5f: {  	_ =	shalt  }
0x60: {  	_ =	shalt  }
0x61: {  	_ =	shalt  }
0x62: {  	_ =	shalt  }
0x63: {  	_ =	shalt  }
0x64: {  	_ =	shalt  }
0x65: {  	_ =	shalt  }
0x66: {  	_ =	shalt  }
0x67: {  	_ =	shalt  }
0x68: {  	_ =	shalt  }
0x69: {  	_ =	shalt  }
0x6a: {  	_ =	shalt  }
0x6b: {  	_ =	shalt  }
0x6c: {  	_ =	shalt  }
0x6d: {  	_ =	shalt  }
0x6e: {  	_ =	shalt  }
0x6f: {  	_ =	shalt  }
0x70: {  	_ =	shalt  }
0x71: {  	_ =	shalt  }
0x72: {  	_ =	shalt  }
0x73: {  	_ =	shalt  }
0x74: {  	_ =	shalt  }
0x75: {  	_ =	shalt  }
0x76: {  	_ =	shalt  }
0x77: {  	_ =	shalt  }
0x78: {  	_ =	shalt  }
0x79: {  	_ =	shalt  }
0x7a: {  	_ =	shalt  }
0x7b: {  	_ =	shalt  }
0x7c: {  	_ =	shalt  }
0x7d: {  	_ =	shalt  }
0x7e: {  	_ =	shalt  }
0x7f: {  	_ =	shalt  }
0x80: {  	_ =	shalt  }
0x81: {  	_ =	shalt  }
0x82: {  	_ =	shalt  }
0x83: {  	_ =	shalt  }
0x84: {  	_ =	shalt  }
0x85: {  	_ =	shalt  }
0x86: {  	_ =	shalt  }
0x87: {  	_ =	shalt  }
.Lfunc_end0:
.L_simem_size_0:
called_computation_lowered:
.L_overlay_start_0:
0x88: {  	s2 =	sld [smem:$0x3FD9]  }
0x89: {  	s3 =	sld [smem:$0x3FFE];
	_ =	sdelay $0x1  }
0x8a: {  	s1 =	srdreg.scid  }
0x8b: {  	s0 =	sand.u32 $0x1, s1  }
0x8c: {  	s14 =	sshll.u32 s0, $0xA;
	s2 =	sadd.s32 s3, s2  }
0x8d: {  	s2 =	sadd.s32 s2, s14  }
0x8e: {  	[smem:$0x3FA2] =	sst s2  }
0x8f: {  	_ = 	snop  }
0x90: {  	s2 =	sld [smem:$0x3FD0];
	_ =	sdelay $0x2  }
0x91: {  	s15 =	simm.s32 $0xA;
	s4 =	simm.s32 $0x10  }
0x92: {  	[smem:s4], [sflag:s15] =	dma.local [hbm:s2], $0x1  }
0x93: {  	_ =	swait.eq [sflag:s15], $0x1  }
0x94: {  	s16 =	sld [smem:$0x10]  }
0x95: {  	s17 =	sld [smem:$0x11]  }
0x96: {  	s5 =	sld [smem:$0x12]  }
0x97: {  	s6 =	sld [smem:$0x13];
	[sflag:s15] =	ssyncset.done $0x0  }
0x98: {  	s7 =	sld [smem:$0x14];
	[sflag:s15] =	ssyncadd.s32 $0xFFFFFFFF  }
0x99: {  	s18 =	sld [smem:$0x15];
	(tm) =	ssettm $0x1  }
0x9a: {  	s8 =	sld [smem:$0x3FFB];
	_ =	sdelay $0x3  }
0x9b: {  	_ =	strace s8  }
0x9c: {  	s8 =	sld [smem:$0x3FFC];
	_ =	sdelay $0x3  }
0x9d: {  	_ =	strace s8  }
0x9e: {  	s8 =	sld [smem:$0x3FFD];
	_ =	sdelay $0x3  }
0x9f: {  	_ =	strace s8  }
0xa0: {  	_ =	strace $0x8FFFFFFF  }
0xa1: {  	s19 =	sld [smem:$0x3FDB];
	_ =	sdelay $0x1  }
0xa2: {  	s9 =	simm.s32 $_scs_section_size  }
0xa3: {  	s10 =	simm.s32 $_size__tile_overlayer_lowered;
	s11 =	simm.s32 $_tile_overlayer_lowered  }
0xa4: {  	s22 =	simm.s32 $0x1BFF;
	s21 =	sshll.u32 s11, $0x1;
	s8 =	sadd.s32 s9, s19  }
0xa5: {  	s12 =	simm.s32 $0x0;
	s20 =	sshll.u32 s10, $0x1;
	s10 =	sadd.s32 s21, s8  }
0xa6: {  	[timem:s12], [sflag:s22] =	dma.local [hbm:s10], s20  }
0xa7: {  	_ =	swait.ge [sflag:s22], s20  }
0xa8: {  	s9 =	ssub.s32 $0x0, s20;
	[sflag:s22] =	ssyncset.done $0x0  }
0xa9: {  	[sflag:s22] =	ssyncadd.s32 s9;
	_ =	sdelay $0x1  }
0xaa: {  	s23 =	simm.s32 $0x1B8B  }
0xab: {  	_ =	swait.ge [sflag:s23], $0x1  }
0xac: {  	[sflag:s23] =	ssyncset.done $0x0  }
0xad: {  	s25 =	simm.s32 $0x1B8E;
	s24 =	sld [smem:$0x3FFE];
	[sflag:s23] =	ssyncadd.s32 $0xFFFFFFFF  }
0xae: {  	s26 =	simm.s32 $execute0_lowered;
	[smem:$0x3FD2] =	sst s25  }
0xaf: {  	s10 =	sshll.u32 s26, $0x1;
	_ =	strace $0x80000046;
	[dreg:$0x1] =	wrdreg $0xFFFFFFFF  }
0xb0: {  	s28 =	simm.s32 $_size_execute0_lowered;
	s8 =	sadd.s32 s8, s10;
	[dreg:$0x0] =	wrdreg $0x0  }
0xb1: {  	s10 =	sshll.u32 s28, $0x1;
	[dreg:$0x2] =	wrdreg s8  }
0xb2: {  	[dreg:$0x3] =	wrdreg s10  }
0xb3: {  	[dreg:$0x4] =	wrdreg $0xC0  }
0xb4: {  	_ =	task [dreg:s12], $0x5FFFF  }
0xb5: {  	[dreg:$0x1] =	wrdreg $0xFFFFFFFF  }
0xb6: {  	[dreg:$0x0] =	wrdreg $0x60  }
0xb7: {  	[dreg:$0x2] =	wrdreg s24  }
0xb8: {  	[dreg:$0x3] =	wrdreg s7  }
0xb9: {  	[dreg:$0x4] =	wrdreg s5  }
0xba: {  	[dreg:$0x5] =	wrdreg s18  }
0xbb: {  	[dreg:$0x6] =	wrdreg s6  }
0xbc: {  	[dreg:$0x7] =	wrdreg s16  }
0xbd: {  	[dreg:$0x8] =	wrdreg s17  }
0xbe: {  	[dreg:$0x9] =	wrdreg $0x55000  }
0xbf: {  	[dreg:$0xa] =	wrdreg $0x9  }
0xc0: {  	_ =	task.clear_ibuf [dreg:s12], $0xBFFFF;
	_ =	strace $0x90000046  }
0xc1: {  	s29 =	simm.s32 $0x9;
	_ =	strace $0x80000048  }
0xc2: {  	_ =	swait.ge [sflag:s29], $0x1  }
0xc3: {  	[sflag:s29] =	ssyncadd.s32 $0xFFFFFFFF  }
0xc4: {  	_ =	strace $0x90000048  }
0xc5: {  	_ =	sfence  }
0xc6: {  	s30 =	sld [smem:$0x0];
	_ =	sdelay $0x2  }
0xc7: {  	s31 =	sshll.u32 s1, $0xD;
	s1 =	sshrl.u32 s1, $0x2  }
0xc8: {  	s3 =	sand.u32 $0x4000, s31;
	s1 =	sadd.s32 s1, s30  }
0xc9: {  	s0 =	sor.u32 s3, s0;
	s1 =	sshll.u32 s1, $0x11  }
0xca: {  	s0 =	sor.u32 s1, s0  }
0xcb: {  	s0 =	sadd.s32 $0x8F2B, s0  }
0xcc: {  	[sflag:s0] =	ssyncadd.remote.s32 $0x1  }
0xcd: {  	_ =	sfence.sel $0xFFFF  }
0xce: {  	[dreg:$0x0] =	wrdreg $0xFFFFFFFF;
	(pc) =	sbr.abs _section_cstart, $3  }
0xcf: {  	[dreg:$0x1] =	wrdreg $0xFFFFFFFF  }
0xd0: {  	_ =	task.clear_ibuf [dreg:s12], $0x2FFFF;
	_ =	strace $0x9FFFFFFF  }
0xd1: {  	(tm) =	ssettm $0x7FFFFFFF  }
tec
execute0_lowered:
.L_overlay_start_1:
0x0: {  	(tag) =	ssettag $0x1  }
0x1: {  	s1 =	rddreg [dreg:$0x0]  }
0x2: {  	s3 =	rddreg [dreg:$0x3]  }
0x3: {  	s4 =	rddreg [dreg:$0x4]  }
0x4: {  	s6 =	rddreg [dreg:$0x6]  }
0x5: {  	s8 =	rddreg [dreg:$0x7]  }
0x6: {  	s9 =	simm.s32 $0x0;
	s0 =	stileid.u32;
	s10 =	srdreg.scid  }
0x7: {  	s28 =	simm.s32 $0x180;
	s29 =	simm.s32 $0x380;
	s7 =	smul.u32 $0x500, s0  }
0x8: {  	s30 =	simm.s32 $0x400;
	s31 =	simm.s32 $0x480;
	s16 =	smul.u32 $0x2800, s0  }
0x9: {  	[smem:$0x7FF] =	sst s9;
	s12 =	sadd.s32 $0x5EC00, s1;
	s17 =	smul.u32 $0xC400, s0  }
0xa: {  	s10 =	sand.u32 $0x1, s10;
	s11 =	sadd.s32 $0x3D6A00, s1;
	s15 =	smul.u32 $0x5000, s0  }
0xb: {  	s18 =	sshll.u32 s0, $0x6;
	s19 =	smul.u32 $0x18800, s0;
	s20 =	sadd.s32 $0x8FC0C, s1  }
0xc: {  	_ =	strace $0x80000047;
	s13 =	ssub.s32 $0x2, s10;
	[dreg:$0x1a] =	wrdreg s20  }
0xd: {  	s0 =	sor.u32 $0x1C03, s18;
	p0 =	sne.s32 s10, $0x0;
	[dreg:$0xd] =	wrdreg s16  }
0xe: {  	s20 =	simm.s32 $0x2500;
	[dreg:$0xe] =	wrdreg s17;
	s24 =	sadd.s32 s15, s8  }
0xf: {  	s23 =	sshrl.u32 s15, $0x3;
	s15 =	sadd.s32 s19, s8;
	[dreg:$0xf] =	wrdreg s24  }
0x10: {  	s5 =	sshrl.u32 s19, $0x3;
	s19 =	sadd.s32 $0x153C08, s1;
	[dreg:$0x16] =	wrdreg s15  }
0x11: {  	s16 =	sadd.s32 s16, s1;
	s25 =	sadd.s32 s12, s23;
	[dreg:$0x19] =	wrdreg s19  }
0x12: {  	s10 =	simm.s32 $0x3500;
	s26 =	sadd.s32 $0x153C04, s16;
	[dreg:$0x10] =	wrdreg s25  }
0x13: {  	s14 =	sshrl.u32 s13, $0x1;
	s2 =	sadd.s32 $0x153C00, s16;
	[dreg:$0x12] =	wrdreg s26  }
0x14: {  	s17 =	sadd.s32 s17, s1;
	s12 =	sadd.s32 s12, s5;
	[dreg:$0x13] =	wrdreg s2  }
0x15: {  	s13 =	ssub.s32 s13, s14;
	s14 =	sadd.s32 $0x153C0C, s1;
	[dreg:$0x14] =	wrdreg s12  }
0x16: {  	s7 =	sadd.s32 s7, s1;
	s16 =	sadd.s32 $0x8FC04, s17;
	[dreg:$0x15] =	wrdreg s14  }
0x17: {  	s18 =	sadd.s32 $0x8FC00, s17;
	s23 =	sadd.s32 $0x2CE00, s1;
	[dreg:$0x17] =	wrdreg s16  }
0x18: {  	s1 =	sadd.s32 $0x8FC08, s1;
	s17 =	sadd.s32 $0x4FC00, s7;
	[dreg:$0x18] =	wrdreg s18  }
0x19: {  	s22 =	sadd.s32 $0x4AC00, s7;
	s24 =	sadd.s32 $0x54C00, s7;
	[dreg:$0x1b] =	wrdreg s1  }
0x1a: {  	s19 =	sadd.s32 $0x40C00, s7;
	s15 =	simm.s32 $0x300;
	[dreg:$0xa] =	wrdreg s22  }
0x1b: {  	s5 =	simm.s32 $0x0;
	s21 =	smax.u32 s13, $0x1;
	[dreg:$0x1f] =	wrdreg s24  }
0x1c: {  	s16 =	sadd.s32 $0x3BC00, s7;
	s2 =	sadd.s32 $0x36C00, s7;
	[dreg:$0x9] =	wrdreg s17  }
0x1d: {  	s25 =	sadd.s32 $0x45C00, s7;
	s26 =	sadd.s32 $0x59C00, s7;
	[dreg:$0xc] =	wrdreg s19  }
0x1e: {  	s7 =	smov.u32 s0;
	s22 =	simm.s32 $0x280;
	[dreg:$0x1c] =	wrdreg s21  }
.Ltmp0:
0x1f: {  	s24 =	simm.s32 $0x80;
	[dreg:$0xb] =	wrdreg s25;
	(pc) =	sbr.rel .LBB2_1-.Ltmp0, $4  }
0x20: {  	s13 =	simm.s32 $0x100;
	s12 =	simm.s32 $0x200;
	[smem:$0x7FD] =	sst s26  }
0x21: {  	s14 =	simm.s32 $0x4500;
	s18 =	simm.s32 $0x1;
	[dreg:$0x1d] =	wrdreg s16  }
0x22: {  	s1 =	simm.s32 $0x2;
	s21 =	simm.s32 $0x3;
	[dreg:$0x11] =	wrdreg s7  }
0x23: {  	s25 =	simm.s32 $0x500;
	s26 =	simm.s32 $0x1500;
	[dreg:$0x1e] =	wrdreg s2  }
.LBB2_28:
0x24: {  	s0 =	sadd.s32 s7, s19;
	[sflag:s1] =	ssyncadd.s32 $0xFFFFF000  }
0x25: {  	[tilespmem:s9], [sflag:$0x3] =	stream.linear.gather [hbm4b:s0+s9], $0x280, $0x38;
	[tilespmem:$0x1DD00] =	vst v63  }
0x26: {  	_ =	swait.ge [sflag:s21], $0x280  }
0x27: {  	[sflag:s21] =	ssyncset.done $0x0  }
0x28: {  	s19 =	sadd.s32 s7, s5;
	[sflag:s21] =	ssyncadd.s32 $0xFFFFFD80  }
0x29: {  	[tilespmem:s22], [sflag:$0x3] =	stream.linear.gather [hbm4b:s19+s9], $0x280, $0x38;
	[tilespmem:$0x1DD00] =	vst v63  }
0x2a: {  	_ =	swait.ge [sflag:s21], $0x280  }
0x2b: {  	[sflag:s21] =	ssyncset.done $0x0  }
0x2c: {  	[sflag:s21] =	ssyncadd.s32 $0xFFFFFD80  }
0x2d: {  	[tilespmem:s25], [sflag:$0x1] =	stream.indirect.gather [hbm4b:s11+s24], $0x20, s9, s24, $0xb8;
	[tilespmem:$0x1DD00] =	vst v63  }
0x2e: {  	_ = 	snop  }
0x2f: {  	[tilespmem:s26], [sflag:$0x1] =	stream.indirect.gather [hbm4b:s11+s24], $0x20, s24, s24, $0xb8;
	[tilespmem:$0x1DD00] =	vst v63  }
0x30: {  	_ = 	snop  }
0x31: {  	[tilespmem:s20], [sflag:$0x1] =	stream.indirect.gather [hbm4b:s11+s24], $0x20, s13, s24, $0xb8;
	[tilespmem:$0x1DD00] =	vst v63  }
0x32: {  	_ = 	snop  }
0x33: {  	[tilespmem:s10], [sflag:$0x1] =	stream.indirect.gather [hbm4b:s11+s24], $0x20, s28, s24, $0xb8;
	[tilespmem:$0x1DD00] =	vst v63  }
0x34: {  	_ = 	snop  }
0x35: {  	[tilespmem:s14], [sflag:$0x1] =	stream.indirect.gather [hbm4b:s11+s24], $0x20, s12, s24, $0xb8;
	[tilespmem:$0x1DD00] =	vst v63  }
0x36: {  	_ =	swait.ge [sflag:s18], $0x1000  }
0x37: {  	[sflag:s18] =	ssyncset.done $0x0  }
0x38: {  	[sflag:s18] =	ssyncadd.s32 $0xFFFFF000  }
0x39: {  	_ =	swait.ge [sflag:s18], $0x1000  }
0x3a: {  	[sflag:s18] =	ssyncset.done $0x0  }
0x3b: {  	[sflag:s18] =	ssyncadd.s32 $0xFFFFF000  }
0x3c: {  	_ =	swait.ge [sflag:s18], $0x1000  }
0x3d: {  	[sflag:s18] =	ssyncset.done $0x0  }
0x3e: {  	[sflag:s18] =	ssyncadd.s32 $0xFFFFF000  }
0x3f: {  	_ =	swait.ge [sflag:s18], $0x1000  }
0x40: {  	[sflag:s18] =	ssyncset.done $0x0  }
0x41: {  	[sflag:s18] =	ssyncadd.s32 $0xFFFFF000  }
0x42: {  	_ =	swait.ge [sflag:s18], $0x1000  }
0x43: {  	[sflag:s18] =	ssyncset.done $0x0  }
0x44: {  	[sflag:s18] =	ssyncadd.s32 $0xFFFFF000  }
0x45: {  	[spmem:s8] =	stream.indirect.scatter.add.f32 [tilespmem:s25], [sflag:$0x2], $0x20, s22, s24, $0xb8;
	[tilespmem:$0x1DD00] =	vst v63  }
0x46: {  	_ = 	snop  }
0x47: {  	[spmem:s8] =	stream.indirect.scatter.add.f32 [tilespmem:s26], [sflag:$0x2], $0x20, s15, s24, $0xb8;
	[tilespmem:$0x1DD00] =	vst v63  }
0x48: {  	_ = 	snop  }
0x49: {  	[spmem:s8] =	stream.indirect.scatter.add.f32 [tilespmem:s20], [sflag:$0x2], $0x20, s29, s24, $0xb8;
	[tilespmem:$0x1DD00] =	vst v63  }
0x4a: {  	_ = 	snop  }
0x4b: {  	[spmem:s8] =	stream.indirect.scatter.add.f32 [tilespmem:s10], [sflag:$0x2], $0x20, s30, s24, $0xb8;
	[tilespmem:$0x1DD00] =	vst v63  }
0x4c: {  	_ = 	snop  }
0x4d: {  	[spmem:s8] =	stream.indirect.scatter.add.f32 [tilespmem:s14], [sflag:$0x2], $0x20, s31, s24, $0xb8;
	[tilespmem:$0x1DD00] =	vst v63  }
0x4e: {  	_ =	swait.ge [sflag:s1], $0x1000  }
0x4f: {  	[sflag:s1] =	ssyncset.done $0x0  }
0x50: {  	[sflag:s1] =	ssyncadd.s32 $0xFFFFF000  }
0x51: {  	_ =	swait.ge [sflag:s1], $0x1000  }
0x52: {  	[sflag:s1] =	ssyncset.done $0x0  }
0x53: {  	[sflag:s1] =	ssyncadd.s32 $0xFFFFF000  }
0x54: {  	_ =	swait.ge [sflag:s1], $0x1000  }
0x55: {  	[sflag:s1] =	ssyncset.done $0x0  }
0x56: {  	[sflag:s1] =	ssyncadd.s32 $0xFFFFF000  }
0x57: {  	_ =	swait.ge [sflag:s1], $0x1000  }
0x58: {  	[sflag:s1] =	ssyncset.done $0x0  }
0x59: {  	[sflag:s1] =	ssyncadd.s32 $0xFFFFF000  }
0x5a: {  	_ =	swait.ge [sflag:s1], $0x1000  }
0x5b: {  	[sflag:s1] =	ssyncset.done $0x0  }
0x5c: {  	s7 =	rddreg [dreg:$0x1a];
	[sflag:s1] =	ssyncadd.s32 $0xFFFFF000  }
.LBB2_29:
0x5d: {  	s0 =	rddreg [dreg:$0xe]  }
0x5e: {  	s0 =	sadd.s32 s0, s7  }
0x5f: {  	[smem:$0x7F9] =	sst s0  }
0x60: {  	[bflag:$0x0] =	sbarrier.arrive $0xFFFF  }
0x61: {  	s19 =	sld [smem:$0x7FA]  }
0x62: {  	s2 =	sld [smem:$0x7F9];
	_ =	sdelay $0x1  }
0x63: {  	s16 =	simm.s32 $0x10;
	s17 =	simm.s32 $0x4;
	s5 =	rddreg [dreg:$0x11]  }
0x64: {  	[hbm:s2@s16], [sflag:s5] =	dma.strided [spmem:s19@s17], $0x3100, s18, $0x4   }
0x65: {  	s7 =	rddreg [dreg:$0x11];
	_ =	swait.ge [sflag:s21], $0x3100  }
0x66: {  	s17 =	sld [smem:$0x7FB];
	_ =	sdelay $0x2  }
0x67: {  	s19 =	rddreg [dreg:$0x1c];
	s5 =	sadd.s32 $0x1, s17  }
0x68: {  	p1 =	sne.s32 s5, s19  }
.Ltmp1:
0x69: {  	[sflag:s21] =	ssyncset.done $0x0;
	(pc) =	sbr.rel @!p1 .LBB2_30-.Ltmp1, $4  }
0x6a: {  	[sflag:s21] =	ssyncadd.s32 $0xFFFFCF00  }
0x6b: {  	[bflag:$0x0] =	sbarrier.arrive $0xFFFF  }
0x6c: {  	s16 =	rddreg [dreg:$0x1d]  }
0x6d: {  	s17 =	rddreg [dreg:$0x9]  }
.LBB2_1:
0x6e: {  	[smem:$0x7FB] =	sst s5  }
0x6f: {  	s0 =	rddreg [dreg:$0xf]  }
0x70: {  	s19 =	rddreg [dreg:$0x10];
	s2 =	sshrl.u32 s0, $0x3  }
0x71: {  	[smem:$0x7FC] =	sst s2  }
0x72: {  	[spmem:s2], [sflag:s7] =	dma.local [hbm:s19], $0xA00  }
.Ltmp2:
0x73: {  	_ =	swait.ge [sflag:s21], $0xA00;
	(pc) =	sbr.rel @p0 .LBB2_5-.Ltmp2, $3  }
0x74: {  	[sflag:s21] =	ssyncset.done $0x0  }
0x75: {  	[sflag:s21] =	ssyncadd.s32 $0xFFFFF600  }
0x76: {  	[bflag:$0x0] =	sbarrier.arrive $0xFFFF;
	_ =	sdelay $0x1  }
0x77: {  	s7 =	sadd.s32 $0x0, s17  }
0x78: {  	[tilespmem:s9], [sflag:$0x3] =	stream.linear.gather [hbm4b:s7+s9], $0x280, $0x38;
	[tilespmem:$0x1DD00] =	vst v63  }
0x79: {  	_ =	swait.ge [sflag:s21], $0x280  }
0x7a: {  	[sflag:s21] =	ssyncset.done $0x0  }
0x7b: {  	s19 =	sadd.s32 $0x0, s16;
	[sflag:s21] =	ssyncadd.s32 $0xFFFFFD80  }
0x7c: {  	[tilespmem:s22], [sflag:$0x3] =	stream.linear.gather [hbm4b:s19+s9], $0x280, $0x38;
	[tilespmem:$0x1DD00] =	vst v63  }
0x7d: {  	_ =	swait.ge [sflag:s21], $0x280  }
0x7e: {  	[sflag:s21] =	ssyncset.done $0x0  }
0x7f: {  	[sflag:s21] =	ssyncadd.s32 $0xFFFFFD80  }
0x80: {  	s0 =	rddreg [dreg:$0x1]  }
0x81: {  	[tilespmem:s25], [sflag:$0x1] =	stream.indirect.gather [hbm4b:s0+s24], $0x20, s9, s24, $0xb8;
	[tilespmem:$0x1DD00] =	vst v63  }
0x82: {  	_ = 	snop  }
0x83: {  	[tilespmem:s26], [sflag:$0x1] =	stream.indirect.gather [hbm4b:s0+s24], $0x20, s24, s24, $0xb8;
	[tilespmem:$0x1DD00] =	vst v63  }
0x84: {  	_ = 	snop  }
0x85: {  	[tilespmem:s20], [sflag:$0x1] =	stream.indirect.gather [hbm4b:s0+s24], $0x20, s13, s24, $0xb8;
	[tilespmem:$0x1DD00] =	vst v63  }
0x86: {  	_ = 	snop  }
0x87: {  	[tilespmem:s10], [sflag:$0x1] =	stream.indirect.gather [hbm4b:s0+s24], $0x20, s28, s24, $0xb8;
	[tilespmem:$0x1DD00] =	vst v63  }
0x88: {  	_ = 	snop  }
0x89: {  	[tilespmem:s14], [sflag:$0x1] =	stream.indirect.gather [hbm4b:s0+s24], $0x20, s12, s24, $0xb8;
	[tilespmem:$0x1DD00] =	vst v63  }
0x8a: {  	_ =	swait.ge [sflag:s18], $0x1000  }
0x8b: {  	[sflag:s18] =	ssyncset.done $0x0  }
0x8c: {  	[sflag:s18] =	ssyncadd.s32 $0xFFFFF000  }
0x8d: {  	_ =	swait.ge [sflag:s18], $0x1000  }
0x8e: {  	[sflag:s18] =	ssyncset.done $0x0  }
0x8f: {  	[sflag:s18] =	ssyncadd.s32 $0xFFFFF000  }
0x90: {  	_ =	swait.ge [sflag:s18], $0x1000  }
0x91: {  	[sflag:s18] =	ssyncset.done $0x0  }
0x92: {  	[sflag:s18] =	ssyncadd.s32 $0xFFFFF000  }
0x93: {  	_ =	swait.ge [sflag:s18], $0x1000  }
0x94: {  	[sflag:s18] =	ssyncset.done $0x0  }
0x95: {  	[sflag:s18] =	ssyncadd.s32 $0xFFFFF000  }
0x96: {  	_ =	swait.ge [sflag:s18], $0x1000  }
0x97: {  	[sflag:s18] =	ssyncset.done $0x0  }
0x98: {  	[sflag:s18] =	ssyncadd.s32 $0xFFFFF000  }
0x99: {  	[spmem:s8] =	stream.indirect.scatter.add.f32 [tilespmem:s25], [sflag:$0x2], $0x20, s22, s24, $0xb8;
	[tilespmem:$0x1DD00] =	vst v63  }
0x9a: {  	_ = 	snop  }
0x9b: {  	[spmem:s8] =	stream.indirect.scatter.add.f32 [tilespmem:s26], [sflag:$0x2], $0x20, s15, s24, $0xb8;
	[tilespmem:$0x1DD00] =	vst v63  }
0x9c: {  	_ = 	snop  }
0x9d: {  	[spmem:s8] =	stream.indirect.scatter.add.f32 [tilespmem:s20], [sflag:$0x2], $0x20, s29, s24, $0xb8;
	[tilespmem:$0x1DD00] =	vst v63  }
0x9e: {  	_ = 	snop  }
0x9f: {  	[spmem:s8] =	stream.indirect.scatter.add.f32 [tilespmem:s10], [sflag:$0x2], $0x20, s30, s24, $0xb8;
	[tilespmem:$0x1DD00] =	vst v63  }
0xa0: {  	_ = 	snop  }
0xa1: {  	[spmem:s8] =	stream.indirect.scatter.add.f32 [tilespmem:s14], [sflag:$0x2], $0x20, s31, s24, $0xb8;
	[tilespmem:$0x1DD00] =	vst v63  }
0xa2: {  	_ =	swait.ge [sflag:s1], $0x1000  }
0xa3: {  	[sflag:s1] =	ssyncset.done $0x0  }
0xa4: {  	[sflag:s1] =	ssyncadd.s32 $0xFFFFF000  }
0xa5: {  	_ =	swait.ge [sflag:s1], $0x1000  }
0xa6: {  	[sflag:s1] =	ssyncset.done $0x0  }
0xa7: {  	[sflag:s1] =	ssyncadd.s32 $0xFFFFF000  }
0xa8: {  	_ =	swait.ge [sflag:s1], $0x1000  }
0xa9: {  	[sflag:s1] =	ssyncset.done $0x0  }
0xaa: {  	[sflag:s1] =	ssyncadd.s32 $0xFFFFF000  }
0xab: {  	_ =	swait.ge [sflag:s1], $0x1000  }
0xac: {  	[sflag:s1] =	ssyncset.done $0x0  }
0xad: {  	[sflag:s1] =	ssyncadd.s32 $0xFFFFF000  }
0xae: {  	_ =	swait.ge [sflag:s1], $0x1000  }
0xaf: {  	s2 =	smov.u32 s16;
	[sflag:s1] =	ssyncset.done $0x0  }
0xb0: {  	s16 =	simm.s32 $0xA0;
	s7 =	simm.s32 $0x50;
	s5 =	rddreg [dreg:$0x5]  }
.LBB2_3:
0xb1: {  	s19 =	sadd.s32 s7, s17;
	[sflag:s1] =	ssyncadd.s32 $0xFFFFF000  }
0xb2: {  	[tilespmem:s9], [sflag:$0x3] =	stream.linear.gather [hbm4b:s19+s9], $0x280, $0x38;
	[tilespmem:$0x1DD00] =	vst v63  }
0xb3: {  	s19 =	rddreg [dreg:$0x1];
	_ =	swait.ge [sflag:s21], $0x280  }
0xb4: {  	s0 =	smov.u32 s16;
	s17 =	sadd.s32 $0x50, s16;
	[sflag:s21] =	ssyncset.done $0x0  }
0xb5: {  	p1 =	seq.s32 s16, $0x4B0;
	s16 =	sadd.s32 s7, s2;
	[sflag:s21] =	ssyncadd.s32 $0xFFFFFD80  }
0xb6: {  	[tilespmem:s22], [sflag:$0x3] =	stream.linear.gather [hbm4b:s16+s9], $0x280, $0x38;
	[tilespmem:$0x1DD00] =	vst v63  }
0xb7: {  	_ =	swait.ge [sflag:s21], $0x280  }
0xb8: {  	[sflag:s21] =	ssyncset.done $0x0  }
0xb9: {  	[sflag:s21] =	ssyncadd.s32 $0xFFFFFD80  }
0xba: {  	[tilespmem:s25], [sflag:$0x1] =	stream.indirect.gather [hbm4b:s19+s24], $0x20, s9, s24, $0xb8;
	[tilespmem:$0x1DD00] =	vst v63  }
0xbb: {  	_ = 	snop  }
0xbc: {  	[tilespmem:s26], [sflag:$0x1] =	stream.indirect.gather [hbm4b:s19+s24], $0x20, s24, s24, $0xb8;
	[tilespmem:$0x1DD00] =	vst v63  }
0xbd: {  	_ = 	snop  }
0xbe: {  	[tilespmem:s20], [sflag:$0x1] =	stream.indirect.gather [hbm4b:s19+s24], $0x20, s13, s24, $0xb8;
	[tilespmem:$0x1DD00] =	vst v63  }
0xbf: {  	_ = 	snop  }
0xc0: {  	[tilespmem:s10], [sflag:$0x1] =	stream.indirect.gather [hbm4b:s19+s24], $0x20, s28, s24, $0xb8;
	[tilespmem:$0x1DD00] =	vst v63  }
0xc1: {  	_ = 	snop  }
0xc2: {  	[tilespmem:s14], [sflag:$0x1] =	stream.indirect.gather [hbm4b:s19+s24], $0x20, s12, s24, $0xb8;
	[tilespmem:$0x1DD00] =	vst v63  }
0xc3: {  	_ =	swait.ge [sflag:s18], $0x1000  }
0xc4: {  	[sflag:s18] =	ssyncset.done $0x0  }
0xc5: {  	[sflag:s18] =	ssyncadd.s32 $0xFFFFF000  }
0xc6: {  	_ =	swait.ge [sflag:s18], $0x1000  }
0xc7: {  	[sflag:s18] =	ssyncset.done $0x0  }
0xc8: {  	[sflag:s18] =	ssyncadd.s32 $0xFFFFF000  }
0xc9: {  	_ =	swait.ge [sflag:s18], $0x1000  }
0xca: {  	[sflag:s18] =	ssyncset.done $0x0  }
0xcb: {  	[sflag:s18] =	ssyncadd.s32 $0xFFFFF000  }
0xcc: {  	_ =	swait.ge [sflag:s18], $0x1000  }
0xcd: {  	[sflag:s18] =	ssyncset.done $0x0  }
0xce: {  	[sflag:s18] =	ssyncadd.s32 $0xFFFFF000  }
0xcf: {  	_ =	swait.ge [sflag:s18], $0x1000  }
0xd0: {  	[sflag:s18] =	ssyncset.done $0x0  }
0xd1: {  	[sflag:s18] =	ssyncadd.s32 $0xFFFFF000  }
0xd2: {  	[spmem:s8] =	stream.indirect.scatter.add.f32 [tilespmem:s25], [sflag:$0x2], $0x20, s22, s24, $0xb8;
	[tilespmem:$0x1DD00] =	vst v63  }
0xd3: {  	_ = 	snop  }
0xd4: {  	[spmem:s8] =	stream.indirect.scatter.add.f32 [tilespmem:s26], [sflag:$0x2], $0x20, s15, s24, $0xb8;
	[tilespmem:$0x1DD00] =	vst v63  }
0xd5: {  	_ = 	snop  }
0xd6: {  	[spmem:s8] =	stream.indirect.scatter.add.f32 [tilespmem:s20], [sflag:$0x2], $0x20, s29, s24, $0xb8;
	[tilespmem:$0x1DD00] =	vst v63  }
0xd7: {  	_ = 	snop  }
0xd8: {  	[spmem:s8] =	stream.indirect.scatter.add.f32 [tilespmem:s10], [sflag:$0x2], $0x20, s30, s24, $0xb8;
	[tilespmem:$0x1DD00] =	vst v63  }
0xd9: {  	_ = 	snop  }
0xda: {  	[spmem:s8] =	stream.indirect.scatter.add.f32 [tilespmem:s14], [sflag:$0x2], $0x20, s31, s24, $0xb8;
	[tilespmem:$0x1DD00] =	vst v63  }
0xdb: {  	_ =	swait.ge [sflag:s1], $0x1000  }
0xdc: {  	[sflag:s1] =	ssyncset.done $0x0  }
0xdd: {  	[sflag:s1] =	ssyncadd.s32 $0xFFFFF000  }
0xde: {  	_ =	swait.ge [sflag:s1], $0x1000  }
0xdf: {  	[sflag:s1] =	ssyncset.done $0x0  }
0xe0: {  	[sflag:s1] =	ssyncadd.s32 $0xFFFFF000  }
0xe1: {  	_ =	swait.ge [sflag:s1], $0x1000  }
0xe2: {  	[sflag:s1] =	ssyncset.done $0x0  }
0xe3: {  	[sflag:s1] =	ssyncadd.s32 $0xFFFFF000  }
.Ltmp3:
0xe4: {  	_ =	swait.ge [sflag:s1], $0x1000;
	(pc) =	sbr.rel @!p1 .LBB2_3-.Ltmp3, $4  }
0xe5: {  	[sflag:s1] =	ssyncset.done $0x0  }
0xe6: {  	[sflag:s1] =	ssyncadd.s32 $0xFFFFF000  }
0xe7: {  	s7 =	smov.u32 s0;
	_ =	swait.ge [sflag:s1], $0x1000  }
0xe8: {  	s16 =	smov.u32 s17;
	[sflag:s1] =	ssyncset.done $0x0;
	s17 =	rddreg [dreg:$0x9]  }
0xe9: {  	s0 =	sadd.s32 s7, s17;
	[sflag:s1] =	ssyncadd.s32 $0xFFFFF000  }
0xea: {  	[tilespmem:s9], [sflag:$0x3] =	stream.linear.gather [hbm4b:s0+s9], $0x280, $0x38;
	[tilespmem:$0x1DD00] =	vst v63  }
0xeb: {  	_ =	swait.ge [sflag:s21], $0x280  }
0xec: {  	[sflag:s21] =	ssyncset.done $0x0  }
0xed: {  	s17 =	sadd.s32 s7, s2;
	[sflag:s21] =	ssyncadd.s32 $0xFFFFFD80  }
0xee: {  	[tilespmem:s22], [sflag:$0x3] =	stream.linear.gather [hbm4b:s17+s9], $0x280, $0x38;
	[tilespmem:$0x1DD00] =	vst v63  }
0xef: {  	_ =	swait.ge [sflag:s21], $0x280  }
0xf0: {  	[sflag:s21] =	ssyncset.done $0x0  }
0xf1: {  	[sflag:s21] =	ssyncadd.s32 $0xFFFFFD80  }
0xf2: {  	[tilespmem:s25], [sflag:$0x1] =	stream.indirect.gather [hbm4b:s19+s24], $0x20, s9, s24, $0xb8;
	[tilespmem:$0x1DD00] =	vst v63  }
0xf3: {  	_ = 	snop  }
0xf4: {  	[tilespmem:s26], [sflag:$0x1] =	stream.indirect.gather [hbm4b:s19+s24], $0x20, s24, s24, $0xb8;
	[tilespmem:$0x1DD00] =	vst v63  }
0xf5: {  	_ = 	snop  }
0xf6: {  	[tilespmem:s20], [sflag:$0x1] =	stream.indirect.gather [hbm4b:s19+s24], $0x20, s13, s24, $0xb8;
	[tilespmem:$0x1DD00] =	vst v63  }
0xf7: {  	_ = 	snop  }
0xf8: {  	[tilespmem:s10], [sflag:$0x1] =	stream.indirect.gather [hbm4b:s19+s24], $0x20, s28, s24, $0xb8;
	[tilespmem:$0x1DD00] =	vst v63  }
0xf9: {  	_ = 	snop  }
0xfa: {  	[tilespmem:s14], [sflag:$0x1] =	stream.indirect.gather [hbm4b:s19+s24], $0x20, s12, s24, $0xb8;
	[tilespmem:$0x1DD00] =	vst v63  }
0xfb: {  	_ =	swait.ge [sflag:s18], $0x1000  }
0xfc: {  	[sflag:s18] =	ssyncset.done $0x0  }
0xfd: {  	[sflag:s18] =	ssyncadd.s32 $0xFFFFF000  }
0xfe: {  	_ =	swait.ge [sflag:s18], $0x1000  }
0xff: {  	[sflag:s18] =	ssyncset.done $0x0  }
0x100: {  	[sflag:s18] =	ssyncadd.s32 $0xFFFFF000  }
0x101: {  	_ =	swait.ge [sflag:s18], $0x1000  }
0x102: {  	[sflag:s18] =	ssyncset.done $0x0  }
0x103: {  	[sflag:s18] =	ssyncadd.s32 $0xFFFFF000  }
0x104: {  	_ =	swait.ge [sflag:s18], $0x1000  }
0x105: {  	[sflag:s18] =	ssyncset.done $0x0  }
0x106: {  	[sflag:s18] =	ssyncadd.s32 $0xFFFFF000  }
0x107: {  	_ =	swait.ge [sflag:s18], $0x1000  }
0x108: {  	[sflag:s18] =	ssyncset.done $0x0  }
0x109: {  	[sflag:s18] =	ssyncadd.s32 $0xFFFFF000  }
0x10a: {  	[spmem:s8] =	stream.indirect.scatter.add.f32 [tilespmem:s25], [sflag:$0x2], $0x20, s22, s24, $0xb8;
	[tilespmem:$0x1DD00] =	vst v63  }
0x10b: {  	_ = 	snop  }
0x10c: {  	[spmem:s8] =	stream.indirect.scatter.add.f32 [tilespmem:s26], [sflag:$0x2], $0x20, s15, s24, $0xb8;
	[tilespmem:$0x1DD00] =	vst v63  }
0x10d: {  	_ = 	snop  }
0x10e: {  	[spmem:s8] =	stream.indirect.scatter.add.f32 [tilespmem:s20], [sflag:$0x2], $0x20, s29, s24, $0xb8;
	[tilespmem:$0x1DD00] =	vst v63  }
0x10f: {  	_ = 	snop  }
0x110: {  	[spmem:s8] =	stream.indirect.scatter.add.f32 [tilespmem:s10], [sflag:$0x2], $0x20, s30, s24, $0xb8;
	[tilespmem:$0x1DD00] =	vst v63  }
0x111: {  	_ = 	snop  }
0x112: {  	[spmem:s8] =	stream.indirect.scatter.add.f32 [tilespmem:s14], [sflag:$0x2], $0x20, s31, s24, $0xb8;
	[tilespmem:$0x1DD00] =	vst v63  }
0x113: {  	_ =	swait.ge [sflag:s1], $0x1000  }
0x114: {  	[sflag:s1] =	ssyncset.done $0x0  }
0x115: {  	[sflag:s1] =	ssyncadd.s32 $0xFFFFF000  }
0x116: {  	_ =	swait.ge [sflag:s1], $0x1000  }
0x117: {  	[sflag:s1] =	ssyncset.done $0x0  }
0x118: {  	[sflag:s1] =	ssyncadd.s32 $0xFFFFF000  }
0x119: {  	_ =	swait.ge [sflag:s1], $0x1000  }
0x11a: {  	[sflag:s1] =	ssyncset.done $0x0  }
0x11b: {  	[sflag:s1] =	ssyncadd.s32 $0xFFFFF000  }
0x11c: {  	_ =	swait.ge [sflag:s1], $0x1000  }
.Ltmp4:
0x11d: {  	[sflag:s1] =	ssyncset.done $0x0;
	(pc) =	sbr.rel .LBB2_8-.Ltmp4, $4  }
0x11e: {  	[sflag:s1] =	ssyncadd.s32 $0xFFFFF000  }
0x11f: {  	_ =	swait.ge [sflag:s1], $0x1000  }
0x120: {  	[sflag:s1] =	ssyncset.done $0x0  }
0x121: {  	s7 =	rddreg [dreg:$0x13];
	[sflag:s1] =	ssyncadd.s32 $0xFFFFF000  }
.LBB2_5:
0x122: {  	s0 =	sadd.s32 $0x0, s17  }
0x123: {  	[tilespmem:s9], [sflag:$0x3] =	stream.linear.gather [hbm4b:s0+s9], $0x280, $0x38;
	[tilespmem:$0x1DD00] =	vst v63  }
0x124: {  	_ =	swait.ge [sflag:s21], $0x280  }
0x125: {  	[sflag:s21] =	ssyncset.done $0x0  }
0x126: {  	s7 =	sadd.s32 $0x0, s16;
	[sflag:s21] =	ssyncadd.s32 $0xFFFFFD80  }
0x127: {  	[tilespmem:s22], [sflag:$0x3] =	stream.linear.gather [hbm4b:s7+s9], $0x280, $0x38;
	[tilespmem:$0x1DD00] =	vst v63  }
0x128: {  	_ =	swait.ge [sflag:s21], $0x280  }
0x129: {  	[sflag:s21] =	ssyncset.done $0x0  }
0x12a: {  	[sflag:s21] =	ssyncadd.s32 $0xFFFFFD80  }
0x12b: {  	s19 =	rddreg [dreg:$0x2]  }
0x12c: {  	[tilespmem:s25], [sflag:$0x1] =	stream.indirect.gather [hbm4b:s19+s24], $0x20, s9, s24, $0xb8;
	[tilespmem:$0x1DD00] =	vst v63  }
0x12d: {  	_ = 	snop  }
0x12e: {  	[tilespmem:s26], [sflag:$0x1] =	stream.indirect.gather [hbm4b:s19+s24], $0x20, s24, s24, $0xb8;
	[tilespmem:$0x1DD00] =	vst v63  }
0x12f: {  	_ = 	snop  }
0x130: {  	[tilespmem:s20], [sflag:$0x1] =	stream.indirect.gather [hbm4b:s19+s24], $0x20, s13, s24, $0xb8;
	[tilespmem:$0x1DD00] =	vst v63  }
0x131: {  	_ = 	snop  }
0x132: {  	[tilespmem:s10], [sflag:$0x1] =	stream.indirect.gather [hbm4b:s19+s24], $0x20, s28, s24, $0xb8;
	[tilespmem:$0x1DD00] =	vst v63  }
0x133: {  	_ = 	snop  }
0x134: {  	[tilespmem:s14], [sflag:$0x1] =	stream.indirect.gather [hbm4b:s19+s24], $0x20, s12, s24, $0xb8;
	[tilespmem:$0x1DD00] =	vst v63  }
0x135: {  	_ =	swait.ge [sflag:s18], $0x1000  }
0x136: {  	[sflag:s18] =	ssyncset.done $0x0  }
0x137: {  	[sflag:s18] =	ssyncadd.s32 $0xFFFFF000  }
0x138: {  	_ =	swait.ge [sflag:s18], $0x1000  }
0x139: {  	[sflag:s18] =	ssyncset.done $0x0  }
0x13a: {  	[sflag:s18] =	ssyncadd.s32 $0xFFFFF000  }
0x13b: {  	_ =	swait.ge [sflag:s18], $0x1000  }
0x13c: {  	[sflag:s18] =	ssyncset.done $0x0  }
0x13d: {  	[sflag:s18] =	ssyncadd.s32 $0xFFFFF000  }
0x13e: {  	_ =	swait.ge [sflag:s18], $0x1000  }
0x13f: {  	[sflag:s18] =	ssyncset.done $0x0  }
0x140: {  	[sflag:s18] =	ssyncadd.s32 $0xFFFFF000  }
0x141: {  	_ =	swait.ge [sflag:s18], $0x1000  }
0x142: {  	[sflag:s18] =	ssyncset.done $0x0  }
0x143: {  	[sflag:s18] =	ssyncadd.s32 $0xFFFFF000  }
0x144: {  	[spmem:s8] =	stream.indirect.scatter.add.f32 [tilespmem:s25], [sflag:$0x2], $0x20, s22, s24, $0xb8;
	[tilespmem:$0x1DD00] =	vst v63  }
0x145: {  	_ = 	snop  }
0x146: {  	[spmem:s8] =	stream.indirect.scatter.add.f32 [tilespmem:s26], [sflag:$0x2], $0x20, s15, s24, $0xb8;
	[tilespmem:$0x1DD00] =	vst v63  }
0x147: {  	_ = 	snop  }
0x148: {  	[spmem:s8] =	stream.indirect.scatter.add.f32 [tilespmem:s20], [sflag:$0x2], $0x20, s29, s24, $0xb8;
	[tilespmem:$0x1DD00] =	vst v63  }
0x149: {  	_ = 	snop  }
0x14a: {  	[spmem:s8] =	stream.indirect.scatter.add.f32 [tilespmem:s10], [sflag:$0x2], $0x20, s30, s24, $0xb8;
	[tilespmem:$0x1DD00] =	vst v63  }
0x14b: {  	_ = 	snop  }
0x14c: {  	[spmem:s8] =	stream.indirect.scatter.add.f32 [tilespmem:s14], [sflag:$0x2], $0x20, s31, s24, $0xb8;
	[tilespmem:$0x1DD00] =	vst v63  }
0x14d: {  	_ =	swait.ge [sflag:s1], $0x1000  }
0x14e: {  	[sflag:s1] =	ssyncset.done $0x0  }
0x14f: {  	[sflag:s1] =	ssyncadd.s32 $0xFFFFF000  }
0x150: {  	_ =	swait.ge [sflag:s1], $0x1000  }
0x151: {  	[sflag:s1] =	ssyncset.done $0x0  }
0x152: {  	[sflag:s1] =	ssyncadd.s32 $0xFFFFF000  }
0x153: {  	_ =	swait.ge [sflag:s1], $0x1000  }
0x154: {  	[sflag:s1] =	ssyncset.done $0x0  }
0x155: {  	[sflag:s1] =	ssyncadd.s32 $0xFFFFF000  }
0x156: {  	_ =	swait.ge [sflag:s1], $0x1000  }
0x157: {  	[sflag:s1] =	ssyncset.done $0x0  }
0x158: {  	[sflag:s1] =	ssyncadd.s32 $0xFFFFF000  }
0x159: {  	_ =	swait.ge [sflag:s1], $0x1000  }
0x15a: {  	s3 =	smov.u32 s17;
	s17 =	simm.s32 $0xA0;
	[sflag:s1] =	ssyncset.done $0x0  }
0x15b: {  	s2 =	smov.u32 s16;
	s7 =	simm.s32 $0x50;
	s5 =	rddreg [dreg:$0x5]  }
.LBB2_6:
0x15c: {  	s0 =	sadd.s32 s7, s3;
	[sflag:s1] =	ssyncadd.s32 $0xFFFFF000  }
0x15d: {  	[tilespmem:s9], [sflag:$0x3] =	stream.linear.gather [hbm4b:s0+s9], $0x280, $0x38;
	[tilespmem:$0x1DD00] =	vst v63  }
0x15e: {  	_ =	swait.ge [sflag:s21], $0x280  }
0x15f: {  	s19 =	smov.u32 s17;
	s16 =	sadd.s32 $0x50, s17;
	[sflag:s21] =	ssyncset.done $0x0  }
0x160: {  	p1 =	sne.s32 s17, $0x4B0;
	s17 =	sadd.s32 s7, s2;
	[sflag:s21] =	ssyncadd.s32 $0xFFFFFD80  }
0x161: {  	[tilespmem:s22], [sflag:$0x3] =	stream.linear.gather [hbm4b:s17+s9], $0x280, $0x38;
	[tilespmem:$0x1DD00] =	vst v63  }
0x162: {  	s7 =	smov.u32 s19;
	s19 =	rddreg [dreg:$0x2];
	_ =	swait.ge [sflag:s21], $0x280  }
0x163: {  	[sflag:s21] =	ssyncset.done $0x0  }
0x164: {  	[sflag:s21] =	ssyncadd.s32 $0xFFFFFD80  }
0x165: {  	[tilespmem:s25], [sflag:$0x1] =	stream.indirect.gather [hbm4b:s19+s24], $0x20, s9, s24, $0xb8;
	[tilespmem:$0x1DD00] =	vst v63  }
0x166: {  	_ = 	snop  }
0x167: {  	[tilespmem:s26], [sflag:$0x1] =	stream.indirect.gather [hbm4b:s19+s24], $0x20, s24, s24, $0xb8;
	[tilespmem:$0x1DD00] =	vst v63  }
0x168: {  	_ = 	snop  }
0x169: {  	[tilespmem:s20], [sflag:$0x1] =	stream.indirect.gather [hbm4b:s19+s24], $0x20, s13, s24, $0xb8;
	[tilespmem:$0x1DD00] =	vst v63  }
0x16a: {  	_ = 	snop  }
0x16b: {  	[tilespmem:s10], [sflag:$0x1] =	stream.indirect.gather [hbm4b:s19+s24], $0x20, s28, s24, $0xb8;
	[tilespmem:$0x1DD00] =	vst v63  }
0x16c: {  	_ = 	snop  }
0x16d: {  	[tilespmem:s14], [sflag:$0x1] =	stream.indirect.gather [hbm4b:s19+s24], $0x20, s12, s24, $0xb8;
	[tilespmem:$0x1DD00] =	vst v63  }
0x16e: {  	_ =	swait.ge [sflag:s18], $0x1000  }
0x16f: {  	[sflag:s18] =	ssyncset.done $0x0  }
0x170: {  	[sflag:s18] =	ssyncadd.s32 $0xFFFFF000  }
0x171: {  	_ =	swait.ge [sflag:s18], $0x1000  }
0x172: {  	[sflag:s18] =	ssyncset.done $0x0  }
0x173: {  	[sflag:s18] =	ssyncadd.s32 $0xFFFFF000  }
0x174: {  	_ =	swait.ge [sflag:s18], $0x1000  }
0x175: {  	[sflag:s18] =	ssyncset.done $0x0  }
0x176: {  	[sflag:s18] =	ssyncadd.s32 $0xFFFFF000  }
0x177: {  	_ =	swait.ge [sflag:s18], $0x1000  }
0x178: {  	[sflag:s18] =	ssyncset.done $0x0  }
0x179: {  	[sflag:s18] =	ssyncadd.s32 $0xFFFFF000  }
0x17a: {  	_ =	swait.ge [sflag:s18], $0x1000  }
0x17b: {  	[sflag:s18] =	ssyncset.done $0x0  }
0x17c: {  	[sflag:s18] =	ssyncadd.s32 $0xFFFFF000  }
0x17d: {  	[spmem:s8] =	stream.indirect.scatter.add.f32 [tilespmem:s25], [sflag:$0x2], $0x20, s22, s24, $0xb8;
	[tilespmem:$0x1DD00] =	vst v63  }
0x17e: {  	_ = 	snop  }
0x17f: {  	[spmem:s8] =	stream.indirect.scatter.add.f32 [tilespmem:s26], [sflag:$0x2], $0x20, s15, s24, $0xb8;
	[tilespmem:$0x1DD00] =	vst v63  }
0x180: {  	_ = 	snop  }
0x181: {  	[spmem:s8] =	stream.indirect.scatter.add.f32 [tilespmem:s20], [sflag:$0x2], $0x20, s29, s24, $0xb8;
	[tilespmem:$0x1DD00] =	vst v63  }
0x182: {  	_ = 	snop  }
0x183: {  	[spmem:s8] =	stream.indirect.scatter.add.f32 [tilespmem:s10], [sflag:$0x2], $0x20, s30, s24, $0xb8;
	[tilespmem:$0x1DD00] =	vst v63  }
0x184: {  	_ = 	snop  }
0x185: {  	[spmem:s8] =	stream.indirect.scatter.add.f32 [tilespmem:s14], [sflag:$0x2], $0x20, s31, s24, $0xb8;
	[tilespmem:$0x1DD00] =	vst v63  }
0x186: {  	_ =	swait.ge [sflag:s1], $0x1000  }
0x187: {  	[sflag:s1] =	ssyncset.done $0x0  }
0x188: {  	[sflag:s1] =	ssyncadd.s32 $0xFFFFF000  }
0x189: {  	_ =	swait.ge [sflag:s1], $0x1000  }
0x18a: {  	[sflag:s1] =	ssyncset.done $0x0  }
0x18b: {  	[sflag:s1] =	ssyncadd.s32 $0xFFFFF000  }
0x18c: {  	_ =	swait.ge [sflag:s1], $0x1000  }
0x18d: {  	[sflag:s1] =	ssyncset.done $0x0  }
0x18e: {  	[sflag:s1] =	ssyncadd.s32 $0xFFFFF000  }
.Ltmp5:
0x18f: {  	_ =	swait.ge [sflag:s1], $0x1000;
	(pc) =	sbr.rel @p1 .LBB2_6-.Ltmp5, $4  }
0x190: {  	[sflag:s1] =	ssyncset.done $0x0  }
0x191: {  	[sflag:s1] =	ssyncadd.s32 $0xFFFFF000  }
0x192: {  	_ =	swait.ge [sflag:s1], $0x1000  }
0x193: {  	s17 =	smov.u32 s16;
	[sflag:s1] =	ssyncset.done $0x0  }
0x194: {  	s0 =	sadd.s32 s7, s3;
	[sflag:s1] =	ssyncadd.s32 $0xFFFFF000  }
0x195: {  	[tilespmem:s9], [sflag:$0x3] =	stream.linear.gather [hbm4b:s0+s9], $0x280, $0x38;
	[tilespmem:$0x1DD00] =	vst v63  }
0x196: {  	_ =	swait.ge [sflag:s21], $0x280  }
0x197: {  	[sflag:s21] =	ssyncset.done $0x0  }
0x198: {  	s17 =	sadd.s32 s7, s2;
	[sflag:s21] =	ssyncadd.s32 $0xFFFFFD80  }
0x199: {  	[tilespmem:s22], [sflag:$0x3] =	stream.linear.gather [hbm4b:s17+s9], $0x280, $0x38;
	[tilespmem:$0x1DD00] =	vst v63  }
0x19a: {  	_ =	swait.ge [sflag:s21], $0x280  }
0x19b: {  	[sflag:s21] =	ssyncset.done $0x0  }
0x19c: {  	[sflag:s21] =	ssyncadd.s32 $0xFFFFFD80  }
0x19d: {  	[tilespmem:s25], [sflag:$0x1] =	stream.indirect.gather [hbm4b:s19+s24], $0x20, s9, s24, $0xb8;
	[tilespmem:$0x1DD00] =	vst v63  }
0x19e: {  	_ = 	snop  }
0x19f: {  	[tilespmem:s26], [sflag:$0x1] =	stream.indirect.gather [hbm4b:s19+s24], $0x20, s24, s24, $0xb8;
	[tilespmem:$0x1DD00] =	vst v63  }
0x1a0: {  	_ = 	snop  }
0x1a1: {  	[tilespmem:s20], [sflag:$0x1] =	stream.indirect.gather [hbm4b:s19+s24], $0x20, s13, s24, $0xb8;
	[tilespmem:$0x1DD00] =	vst v63  }
0x1a2: {  	_ = 	snop  }
0x1a3: {  	[tilespmem:s10], [sflag:$0x1] =	stream.indirect.gather [hbm4b:s19+s24], $0x20, s28, s24, $0xb8;
	[tilespmem:$0x1DD00] =	vst v63  }
0x1a4: {  	_ = 	snop  }
0x1a5: {  	[tilespmem:s14], [sflag:$0x1] =	stream.indirect.gather [hbm4b:s19+s24], $0x20, s12, s24, $0xb8;
	[tilespmem:$0x1DD00] =	vst v63  }
0x1a6: {  	_ =	swait.ge [sflag:s18], $0x1000  }
0x1a7: {  	[sflag:s18] =	ssyncset.done $0x0  }
0x1a8: {  	[sflag:s18] =	ssyncadd.s32 $0xFFFFF000  }
0x1a9: {  	_ =	swait.ge [sflag:s18], $0x1000  }
0x1aa: {  	[sflag:s18] =	ssyncset.done $0x0  }
0x1ab: {  	[sflag:s18] =	ssyncadd.s32 $0xFFFFF000  }
0x1ac: {  	_ =	swait.ge [sflag:s18], $0x1000  }
0x1ad: {  	[sflag:s18] =	ssyncset.done $0x0  }
0x1ae: {  	[sflag:s18] =	ssyncadd.s32 $0xFFFFF000  }
0x1af: {  	_ =	swait.ge [sflag:s18], $0x1000  }
0x1b0: {  	[sflag:s18] =	ssyncset.done $0x0  }
0x1b1: {  	[sflag:s18] =	ssyncadd.s32 $0xFFFFF000  }
0x1b2: {  	_ =	swait.ge [sflag:s18], $0x1000  }
0x1b3: {  	[sflag:s18] =	ssyncset.done $0x0  }
0x1b4: {  	[sflag:s18] =	ssyncadd.s32 $0xFFFFF000  }
0x1b5: {  	[spmem:s8] =	stream.indirect.scatter.add.f32 [tilespmem:s25], [sflag:$0x2], $0x20, s22, s24, $0xb8;
	[tilespmem:$0x1DD00] =	vst v63  }
0x1b6: {  	_ = 	snop  }
0x1b7: {  	[spmem:s8] =	stream.indirect.scatter.add.f32 [tilespmem:s26], [sflag:$0x2], $0x20, s15, s24, $0xb8;
	[tilespmem:$0x1DD00] =	vst v63  }
0x1b8: {  	_ = 	snop  }
0x1b9: {  	[spmem:s8] =	stream.indirect.scatter.add.f32 [tilespmem:s20], [sflag:$0x2], $0x20, s29, s24, $0xb8;
	[tilespmem:$0x1DD00] =	vst v63  }
0x1ba: {  	_ = 	snop  }
0x1bb: {  	[spmem:s8] =	stream.indirect.scatter.add.f32 [tilespmem:s10], [sflag:$0x2], $0x20, s30, s24, $0xb8;
	[tilespmem:$0x1DD00] =	vst v63  }
0x1bc: {  	_ = 	snop  }
0x1bd: {  	[spmem:s8] =	stream.indirect.scatter.add.f32 [tilespmem:s14], [sflag:$0x2], $0x20, s31, s24, $0xb8;
	[tilespmem:$0x1DD00] =	vst v63  }
0x1be: {  	_ =	swait.ge [sflag:s1], $0x1000  }
0x1bf: {  	[sflag:s1] =	ssyncset.done $0x0  }
0x1c0: {  	[sflag:s1] =	ssyncadd.s32 $0xFFFFF000  }
0x1c1: {  	_ =	swait.ge [sflag:s1], $0x1000  }
0x1c2: {  	[sflag:s1] =	ssyncset.done $0x0  }
0x1c3: {  	[sflag:s1] =	ssyncadd.s32 $0xFFFFF000  }
0x1c4: {  	_ =	swait.ge [sflag:s1], $0x1000  }
0x1c5: {  	[sflag:s1] =	ssyncset.done $0x0  }
0x1c6: {  	[sflag:s1] =	ssyncadd.s32 $0xFFFFF000  }
0x1c7: {  	_ =	swait.ge [sflag:s1], $0x1000  }
0x1c8: {  	[sflag:s1] =	ssyncset.done $0x0  }
0x1c9: {  	[sflag:s1] =	ssyncadd.s32 $0xFFFFF000  }
0x1ca: {  	_ =	swait.ge [sflag:s1], $0x1000  }
0x1cb: {  	[sflag:s1] =	ssyncset.done $0x0  }
0x1cc: {  	s7 =	rddreg [dreg:$0x12];
	[sflag:s1] =	ssyncadd.s32 $0xFFFFF000  }
0x1cd: {  	s3 =	rddreg [dreg:$0x3]  }
.LBB2_8:
0x1ce: {  	[bflag:$0x0] =	sbarrier.arrive $0xFFFF  }
0x1cf: {  	s17 =	sld [smem:$0x7FC];
	_ =	sdelay $0x1  }
0x1d0: {  	s0 =	simm.s32 $0x10;
	s2 =	simm.s32 $0x4;
	s16 =	rddreg [dreg:$0x11]  }
0x1d1: {  	[hbm:s7@s0], [sflag:s16] =	dma.strided [spmem:s17@s2], $0xA00, s18, $0x4   }
0x1d2: {  	_ =	swait.ge [sflag:s21], $0xA00  }
0x1d3: {  	[sflag:s21] =	ssyncset.done $0x0  }
0x1d4: {  	[sflag:s21] =	ssyncadd.s32 $0xFFFFF600  }
0x1d5: {  	[bflag:$0x0] =	sbarrier.arrive $0xFFFF  }
0x1d6: {  	s19 =	rddreg [dreg:$0x10]  }
0x1d7: {  	[spmem:s17], [sflag:s16] =	dma.local [hbm:s19], $0xA00  }
.Ltmp6:
0x1d8: {  	_ =	swait.ge [sflag:s21], $0xA00;
	(pc) =	sbr.rel @p0 .LBB2_12-.Ltmp6, $4  }
0x1d9: {  	[sflag:s21] =	ssyncset.done $0x0  }
0x1da: {  	[sflag:s21] =	ssyncadd.s32 $0xFFFFF600  }
0x1db: {  	[bflag:$0x0] =	sbarrier.arrive $0xFFFF  }
0x1dc: {  	s2 =	rddreg [dreg:$0x1e]  }
0x1dd: {  	s16 =	rddreg [dreg:$0xa]  }
0x1de: {  	s0 =	sadd.s32 $0x0, s16  }
0x1df: {  	[tilespmem:s9], [sflag:$0x3] =	stream.linear.gather [hbm4b:s0+s9], $0x280, $0x38;
	[tilespmem:$0x1DD00] =	vst v63  }
0x1e0: {  	_ =	swait.ge [sflag:s21], $0x280  }
0x1e1: {  	[sflag:s21] =	ssyncset.done $0x0  }
0x1e2: {  	s19 =	sadd.s32 $0x0, s2;
	[sflag:s21] =	ssyncadd.s32 $0xFFFFFD80  }
0x1e3: {  	[tilespmem:s22], [sflag:$0x3] =	stream.linear.gather [hbm4b:s19+s9], $0x280, $0x38;
	[tilespmem:$0x1DD00] =	vst v63  }
0x1e4: {  	_ =	swait.ge [sflag:s21], $0x280  }
0x1e5: {  	[sflag:s21] =	ssyncset.done $0x0  }
0x1e6: {  	[sflag:s21] =	ssyncadd.s32 $0xFFFFFD80  }
0x1e7: {  	[tilespmem:s25], [sflag:$0x1] =	stream.indirect.gather [hbm4b:s3+s24], $0x20, s9, s24, $0xb8;
	[tilespmem:$0x1DD00] =	vst v63  }
0x1e8: {  	_ = 	snop  }
0x1e9: {  	[tilespmem:s26], [sflag:$0x1] =	stream.indirect.gather [hbm4b:s3+s24], $0x20, s24, s24, $0xb8;
	[tilespmem:$0x1DD00] =	vst v63  }
0x1ea: {  	_ = 	snop  }
0x1eb: {  	[tilespmem:s20], [sflag:$0x1] =	stream.indirect.gather [hbm4b:s3+s24], $0x20, s13, s24, $0xb8;
	[tilespmem:$0x1DD00] =	vst v63  }
0x1ec: {  	_ = 	snop  }
0x1ed: {  	[tilespmem:s10], [sflag:$0x1] =	stream.indirect.gather [hbm4b:s3+s24], $0x20, s28, s24, $0xb8;
	[tilespmem:$0x1DD00] =	vst v63  }
0x1ee: {  	_ = 	snop  }
0x1ef: {  	[tilespmem:s14], [sflag:$0x1] =	stream.indirect.gather [hbm4b:s3+s24], $0x20, s12, s24, $0xb8;
	[tilespmem:$0x1DD00] =	vst v63  }
0x1f0: {  	_ =	swait.ge [sflag:s18], $0x1000  }
0x1f1: {  	[sflag:s18] =	ssyncset.done $0x0  }
0x1f2: {  	[sflag:s18] =	ssyncadd.s32 $0xFFFFF000  }
0x1f3: {  	_ =	swait.ge [sflag:s18], $0x1000  }
0x1f4: {  	[sflag:s18] =	ssyncset.done $0x0  }
0x1f5: {  	[sflag:s18] =	ssyncadd.s32 $0xFFFFF000  }
0x1f6: {  	_ =	swait.ge [sflag:s18], $0x1000  }
0x1f7: {  	[sflag:s18] =	ssyncset.done $0x0  }
0x1f8: {  	[sflag:s18] =	ssyncadd.s32 $0xFFFFF000  }
0x1f9: {  	_ =	swait.ge [sflag:s18], $0x1000  }
0x1fa: {  	[sflag:s18] =	ssyncset.done $0x0  }
0x1fb: {  	[sflag:s18] =	ssyncadd.s32 $0xFFFFF000  }
0x1fc: {  	_ =	swait.ge [sflag:s18], $0x1000  }
0x1fd: {  	[sflag:s18] =	ssyncset.done $0x0  }
0x1fe: {  	[sflag:s18] =	ssyncadd.s32 $0xFFFFF000  }
0x1ff: {  	[spmem:s8] =	stream.indirect.scatter.add.f32 [tilespmem:s25], [sflag:$0x2], $0x20, s22, s24, $0xb8;
	[tilespmem:$0x1DD00] =	vst v63  }
0x200: {  	_ = 	snop  }
0x201: {  	[spmem:s8] =	stream.indirect.scatter.add.f32 [tilespmem:s26], [sflag:$0x2], $0x20, s15, s24, $0xb8;
	[tilespmem:$0x1DD00] =	vst v63  }
0x202: {  	_ = 	snop  }
0x203: {  	[spmem:s8] =	stream.indirect.scatter.add.f32 [tilespmem:s20], [sflag:$0x2], $0x20, s29, s24, $0xb8;
	[tilespmem:$0x1DD00] =	vst v63  }
0x204: {  	_ = 	snop  }
0x205: {  	[spmem:s8] =	stream.indirect.scatter.add.f32 [tilespmem:s10], [sflag:$0x2], $0x20, s30, s24, $0xb8;
	[tilespmem:$0x1DD00] =	vst v63  }
0x206: {  	_ = 	snop  }
0x207: {  	[spmem:s8] =	stream.indirect.scatter.add.f32 [tilespmem:s14], [sflag:$0x2], $0x20, s31, s24, $0xb8;
	[tilespmem:$0x1DD00] =	vst v63  }
0x208: {  	_ =	swait.ge [sflag:s1], $0x1000  }
0x209: {  	[sflag:s1] =	ssyncset.done $0x0  }
0x20a: {  	[sflag:s1] =	ssyncadd.s32 $0xFFFFF000  }
0x20b: {  	_ =	swait.ge [sflag:s1], $0x1000  }
0x20c: {  	[sflag:s1] =	ssyncset.done $0x0  }
0x20d: {  	[sflag:s1] =	ssyncadd.s32 $0xFFFFF000  }
0x20e: {  	_ =	swait.ge [sflag:s1], $0x1000  }
0x20f: {  	[sflag:s1] =	ssyncset.done $0x0  }
0x210: {  	[sflag:s1] =	ssyncadd.s32 $0xFFFFF000  }
0x211: {  	_ =	swait.ge [sflag:s1], $0x1000  }
0x212: {  	[sflag:s1] =	ssyncset.done $0x0  }
0x213: {  	[sflag:s1] =	ssyncadd.s32 $0xFFFFF000  }
0x214: {  	_ =	swait.ge [sflag:s1], $0x1000  }
0x215: {  	s7 =	simm.s32 $0x50;
	s17 =	simm.s32 $0xA0;
	[sflag:s1] =	ssyncset.done $0x0  }
.LBB2_10:
0x216: {  	s0 =	sadd.s32 s7, s16;
	[sflag:s1] =	ssyncadd.s32 $0xFFFFF000  }
0x217: {  	[tilespmem:s9], [sflag:$0x3] =	stream.linear.gather [hbm4b:s0+s9], $0x280, $0x38;
	[tilespmem:$0x1DD00] =	vst v63  }
0x218: {  	_ =	swait.ge [sflag:s21], $0x280  }
0x219: {  	s19 =	smov.u32 s17;
	s4 =	sadd.s32 $0x50, s17;
	[sflag:s21] =	ssyncset.done $0x0  }
0x21a: {  	p1 =	seq.s32 s17, $0x4B0;
	s17 =	sadd.s32 s7, s2;
	[sflag:s21] =	ssyncadd.s32 $0xFFFFFD80  }
0x21b: {  	[tilespmem:s22], [sflag:$0x3] =	stream.linear.gather [hbm4b:s17+s9], $0x280, $0x38;
	[tilespmem:$0x1DD00] =	vst v63  }
0x21c: {  	_ =	swait.ge [sflag:s21], $0x280  }
0x21d: {  	[sflag:s21] =	ssyncset.done $0x0  }
0x21e: {  	[sflag:s21] =	ssyncadd.s32 $0xFFFFFD80  }
0x21f: {  	[tilespmem:s25], [sflag:$0x1] =	stream.indirect.gather [hbm4b:s3+s24], $0x20, s9, s24, $0xb8;
	[tilespmem:$0x1DD00] =	vst v63  }
0x220: {  	_ = 	snop  }
0x221: {  	[tilespmem:s26], [sflag:$0x1] =	stream.indirect.gather [hbm4b:s3+s24], $0x20, s24, s24, $0xb8;
	[tilespmem:$0x1DD00] =	vst v63  }
0x222: {  	_ = 	snop  }
0x223: {  	[tilespmem:s20], [sflag:$0x1] =	stream.indirect.gather [hbm4b:s3+s24], $0x20, s13, s24, $0xb8;
	[tilespmem:$0x1DD00] =	vst v63  }
0x224: {  	_ = 	snop  }
0x225: {  	[tilespmem:s10], [sflag:$0x1] =	stream.indirect.gather [hbm4b:s3+s24], $0x20, s28, s24, $0xb8;
	[tilespmem:$0x1DD00] =	vst v63  }
0x226: {  	_ = 	snop  }
0x227: {  	[tilespmem:s14], [sflag:$0x1] =	stream.indirect.gather [hbm4b:s3+s24], $0x20, s12, s24, $0xb8;
	[tilespmem:$0x1DD00] =	vst v63  }
0x228: {  	_ =	swait.ge [sflag:s18], $0x1000  }
0x229: {  	[sflag:s18] =	ssyncset.done $0x0  }
0x22a: {  	[sflag:s18] =	ssyncadd.s32 $0xFFFFF000  }
0x22b: {  	_ =	swait.ge [sflag:s18], $0x1000  }
0x22c: {  	[sflag:s18] =	ssyncset.done $0x0  }
0x22d: {  	[sflag:s18] =	ssyncadd.s32 $0xFFFFF000  }
0x22e: {  	_ =	swait.ge [sflag:s18], $0x1000  }
0x22f: {  	[sflag:s18] =	ssyncset.done $0x0  }
0x230: {  	[sflag:s18] =	ssyncadd.s32 $0xFFFFF000  }
0x231: {  	_ =	swait.ge [sflag:s18], $0x1000  }
0x232: {  	[sflag:s18] =	ssyncset.done $0x0  }
0x233: {  	[sflag:s18] =	ssyncadd.s32 $0xFFFFF000  }
0x234: {  	_ =	swait.ge [sflag:s18], $0x1000  }
0x235: {  	[sflag:s18] =	ssyncset.done $0x0  }
0x236: {  	[sflag:s18] =	ssyncadd.s32 $0xFFFFF000  }
0x237: {  	[spmem:s8] =	stream.indirect.scatter.add.f32 [tilespmem:s25], [sflag:$0x2], $0x20, s22, s24, $0xb8;
	[tilespmem:$0x1DD00] =	vst v63  }
0x238: {  	_ = 	snop  }
0x239: {  	[spmem:s8] =	stream.indirect.scatter.add.f32 [tilespmem:s26], [sflag:$0x2], $0x20, s15, s24, $0xb8;
	[tilespmem:$0x1DD00] =	vst v63  }
0x23a: {  	_ = 	snop  }
0x23b: {  	[spmem:s8] =	stream.indirect.scatter.add.f32 [tilespmem:s20], [sflag:$0x2], $0x20, s29, s24, $0xb8;
	[tilespmem:$0x1DD00] =	vst v63  }
0x23c: {  	_ = 	snop  }
0x23d: {  	[spmem:s8] =	stream.indirect.scatter.add.f32 [tilespmem:s10], [sflag:$0x2], $0x20, s30, s24, $0xb8;
	[tilespmem:$0x1DD00] =	vst v63  }
0x23e: {  	_ = 	snop  }
0x23f: {  	[spmem:s8] =	stream.indirect.scatter.add.f32 [tilespmem:s14], [sflag:$0x2], $0x20, s31, s24, $0xb8;
	[tilespmem:$0x1DD00] =	vst v63  }
0x240: {  	_ =	swait.ge [sflag:s1], $0x1000  }
0x241: {  	[sflag:s1] =	ssyncset.done $0x0  }
0x242: {  	[sflag:s1] =	ssyncadd.s32 $0xFFFFF000  }
0x243: {  	_ =	swait.ge [sflag:s1], $0x1000  }
0x244: {  	[sflag:s1] =	ssyncset.done $0x0  }
0x245: {  	[sflag:s1] =	ssyncadd.s32 $0xFFFFF000  }
0x246: {  	_ =	swait.ge [sflag:s1], $0x1000  }
0x247: {  	[sflag:s1] =	ssyncset.done $0x0  }
0x248: {  	[sflag:s1] =	ssyncadd.s32 $0xFFFFF000  }
.Ltmp7:
0x249: {  	_ =	swait.ge [sflag:s1], $0x1000;
	(pc) =	sbr.rel @!p1 .LBB2_10-.Ltmp7, $4  }
0x24a: {  	[sflag:s1] =	ssyncset.done $0x0  }
0x24b: {  	[sflag:s1] =	ssyncadd.s32 $0xFFFFF000  }
0x24c: {  	s7 =	smov.u32 s19;
	_ =	swait.ge [sflag:s1], $0x1000  }
0x24d: {  	s17 =	smov.u32 s4;
	[sflag:s1] =	ssyncset.done $0x0;
	s16 =	rddreg [dreg:$0xa]  }
0x24e: {  	s0 =	sadd.s32 s7, s16;
	[sflag:s1] =	ssyncadd.s32 $0xFFFFF000  }
0x24f: {  	[tilespmem:s9], [sflag:$0x3] =	stream.linear.gather [hbm4b:s0+s9], $0x280, $0x38;
	[tilespmem:$0x1DD00] =	vst v63  }
0x250: {  	_ =	swait.ge [sflag:s21], $0x280  }
0x251: {  	[sflag:s21] =	ssyncset.done $0x0  }
0x252: {  	s19 =	sadd.s32 s7, s2;
	[sflag:s21] =	ssyncadd.s32 $0xFFFFFD80  }
0x253: {  	[tilespmem:s22], [sflag:$0x3] =	stream.linear.gather [hbm4b:s19+s9], $0x280, $0x38;
	[tilespmem:$0x1DD00] =	vst v63  }
0x254: {  	_ =	swait.ge [sflag:s21], $0x280  }
0x255: {  	[sflag:s21] =	ssyncset.done $0x0  }
0x256: {  	[sflag:s21] =	ssyncadd.s32 $0xFFFFFD80  }
0x257: {  	[tilespmem:s25], [sflag:$0x1] =	stream.indirect.gather [hbm4b:s3+s24], $0x20, s9, s24, $0xb8;
	[tilespmem:$0x1DD00] =	vst v63  }
0x258: {  	_ = 	snop  }
0x259: {  	[tilespmem:s26], [sflag:$0x1] =	stream.indirect.gather [hbm4b:s3+s24], $0x20, s24, s24, $0xb8;
	[tilespmem:$0x1DD00] =	vst v63  }
0x25a: {  	_ = 	snop  }
0x25b: {  	[tilespmem:s20], [sflag:$0x1] =	stream.indirect.gather [hbm4b:s3+s24], $0x20, s13, s24, $0xb8;
	[tilespmem:$0x1DD00] =	vst v63  }
0x25c: {  	_ = 	snop  }
0x25d: {  	[tilespmem:s10], [sflag:$0x1] =	stream.indirect.gather [hbm4b:s3+s24], $0x20, s28, s24, $0xb8;
	[tilespmem:$0x1DD00] =	vst v63  }
0x25e: {  	_ = 	snop  }
0x25f: {  	[tilespmem:s14], [sflag:$0x1] =	stream.indirect.gather [hbm4b:s3+s24], $0x20, s12, s24, $0xb8;
	[tilespmem:$0x1DD00] =	vst v63  }
0x260: {  	_ =	swait.ge [sflag:s18], $0x1000  }
0x261: {  	[sflag:s18] =	ssyncset.done $0x0  }
0x262: {  	[sflag:s18] =	ssyncadd.s32 $0xFFFFF000  }
0x263: {  	_ =	swait.ge [sflag:s18], $0x1000  }
0x264: {  	[sflag:s18] =	ssyncset.done $0x0  }
0x265: {  	[sflag:s18] =	ssyncadd.s32 $0xFFFFF000  }
0x266: {  	_ =	swait.ge [sflag:s18], $0x1000  }
0x267: {  	[sflag:s18] =	ssyncset.done $0x0  }
0x268: {  	[sflag:s18] =	ssyncadd.s32 $0xFFFFF000  }
0x269: {  	_ =	swait.ge [sflag:s18], $0x1000  }
0x26a: {  	[sflag:s18] =	ssyncset.done $0x0  }
0x26b: {  	[sflag:s18] =	ssyncadd.s32 $0xFFFFF000  }
0x26c: {  	_ =	swait.ge [sflag:s18], $0x1000  }
0x26d: {  	[sflag:s18] =	ssyncset.done $0x0  }
0x26e: {  	[sflag:s18] =	ssyncadd.s32 $0xFFFFF000  }
0x26f: {  	[spmem:s8] =	stream.indirect.scatter.add.f32 [tilespmem:s25], [sflag:$0x2], $0x20, s22, s24, $0xb8;
	[tilespmem:$0x1DD00] =	vst v63  }
0x270: {  	_ = 	snop  }
0x271: {  	[spmem:s8] =	stream.indirect.scatter.add.f32 [tilespmem:s26], [sflag:$0x2], $0x20, s15, s24, $0xb8;
	[tilespmem:$0x1DD00] =	vst v63  }
0x272: {  	_ = 	snop  }
0x273: {  	[spmem:s8] =	stream.indirect.scatter.add.f32 [tilespmem:s20], [sflag:$0x2], $0x20, s29, s24, $0xb8;
	[tilespmem:$0x1DD00] =	vst v63  }
0x274: {  	_ = 	snop  }
0x275: {  	[spmem:s8] =	stream.indirect.scatter.add.f32 [tilespmem:s10], [sflag:$0x2], $0x20, s30, s24, $0xb8;
	[tilespmem:$0x1DD00] =	vst v63  }
0x276: {  	_ = 	snop  }
0x277: {  	[spmem:s8] =	stream.indirect.scatter.add.f32 [tilespmem:s14], [sflag:$0x2], $0x20, s31, s24, $0xb8;
	[tilespmem:$0x1DD00] =	vst v63  }
0x278: {  	_ =	swait.ge [sflag:s1], $0x1000  }
0x279: {  	[sflag:s1] =	ssyncset.done $0x0  }
0x27a: {  	[sflag:s1] =	ssyncadd.s32 $0xFFFFF000  }
0x27b: {  	_ =	swait.ge [sflag:s1], $0x1000  }
0x27c: {  	[sflag:s1] =	ssyncset.done $0x0  }
0x27d: {  	[sflag:s1] =	ssyncadd.s32 $0xFFFFF000  }
0x27e: {  	_ =	swait.ge [sflag:s1], $0x1000  }
0x27f: {  	[sflag:s1] =	ssyncset.done $0x0  }
0x280: {  	[sflag:s1] =	ssyncadd.s32 $0xFFFFF000  }
0x281: {  	_ =	swait.ge [sflag:s1], $0x1000  }
.Ltmp8:
0x282: {  	[sflag:s1] =	ssyncset.done $0x0;
	(pc) =	sbr.rel .LBB2_15-.Ltmp8, $4  }
0x283: {  	[sflag:s1] =	ssyncadd.s32 $0xFFFFF000  }
0x284: {  	_ =	swait.ge [sflag:s1], $0x1000  }
0x285: {  	[sflag:s1] =	ssyncset.done $0x0  }
0x286: {  	s7 =	rddreg [dreg:$0x19];
	[sflag:s1] =	ssyncadd.s32 $0xFFFFF000  }
.LBB2_12:
0x287: {  	s16 =	rddreg [dreg:$0xa]  }
0x288: {  	s0 =	sadd.s32 $0x0, s16  }
0x289: {  	[tilespmem:s9], [sflag:$0x3] =	stream.linear.gather [hbm4b:s0+s9], $0x280, $0x38;
	[tilespmem:$0x1DD00] =	vst v63  }
0x28a: {  	_ =	swait.ge [sflag:s21], $0x280  }
0x28b: {  	[sflag:s21] =	ssyncset.done $0x0  }
0x28c: {  	s19 =	sadd.s32 $0x0, s2;
	[sflag:s21] =	ssyncadd.s32 $0xFFFFFD80  }
0x28d: {  	[tilespmem:s22], [sflag:$0x3] =	stream.linear.gather [hbm4b:s19+s9], $0x280, $0x38;
	[tilespmem:$0x1DD00] =	vst v63  }
0x28e: {  	_ =	swait.ge [sflag:s21], $0x280  }
0x28f: {  	[sflag:s21] =	ssyncset.done $0x0  }
0x290: {  	[sflag:s21] =	ssyncadd.s32 $0xFFFFFD80  }
0x291: {  	[tilespmem:s25], [sflag:$0x1] =	stream.indirect.gather [hbm4b:s4+s24], $0x20, s9, s24, $0xb8;
	[tilespmem:$0x1DD00] =	vst v63  }
0x292: {  	_ = 	snop  }
0x293: {  	[tilespmem:s26], [sflag:$0x1] =	stream.indirect.gather [hbm4b:s4+s24], $0x20, s24, s24, $0xb8;
	[tilespmem:$0x1DD00] =	vst v63  }
0x294: {  	_ = 	snop  }
0x295: {  	[tilespmem:s20], [sflag:$0x1] =	stream.indirect.gather [hbm4b:s4+s24], $0x20, s13, s24, $0xb8;
	[tilespmem:$0x1DD00] =	vst v63  }
0x296: {  	_ = 	snop  }
0x297: {  	[tilespmem:s10], [sflag:$0x1] =	stream.indirect.gather [hbm4b:s4+s24], $0x20, s28, s24, $0xb8;
	[tilespmem:$0x1DD00] =	vst v63  }
0x298: {  	_ = 	snop  }
0x299: {  	[tilespmem:s14], [sflag:$0x1] =	stream.indirect.gather [hbm4b:s4+s24], $0x20, s12, s24, $0xb8;
	[tilespmem:$0x1DD00] =	vst v63  }
0x29a: {  	_ =	swait.ge [sflag:s18], $0x1000  }
0x29b: {  	[sflag:s18] =	ssyncset.done $0x0  }
0x29c: {  	[sflag:s18] =	ssyncadd.s32 $0xFFFFF000  }
0x29d: {  	_ =	swait.ge [sflag:s18], $0x1000  }
0x29e: {  	[sflag:s18] =	ssyncset.done $0x0  }
0x29f: {  	[sflag:s18] =	ssyncadd.s32 $0xFFFFF000  }
0x2a0: {  	_ =	swait.ge [sflag:s18], $0x1000  }
0x2a1: {  	[sflag:s18] =	ssyncset.done $0x0  }
0x2a2: {  	[sflag:s18] =	ssyncadd.s32 $0xFFFFF000  }
0x2a3: {  	_ =	swait.ge [sflag:s18], $0x1000  }
0x2a4: {  	[sflag:s18] =	ssyncset.done $0x0  }
0x2a5: {  	[sflag:s18] =	ssyncadd.s32 $0xFFFFF000  }
0x2a6: {  	_ =	swait.ge [sflag:s18], $0x1000  }
0x2a7: {  	[sflag:s18] =	ssyncset.done $0x0  }
0x2a8: {  	[sflag:s18] =	ssyncadd.s32 $0xFFFFF000  }
0x2a9: {  	[spmem:s8] =	stream.indirect.scatter.add.f32 [tilespmem:s25], [sflag:$0x2], $0x20, s22, s24, $0xb8;
	[tilespmem:$0x1DD00] =	vst v63  }
0x2aa: {  	_ = 	snop  }
0x2ab: {  	[spmem:s8] =	stream.indirect.scatter.add.f32 [tilespmem:s26], [sflag:$0x2], $0x20, s15, s24, $0xb8;
	[tilespmem:$0x1DD00] =	vst v63  }
0x2ac: {  	_ = 	snop  }
0x2ad: {  	[spmem:s8] =	stream.indirect.scatter.add.f32 [tilespmem:s20], [sflag:$0x2], $0x20, s29, s24, $0xb8;
	[tilespmem:$0x1DD00] =	vst v63  }
0x2ae: {  	_ = 	snop  }
0x2af: {  	[spmem:s8] =	stream.indirect.scatter.add.f32 [tilespmem:s10], [sflag:$0x2], $0x20, s30, s24, $0xb8;
	[tilespmem:$0x1DD00] =	vst v63  }
0x2b0: {  	_ = 	snop  }
0x2b1: {  	[spmem:s8] =	stream.indirect.scatter.add.f32 [tilespmem:s14], [sflag:$0x2], $0x20, s31, s24, $0xb8;
	[tilespmem:$0x1DD00] =	vst v63  }
0x2b2: {  	_ =	swait.ge [sflag:s1], $0x1000  }
0x2b3: {  	[sflag:s1] =	ssyncset.done $0x0  }
0x2b4: {  	[sflag:s1] =	ssyncadd.s32 $0xFFFFF000  }
0x2b5: {  	_ =	swait.ge [sflag:s1], $0x1000  }
0x2b6: {  	[sflag:s1] =	ssyncset.done $0x0  }
0x2b7: {  	[sflag:s1] =	ssyncadd.s32 $0xFFFFF000  }
0x2b8: {  	_ =	swait.ge [sflag:s1], $0x1000  }
0x2b9: {  	[sflag:s1] =	ssyncset.done $0x0  }
0x2ba: {  	[sflag:s1] =	ssyncadd.s32 $0xFFFFF000  }
0x2bb: {  	_ =	swait.ge [sflag:s1], $0x1000  }
0x2bc: {  	[sflag:s1] =	ssyncset.done $0x0  }
0x2bd: {  	[sflag:s1] =	ssyncadd.s32 $0xFFFFF000  }
0x2be: {  	_ =	swait.ge [sflag:s1], $0x1000  }
0x2bf: {  	s7 =	simm.s32 $0x50;
	s17 =	simm.s32 $0xA0;
	[sflag:s1] =	ssyncset.done $0x0  }
.LBB2_13:
0x2c0: {  	s0 =	sadd.s32 s7, s16;
	[sflag:s1] =	ssyncadd.s32 $0xFFFFF000  }
0x2c1: {  	[tilespmem:s9], [sflag:$0x3] =	stream.linear.gather [hbm4b:s0+s9], $0x280, $0x38;
	[tilespmem:$0x1DD00] =	vst v63  }
0x2c2: {  	_ =	swait.ge [sflag:s21], $0x280  }
0x2c3: {  	s19 =	smov.u32 s17;
	s16 =	sadd.s32 $0x50, s17;
	[sflag:s21] =	ssyncset.done $0x0  }
0x2c4: {  	p1 =	sne.s32 s17, $0x4B0;
	s17 =	sadd.s32 s7, s2;
	[sflag:s21] =	ssyncadd.s32 $0xFFFFFD80  }
0x2c5: {  	[tilespmem:s22], [sflag:$0x3] =	stream.linear.gather [hbm4b:s17+s9], $0x280, $0x38;
	[tilespmem:$0x1DD00] =	vst v63  }
0x2c6: {  	_ =	swait.ge [sflag:s21], $0x280  }
0x2c7: {  	[sflag:s21] =	ssyncset.done $0x0  }
0x2c8: {  	[sflag:s21] =	ssyncadd.s32 $0xFFFFFD80  }
0x2c9: {  	[tilespmem:s25], [sflag:$0x1] =	stream.indirect.gather [hbm4b:s4+s24], $0x20, s9, s24, $0xb8;
	[tilespmem:$0x1DD00] =	vst v63  }
0x2ca: {  	_ = 	snop  }
0x2cb: {  	[tilespmem:s26], [sflag:$0x1] =	stream.indirect.gather [hbm4b:s4+s24], $0x20, s24, s24, $0xb8;
	[tilespmem:$0x1DD00] =	vst v63  }
0x2cc: {  	_ = 	snop  }
0x2cd: {  	[tilespmem:s20], [sflag:$0x1] =	stream.indirect.gather [hbm4b:s4+s24], $0x20, s13, s24, $0xb8;
	[tilespmem:$0x1DD00] =	vst v63  }
0x2ce: {  	_ = 	snop  }
0x2cf: {  	[tilespmem:s10], [sflag:$0x1] =	stream.indirect.gather [hbm4b:s4+s24], $0x20, s28, s24, $0xb8;
	[tilespmem:$0x1DD00] =	vst v63  }
0x2d0: {  	_ = 	snop  }
0x2d1: {  	[tilespmem:s14], [sflag:$0x1] =	stream.indirect.gather [hbm4b:s4+s24], $0x20, s12, s24, $0xb8;
	[tilespmem:$0x1DD00] =	vst v63  }
0x2d2: {  	_ =	swait.ge [sflag:s18], $0x1000  }
0x2d3: {  	[sflag:s18] =	ssyncset.done $0x0  }
0x2d4: {  	[sflag:s18] =	ssyncadd.s32 $0xFFFFF000  }
0x2d5: {  	_ =	swait.ge [sflag:s18], $0x1000  }
0x2d6: {  	[sflag:s18] =	ssyncset.done $0x0  }
0x2d7: {  	[sflag:s18] =	ssyncadd.s32 $0xFFFFF000  }
0x2d8: {  	_ =	swait.ge [sflag:s18], $0x1000  }
0x2d9: {  	[sflag:s18] =	ssyncset.done $0x0  }
0x2da: {  	[sflag:s18] =	ssyncadd.s32 $0xFFFFF000  }
0x2db: {  	_ =	swait.ge [sflag:s18], $0x1000  }
0x2dc: {  	[sflag:s18] =	ssyncset.done $0x0  }
0x2dd: {  	[sflag:s18] =	ssyncadd.s32 $0xFFFFF000  }
0x2de: {  	_ =	swait.ge [sflag:s18], $0x1000  }
0x2df: {  	[sflag:s18] =	ssyncset.done $0x0  }
0x2e0: {  	[sflag:s18] =	ssyncadd.s32 $0xFFFFF000  }
0x2e1: {  	[spmem:s8] =	stream.indirect.scatter.add.f32 [tilespmem:s25], [sflag:$0x2], $0x20, s22, s24, $0xb8;
	[tilespmem:$0x1DD00] =	vst v63  }
0x2e2: {  	_ = 	snop  }
0x2e3: {  	[spmem:s8] =	stream.indirect.scatter.add.f32 [tilespmem:s26], [sflag:$0x2], $0x20, s15, s24, $0xb8;
	[tilespmem:$0x1DD00] =	vst v63  }
0x2e4: {  	_ = 	snop  }
0x2e5: {  	[spmem:s8] =	stream.indirect.scatter.add.f32 [tilespmem:s20], [sflag:$0x2], $0x20, s29, s24, $0xb8;
	[tilespmem:$0x1DD00] =	vst v63  }
0x2e6: {  	_ = 	snop  }
0x2e7: {  	[spmem:s8] =	stream.indirect.scatter.add.f32 [tilespmem:s10], [sflag:$0x2], $0x20, s30, s24, $0xb8;
	[tilespmem:$0x1DD00] =	vst v63  }
0x2e8: {  	_ = 	snop  }
0x2e9: {  	[spmem:s8] =	stream.indirect.scatter.add.f32 [tilespmem:s14], [sflag:$0x2], $0x20, s31, s24, $0xb8;
	[tilespmem:$0x1DD00] =	vst v63  }
0x2ea: {  	_ =	swait.ge [sflag:s1], $0x1000  }
0x2eb: {  	[sflag:s1] =	ssyncset.done $0x0  }
0x2ec: {  	[sflag:s1] =	ssyncadd.s32 $0xFFFFF000  }
0x2ed: {  	_ =	swait.ge [sflag:s1], $0x1000  }
0x2ee: {  	[sflag:s1] =	ssyncset.done $0x0  }
0x2ef: {  	[sflag:s1] =	ssyncadd.s32 $0xFFFFF000  }
0x2f0: {  	_ =	swait.ge [sflag:s1], $0x1000  }
0x2f1: {  	[sflag:s1] =	ssyncset.done $0x0  }
0x2f2: {  	[sflag:s1] =	ssyncadd.s32 $0xFFFFF000  }
.Ltmp9:
0x2f3: {  	_ =	swait.ge [sflag:s1], $0x1000;
	(pc) =	sbr.rel @p1 .LBB2_13-.Ltmp9, $4  }
0x2f4: {  	[sflag:s1] =	ssyncset.done $0x0  }
0x2f5: {  	[sflag:s1] =	ssyncadd.s32 $0xFFFFF000  }
0x2f6: {  	s7 =	smov.u32 s19;
	_ =	swait.ge [sflag:s1], $0x1000  }
0x2f7: {  	s17 =	smov.u32 s16;
	[sflag:s1] =	ssyncset.done $0x0;
	s16 =	rddreg [dreg:$0xa]  }
0x2f8: {  	s0 =	sadd.s32 s7, s16;
	[sflag:s1] =	ssyncadd.s32 $0xFFFFF000  }
0x2f9: {  	[tilespmem:s9], [sflag:$0x3] =	stream.linear.gather [hbm4b:s0+s9], $0x280, $0x38;
	[tilespmem:$0x1DD00] =	vst v63  }
0x2fa: {  	_ =	swait.ge [sflag:s21], $0x280  }
0x2fb: {  	[sflag:s21] =	ssyncset.done $0x0  }
0x2fc: {  	s19 =	sadd.s32 s7, s2;
	[sflag:s21] =	ssyncadd.s32 $0xFFFFFD80  }
0x2fd: {  	[tilespmem:s22], [sflag:$0x3] =	stream.linear.gather [hbm4b:s19+s9], $0x280, $0x38;
	[tilespmem:$0x1DD00] =	vst v63  }
0x2fe: {  	_ =	swait.ge [sflag:s21], $0x280  }
0x2ff: {  	[sflag:s21] =	ssyncset.done $0x0  }
0x300: {  	[sflag:s21] =	ssyncadd.s32 $0xFFFFFD80  }
0x301: {  	[tilespmem:s25], [sflag:$0x1] =	stream.indirect.gather [hbm4b:s4+s24], $0x20, s9, s24, $0xb8;
	[tilespmem:$0x1DD00] =	vst v63  }
0x302: {  	_ = 	snop  }
0x303: {  	[tilespmem:s26], [sflag:$0x1] =	stream.indirect.gather [hbm4b:s4+s24], $0x20, s24, s24, $0xb8;
	[tilespmem:$0x1DD00] =	vst v63  }
0x304: {  	_ = 	snop  }
0x305: {  	[tilespmem:s20], [sflag:$0x1] =	stream.indirect.gather [hbm4b:s4+s24], $0x20, s13, s24, $0xb8;
	[tilespmem:$0x1DD00] =	vst v63  }
0x306: {  	_ = 	snop  }
0x307: {  	[tilespmem:s10], [sflag:$0x1] =	stream.indirect.gather [hbm4b:s4+s24], $0x20, s28, s24, $0xb8;
	[tilespmem:$0x1DD00] =	vst v63  }
0x308: {  	_ = 	snop  }
0x309: {  	[tilespmem:s14], [sflag:$0x1] =	stream.indirect.gather [hbm4b:s4+s24], $0x20, s12, s24, $0xb8;
	[tilespmem:$0x1DD00] =	vst v63  }
0x30a: {  	_ =	swait.ge [sflag:s18], $0x1000  }
0x30b: {  	[sflag:s18] =	ssyncset.done $0x0  }
0x30c: {  	[sflag:s18] =	ssyncadd.s32 $0xFFFFF000  }
0x30d: {  	_ =	swait.ge [sflag:s18], $0x1000  }
0x30e: {  	[sflag:s18] =	ssyncset.done $0x0  }
0x30f: {  	[sflag:s18] =	ssyncadd.s32 $0xFFFFF000  }
0x310: {  	_ =	swait.ge [sflag:s18], $0x1000  }
0x311: {  	[sflag:s18] =	ssyncset.done $0x0  }
0x312: {  	[sflag:s18] =	ssyncadd.s32 $0xFFFFF000  }
0x313: {  	_ =	swait.ge [sflag:s18], $0x1000  }
0x314: {  	[sflag:s18] =	ssyncset.done $0x0  }
0x315: {  	[sflag:s18] =	ssyncadd.s32 $0xFFFFF000  }
0x316: {  	_ =	swait.ge [sflag:s18], $0x1000  }
0x317: {  	[sflag:s18] =	ssyncset.done $0x0  }
0x318: {  	[sflag:s18] =	ssyncadd.s32 $0xFFFFF000  }
0x319: {  	[spmem:s8] =	stream.indirect.scatter.add.f32 [tilespmem:s25], [sflag:$0x2], $0x20, s22, s24, $0xb8;
	[tilespmem:$0x1DD00] =	vst v63  }
0x31a: {  	_ = 	snop  }
0x31b: {  	[spmem:s8] =	stream.indirect.scatter.add.f32 [tilespmem:s26], [sflag:$0x2], $0x20, s15, s24, $0xb8;
	[tilespmem:$0x1DD00] =	vst v63  }
0x31c: {  	_ = 	snop  }
0x31d: {  	[spmem:s8] =	stream.indirect.scatter.add.f32 [tilespmem:s20], [sflag:$0x2], $0x20, s29, s24, $0xb8;
	[tilespmem:$0x1DD00] =	vst v63  }
0x31e: {  	_ = 	snop  }
0x31f: {  	[spmem:s8] =	stream.indirect.scatter.add.f32 [tilespmem:s10], [sflag:$0x2], $0x20, s30, s24, $0xb8;
	[tilespmem:$0x1DD00] =	vst v63  }
0x320: {  	_ = 	snop  }
0x321: {  	[spmem:s8] =	stream.indirect.scatter.add.f32 [tilespmem:s14], [sflag:$0x2], $0x20, s31, s24, $0xb8;
	[tilespmem:$0x1DD00] =	vst v63  }
0x322: {  	_ =	swait.ge [sflag:s1], $0x1000  }
0x323: {  	[sflag:s1] =	ssyncset.done $0x0  }
0x324: {  	[sflag:s1] =	ssyncadd.s32 $0xFFFFF000  }
0x325: {  	_ =	swait.ge [sflag:s1], $0x1000  }
0x326: {  	[sflag:s1] =	ssyncset.done $0x0  }
0x327: {  	[sflag:s1] =	ssyncadd.s32 $0xFFFFF000  }
0x328: {  	_ =	swait.ge [sflag:s1], $0x1000  }
0x329: {  	[sflag:s1] =	ssyncset.done $0x0  }
0x32a: {  	[sflag:s1] =	ssyncadd.s32 $0xFFFFF000  }
0x32b: {  	_ =	swait.ge [sflag:s1], $0x1000  }
0x32c: {  	[sflag:s1] =	ssyncset.done $0x0  }
0x32d: {  	[sflag:s1] =	ssyncadd.s32 $0xFFFFF000  }
0x32e: {  	_ =	swait.ge [sflag:s1], $0x1000  }
0x32f: {  	[sflag:s1] =	ssyncset.done $0x0  }
0x330: {  	s7 =	rddreg [dreg:$0x15];
	[sflag:s1] =	ssyncadd.s32 $0xFFFFF000  }
.LBB2_15:
0x331: {  	s0 =	rddreg [dreg:$0xd];
	[bflag:$0x0] =	sbarrier.arrive $0xFFFF  }
0x332: {  	s17 =	sld [smem:$0x7FC]  }
0x333: {  	s4 =	simm.s32 $0x10  }
0x334: {  	s16 =	simm.s32 $0x4;
	s0 =	sadd.s32 s0, s7;
	s2 =	rddreg [dreg:$0x11]  }
0x335: {  	[hbm:s0@s4], [sflag:s2] =	dma.strided [spmem:s17@s16], $0xA00, s18, $0x4   }
0x336: {  	_ =	swait.ge [sflag:s21], $0xA00  }
0x337: {  	[sflag:s21] =	ssyncset.done $0x0  }
0x338: {  	[sflag:s21] =	ssyncadd.s32 $0xFFFFF600  }
0x339: {  	[bflag:$0x0] =	sbarrier.arrive $0xFFFF  }
0x33a: {  	s16 =	rddreg [dreg:$0x16]  }
0x33b: {  	s19 =	rddreg [dreg:$0x14];
	s17 =	sshrl.u32 s16, $0x3  }
0x33c: {  	[smem:$0x7FA] =	sst s17  }
0x33d: {  	[spmem:s17], [sflag:s2] =	dma.local [hbm:s19], $0x3100  }
0x33e: {  	_ =	swait.ge [sflag:s21], $0x3100  }
.Ltmp10:
0x33f: {  	[sflag:s21] =	ssyncset.done $0x0;
	(pc) =	sbr.rel @p0 .LBB2_19-.Ltmp10, $4  }
0x340: {  	[sflag:s21] =	ssyncadd.s32 $0xFFFFCF00  }
0x341: {  	[bflag:$0x0] =	sbarrier.arrive $0xFFFF  }
0x342: {  	s16 =	rddreg [dreg:$0xb]  }
0x343: {  	s4 =	rddreg [dreg:$0x1f];
	s0 =	sadd.s32 $0x0, s16  }
0x344: {  	[tilespmem:s9], [sflag:$0x3] =	stream.linear.gather [hbm4b:s0+s9], $0x280, $0x38;
	[tilespmem:$0x1DD00] =	vst v63  }
0x345: {  	_ =	swait.ge [sflag:s21], $0x280  }
0x346: {  	[sflag:s21] =	ssyncset.done $0x0  }
0x347: {  	s19 =	sadd.s32 $0x0, s4;
	[sflag:s21] =	ssyncadd.s32 $0xFFFFFD80  }
0x348: {  	[tilespmem:s22], [sflag:$0x3] =	stream.linear.gather [hbm4b:s19+s9], $0x280, $0x38;
	[tilespmem:$0x1DD00] =	vst v63  }
0x349: {  	_ =	swait.ge [sflag:s21], $0x280  }
0x34a: {  	[sflag:s21] =	ssyncset.done $0x0  }
0x34b: {  	[sflag:s21] =	ssyncadd.s32 $0xFFFFFD80  }
0x34c: {  	[tilespmem:s25], [sflag:$0x1] =	stream.indirect.gather [hbm4b:s5+s24], $0x20, s9, s24, $0xb8;
	[tilespmem:$0x1DD00] =	vst v63  }
0x34d: {  	_ = 	snop  }
0x34e: {  	[tilespmem:s26], [sflag:$0x1] =	stream.indirect.gather [hbm4b:s5+s24], $0x20, s24, s24, $0xb8;
	[tilespmem:$0x1DD00] =	vst v63  }
0x34f: {  	_ = 	snop  }
0x350: {  	[tilespmem:s20], [sflag:$0x1] =	stream.indirect.gather [hbm4b:s5+s24], $0x20, s13, s24, $0xb8;
	[tilespmem:$0x1DD00] =	vst v63  }
0x351: {  	_ = 	snop  }
0x352: {  	[tilespmem:s10], [sflag:$0x1] =	stream.indirect.gather [hbm4b:s5+s24], $0x20, s28, s24, $0xb8;
	[tilespmem:$0x1DD00] =	vst v63  }
0x353: {  	_ = 	snop  }
0x354: {  	[tilespmem:s14], [sflag:$0x1] =	stream.indirect.gather [hbm4b:s5+s24], $0x20, s12, s24, $0xb8;
	[tilespmem:$0x1DD00] =	vst v63  }
0x355: {  	_ =	swait.ge [sflag:s18], $0x1000  }
0x356: {  	[sflag:s18] =	ssyncset.done $0x0  }
0x357: {  	[sflag:s18] =	ssyncadd.s32 $0xFFFFF000  }
0x358: {  	_ =	swait.ge [sflag:s18], $0x1000  }
0x359: {  	[sflag:s18] =	ssyncset.done $0x0  }
0x35a: {  	[sflag:s18] =	ssyncadd.s32 $0xFFFFF000  }
0x35b: {  	_ =	swait.ge [sflag:s18], $0x1000  }
0x35c: {  	[sflag:s18] =	ssyncset.done $0x0  }
0x35d: {  	[sflag:s18] =	ssyncadd.s32 $0xFFFFF000  }
0x35e: {  	_ =	swait.ge [sflag:s18], $0x1000  }
0x35f: {  	[sflag:s18] =	ssyncset.done $0x0  }
0x360: {  	[sflag:s18] =	ssyncadd.s32 $0xFFFFF000  }
0x361: {  	_ =	swait.ge [sflag:s18], $0x1000  }
0x362: {  	[sflag:s18] =	ssyncset.done $0x0  }
0x363: {  	[sflag:s18] =	ssyncadd.s32 $0xFFFFF000  }
0x364: {  	[spmem:s8] =	stream.indirect.scatter.add.f32 [tilespmem:s25], [sflag:$0x2], $0x20, s22, s24, $0xb8;
	[tilespmem:$0x1DD00] =	vst v63  }
0x365: {  	_ = 	snop  }
0x366: {  	[spmem:s8] =	stream.indirect.scatter.add.f32 [tilespmem:s26], [sflag:$0x2], $0x20, s15, s24, $0xb8;
	[tilespmem:$0x1DD00] =	vst v63  }
0x367: {  	_ = 	snop  }
0x368: {  	[spmem:s8] =	stream.indirect.scatter.add.f32 [tilespmem:s20], [sflag:$0x2], $0x20, s29, s24, $0xb8;
	[tilespmem:$0x1DD00] =	vst v63  }
0x369: {  	_ = 	snop  }
0x36a: {  	[spmem:s8] =	stream.indirect.scatter.add.f32 [tilespmem:s10], [sflag:$0x2], $0x20, s30, s24, $0xb8;
	[tilespmem:$0x1DD00] =	vst v63  }
0x36b: {  	_ = 	snop  }
0x36c: {  	[spmem:s8] =	stream.indirect.scatter.add.f32 [tilespmem:s14], [sflag:$0x2], $0x20, s31, s24, $0xb8;
	[tilespmem:$0x1DD00] =	vst v63  }
0x36d: {  	_ =	swait.ge [sflag:s1], $0x1000  }
0x36e: {  	[sflag:s1] =	ssyncset.done $0x0  }
0x36f: {  	[sflag:s1] =	ssyncadd.s32 $0xFFFFF000  }
0x370: {  	_ =	swait.ge [sflag:s1], $0x1000  }
0x371: {  	[sflag:s1] =	ssyncset.done $0x0  }
0x372: {  	[sflag:s1] =	ssyncadd.s32 $0xFFFFF000  }
0x373: {  	_ =	swait.ge [sflag:s1], $0x1000  }
0x374: {  	[sflag:s1] =	ssyncset.done $0x0  }
0x375: {  	[sflag:s1] =	ssyncadd.s32 $0xFFFFF000  }
0x376: {  	_ =	swait.ge [sflag:s1], $0x1000  }
0x377: {  	[sflag:s1] =	ssyncset.done $0x0  }
0x378: {  	[sflag:s1] =	ssyncadd.s32 $0xFFFFF000  }
0x379: {  	_ =	swait.ge [sflag:s1], $0x1000  }
0x37a: {  	s7 =	simm.s32 $0x50;
	s17 =	simm.s32 $0xA0;
	[sflag:s1] =	ssyncset.done $0x0  }
.LBB2_17:
0x37b: {  	s0 =	sadd.s32 s7, s16;
	[sflag:s1] =	ssyncadd.s32 $0xFFFFF000  }
0x37c: {  	[tilespmem:s9], [sflag:$0x3] =	stream.linear.gather [hbm4b:s0+s9], $0x280, $0x38;
	[tilespmem:$0x1DD00] =	vst v63  }
0x37d: {  	_ =	swait.ge [sflag:s21], $0x280  }
0x37e: {  	s19 =	smov.u32 s17;
	s2 =	sadd.s32 $0x50, s17;
	[sflag:s21] =	ssyncset.done $0x0  }
0x37f: {  	p1 =	seq.s32 s17, $0x4B0;
	s17 =	sadd.s32 s7, s4;
	[sflag:s21] =	ssyncadd.s32 $0xFFFFFD80  }
0x380: {  	[tilespmem:s22], [sflag:$0x3] =	stream.linear.gather [hbm4b:s17+s9], $0x280, $0x38;
	[tilespmem:$0x1DD00] =	vst v63  }
0x381: {  	_ =	swait.ge [sflag:s21], $0x280  }
0x382: {  	[sflag:s21] =	ssyncset.done $0x0  }
0x383: {  	[sflag:s21] =	ssyncadd.s32 $0xFFFFFD80  }
0x384: {  	[tilespmem:s25], [sflag:$0x1] =	stream.indirect.gather [hbm4b:s5+s24], $0x20, s9, s24, $0xb8;
	[tilespmem:$0x1DD00] =	vst v63  }
0x385: {  	_ = 	snop  }
0x386: {  	[tilespmem:s26], [sflag:$0x1] =	stream.indirect.gather [hbm4b:s5+s24], $0x20, s24, s24, $0xb8;
	[tilespmem:$0x1DD00] =	vst v63  }
0x387: {  	_ = 	snop  }
0x388: {  	[tilespmem:s20], [sflag:$0x1] =	stream.indirect.gather [hbm4b:s5+s24], $0x20, s13, s24, $0xb8;
	[tilespmem:$0x1DD00] =	vst v63  }
0x389: {  	_ = 	snop  }
0x38a: {  	[tilespmem:s10], [sflag:$0x1] =	stream.indirect.gather [hbm4b:s5+s24], $0x20, s28, s24, $0xb8;
	[tilespmem:$0x1DD00] =	vst v63  }
0x38b: {  	_ = 	snop  }
0x38c: {  	[tilespmem:s14], [sflag:$0x1] =	stream.indirect.gather [hbm4b:s5+s24], $0x20, s12, s24, $0xb8;
	[tilespmem:$0x1DD00] =	vst v63  }
0x38d: {  	_ =	swait.ge [sflag:s18], $0x1000  }
0x38e: {  	[sflag:s18] =	ssyncset.done $0x0  }
0x38f: {  	[sflag:s18] =	ssyncadd.s32 $0xFFFFF000  }
0x390: {  	_ =	swait.ge [sflag:s18], $0x1000  }
0x391: {  	[sflag:s18] =	ssyncset.done $0x0  }
0x392: {  	[sflag:s18] =	ssyncadd.s32 $0xFFFFF000  }
0x393: {  	_ =	swait.ge [sflag:s18], $0x1000  }
0x394: {  	[sflag:s18] =	ssyncset.done $0x0  }
0x395: {  	[sflag:s18] =	ssyncadd.s32 $0xFFFFF000  }
0x396: {  	_ =	swait.ge [sflag:s18], $0x1000  }
0x397: {  	[sflag:s18] =	ssyncset.done $0x0  }
0x398: {  	[sflag:s18] =	ssyncadd.s32 $0xFFFFF000  }
0x399: {  	_ =	swait.ge [sflag:s18], $0x1000  }
0x39a: {  	[sflag:s18] =	ssyncset.done $0x0  }
0x39b: {  	[sflag:s18] =	ssyncadd.s32 $0xFFFFF000  }
0x39c: {  	[spmem:s8] =	stream.indirect.scatter.add.f32 [tilespmem:s25], [sflag:$0x2], $0x20, s22, s24, $0xb8;
	[tilespmem:$0x1DD00] =	vst v63  }
0x39d: {  	_ = 	snop  }
0x39e: {  	[spmem:s8] =	stream.indirect.scatter.add.f32 [tilespmem:s26], [sflag:$0x2], $0x20, s15, s24, $0xb8;
	[tilespmem:$0x1DD00] =	vst v63  }
0x39f: {  	_ = 	snop  }
0x3a0: {  	[spmem:s8] =	stream.indirect.scatter.add.f32 [tilespmem:s20], [sflag:$0x2], $0x20, s29, s24, $0xb8;
	[tilespmem:$0x1DD00] =	vst v63  }
0x3a1: {  	_ = 	snop  }
0x3a2: {  	[spmem:s8] =	stream.indirect.scatter.add.f32 [tilespmem:s10], [sflag:$0x2], $0x20, s30, s24, $0xb8;
	[tilespmem:$0x1DD00] =	vst v63  }
0x3a3: {  	_ = 	snop  }
0x3a4: {  	[spmem:s8] =	stream.indirect.scatter.add.f32 [tilespmem:s14], [sflag:$0x2], $0x20, s31, s24, $0xb8;
	[tilespmem:$0x1DD00] =	vst v63  }
0x3a5: {  	_ =	swait.ge [sflag:s1], $0x1000  }
0x3a6: {  	[sflag:s1] =	ssyncset.done $0x0  }
0x3a7: {  	[sflag:s1] =	ssyncadd.s32 $0xFFFFF000  }
0x3a8: {  	_ =	swait.ge [sflag:s1], $0x1000  }
0x3a9: {  	[sflag:s1] =	ssyncset.done $0x0  }
0x3aa: {  	[sflag:s1] =	ssyncadd.s32 $0xFFFFF000  }
0x3ab: {  	_ =	swait.ge [sflag:s1], $0x1000  }
0x3ac: {  	[sflag:s1] =	ssyncset.done $0x0  }
0x3ad: {  	[sflag:s1] =	ssyncadd.s32 $0xFFFFF000  }
.Ltmp11:
0x3ae: {  	_ =	swait.ge [sflag:s1], $0x1000;
	(pc) =	sbr.rel @!p1 .LBB2_17-.Ltmp11, $4  }
0x3af: {  	[sflag:s1] =	ssyncset.done $0x0  }
0x3b0: {  	[sflag:s1] =	ssyncadd.s32 $0xFFFFF000  }
0x3b1: {  	s7 =	smov.u32 s19;
	_ =	swait.ge [sflag:s1], $0x1000  }
0x3b2: {  	s17 =	smov.u32 s2;
	[sflag:s1] =	ssyncset.done $0x0;
	s16 =	rddreg [dreg:$0xb]  }
0x3b3: {  	s0 =	sadd.s32 s7, s16;
	[sflag:s1] =	ssyncadd.s32 $0xFFFFF000  }
0x3b4: {  	[tilespmem:s9], [sflag:$0x3] =	stream.linear.gather [hbm4b:s0+s9], $0x280, $0x38;
	[tilespmem:$0x1DD00] =	vst v63  }
0x3b5: {  	_ =	swait.ge [sflag:s21], $0x280  }
0x3b6: {  	[sflag:s21] =	ssyncset.done $0x0  }
0x3b7: {  	s19 =	sadd.s32 s7, s4;
	[sflag:s21] =	ssyncadd.s32 $0xFFFFFD80  }
0x3b8: {  	[tilespmem:s22], [sflag:$0x3] =	stream.linear.gather [hbm4b:s19+s9], $0x280, $0x38;
	[tilespmem:$0x1DD00] =	vst v63  }
0x3b9: {  	_ =	swait.ge [sflag:s21], $0x280  }
0x3ba: {  	[sflag:s21] =	ssyncset.done $0x0  }
0x3bb: {  	[sflag:s21] =	ssyncadd.s32 $0xFFFFFD80  }
0x3bc: {  	[tilespmem:s25], [sflag:$0x1] =	stream.indirect.gather [hbm4b:s5+s24], $0x20, s9, s24, $0xb8;
	[tilespmem:$0x1DD00] =	vst v63  }
0x3bd: {  	_ = 	snop  }
0x3be: {  	[tilespmem:s26], [sflag:$0x1] =	stream.indirect.gather [hbm4b:s5+s24], $0x20, s24, s24, $0xb8;
	[tilespmem:$0x1DD00] =	vst v63  }
0x3bf: {  	_ = 	snop  }
0x3c0: {  	[tilespmem:s20], [sflag:$0x1] =	stream.indirect.gather [hbm4b:s5+s24], $0x20, s13, s24, $0xb8;
	[tilespmem:$0x1DD00] =	vst v63  }
0x3c1: {  	_ = 	snop  }
0x3c2: {  	[tilespmem:s10], [sflag:$0x1] =	stream.indirect.gather [hbm4b:s5+s24], $0x20, s28, s24, $0xb8;
	[tilespmem:$0x1DD00] =	vst v63  }
0x3c3: {  	_ = 	snop  }
0x3c4: {  	[tilespmem:s14], [sflag:$0x1] =	stream.indirect.gather [hbm4b:s5+s24], $0x20, s12, s24, $0xb8;
	[tilespmem:$0x1DD00] =	vst v63  }
0x3c5: {  	_ =	swait.ge [sflag:s18], $0x1000  }
0x3c6: {  	[sflag:s18] =	ssyncset.done $0x0  }
0x3c7: {  	[sflag:s18] =	ssyncadd.s32 $0xFFFFF000  }
0x3c8: {  	_ =	swait.ge [sflag:s18], $0x1000  }
0x3c9: {  	[sflag:s18] =	ssyncset.done $0x0  }
0x3ca: {  	[sflag:s18] =	ssyncadd.s32 $0xFFFFF000  }
0x3cb: {  	_ =	swait.ge [sflag:s18], $0x1000  }
0x3cc: {  	[sflag:s18] =	ssyncset.done $0x0  }
0x3cd: {  	[sflag:s18] =	ssyncadd.s32 $0xFFFFF000  }
0x3ce: {  	_ =	swait.ge [sflag:s18], $0x1000  }
0x3cf: {  	[sflag:s18] =	ssyncset.done $0x0  }
0x3d0: {  	[sflag:s18] =	ssyncadd.s32 $0xFFFFF000  }
0x3d1: {  	_ =	swait.ge [sflag:s18], $0x1000  }
0x3d2: {  	[sflag:s18] =	ssyncset.done $0x0  }
0x3d3: {  	[sflag:s18] =	ssyncadd.s32 $0xFFFFF000  }
0x3d4: {  	[spmem:s8] =	stream.indirect.scatter.add.f32 [tilespmem:s25], [sflag:$0x2], $0x20, s22, s24, $0xb8;
	[tilespmem:$0x1DD00] =	vst v63  }
0x3d5: {  	_ = 	snop  }
0x3d6: {  	[spmem:s8] =	stream.indirect.scatter.add.f32 [tilespmem:s26], [sflag:$0x2], $0x20, s15, s24, $0xb8;
	[tilespmem:$0x1DD00] =	vst v63  }
0x3d7: {  	_ = 	snop  }
0x3d8: {  	[spmem:s8] =	stream.indirect.scatter.add.f32 [tilespmem:s20], [sflag:$0x2], $0x20, s29, s24, $0xb8;
	[tilespmem:$0x1DD00] =	vst v63  }
0x3d9: {  	_ = 	snop  }
0x3da: {  	[spmem:s8] =	stream.indirect.scatter.add.f32 [tilespmem:s10], [sflag:$0x2], $0x20, s30, s24, $0xb8;
	[tilespmem:$0x1DD00] =	vst v63  }
0x3db: {  	_ = 	snop  }
0x3dc: {  	[spmem:s8] =	stream.indirect.scatter.add.f32 [tilespmem:s14], [sflag:$0x2], $0x20, s31, s24, $0xb8;
	[tilespmem:$0x1DD00] =	vst v63  }
0x3dd: {  	_ =	swait.ge [sflag:s1], $0x1000  }
0x3de: {  	[sflag:s1] =	ssyncset.done $0x0  }
0x3df: {  	[sflag:s1] =	ssyncadd.s32 $0xFFFFF000  }
0x3e0: {  	_ =	swait.ge [sflag:s1], $0x1000  }
0x3e1: {  	[sflag:s1] =	ssyncset.done $0x0  }
0x3e2: {  	[sflag:s1] =	ssyncadd.s32 $0xFFFFF000  }
0x3e3: {  	_ =	swait.ge [sflag:s1], $0x1000  }
0x3e4: {  	[sflag:s1] =	ssyncset.done $0x0  }
0x3e5: {  	[sflag:s1] =	ssyncadd.s32 $0xFFFFF000  }
0x3e6: {  	_ =	swait.ge [sflag:s1], $0x1000  }
.Ltmp12:
0x3e7: {  	[sflag:s1] =	ssyncset.done $0x0;
	(pc) =	sbr.rel .LBB2_22-.Ltmp12, $4  }
0x3e8: {  	[sflag:s1] =	ssyncadd.s32 $0xFFFFF000  }
0x3e9: {  	_ =	swait.ge [sflag:s1], $0x1000  }
0x3ea: {  	[sflag:s1] =	ssyncset.done $0x0  }
0x3eb: {  	s7 =	rddreg [dreg:$0x18];
	[sflag:s1] =	ssyncadd.s32 $0xFFFFF000  }
.LBB2_19:
0x3ec: {  	[tilespmem:s9], [sflag:$0x3] =	stream.linear.gather [hbm4b:s0+s9], $0x280, $0x38;
	[tilespmem:$0x1DD00] =	vst v63  }
0x3ed: {  	_ =	swait.ge [sflag:s21], $0x280  }
0x3ee: {  	[sflag:s21] =	ssyncset.done $0x0  }
0x3ef: {  	s19 =	sadd.s32 $0x0, s4;
	[sflag:s21] =	ssyncadd.s32 $0xFFFFFD80  }
0x3f0: {  	[tilespmem:s22], [sflag:$0x3] =	stream.linear.gather [hbm4b:s19+s9], $0x280, $0x38;
	[tilespmem:$0x1DD00] =	vst v63  }
0x3f1: {  	_ =	swait.ge [sflag:s21], $0x280  }
0x3f2: {  	[sflag:s21] =	ssyncset.done $0x0  }
0x3f3: {  	[sflag:s21] =	ssyncadd.s32 $0xFFFFFD80  }
0x3f4: {  	[tilespmem:s25], [sflag:$0x1] =	stream.indirect.gather [hbm4b:s23+s24], $0x20, s9, s24, $0xb8;
	[tilespmem:$0x1DD00] =	vst v63  }
0x3f5: {  	_ = 	snop  }
0x3f6: {  	[tilespmem:s26], [sflag:$0x1] =	stream.indirect.gather [hbm4b:s23+s24], $0x20, s24, s24, $0xb8;
	[tilespmem:$0x1DD00] =	vst v63  }
0x3f7: {  	_ = 	snop  }
0x3f8: {  	[tilespmem:s20], [sflag:$0x1] =	stream.indirect.gather [hbm4b:s23+s24], $0x20, s13, s24, $0xb8;
	[tilespmem:$0x1DD00] =	vst v63  }
0x3f9: {  	_ = 	snop  }
0x3fa: {  	[tilespmem:s10], [sflag:$0x1] =	stream.indirect.gather [hbm4b:s23+s24], $0x20, s28, s24, $0xb8;
	[tilespmem:$0x1DD00] =	vst v63  }
0x3fb: {  	_ = 	snop  }
0x3fc: {  	[tilespmem:s14], [sflag:$0x1] =	stream.indirect.gather [hbm4b:s23+s24], $0x20, s12, s24, $0xb8;
	[tilespmem:$0x1DD00] =	vst v63  }
0x3fd: {  	_ =	swait.ge [sflag:s18], $0x1000  }
0x3fe: {  	[sflag:s18] =	ssyncset.done $0x0  }
0x3ff: {  	[sflag:s18] =	ssyncadd.s32 $0xFFFFF000  }
0x400: {  	_ =	swait.ge [sflag:s18], $0x1000  }
0x401: {  	[sflag:s18] =	ssyncset.done $0x0  }
0x402: {  	[sflag:s18] =	ssyncadd.s32 $0xFFFFF000  }
0x403: {  	_ =	swait.ge [sflag:s18], $0x1000  }
0x404: {  	[sflag:s18] =	ssyncset.done $0x0  }
0x405: {  	[sflag:s18] =	ssyncadd.s32 $0xFFFFF000  }
0x406: {  	_ =	swait.ge [sflag:s18], $0x1000  }
0x407: {  	[sflag:s18] =	ssyncset.done $0x0  }
0x408: {  	[sflag:s18] =	ssyncadd.s32 $0xFFFFF000  }
0x409: {  	_ =	swait.ge [sflag:s18], $0x1000  }
0x40a: {  	[sflag:s18] =	ssyncset.done $0x0  }
0x40b: {  	[sflag:s18] =	ssyncadd.s32 $0xFFFFF000  }
0x40c: {  	[spmem:s8] =	stream.indirect.scatter.add.f32 [tilespmem:s25], [sflag:$0x2], $0x20, s22, s24, $0xb8;
	[tilespmem:$0x1DD00] =	vst v63  }
0x40d: {  	_ = 	snop  }
0x40e: {  	[spmem:s8] =	stream.indirect.scatter.add.f32 [tilespmem:s26], [sflag:$0x2], $0x20, s15, s24, $0xb8;
	[tilespmem:$0x1DD00] =	vst v63  }
0x40f: {  	_ = 	snop  }
0x410: {  	[spmem:s8] =	stream.indirect.scatter.add.f32 [tilespmem:s20], [sflag:$0x2], $0x20, s29, s24, $0xb8;
	[tilespmem:$0x1DD00] =	vst v63  }
0x411: {  	_ = 	snop  }
0x412: {  	[spmem:s8] =	stream.indirect.scatter.add.f32 [tilespmem:s10], [sflag:$0x2], $0x20, s30, s24, $0xb8;
	[tilespmem:$0x1DD00] =	vst v63  }
0x413: {  	_ = 	snop  }
0x414: {  	[spmem:s8] =	stream.indirect.scatter.add.f32 [tilespmem:s14], [sflag:$0x2], $0x20, s31, s24, $0xb8;
	[tilespmem:$0x1DD00] =	vst v63  }
0x415: {  	_ =	swait.ge [sflag:s1], $0x1000  }
0x416: {  	[sflag:s1] =	ssyncset.done $0x0  }
0x417: {  	[sflag:s1] =	ssyncadd.s32 $0xFFFFF000  }
0x418: {  	_ =	swait.ge [sflag:s1], $0x1000  }
0x419: {  	[sflag:s1] =	ssyncset.done $0x0  }
0x41a: {  	[sflag:s1] =	ssyncadd.s32 $0xFFFFF000  }
0x41b: {  	_ =	swait.ge [sflag:s1], $0x1000  }
0x41c: {  	[sflag:s1] =	ssyncset.done $0x0  }
0x41d: {  	[sflag:s1] =	ssyncadd.s32 $0xFFFFF000  }
0x41e: {  	_ =	swait.ge [sflag:s1], $0x1000  }
0x41f: {  	[sflag:s1] =	ssyncset.done $0x0  }
0x420: {  	[sflag:s1] =	ssyncadd.s32 $0xFFFFF000  }
0x421: {  	_ =	swait.ge [sflag:s1], $0x1000  }
0x422: {  	s7 =	simm.s32 $0x50;
	s17 =	simm.s32 $0xA0;
	[sflag:s1] =	ssyncset.done $0x0  }
.LBB2_20:
0x423: {  	s0 =	sadd.s32 s7, s16;
	[sflag:s1] =	ssyncadd.s32 $0xFFFFF000  }
0x424: {  	[tilespmem:s9], [sflag:$0x3] =	stream.linear.gather [hbm4b:s0+s9], $0x280, $0x38;
	[tilespmem:$0x1DD00] =	vst v63  }
0x425: {  	_ =	swait.ge [sflag:s21], $0x280  }
0x426: {  	s19 =	smov.u32 s17;
	s5 =	sadd.s32 $0x50, s17;
	[sflag:s21] =	ssyncset.done $0x0  }
0x427: {  	p1 =	sne.s32 s17, $0x4B0;
	s17 =	sadd.s32 s7, s4;
	[sflag:s21] =	ssyncadd.s32 $0xFFFFFD80  }
0x428: {  	[tilespmem:s22], [sflag:$0x3] =	stream.linear.gather [hbm4b:s17+s9], $0x280, $0x38;
	[tilespmem:$0x1DD00] =	vst v63  }
0x429: {  	_ =	swait.ge [sflag:s21], $0x280  }
0x42a: {  	[sflag:s21] =	ssyncset.done $0x0  }
0x42b: {  	[sflag:s21] =	ssyncadd.s32 $0xFFFFFD80  }
0x42c: {  	[tilespmem:s25], [sflag:$0x1] =	stream.indirect.gather [hbm4b:s23+s24], $0x20, s9, s24, $0xb8;
	[tilespmem:$0x1DD00] =	vst v63  }
0x42d: {  	_ = 	snop  }
0x42e: {  	[tilespmem:s26], [sflag:$0x1] =	stream.indirect.gather [hbm4b:s23+s24], $0x20, s24, s24, $0xb8;
	[tilespmem:$0x1DD00] =	vst v63  }
0x42f: {  	_ = 	snop  }
0x430: {  	[tilespmem:s20], [sflag:$0x1] =	stream.indirect.gather [hbm4b:s23+s24], $0x20, s13, s24, $0xb8;
	[tilespmem:$0x1DD00] =	vst v63  }
0x431: {  	_ = 	snop  }
0x432: {  	[tilespmem:s10], [sflag:$0x1] =	stream.indirect.gather [hbm4b:s23+s24], $0x20, s28, s24, $0xb8;
	[tilespmem:$0x1DD00] =	vst v63  }
0x433: {  	_ = 	snop  }
0x434: {  	[tilespmem:s14], [sflag:$0x1] =	stream.indirect.gather [hbm4b:s23+s24], $0x20, s12, s24, $0xb8;
	[tilespmem:$0x1DD00] =	vst v63  }
0x435: {  	_ =	swait.ge [sflag:s18], $0x1000  }
0x436: {  	[sflag:s18] =	ssyncset.done $0x0  }
0x437: {  	[sflag:s18] =	ssyncadd.s32 $0xFFFFF000  }
0x438: {  	_ =	swait.ge [sflag:s18], $0x1000  }
0x439: {  	[sflag:s18] =	ssyncset.done $0x0  }
0x43a: {  	[sflag:s18] =	ssyncadd.s32 $0xFFFFF000  }
0x43b: {  	_ =	swait.ge [sflag:s18], $0x1000  }
0x43c: {  	[sflag:s18] =	ssyncset.done $0x0  }
0x43d: {  	[sflag:s18] =	ssyncadd.s32 $0xFFFFF000  }
0x43e: {  	_ =	swait.ge [sflag:s18], $0x1000  }
0x43f: {  	[sflag:s18] =	ssyncset.done $0x0  }
0x440: {  	[sflag:s18] =	ssyncadd.s32 $0xFFFFF000  }
0x441: {  	_ =	swait.ge [sflag:s18], $0x1000  }
0x442: {  	[sflag:s18] =	ssyncset.done $0x0  }
0x443: {  	[sflag:s18] =	ssyncadd.s32 $0xFFFFF000  }
0x444: {  	[spmem:s8] =	stream.indirect.scatter.add.f32 [tilespmem:s25], [sflag:$0x2], $0x20, s22, s24, $0xb8;
	[tilespmem:$0x1DD00] =	vst v63  }
0x445: {  	_ = 	snop  }
0x446: {  	[spmem:s8] =	stream.indirect.scatter.add.f32 [tilespmem:s26], [sflag:$0x2], $0x20, s15, s24, $0xb8;
	[tilespmem:$0x1DD00] =	vst v63  }
0x447: {  	_ = 	snop  }
0x448: {  	[spmem:s8] =	stream.indirect.scatter.add.f32 [tilespmem:s20], [sflag:$0x2], $0x20, s29, s24, $0xb8;
	[tilespmem:$0x1DD00] =	vst v63  }
0x449: {  	_ = 	snop  }
0x44a: {  	[spmem:s8] =	stream.indirect.scatter.add.f32 [tilespmem:s10], [sflag:$0x2], $0x20, s30, s24, $0xb8;
	[tilespmem:$0x1DD00] =	vst v63  }
0x44b: {  	_ = 	snop  }
0x44c: {  	[spmem:s8] =	stream.indirect.scatter.add.f32 [tilespmem:s14], [sflag:$0x2], $0x20, s31, s24, $0xb8;
	[tilespmem:$0x1DD00] =	vst v63  }
0x44d: {  	_ =	swait.ge [sflag:s1], $0x1000  }
0x44e: {  	[sflag:s1] =	ssyncset.done $0x0  }
0x44f: {  	[sflag:s1] =	ssyncadd.s32 $0xFFFFF000  }
0x450: {  	_ =	swait.ge [sflag:s1], $0x1000  }
0x451: {  	[sflag:s1] =	ssyncset.done $0x0  }
0x452: {  	[sflag:s1] =	ssyncadd.s32 $0xFFFFF000  }
0x453: {  	_ =	swait.ge [sflag:s1], $0x1000  }
0x454: {  	[sflag:s1] =	ssyncset.done $0x0  }
0x455: {  	[sflag:s1] =	ssyncadd.s32 $0xFFFFF000  }
.Ltmp13:
0x456: {  	_ =	swait.ge [sflag:s1], $0x1000;
	(pc) =	sbr.rel @p1 .LBB2_20-.Ltmp13, $4  }
0x457: {  	[sflag:s1] =	ssyncset.done $0x0  }
0x458: {  	[sflag:s1] =	ssyncadd.s32 $0xFFFFF000  }
0x459: {  	s7 =	smov.u32 s19;
	_ =	swait.ge [sflag:s1], $0x1000  }
0x45a: {  	s17 =	smov.u32 s5;
	[sflag:s1] =	ssyncset.done $0x0;
	s16 =	rddreg [dreg:$0xb]  }
0x45b: {  	s0 =	sadd.s32 s7, s16;
	[sflag:s1] =	ssyncadd.s32 $0xFFFFF000  }
0x45c: {  	[tilespmem:s9], [sflag:$0x3] =	stream.linear.gather [hbm4b:s0+s9], $0x280, $0x38;
	[tilespmem:$0x1DD00] =	vst v63  }
0x45d: {  	_ =	swait.ge [sflag:s21], $0x280  }
0x45e: {  	[sflag:s21] =	ssyncset.done $0x0  }
0x45f: {  	s19 =	sadd.s32 s7, s4;
	[sflag:s21] =	ssyncadd.s32 $0xFFFFFD80  }
0x460: {  	[tilespmem:s22], [sflag:$0x3] =	stream.linear.gather [hbm4b:s19+s9], $0x280, $0x38;
	[tilespmem:$0x1DD00] =	vst v63  }
0x461: {  	_ =	swait.ge [sflag:s21], $0x280  }
0x462: {  	[sflag:s21] =	ssyncset.done $0x0  }
0x463: {  	[sflag:s21] =	ssyncadd.s32 $0xFFFFFD80  }
0x464: {  	[tilespmem:s25], [sflag:$0x1] =	stream.indirect.gather [hbm4b:s23+s24], $0x20, s9, s24, $0xb8;
	[tilespmem:$0x1DD00] =	vst v63  }
0x465: {  	_ = 	snop  }
0x466: {  	[tilespmem:s26], [sflag:$0x1] =	stream.indirect.gather [hbm4b:s23+s24], $0x20, s24, s24, $0xb8;
	[tilespmem:$0x1DD00] =	vst v63  }
0x467: {  	_ = 	snop  }
0x468: {  	[tilespmem:s20], [sflag:$0x1] =	stream.indirect.gather [hbm4b:s23+s24], $0x20, s13, s24, $0xb8;
	[tilespmem:$0x1DD00] =	vst v63  }
0x469: {  	_ = 	snop  }
0x46a: {  	[tilespmem:s10], [sflag:$0x1] =	stream.indirect.gather [hbm4b:s23+s24], $0x20, s28, s24, $0xb8;
	[tilespmem:$0x1DD00] =	vst v63  }
0x46b: {  	_ = 	snop  }
0x46c: {  	[tilespmem:s14], [sflag:$0x1] =	stream.indirect.gather [hbm4b:s23+s24], $0x20, s12, s24, $0xb8;
	[tilespmem:$0x1DD00] =	vst v63  }
0x46d: {  	_ =	swait.ge [sflag:s18], $0x1000  }
0x46e: {  	[sflag:s18] =	ssyncset.done $0x0  }
0x46f: {  	[sflag:s18] =	ssyncadd.s32 $0xFFFFF000  }
0x470: {  	_ =	swait.ge [sflag:s18], $0x1000  }
0x471: {  	[sflag:s18] =	ssyncset.done $0x0  }
0x472: {  	[sflag:s18] =	ssyncadd.s32 $0xFFFFF000  }
0x473: {  	_ =	swait.ge [sflag:s18], $0x1000  }
0x474: {  	[sflag:s18] =	ssyncset.done $0x0  }
0x475: {  	[sflag:s18] =	ssyncadd.s32 $0xFFFFF000  }
0x476: {  	_ =	swait.ge [sflag:s18], $0x1000  }
0x477: {  	[sflag:s18] =	ssyncset.done $0x0  }
0x478: {  	[sflag:s18] =	ssyncadd.s32 $0xFFFFF000  }
0x479: {  	_ =	swait.ge [sflag:s18], $0x1000  }
0x47a: {  	[sflag:s18] =	ssyncset.done $0x0  }
0x47b: {  	[sflag:s18] =	ssyncadd.s32 $0xFFFFF000  }
0x47c: {  	[spmem:s8] =	stream.indirect.scatter.add.f32 [tilespmem:s25], [sflag:$0x2], $0x20, s22, s24, $0xb8;
	[tilespmem:$0x1DD00] =	vst v63  }
0x47d: {  	_ = 	snop  }
0x47e: {  	[spmem:s8] =	stream.indirect.scatter.add.f32 [tilespmem:s26], [sflag:$0x2], $0x20, s15, s24, $0xb8;
	[tilespmem:$0x1DD00] =	vst v63  }
0x47f: {  	_ = 	snop  }
0x480: {  	[spmem:s8] =	stream.indirect.scatter.add.f32 [tilespmem:s20], [sflag:$0x2], $0x20, s29, s24, $0xb8;
	[tilespmem:$0x1DD00] =	vst v63  }
0x481: {  	_ = 	snop  }
0x482: {  	[spmem:s8] =	stream.indirect.scatter.add.f32 [tilespmem:s10], [sflag:$0x2], $0x20, s30, s24, $0xb8;
	[tilespmem:$0x1DD00] =	vst v63  }
0x483: {  	_ = 	snop  }
0x484: {  	[spmem:s8] =	stream.indirect.scatter.add.f32 [tilespmem:s14], [sflag:$0x2], $0x20, s31, s24, $0xb8;
	[tilespmem:$0x1DD00] =	vst v63  }
0x485: {  	_ =	swait.ge [sflag:s1], $0x1000  }
0x486: {  	[sflag:s1] =	ssyncset.done $0x0  }
0x487: {  	[sflag:s1] =	ssyncadd.s32 $0xFFFFF000  }
0x488: {  	_ =	swait.ge [sflag:s1], $0x1000  }
0x489: {  	[sflag:s1] =	ssyncset.done $0x0  }
0x48a: {  	[sflag:s1] =	ssyncadd.s32 $0xFFFFF000  }
0x48b: {  	_ =	swait.ge [sflag:s1], $0x1000  }
0x48c: {  	[sflag:s1] =	ssyncset.done $0x0  }
0x48d: {  	[sflag:s1] =	ssyncadd.s32 $0xFFFFF000  }
0x48e: {  	_ =	swait.ge [sflag:s1], $0x1000  }
0x48f: {  	[sflag:s1] =	ssyncset.done $0x0  }
0x490: {  	[sflag:s1] =	ssyncadd.s32 $0xFFFFF000  }
0x491: {  	_ =	swait.ge [sflag:s1], $0x1000  }
0x492: {  	[sflag:s1] =	ssyncset.done $0x0  }
0x493: {  	s7 =	rddreg [dreg:$0x17];
	[sflag:s1] =	ssyncadd.s32 $0xFFFFF000  }
.LBB2_22:
0x494: {  	[bflag:$0x0] =	sbarrier.arrive $0xFFFF  }
0x495: {  	s16 =	sld [smem:$0x7FA];
	_ =	sdelay $0x1  }
0x496: {  	s4 =	simm.s32 $0x10;
	s5 =	simm.s32 $0x4;
	s0 =	rddreg [dreg:$0x11]  }
0x497: {  	[hbm:s7@s4], [sflag:s0] =	dma.strided [spmem:s16@s5], $0x3100, s18, $0x4   }
0x498: {  	_ =	swait.ge [sflag:s21], $0x3100  }
0x499: {  	[sflag:s21] =	ssyncset.done $0x0  }
0x49a: {  	[sflag:s21] =	ssyncadd.s32 $0xFFFFCF00  }
0x49b: {  	[bflag:$0x0] =	sbarrier.arrive $0xFFFF  }
0x49c: {  	s19 =	rddreg [dreg:$0x14]  }
0x49d: {  	[spmem:s16], [sflag:s0] =	dma.local [hbm:s19], $0x3100  }
0x49e: {  	_ =	swait.ge [sflag:s21], $0x3100  }
0x49f: {  	[sflag:s21] =	ssyncset.done $0x0  }
.Ltmp14:
0x4a0: {  	[sflag:s21] =	ssyncadd.s32 $0xFFFFCF00;
	(pc) =	sbr.rel @p0 .LBB2_26-.Ltmp14, $4  }
0x4a1: {  	[bflag:$0x0] =	sbarrier.arrive $0xFFFF  }
0x4a2: {  	s4 =	rddreg [dreg:$0x4]  }
0x4a3: {  	s19 =	rddreg [dreg:$0xc]  }
0x4a4: {  	s5 =	sld [smem:$0x7FD];
	s0 =	sadd.s32 $0x0, s19  }
0x4a5: {  	[tilespmem:s9], [sflag:$0x3] =	stream.linear.gather [hbm4b:s0+s9], $0x280, $0x38;
	[tilespmem:$0x1DD00] =	vst v63  }
0x4a6: {  	_ =	swait.ge [sflag:s21], $0x280  }
0x4a7: {  	[sflag:s21] =	ssyncset.done $0x0  }
0x4a8: {  	s17 =	sadd.s32 $0x0, s5;
	[sflag:s21] =	ssyncadd.s32 $0xFFFFFD80  }
0x4a9: {  	[tilespmem:s22], [sflag:$0x3] =	stream.linear.gather [hbm4b:s17+s9], $0x280, $0x38;
	[tilespmem:$0x1DD00] =	vst v63  }
0x4aa: {  	_ =	swait.ge [sflag:s21], $0x280  }
0x4ab: {  	[sflag:s21] =	ssyncset.done $0x0  }
0x4ac: {  	[sflag:s21] =	ssyncadd.s32 $0xFFFFFD80  }
0x4ad: {  	[tilespmem:s25], [sflag:$0x1] =	stream.indirect.gather [hbm4b:s6+s24], $0x20, s9, s24, $0xb8;
	[tilespmem:$0x1DD00] =	vst v63  }
0x4ae: {  	_ = 	snop  }
0x4af: {  	[tilespmem:s26], [sflag:$0x1] =	stream.indirect.gather [hbm4b:s6+s24], $0x20, s24, s24, $0xb8;
	[tilespmem:$0x1DD00] =	vst v63  }
0x4b0: {  	_ = 	snop  }
0x4b1: {  	[tilespmem:s20], [sflag:$0x1] =	stream.indirect.gather [hbm4b:s6+s24], $0x20, s13, s24, $0xb8;
	[tilespmem:$0x1DD00] =	vst v63  }
0x4b2: {  	_ = 	snop  }
0x4b3: {  	[tilespmem:s10], [sflag:$0x1] =	stream.indirect.gather [hbm4b:s6+s24], $0x20, s28, s24, $0xb8;
	[tilespmem:$0x1DD00] =	vst v63  }
0x4b4: {  	_ = 	snop  }
0x4b5: {  	[tilespmem:s14], [sflag:$0x1] =	stream.indirect.gather [hbm4b:s6+s24], $0x20, s12, s24, $0xb8;
	[tilespmem:$0x1DD00] =	vst v63  }
0x4b6: {  	_ =	swait.ge [sflag:s18], $0x1000  }
0x4b7: {  	[sflag:s18] =	ssyncset.done $0x0  }
0x4b8: {  	[sflag:s18] =	ssyncadd.s32 $0xFFFFF000  }
0x4b9: {  	_ =	swait.ge [sflag:s18], $0x1000  }
0x4ba: {  	[sflag:s18] =	ssyncset.done $0x0  }
0x4bb: {  	[sflag:s18] =	ssyncadd.s32 $0xFFFFF000  }
0x4bc: {  	_ =	swait.ge [sflag:s18], $0x1000  }
0x4bd: {  	[sflag:s18] =	ssyncset.done $0x0  }
0x4be: {  	[sflag:s18] =	ssyncadd.s32 $0xFFFFF000  }
0x4bf: {  	_ =	swait.ge [sflag:s18], $0x1000  }
0x4c0: {  	[sflag:s18] =	ssyncset.done $0x0  }
0x4c1: {  	[sflag:s18] =	ssyncadd.s32 $0xFFFFF000  }
0x4c2: {  	_ =	swait.ge [sflag:s18], $0x1000  }
0x4c3: {  	[sflag:s18] =	ssyncset.done $0x0  }
0x4c4: {  	[sflag:s18] =	ssyncadd.s32 $0xFFFFF000  }
0x4c5: {  	[spmem:s8] =	stream.indirect.scatter.add.f32 [tilespmem:s25], [sflag:$0x2], $0x20, s22, s24, $0xb8;
	[tilespmem:$0x1DD00] =	vst v63  }
0x4c6: {  	_ = 	snop  }
0x4c7: {  	[spmem:s8] =	stream.indirect.scatter.add.f32 [tilespmem:s26], [sflag:$0x2], $0x20, s15, s24, $0xb8;
	[tilespmem:$0x1DD00] =	vst v63  }
0x4c8: {  	_ = 	snop  }
0x4c9: {  	[spmem:s8] =	stream.indirect.scatter.add.f32 [tilespmem:s20], [sflag:$0x2], $0x20, s29, s24, $0xb8;
	[tilespmem:$0x1DD00] =	vst v63  }
0x4ca: {  	_ = 	snop  }
0x4cb: {  	[spmem:s8] =	stream.indirect.scatter.add.f32 [tilespmem:s10], [sflag:$0x2], $0x20, s30, s24, $0xb8;
	[tilespmem:$0x1DD00] =	vst v63  }
0x4cc: {  	_ = 	snop  }
0x4cd: {  	[spmem:s8] =	stream.indirect.scatter.add.f32 [tilespmem:s14], [sflag:$0x2], $0x20, s31, s24, $0xb8;
	[tilespmem:$0x1DD00] =	vst v63  }
0x4ce: {  	_ =	swait.ge [sflag:s1], $0x1000  }
0x4cf: {  	[sflag:s1] =	ssyncset.done $0x0  }
0x4d0: {  	[sflag:s1] =	ssyncadd.s32 $0xFFFFF000  }
0x4d1: {  	_ =	swait.ge [sflag:s1], $0x1000  }
0x4d2: {  	[sflag:s1] =	ssyncset.done $0x0  }
0x4d3: {  	[sflag:s1] =	ssyncadd.s32 $0xFFFFF000  }
0x4d4: {  	_ =	swait.ge [sflag:s1], $0x1000  }
0x4d5: {  	[sflag:s1] =	ssyncset.done $0x0  }
0x4d6: {  	[sflag:s1] =	ssyncadd.s32 $0xFFFFF000  }
0x4d7: {  	_ =	swait.ge [sflag:s1], $0x1000  }
0x4d8: {  	[sflag:s1] =	ssyncset.done $0x0  }
0x4d9: {  	[sflag:s1] =	ssyncadd.s32 $0xFFFFF000  }
0x4da: {  	_ =	swait.ge [sflag:s1], $0x1000  }
0x4db: {  	s7 =	simm.s32 $0x50;
	s17 =	simm.s32 $0xA0;
	[sflag:s1] =	ssyncset.done $0x0  }
.LBB2_24:
0x4dc: {  	s0 =	sadd.s32 s7, s19;
	[sflag:s1] =	ssyncadd.s32 $0xFFFFF000  }
0x4dd: {  	[tilespmem:s9], [sflag:$0x3] =	stream.linear.gather [hbm4b:s0+s9], $0x280, $0x38;
	[tilespmem:$0x1DD00] =	vst v63  }
0x4de: {  	_ =	swait.ge [sflag:s21], $0x280  }
0x4df: {  	s2 =	smov.u32 s17;
	s16 =	sadd.s32 $0x50, s17;
	[sflag:s21] =	ssyncset.done $0x0  }
0x4e0: {  	p1 =	seq.s32 s17, $0x4B0;
	s17 =	sadd.s32 s7, s5;
	[sflag:s21] =	ssyncadd.s32 $0xFFFFFD80  }
0x4e1: {  	[tilespmem:s22], [sflag:$0x3] =	stream.linear.gather [hbm4b:s17+s9], $0x280, $0x38;
	[tilespmem:$0x1DD00] =	vst v63  }
0x4e2: {  	s19 =	rddreg [dreg:$0xc];
	_ =	swait.ge [sflag:s21], $0x280  }
0x4e3: {  	[sflag:s21] =	ssyncset.done $0x0  }
0x4e4: {  	[sflag:s21] =	ssyncadd.s32 $0xFFFFFD80  }
0x4e5: {  	[tilespmem:s25], [sflag:$0x1] =	stream.indirect.gather [hbm4b:s6+s24], $0x20, s9, s24, $0xb8;
	[tilespmem:$0x1DD00] =	vst v63  }
0x4e6: {  	_ = 	snop  }
0x4e7: {  	[tilespmem:s26], [sflag:$0x1] =	stream.indirect.gather [hbm4b:s6+s24], $0x20, s24, s24, $0xb8;
	[tilespmem:$0x1DD00] =	vst v63  }
0x4e8: {  	_ = 	snop  }
0x4e9: {  	[tilespmem:s20], [sflag:$0x1] =	stream.indirect.gather [hbm4b:s6+s24], $0x20, s13, s24, $0xb8;
	[tilespmem:$0x1DD00] =	vst v63  }
0x4ea: {  	_ = 	snop  }
0x4eb: {  	[tilespmem:s10], [sflag:$0x1] =	stream.indirect.gather [hbm4b:s6+s24], $0x20, s28, s24, $0xb8;
	[tilespmem:$0x1DD00] =	vst v63  }
0x4ec: {  	_ = 	snop  }
0x4ed: {  	[tilespmem:s14], [sflag:$0x1] =	stream.indirect.gather [hbm4b:s6+s24], $0x20, s12, s24, $0xb8;
	[tilespmem:$0x1DD00] =	vst v63  }
0x4ee: {  	_ =	swait.ge [sflag:s18], $0x1000  }
0x4ef: {  	[sflag:s18] =	ssyncset.done $0x0  }
0x4f0: {  	[sflag:s18] =	ssyncadd.s32 $0xFFFFF000  }
0x4f1: {  	_ =	swait.ge [sflag:s18], $0x1000  }
0x4f2: {  	[sflag:s18] =	ssyncset.done $0x0  }
0x4f3: {  	[sflag:s18] =	ssyncadd.s32 $0xFFFFF000  }
0x4f4: {  	_ =	swait.ge [sflag:s18], $0x1000  }
0x4f5: {  	[sflag:s18] =	ssyncset.done $0x0  }
0x4f6: {  	[sflag:s18] =	ssyncadd.s32 $0xFFFFF000  }
0x4f7: {  	_ =	swait.ge [sflag:s18], $0x1000  }
0x4f8: {  	[sflag:s18] =	ssyncset.done $0x0  }
0x4f9: {  	[sflag:s18] =	ssyncadd.s32 $0xFFFFF000  }
0x4fa: {  	_ =	swait.ge [sflag:s18], $0x1000  }
0x4fb: {  	[sflag:s18] =	ssyncset.done $0x0  }
0x4fc: {  	[sflag:s18] =	ssyncadd.s32 $0xFFFFF000  }
0x4fd: {  	[spmem:s8] =	stream.indirect.scatter.add.f32 [tilespmem:s25], [sflag:$0x2], $0x20, s22, s24, $0xb8;
	[tilespmem:$0x1DD00] =	vst v63  }
0x4fe: {  	_ = 	snop  }
0x4ff: {  	[spmem:s8] =	stream.indirect.scatter.add.f32 [tilespmem:s26], [sflag:$0x2], $0x20, s15, s24, $0xb8;
	[tilespmem:$0x1DD00] =	vst v63  }
0x500: {  	_ = 	snop  }
0x501: {  	[spmem:s8] =	stream.indirect.scatter.add.f32 [tilespmem:s20], [sflag:$0x2], $0x20, s29, s24, $0xb8;
	[tilespmem:$0x1DD00] =	vst v63  }
0x502: {  	_ = 	snop  }
0x503: {  	[spmem:s8] =	stream.indirect.scatter.add.f32 [tilespmem:s10], [sflag:$0x2], $0x20, s30, s24, $0xb8;
	[tilespmem:$0x1DD00] =	vst v63  }
0x504: {  	_ = 	snop  }
0x505: {  	[spmem:s8] =	stream.indirect.scatter.add.f32 [tilespmem:s14], [sflag:$0x2], $0x20, s31, s24, $0xb8;
	[tilespmem:$0x1DD00] =	vst v63  }
0x506: {  	_ =	swait.ge [sflag:s1], $0x1000  }
0x507: {  	[sflag:s1] =	ssyncset.done $0x0  }
0x508: {  	[sflag:s1] =	ssyncadd.s32 $0xFFFFF000  }
0x509: {  	_ =	swait.ge [sflag:s1], $0x1000  }
0x50a: {  	[sflag:s1] =	ssyncset.done $0x0  }
0x50b: {  	[sflag:s1] =	ssyncadd.s32 $0xFFFFF000  }
0x50c: {  	_ =	swait.ge [sflag:s1], $0x1000  }
0x50d: {  	[sflag:s1] =	ssyncset.done $0x0  }
0x50e: {  	[sflag:s1] =	ssyncadd.s32 $0xFFFFF000  }
.Ltmp15:
0x50f: {  	_ =	swait.ge [sflag:s1], $0x1000;
	(pc) =	sbr.rel @!p1 .LBB2_24-.Ltmp15, $4  }
0x510: {  	[sflag:s1] =	ssyncset.done $0x0  }
0x511: {  	[sflag:s1] =	ssyncadd.s32 $0xFFFFF000  }
0x512: {  	_ =	swait.ge [sflag:s1], $0x1000  }
0x513: {  	s7 =	smov.u32 s2;
	s17 =	smov.u32 s16;
	[sflag:s1] =	ssyncset.done $0x0  }
0x514: {  	s0 =	sadd.s32 s7, s19;
	[sflag:s1] =	ssyncadd.s32 $0xFFFFF000  }
0x515: {  	[tilespmem:s9], [sflag:$0x3] =	stream.linear.gather [hbm4b:s0+s9], $0x280, $0x38;
	[tilespmem:$0x1DD00] =	vst v63  }
0x516: {  	_ =	swait.ge [sflag:s21], $0x280  }
0x517: {  	[sflag:s21] =	ssyncset.done $0x0  }
0x518: {  	s19 =	sadd.s32 s7, s5;
	[sflag:s21] =	ssyncadd.s32 $0xFFFFFD80  }
0x519: {  	[tilespmem:s22], [sflag:$0x3] =	stream.linear.gather [hbm4b:s19+s9], $0x280, $0x38;
	[tilespmem:$0x1DD00] =	vst v63  }
0x51a: {  	_ =	swait.ge [sflag:s21], $0x280  }
0x51b: {  	[sflag:s21] =	ssyncset.done $0x0  }
0x51c: {  	[sflag:s21] =	ssyncadd.s32 $0xFFFFFD80  }
0x51d: {  	[tilespmem:s25], [sflag:$0x1] =	stream.indirect.gather [hbm4b:s6+s24], $0x20, s9, s24, $0xb8;
	[tilespmem:$0x1DD00] =	vst v63  }
0x51e: {  	_ = 	snop  }
0x51f: {  	[tilespmem:s26], [sflag:$0x1] =	stream.indirect.gather [hbm4b:s6+s24], $0x20, s24, s24, $0xb8;
	[tilespmem:$0x1DD00] =	vst v63  }
0x520: {  	_ = 	snop  }
0x521: {  	[tilespmem:s20], [sflag:$0x1] =	stream.indirect.gather [hbm4b:s6+s24], $0x20, s13, s24, $0xb8;
	[tilespmem:$0x1DD00] =	vst v63  }
0x522: {  	_ = 	snop  }
0x523: {  	[tilespmem:s10], [sflag:$0x1] =	stream.indirect.gather [hbm4b:s6+s24], $0x20, s28, s24, $0xb8;
	[tilespmem:$0x1DD00] =	vst v63  }
0x524: {  	_ = 	snop  }
0x525: {  	[tilespmem:s14], [sflag:$0x1] =	stream.indirect.gather [hbm4b:s6+s24], $0x20, s12, s24, $0xb8;
	[tilespmem:$0x1DD00] =	vst v63  }
0x526: {  	_ =	swait.ge [sflag:s18], $0x1000  }
0x527: {  	[sflag:s18] =	ssyncset.done $0x0  }
0x528: {  	[sflag:s18] =	ssyncadd.s32 $0xFFFFF000  }
0x529: {  	_ =	swait.ge [sflag:s18], $0x1000  }
0x52a: {  	[sflag:s18] =	ssyncset.done $0x0  }
0x52b: {  	[sflag:s18] =	ssyncadd.s32 $0xFFFFF000  }
0x52c: {  	_ =	swait.ge [sflag:s18], $0x1000  }
0x52d: {  	[sflag:s18] =	ssyncset.done $0x0  }
0x52e: {  	[sflag:s18] =	ssyncadd.s32 $0xFFFFF000  }
0x52f: {  	_ =	swait.ge [sflag:s18], $0x1000  }
0x530: {  	[sflag:s18] =	ssyncset.done $0x0  }
0x531: {  	[sflag:s18] =	ssyncadd.s32 $0xFFFFF000  }
0x532: {  	_ =	swait.ge [sflag:s18], $0x1000  }
0x533: {  	[sflag:s18] =	ssyncset.done $0x0  }
0x534: {  	[sflag:s18] =	ssyncadd.s32 $0xFFFFF000  }
0x535: {  	[spmem:s8] =	stream.indirect.scatter.add.f32 [tilespmem:s25], [sflag:$0x2], $0x20, s22, s24, $0xb8;
	[tilespmem:$0x1DD00] =	vst v63  }
0x536: {  	_ = 	snop  }
0x537: {  	[spmem:s8] =	stream.indirect.scatter.add.f32 [tilespmem:s26], [sflag:$0x2], $0x20, s15, s24, $0xb8;
	[tilespmem:$0x1DD00] =	vst v63  }
0x538: {  	_ = 	snop  }
0x539: {  	[spmem:s8] =	stream.indirect.scatter.add.f32 [tilespmem:s20], [sflag:$0x2], $0x20, s29, s24, $0xb8;
	[tilespmem:$0x1DD00] =	vst v63  }
0x53a: {  	_ = 	snop  }
0x53b: {  	[spmem:s8] =	stream.indirect.scatter.add.f32 [tilespmem:s10], [sflag:$0x2], $0x20, s30, s24, $0xb8;
	[tilespmem:$0x1DD00] =	vst v63  }
0x53c: {  	_ = 	snop  }
0x53d: {  	[spmem:s8] =	stream.indirect.scatter.add.f32 [tilespmem:s14], [sflag:$0x2], $0x20, s31, s24, $0xb8;
	[tilespmem:$0x1DD00] =	vst v63  }
0x53e: {  	_ =	swait.ge [sflag:s1], $0x1000  }
0x53f: {  	[sflag:s1] =	ssyncset.done $0x0  }
0x540: {  	[sflag:s1] =	ssyncadd.s32 $0xFFFFF000  }
0x541: {  	_ =	swait.ge [sflag:s1], $0x1000  }
0x542: {  	[sflag:s1] =	ssyncset.done $0x0  }
0x543: {  	[sflag:s1] =	ssyncadd.s32 $0xFFFFF000  }
0x544: {  	_ =	swait.ge [sflag:s1], $0x1000  }
0x545: {  	[sflag:s1] =	ssyncset.done $0x0  }
0x546: {  	[sflag:s1] =	ssyncadd.s32 $0xFFFFF000  }
0x547: {  	_ =	swait.ge [sflag:s1], $0x1000  }
.Ltmp16:
0x548: {  	[sflag:s1] =	ssyncset.done $0x0;
	(pc) =	sbr.rel .LBB2_29-.Ltmp16, $4  }
0x549: {  	[sflag:s1] =	ssyncadd.s32 $0xFFFFF000  }
0x54a: {  	_ =	swait.ge [sflag:s1], $0x1000  }
0x54b: {  	[sflag:s1] =	ssyncset.done $0x0  }
0x54c: {  	s7 =	rddreg [dreg:$0x1b];
	[sflag:s1] =	ssyncadd.s32 $0xFFFFF000  }
.LBB2_26:
0x54d: {  	[tilespmem:s9], [sflag:$0x3] =	stream.linear.gather [hbm4b:s0+s9], $0x280, $0x38;
	[tilespmem:$0x1DD00] =	vst v63  }
0x54e: {  	_ =	swait.ge [sflag:s21], $0x280  }
0x54f: {  	[sflag:s21] =	ssyncset.done $0x0  }
0x550: {  	s17 =	sadd.s32 $0x0, s5;
	[sflag:s21] =	ssyncadd.s32 $0xFFFFFD80  }
0x551: {  	[tilespmem:s22], [sflag:$0x3] =	stream.linear.gather [hbm4b:s17+s9], $0x280, $0x38;
	[tilespmem:$0x1DD00] =	vst v63  }
0x552: {  	_ =	swait.ge [sflag:s21], $0x280  }
0x553: {  	[sflag:s21] =	ssyncset.done $0x0  }
0x554: {  	[sflag:s21] =	ssyncadd.s32 $0xFFFFFD80  }
0x555: {  	[tilespmem:s25], [sflag:$0x1] =	stream.indirect.gather [hbm4b:s11+s24], $0x20, s9, s24, $0xb8;
	[tilespmem:$0x1DD00] =	vst v63  }
0x556: {  	_ = 	snop  }
0x557: {  	[tilespmem:s26], [sflag:$0x1] =	stream.indirect.gather [hbm4b:s11+s24], $0x20, s24, s24, $0xb8;
	[tilespmem:$0x1DD00] =	vst v63  }
0x558: {  	_ = 	snop  }
0x559: {  	[tilespmem:s20], [sflag:$0x1] =	stream.indirect.gather [hbm4b:s11+s24], $0x20, s13, s24, $0xb8;
	[tilespmem:$0x1DD00] =	vst v63  }
0x55a: {  	_ = 	snop  }
0x55b: {  	[tilespmem:s10], [sflag:$0x1] =	stream.indirect.gather [hbm4b:s11+s24], $0x20, s28, s24, $0xb8;
	[tilespmem:$0x1DD00] =	vst v63  }
0x55c: {  	_ = 	snop  }
0x55d: {  	[tilespmem:s14], [sflag:$0x1] =	stream.indirect.gather [hbm4b:s11+s24], $0x20, s12, s24, $0xb8;
	[tilespmem:$0x1DD00] =	vst v63  }
0x55e: {  	_ =	swait.ge [sflag:s18], $0x1000  }
0x55f: {  	[sflag:s18] =	ssyncset.done $0x0  }
0x560: {  	[sflag:s18] =	ssyncadd.s32 $0xFFFFF000  }
0x561: {  	_ =	swait.ge [sflag:s18], $0x1000  }
0x562: {  	[sflag:s18] =	ssyncset.done $0x0  }
0x563: {  	[sflag:s18] =	ssyncadd.s32 $0xFFFFF000  }
0x564: {  	_ =	swait.ge [sflag:s18], $0x1000  }
0x565: {  	[sflag:s18] =	ssyncset.done $0x0  }
0x566: {  	[sflag:s18] =	ssyncadd.s32 $0xFFFFF000  }
0x567: {  	_ =	swait.ge [sflag:s18], $0x1000  }
0x568: {  	[sflag:s18] =	ssyncset.done $0x0  }
0x569: {  	[sflag:s18] =	ssyncadd.s32 $0xFFFFF000  }
0x56a: {  	_ =	swait.ge [sflag:s18], $0x1000  }
0x56b: {  	[sflag:s18] =	ssyncset.done $0x0  }
0x56c: {  	[sflag:s18] =	ssyncadd.s32 $0xFFFFF000  }
0x56d: {  	[spmem:s8] =	stream.indirect.scatter.add.f32 [tilespmem:s25], [sflag:$0x2], $0x20, s22, s24, $0xb8;
	[tilespmem:$0x1DD00] =	vst v63  }
0x56e: {  	_ = 	snop  }
0x56f: {  	[spmem:s8] =	stream.indirect.scatter.add.f32 [tilespmem:s26], [sflag:$0x2], $0x20, s15, s24, $0xb8;
	[tilespmem:$0x1DD00] =	vst v63  }
0x570: {  	_ = 	snop  }
0x571: {  	[spmem:s8] =	stream.indirect.scatter.add.f32 [tilespmem:s20], [sflag:$0x2], $0x20, s29, s24, $0xb8;
	[tilespmem:$0x1DD00] =	vst v63  }
0x572: {  	_ = 	snop  }
0x573: {  	[spmem:s8] =	stream.indirect.scatter.add.f32 [tilespmem:s10], [sflag:$0x2], $0x20, s30, s24, $0xb8;
	[tilespmem:$0x1DD00] =	vst v63  }
0x574: {  	_ = 	snop  }
0x575: {  	[spmem:s8] =	stream.indirect.scatter.add.f32 [tilespmem:s14], [sflag:$0x2], $0x20, s31, s24, $0xb8;
	[tilespmem:$0x1DD00] =	vst v63  }
0x576: {  	_ =	swait.ge [sflag:s1], $0x1000  }
0x577: {  	[sflag:s1] =	ssyncset.done $0x0  }
0x578: {  	[sflag:s1] =	ssyncadd.s32 $0xFFFFF000  }
0x579: {  	_ =	swait.ge [sflag:s1], $0x1000  }
0x57a: {  	[sflag:s1] =	ssyncset.done $0x0  }
0x57b: {  	[sflag:s1] =	ssyncadd.s32 $0xFFFFF000  }
0x57c: {  	_ =	swait.ge [sflag:s1], $0x1000  }
0x57d: {  	[sflag:s1] =	ssyncset.done $0x0  }
0x57e: {  	[sflag:s1] =	ssyncadd.s32 $0xFFFFF000  }
0x57f: {  	_ =	swait.ge [sflag:s1], $0x1000  }
0x580: {  	[sflag:s1] =	ssyncset.done $0x0  }
0x581: {  	[sflag:s1] =	ssyncadd.s32 $0xFFFFF000  }
0x582: {  	_ =	swait.ge [sflag:s1], $0x1000  }
0x583: {  	s7 =	simm.s32 $0x50;
	s17 =	simm.s32 $0xA0;
	[sflag:s1] =	ssyncset.done $0x0  }
.LBB2_27:
0x584: {  	s0 =	sadd.s32 s7, s19;
	[sflag:s1] =	ssyncadd.s32 $0xFFFFF000  }
0x585: {  	[tilespmem:s9], [sflag:$0x3] =	stream.linear.gather [hbm4b:s0+s9], $0x280, $0x38;
	[tilespmem:$0x1DD00] =	vst v63  }
0x586: {  	_ =	swait.ge [sflag:s21], $0x280  }
0x587: {  	s2 =	smov.u32 s17;
	s16 =	sadd.s32 $0x50, s17;
	[sflag:s21] =	ssyncset.done $0x0  }
0x588: {  	p1 =	sne.s32 s17, $0x4B0;
	s17 =	sadd.s32 s7, s5;
	[sflag:s21] =	ssyncadd.s32 $0xFFFFFD80  }
0x589: {  	[tilespmem:s22], [sflag:$0x3] =	stream.linear.gather [hbm4b:s17+s9], $0x280, $0x38;
	[tilespmem:$0x1DD00] =	vst v63  }
0x58a: {  	s19 =	rddreg [dreg:$0xc];
	_ =	swait.ge [sflag:s21], $0x280  }
0x58b: {  	[sflag:s21] =	ssyncset.done $0x0  }
0x58c: {  	[sflag:s21] =	ssyncadd.s32 $0xFFFFFD80  }
0x58d: {  	[tilespmem:s25], [sflag:$0x1] =	stream.indirect.gather [hbm4b:s11+s24], $0x20, s9, s24, $0xb8;
	[tilespmem:$0x1DD00] =	vst v63  }
0x58e: {  	_ = 	snop  }
0x58f: {  	[tilespmem:s26], [sflag:$0x1] =	stream.indirect.gather [hbm4b:s11+s24], $0x20, s24, s24, $0xb8;
	[tilespmem:$0x1DD00] =	vst v63  }
0x590: {  	_ = 	snop  }
0x591: {  	[tilespmem:s20], [sflag:$0x1] =	stream.indirect.gather [hbm4b:s11+s24], $0x20, s13, s24, $0xb8;
	[tilespmem:$0x1DD00] =	vst v63  }
0x592: {  	_ = 	snop  }
0x593: {  	[tilespmem:s10], [sflag:$0x1] =	stream.indirect.gather [hbm4b:s11+s24], $0x20, s28, s24, $0xb8;
	[tilespmem:$0x1DD00] =	vst v63  }
0x594: {  	_ = 	snop  }
0x595: {  	[tilespmem:s14], [sflag:$0x1] =	stream.indirect.gather [hbm4b:s11+s24], $0x20, s12, s24, $0xb8;
	[tilespmem:$0x1DD00] =	vst v63  }
0x596: {  	_ =	swait.ge [sflag:s18], $0x1000  }
0x597: {  	[sflag:s18] =	ssyncset.done $0x0  }
0x598: {  	[sflag:s18] =	ssyncadd.s32 $0xFFFFF000  }
0x599: {  	_ =	swait.ge [sflag:s18], $0x1000  }
0x59a: {  	[sflag:s18] =	ssyncset.done $0x0  }
0x59b: {  	[sflag:s18] =	ssyncadd.s32 $0xFFFFF000  }
0x59c: {  	_ =	swait.ge [sflag:s18], $0x1000  }
0x59d: {  	[sflag:s18] =	ssyncset.done $0x0  }
0x59e: {  	[sflag:s18] =	ssyncadd.s32 $0xFFFFF000  }
0x59f: {  	_ =	swait.ge [sflag:s18], $0x1000  }
0x5a0: {  	[sflag:s18] =	ssyncset.done $0x0  }
0x5a1: {  	[sflag:s18] =	ssyncadd.s32 $0xFFFFF000  }
0x5a2: {  	_ =	swait.ge [sflag:s18], $0x1000  }
0x5a3: {  	[sflag:s18] =	ssyncset.done $0x0  }
0x5a4: {  	[sflag:s18] =	ssyncadd.s32 $0xFFFFF000  }
0x5a5: {  	[spmem:s8] =	stream.indirect.scatter.add.f32 [tilespmem:s25], [sflag:$0x2], $0x20, s22, s24, $0xb8;
	[tilespmem:$0x1DD00] =	vst v63  }
0x5a6: {  	_ = 	snop  }
0x5a7: {  	[spmem:s8] =	stream.indirect.scatter.add.f32 [tilespmem:s26], [sflag:$0x2], $0x20, s15, s24, $0xb8;
	[tilespmem:$0x1DD00] =	vst v63  }
0x5a8: {  	_ = 	snop  }
0x5a9: {  	[spmem:s8] =	stream.indirect.scatter.add.f32 [tilespmem:s20], [sflag:$0x2], $0x20, s29, s24, $0xb8;
	[tilespmem:$0x1DD00] =	vst v63  }
0x5aa: {  	_ = 	snop  }
0x5ab: {  	[spmem:s8] =	stream.indirect.scatter.add.f32 [tilespmem:s10], [sflag:$0x2], $0x20, s30, s24, $0xb8;
	[tilespmem:$0x1DD00] =	vst v63  }
0x5ac: {  	_ = 	snop  }
0x5ad: {  	[spmem:s8] =	stream.indirect.scatter.add.f32 [tilespmem:s14], [sflag:$0x2], $0x20, s31, s24, $0xb8;
	[tilespmem:$0x1DD00] =	vst v63  }
0x5ae: {  	_ =	swait.ge [sflag:s1], $0x1000  }
0x5af: {  	[sflag:s1] =	ssyncset.done $0x0  }
0x5b0: {  	[sflag:s1] =	ssyncadd.s32 $0xFFFFF000  }
0x5b1: {  	_ =	swait.ge [sflag:s1], $0x1000  }
0x5b2: {  	[sflag:s1] =	ssyncset.done $0x0  }
0x5b3: {  	[sflag:s1] =	ssyncadd.s32 $0xFFFFF000  }
0x5b4: {  	_ =	swait.ge [sflag:s1], $0x1000  }
0x5b5: {  	[sflag:s1] =	ssyncset.done $0x0  }
0x5b6: {  	[sflag:s1] =	ssyncadd.s32 $0xFFFFF000  }
.Ltmp17:
0x5b7: {  	_ =	swait.ge [sflag:s1], $0x1000;
	(pc) =	sbr.rel @p1 .LBB2_27-.Ltmp17, $4  }
0x5b8: {  	[sflag:s1] =	ssyncset.done $0x0  }
0x5b9: {  	[sflag:s1] =	ssyncadd.s32 $0xFFFFF000  }
0x5ba: {  	_ =	swait.ge [sflag:s1], $0x1000  }
0x5bb: {  	s7 =	smov.u32 s2;
	s17 =	smov.u32 s16;
	[sflag:s1] =	ssyncset.done $0x0  }
.Ltmp18:
0x5bc: {  	_ = 	snop;
	(pc) =	sbr.rel .LBB2_28-.Ltmp18, $1  }
0x5bd: {  	_ =	sdelay $0x3  }
.LBB2_30:
0x5be: {  	_ =	sfence.sel $0x180000  }
0x5bf: {  	[bflag:$0x0] =	sbarrier.arrive $0xFFFF  }
0x5c0: {  	_ =	strace $0x90000047  }
0x5c1: {  	s0 =	stileid.u32;
	[bflag:$0x2] =	sbarrier.arrive $0xFFFF  }
0x5c2: {  	p0 =	sne.s32 s0, $0x0;
	s0 =	rddreg [dreg:$0x8]  }
0x5c3: {  	s0 =	sadd.s32 @!p0 $0x100000, s0  }
0x5c4: {  	[sflag:s0] =	ssyncadd.tile.s32 @!p0 $0x1;
	_ =	shalt  }
.Lfunc_end2:
_tile_overlayer_lowered:
.L_overlay_start_2:
0x5c5: {  	(tag) =	ssettag $0x2  }
0x5c6: {  	s0 =	rddreg [dreg:$0x0];
	s2 =	stileid.u32  }
0x5c7: {  	s1 =	rddreg [dreg:$0x1];
	p0 =	sne.s32 s2, $0x0  }
0x5c8: {  	s3 =	rddreg [dreg:$0x2];
	[bflag:$0x3] =	sbarrier.arrive $0xFFFF;
	s2 =	simm.s32 @!p0 $0x1C03  }
0x5c9: {  	[timem:s3], [sflag:s2] =	dma.local @!p0 [hbm:s0], s1  }
0x5ca: {  	s0 =	simm.s32 @!p0 $0x3  }
0x5cb: {  	_ =	swait.ge @!p0 [sflag:s0], s1  }
0x5cc: {  	s1 =	ssub.s32 @!p0 $0x0, s1;
	[sflag:s0] =	ssyncset.done @!p0 $0x0  }
0x5cd: {  	[sflag:s0] =	ssyncadd.s32 @!p0 s1  }
0x5ce: {  	[bflag:$0x3] =	sbarrier.arrive $0xFFFF  }
0x5cf: {  	_ =	shalt  }

</sc_bundles>
